<compile_context>
chip_gen: v7x
topology: tpu7x:2x2x1
jax: 0.10.2.dev20260603
libtpu: 0.0.44.dev20260713+nightly
codegen_flags: <defaults>
</compile_context>

<pallas_src>
import functools

import jax
import jax.numpy as jnp
from jax import lax
from jax.experimental import pallas as pl
from jax.experimental.pallas import tpu as pltpu
from jax.experimental.pallas import tpu_sc as plsc

N = 4096
D = 128
E = 131072
DE = 16
NN = N * N

NC, NS = 2, 16
NW = NC * NS
EPW = E // NW
COLS = 128
GRP = COLS // 16

BM = 512
EB = E // (N // BM)


def _tc_body(zi_ref, zall_ref, eat_ref, out_ref, en_ref):
    zz = lax.dot_general(
        zi_ref[...], zall_ref[...],
        (((1,), (1,)), ((), ())),
        preferred_element_type=jnp.float32,
    )
    out_ref[...] = 1.0 / (1.0 + jnp.exp(-zz))
    en_ref[...] = jnp.exp(jnp.sum(eat_ref[...], axis=0) * (-1.0 / DE))


def _dense_tiled(z, eat):
    return pl.pallas_call(
        _tc_body,
        grid=(N // BM,),
        in_specs=[
            pl.BlockSpec((BM, D), lambda i: (i, 0)),
            pl.BlockSpec((N, D), lambda i: (0, 0)),
            pl.BlockSpec((DE, EB), lambda i: (0, i)),
        ],
        out_specs=[
            pl.BlockSpec((BM, N), lambda i: (i, 0)),
            pl.BlockSpec((EB,), lambda i: (i,)),
        ],
        out_shape=[
            jax.ShapeDtypeStruct((N, N), jnp.float32),
            jax.ShapeDtypeStruct((E,), jnp.float32),
        ],
    )(z, z, eat)


def _tiled_words(dense):
    return dense.reshape(N // 8, 8, N // 128, 128).transpose(0, 2, 1, 3).reshape(NN)


def _untiled(flat):
    return flat.reshape(N // 8, N // 128, 8, 128).transpose(0, 2, 1, 3).reshape(N, N)


_mesh = plsc.VectorSubcoreMesh(
    core_axis_name="c", subcore_axis_name="s", num_cores=NC, num_subcores=NS)


NQ = 8
CH = EPW // NQ


@functools.partial(
    pl.kernel,
    mesh=_mesh,
    compiler_params=pltpu.CompilerParams(needs_layout_passes=False),
    scratch_types=[
        pltpu.VMEM((EPW,), jnp.int32),
        pltpu.VMEM((EPW,), jnp.int32),
        pltpu.VMEM((EPW,), jnp.float32),
    ] + [pltpu.VMEM((CH,), jnp.int32) for _ in range(NQ)]
      + [pltpu.VMEM((CH,), jnp.float32) for _ in range(NQ)]
      + [pltpu.SemaphoreType.DMA for _ in range(NQ)]
      + [
        pltpu.SemaphoreType.DMA,
        pltpu.SemaphoreType.DMA,
    ],
)
def _sc_fix(out_hbm, ei_hbm, en_hbm, r_v, c_v, en_v,
            i0, i1, i2, i3, i4, i5, i6, i7,
            y0, y1, y2, y3, y4, y5, y6, y7,
            g0, g1, g2, g3, g4, g5, g6, g7, lsem, ssem):
    idxs = [i0, i1, i2, i3, i4, i5, i6, i7]
    ys = [y0, y1, y2, y3, y4, y5, y6, y7]
    gsems = [g0, g1, g2, g3, g4, g5, g6, g7]
    wid = lax.axis_index("s") * NC + lax.axis_index("c")
    base = wid * EPW
    pltpu.sync_copy(ei_hbm.at[0, pl.ds(base, EPW)], r_v)
    pltpu.sync_copy(ei_hbm.at[1, pl.ds(base, EPW)], c_v)
    en_load = pltpu.async_copy(en_hbm.at[pl.ds(base, EPW)], en_v, lsem)

    gathers = []
    for q in range(NQ):
        def build(j, _, _q=q):
            for k in range(GRP):
                off = _q * CH + j * COLS + k * 16
                r = r_v[pl.ds(off, 16)]
                c = c_v[pl.ds(off, 16)]
                idxs[_q][pl.ds(j * COLS + k * 16, 16)] = (
                    ((r >> 3) << 15) | ((c >> 7) << 10)
                    | ((r & 7) << 7) | (c & 127)
                )
            return 0

        lax.fori_loop(0, CH // COLS, build, 0)
        gathers.append(pltpu.async_copy(out_hbm.at[idxs[q]], ys[q], gsems[q]))

    en_load.wait()
    scatters = []
    for q in range(NQ):
        gathers[q].wait()

        def fix(j, _, _q=q):
            y = ys[_q][pl.ds(j * 16, 16)]
            en = en_v[pl.ds(_q * CH + j * 16, 16)]
            ys[_q][pl.ds(j * 16, 16)] = y / (y + en * (1.0 - y))
            return 0

        lax.fori_loop(0, CH // 16, fix, 0)
        scatters.append(pltpu.async_copy(ys[q], out_hbm.at[idxs[q]], ssem))
    for sc in scatters:
        sc.wait()


def kernel(z, edge_index, edge_attr):
    dense, en = _dense_tiled(z, edge_attr.T)
    ref = jax.new_ref(_tiled_words(dense))
    _sc_fix(ref, edge_index, en)
    return _untiled(ref[...])

# --- scband reference (transcript-rebuilt; emitter-appended) ---
"""Pipeline reference for scband-edge-predictor-86723979641369 (READ-ONLY COPY).

The authoritative reference and input builder live on the scoring server;
editing this copy changes nothing except your own understanding.
"""

import jax, jax.numpy as jnp
import numpy as np

N = 4096
D = 128
E = 131072
DE = 16

def setup_inputs(seed: int = 0) -> dict:
    key = jax.random.key(seed)
    k1, k2, k3 = jax.random.split(key, 3)
    z = jax.random.normal(k1, (N, D), dtype=jnp.float32)
    edge_index = jax.random.randint(k2, (2, E), 0, N, dtype=jnp.int32)
    edge_attr = jax.random.normal(k3, (E, DE), dtype=jnp.float32)
    return {"z": z, "edge_index": edge_index, "edge_attr": edge_attr}

def reference(z, edge_index, edge_attr):
    num_nodes = z.shape[0]
    row = edge_index[0]
    col = edge_index[1]
    # torch.mean(edge_attr, dim=1)
    edge_features = jnp.mean(edge_attr, axis=1)
    # full_edge_probs = zeros(N, N); full_edge_probs[row, col] = edge_features  (scatter-overwrite)
    full_edge_probs = jnp.zeros((num_nodes, num_nodes), dtype=z.dtype).at[row, col].set(edge_features)
    # NOTE: the torch meshgrid row/col are dead code (immediately overwritten, never used)
    all_edge_probs = jnp.matmul(z, z.T)
    adj = all_edge_probs + full_edge_probs
    return jax.nn.sigmoid(adj)

if __name__ == "__main__":
    import jax
    _d = setup_inputs()
    print(jax.jit(kernel)(*tuple(_d.values())))

</pallas_src>

<mosaic_0001>
#map = affine_map<(d0, d1) -> (0)>
#map1 = affine_map<(d0, d1) -> (0, 0)>
module attributes {stable_mosaic.version = 14 : i64} {
  func.func @new_body(%arg0: i32, %arg1: i32, %arg2: memref<16777216xf32, #tpu.memory_space<hbm>>, %arg3: memref<2x131072xi32, #tpu.memory_space<hbm>>, %arg4: memref<131072xf32, #tpu.memory_space<hbm>>, %arg5: memref<16777216xf32, #tpu.memory_space<hbm>>, %arg6: memref<4096xi32, #tpu.memory_space<vmem>>, %arg7: memref<4096xi32, #tpu.memory_space<vmem>>, %arg8: memref<4096xf32, #tpu.memory_space<vmem>>, %arg9: memref<512xi32, #tpu.memory_space<vmem>>, %arg10: memref<512xi32, #tpu.memory_space<vmem>>, %arg11: memref<512xi32, #tpu.memory_space<vmem>>, %arg12: memref<512xi32, #tpu.memory_space<vmem>>, %arg13: memref<512xi32, #tpu.memory_space<vmem>>, %arg14: memref<512xi32, #tpu.memory_space<vmem>>, %arg15: memref<512xi32, #tpu.memory_space<vmem>>, %arg16: memref<512xi32, #tpu.memory_space<vmem>>, %arg17: memref<512xf32, #tpu.memory_space<vmem>>, %arg18: memref<512xf32, #tpu.memory_space<vmem>>, %arg19: memref<512xf32, #tpu.memory_space<vmem>>, %arg20: memref<512xf32, #tpu.memory_space<vmem>>, %arg21: memref<512xf32, #tpu.memory_space<vmem>>, %arg22: memref<512xf32, #tpu.memory_space<vmem>>, %arg23: memref<512xf32, #tpu.memory_space<vmem>>, %arg24: memref<512xf32, #tpu.memory_space<vmem>>, %arg25: memref<!tpu.dma_semaphore, #tpu.memory_space<semaphore_mem>>, %arg26: memref<!tpu.dma_semaphore, #tpu.memory_space<semaphore_mem>>, %arg27: memref<!tpu.dma_semaphore, #tpu.memory_space<semaphore_mem>>, %arg28: memref<!tpu.dma_semaphore, #tpu.memory_space<semaphore_mem>>, %arg29: memref<!tpu.dma_semaphore, #tpu.memory_space<semaphore_mem>>, %arg30: memref<!tpu.dma_semaphore, #tpu.memory_space<semaphore_mem>>, %arg31: memref<!tpu.dma_semaphore, #tpu.memory_space<semaphore_mem>>, %arg32: memref<!tpu.dma_semaphore, #tpu.memory_space<semaphore_mem>>, %arg33: memref<!tpu.dma_semaphore, #tpu.memory_space<semaphore_mem>>, %arg34: memref<!tpu.dma_semaphore, #tpu.memory_space<semaphore_mem>>) attributes {dimension_semantics = [#tpu.dimension_semantics<core_parallel>, #tpu.dimension_semantics<subcore_parallel>], iteration_bounds = array<i64: 2, 16>, scalar_prefetch = 0 : i64, scratch_operands = 29 : i64, tpu.core_type = #tpu.core_type<sc_vector_subcore>, window_params = [{transform_indices = #map}, {transform_indices = #map1}, {transform_indices = #map}, {transform_indices = #map}]} {
    %mul3A = arith.constant 2 : i32
    %mul3A_0 = arith.muli %arg1, %mul3A : i32
    %add3A = arith.addi %mul3A_0, %arg0 : i32
    %mul3A_1 = arith.constant 4096 : i32
    %mul3A_2 = arith.muli %add3A, %mul3A_1 : i32
    %run_scoped3A = arith.constant 0 : i32
    "tpu.region"() ({
      %run_scoped3A_181 = tpu.sem_alloc : memref<!tpu.dma_semaphore, #tpu.memory_space<semaphore_mem>>
      %dma_start3A_182 = tpu.memref_slice %arg3[%run_scoped3A, %mul3A_2] : memref<2x131072xi32, #tpu.memory_space<hbm>> -> memref<1x4096xi32, #tpu.memory_space<hbm>>
      %dma_start3A_183 = tpu.memref_squeeze %dma_start3A_182 : memref<1x4096xi32, #tpu.memory_space<hbm>> -> memref<4096xi32, #tpu.memory_space<hbm>>
      %dma_start3A_184 = tpu.memref_slice %arg3[%run_scoped3A, %mul3A_2] : memref<2x131072xi32, #tpu.memory_space<hbm>> -> memref<1x4096xi32, #tpu.memory_space<hbm>>
      %dma_start3A_185 = tpu.memref_squeeze %dma_start3A_184 : memref<1x4096xi32, #tpu.memory_space<hbm>> -> memref<4096xi32, #tpu.memory_space<hbm>>
      tpu.enqueue_dma source(%dma_start3A_185 : memref<4096xi32, #tpu.memory_space<hbm>>) target(%arg6 : memref<4096xi32, #tpu.memory_space<vmem>>) target_semaphore(%run_scoped3A_181 : memref<!tpu.dma_semaphore, #tpu.memory_space<semaphore_mem>>)
      %dma_wait3A_186 = tpu.memref_slice %arg3[%run_scoped3A, %mul3A_2] : memref<2x131072xi32, #tpu.memory_space<hbm>> -> memref<1x4096xi32, #tpu.memory_space<hbm>>
      %dma_wait3A_187 = tpu.memref_squeeze %dma_wait3A_186 : memref<1x4096xi32, #tpu.memory_space<hbm>> -> memref<4096xi32, #tpu.memory_space<hbm>>
      %dma_wait3A_188 = tpu.memref_slice %arg3[%run_scoped3A, %mul3A_2] : memref<2x131072xi32, #tpu.memory_space<hbm>> -> memref<1x4096xi32, #tpu.memory_space<hbm>>
      %dma_wait3A_189 = tpu.memref_squeeze %dma_wait3A_188 : memref<1x4096xi32, #tpu.memory_space<hbm>> -> memref<4096xi32, #tpu.memory_space<hbm>>
      tpu.wait_dma2 semaphore(%run_scoped3A_181 : memref<!tpu.dma_semaphore, #tpu.memory_space<semaphore_mem>>) src(%dma_wait3A_189 : memref<4096xi32, #tpu.memory_space<hbm>>) dst(%arg6 : memref<4096xi32, #tpu.memory_space<vmem>>)
      tpu.yield
    }) : () -> ()
    %run_scoped3A_3 = arith.constant 1 : i32
    "tpu.region"() ({
      %run_scoped3A_181 = tpu.sem_alloc : memref<!tpu.dma_semaphore, #tpu.memory_space<semaphore_mem>>
      %dma_start3A_182 = tpu.memref_slice %arg3[%run_scoped3A_3, %mul3A_2] : memref<2x131072xi32, #tpu.memory_space<hbm>> -> memref<1x4096xi32, #tpu.memory_space<hbm>>
      %dma_start3A_183 = tpu.memref_squeeze %dma_start3A_182 : memref<1x4096xi32, #tpu.memory_space<hbm>> -> memref<4096xi32, #tpu.memory_space<hbm>>
      %dma_start3A_184 = tpu.memref_slice %arg3[%run_scoped3A_3, %mul3A_2] : memref<2x131072xi32, #tpu.memory_space<hbm>> -> memref<1x4096xi32, #tpu.memory_space<hbm>>
      %dma_start3A_185 = tpu.memref_squeeze %dma_start3A_184 : memref<1x4096xi32, #tpu.memory_space<hbm>> -> memref<4096xi32, #tpu.memory_space<hbm>>
      tpu.enqueue_dma source(%dma_start3A_185 : memref<4096xi32, #tpu.memory_space<hbm>>) target(%arg7 : memref<4096xi32, #tpu.memory_space<vmem>>) target_semaphore(%run_scoped3A_181 : memref<!tpu.dma_semaphore, #tpu.memory_space<semaphore_mem>>)
      %dma_wait3A_186 = tpu.memref_slice %arg3[%run_scoped3A_3, %mul3A_2] : memref<2x131072xi32, #tpu.memory_space<hbm>> -> memref<1x4096xi32, #tpu.memory_space<hbm>>
      %dma_wait3A_187 = tpu.memref_squeeze %dma_wait3A_186 : memref<1x4096xi32, #tpu.memory_space<hbm>> -> memref<4096xi32, #tpu.memory_space<hbm>>
      %dma_wait3A_188 = tpu.memref_slice %arg3[%run_scoped3A_3, %mul3A_2] : memref<2x131072xi32, #tpu.memory_space<hbm>> -> memref<1x4096xi32, #tpu.memory_space<hbm>>
      %dma_wait3A_189 = tpu.memref_squeeze %dma_wait3A_188 : memref<1x4096xi32, #tpu.memory_space<hbm>> -> memref<4096xi32, #tpu.memory_space<hbm>>
      tpu.wait_dma2 semaphore(%run_scoped3A_181 : memref<!tpu.dma_semaphore, #tpu.memory_space<semaphore_mem>>) src(%dma_wait3A_189 : memref<4096xi32, #tpu.memory_space<hbm>>) dst(%arg7 : memref<4096xi32, #tpu.memory_space<vmem>>)
      tpu.yield
    }) : () -> ()
    %dma_start3A = tpu.memref_slice %arg4[%mul3A_2] : memref<131072xf32, #tpu.memory_space<hbm>> -> memref<4096xf32, #tpu.memory_space<hbm>>
    %dma_start3A_4 = tpu.memref_slice %arg4[%mul3A_2] : memref<131072xf32, #tpu.memory_space<hbm>> -> memref<4096xf32, #tpu.memory_space<hbm>>
    tpu.enqueue_dma source(%dma_start3A_4 : memref<4096xf32, #tpu.memory_space<hbm>>) target(%arg8 : memref<4096xf32, #tpu.memory_space<vmem>>) target_semaphore(%arg33 : memref<!tpu.dma_semaphore, #tpu.memory_space<semaphore_mem>>)
    %scan3A = arith.constant 0 : i32
    %scan3A_5 = arith.constant 0 : i32
    %scan3A_6 = arith.constant 4 : i32
    %scan3A_7 = arith.addi %scan3A_5, %scan3A_6 : i32
    %scan3A_8 = arith.constant 1 : i32
    %scan3A_9 = scf.for %scan3A_181 = %scan3A_5 to %scan3A_7 step %scan3A_8 iter_args(%scan3A_182 = %scan3A) -> (i32)  : i32 {
      %mul3A_183 = arith.constant 128 : i32
      %mul3A_184 = arith.muli %scan3A_181, %mul3A_183 : i32
      %add3A_185 = arith.constant 0 : i32
      %add3A_186 = arith.addi %add3A_185, %mul3A_184 : i32
      %add3A_187 = arith.constant 0 : i32
      %add3A_188 = arith.addi %add3A_186, %add3A_187 : i32
      %get3A = arith.index_cast %add3A_188 : i32 to index
      %get3A_189 = tpu.vector_load %arg6[%get3A] {strides = array<i32>} : memref<4096xi32, #tpu.memory_space<vmem>>, vector<16xi32>,
      %get3A_190 = arith.index_cast %add3A_188 : i32 to index
      %get3A_191 = tpu.vector_load %arg7[%get3A_190] {strides = array<i32>} : memref<4096xi32, #tpu.memory_space<vmem>>, vector<16xi32>,
      %shift_right_arithmetic3A = arith.constant 3 : i32
      %shift_right_arithmetic3A_192 = vector.broadcast %shift_right_arithmetic3A : i32 to vector<16xi32>
      %shift_right_arithmetic3A_193 = arith.shrsi %get3A_189, %shift_right_arithmetic3A_192 : vector<16xi32>
      %shift_left3A = arith.constant 15 : i32
      %shift_left3A_194 = vector.broadcast %shift_left3A : i32 to vector<16xi32>
      %shift_left3A_195 = arith.shli %shift_right_arithmetic3A_193, %shift_left3A_194 : vector<16xi32>
      %shift_right_arithmetic3A_196 = arith.constant 7 : i32
      %shift_right_arithmetic3A_197 = vector.broadcast %shift_right_arithmetic3A_196 : i32 to vector<16xi32>
      %shift_right_arithmetic3A_198 = arith.shrsi %get3A_191, %shift_right_arithmetic3A_197 : vector<16xi32>
      %shift_left3A_199 = arith.constant 10 : i32
      %shift_left3A_200 = vector.broadcast %shift_left3A_199 : i32 to vector<16xi32>
      %shift_left3A_201 = arith.shli %shift_right_arithmetic3A_198, %shift_left3A_200 : vector<16xi32>
      %or3A = arith.ori %shift_left3A_195, %shift_left3A_201 : vector<16xi32>
      %and3A = arith.constant 7 : i32
      %and3A_202 = vector.broadcast %and3A : i32 to vector<16xi32>
      %and3A_203 = arith.andi %get3A_189, %and3A_202 : vector<16xi32>
      %shift_left3A_204 = arith.constant 7 : i32
      %shift_left3A_205 = vector.broadcast %shift_left3A_204 : i32 to vector<16xi32>
      %shift_left3A_206 = arith.shli %and3A_203, %shift_left3A_205 : vector<16xi32>
      %or3A_207 = arith.ori %or3A, %shift_left3A_206 : vector<16xi32>
      %and3A_208 = arith.constant 127 : i32
      %and3A_209 = vector.broadcast %and3A_208 : i32 to vector<16xi32>
      %and3A_210 = arith.andi %get3A_191, %and3A_209 : vector<16xi32>
      %or3A_211 = arith.ori %or3A_207, %and3A_210 : vector<16xi32>
      %mul3A_212 = arith.constant 128 : i32
      %mul3A_213 = arith.muli %scan3A_181, %mul3A_212 : i32
      %add3A_214 = arith.constant 0 : i32
      %add3A_215 = arith.addi %mul3A_213, %add3A_214 : i32
      %swap3A = arith.index_cast %add3A_215 : i32 to index
      %swap3A_216 = tpu.vector_load %arg9[%swap3A] {strides = array<i32>} : memref<512xi32, #tpu.memory_space<vmem>>, vector<16xi32>,
      tpu.vector_store %arg9[%swap3A], %or3A_211 {strides = array<i32>} : memref<512xi32, #tpu.memory_space<vmem>>, vector<16xi32>,
      %mul3A_217 = arith.constant 128 : i32
      %mul3A_218 = arith.muli %scan3A_181, %mul3A_217 : i32
      %add3A_219 = arith.constant 0 : i32
      %add3A_220 = arith.addi %add3A_219, %mul3A_218 : i32
      %add3A_221 = arith.constant 16 : i32
      %add3A_222 = arith.addi %add3A_220, %add3A_221 : i32
      %get3A_223 = arith.index_cast %add3A_222 : i32 to index
      %get3A_224 = tpu.vector_load %arg6[%get3A_223] {strides = array<i32>} : memref<4096xi32, #tpu.memory_space<vmem>>, vector<16xi32>,
      %get3A_225 = arith.index_cast %add3A_222 : i32 to index
      %get3A_226 = tpu.vector_load %arg7[%get3A_225] {strides = array<i32>} : memref<4096xi32, #tpu.memory_space<vmem>>, vector<16xi32>,
      %shift_right_arithmetic3A_227 = arith.constant 3 : i32
      %shift_right_arithmetic3A_228 = vector.broadcast %shift_right_arithmetic3A_227 : i32 to vector<16xi32>
      %shift_right_arithmetic3A_229 = arith.shrsi %get3A_224, %shift_right_arithmetic3A_228 : vector<16xi32>
      %shift_left3A_230 = arith.constant 15 : i32
      %shift_left3A_231 = vector.broadcast %shift_left3A_230 : i32 to vector<16xi32>
      %shift_left3A_232 = arith.shli %shift_right_arithmetic3A_229, %shift_left3A_231 : vector<16xi32>
      %shift_right_arithmetic3A_233 = arith.constant 7 : i32
      %shift_right_arithmetic3A_234 = vector.broadcast %shift_right_arithmetic3A_233 : i32 to vector<16xi32>
      %shift_right_arithmetic3A_235 = arith.shrsi %get3A_226, %shift_right_arithmetic3A_234 : vector<16xi32>
      %shift_left3A_236 = arith.constant 10 : i32
      %shift_left3A_237 = vector.broadcast %shift_left3A_236 : i32 to vector<16xi32>
      %shift_left3A_238 = arith.shli %shift_right_arithmetic3A_235, %shift_left3A_237 : vector<16xi32>
      %or3A_239 = arith.ori %shift_left3A_232, %shift_left3A_238 : vector<16xi32>
      %and3A_240 = arith.constant 7 : i32
      %and3A_241 = vector.broadcast %and3A_240 : i32 to vector<16xi32>
      %and3A_242 = arith.andi %get3A_224, %and3A_241 : vector<16xi32>
      %shift_left3A_243 = arith.constant 7 : i32
      %shift_left3A_244 = vector.broadcast %shift_left3A_243 : i32 to vector<16xi32>
      %shift_left3A_245 = arith.shli %and3A_242, %shift_left3A_244 : vector<16xi32>
      %or3A_246 = arith.ori %or3A_239, %shift_left3A_245 : vector<16xi32>
      %and3A_247 = arith.constant 127 : i32
      %and3A_248 = vector.broadcast %and3A_247 : i32 to vector<16xi32>
      %and3A_249 = arith.andi %get3A_226, %and3A_248 : vector<16xi32>
      %or3A_250 = arith.ori %or3A_246, %and3A_249 : vector<16xi32>
      %mul3A_251 = arith.constant 128 : i32
      %mul3A_252 = arith.muli %scan3A_181, %mul3A_251 : i32
      %add3A_253 = arith.constant 16 : i32
      %add3A_254 = arith.addi %mul3A_252, %add3A_253 : i32
      %swap3A_255 = arith.index_cast %add3A_254 : i32 to index
      %swap3A_256 = tpu.vector_load %arg9[%swap3A_255] {strides = array<i32>} : memref<512xi32, #tpu.memory_space<vmem>>, vector<16xi32>,
      tpu.vector_store %arg9[%swap3A_255], %or3A_250 {strides = array<i32>} : memref<512xi32, #tpu.memory_space<vmem>>, vector<16xi32>,
      %mul3A_257 = arith.constant 128 : i32
      %mul3A_258 = arith.muli %scan3A_181, %mul3A_257 : i32
      %add3A_259 = arith.constant 0 : i32
      %add3A_260 = arith.addi %add3A_259, %mul3A_258 : i32
      %add3A_261 = arith.constant 32 : i32
      %add3A_262 = arith.addi %add3A_260, %add3A_261 : i32
      %get3A_263 = arith.index_cast %add3A_262 : i32 to index
      %get3A_264 = tpu.vector_load %arg6[%get3A_263] {strides = array<i32>} : memref<4096xi32, #tpu.memory_space<vmem>>, vector<16xi32>,
      %get3A_265 = arith.index_cast %add3A_262 : i32 to index
      %get3A_266 = tpu.vector_load %arg7[%get3A_265] {strides = array<i32>} : memref<4096xi32, #tpu.memory_space<vmem>>, vector<16xi32>,
      %shift_right_arithmetic3A_267 = arith.constant 3 : i32
      %shift_right_arithmetic3A_268 = vector.broadcast %shift_right_arithmetic3A_267 : i32 to vector<16xi32>
      %shift_right_arithmetic3A_269 = arith.shrsi %get3A_264, %shift_right_arithmetic3A_268 : vector<16xi32>
      %shift_left3A_270 = arith.constant 15 : i32
      %shift_left3A_271 = vector.broadcast %shift_left3A_270 : i32 to vector<16xi32>
      %shift_left3A_272 = arith.shli %shift_right_arithmetic3A_269, %shift_left3A_271 : vector<16xi32>
      %shift_right_arithmetic3A_273 = arith.constant 7 : i32
      %shift_right_arithmetic3A_274 = vector.broadcast %shift_right_arithmetic3A_273 : i32 to vector<16xi32>
      %shift_right_arithmetic3A_275 = arith.shrsi %get3A_266, %shift_right_arithmetic3A_274 : vector<16xi32>
      %shift_left3A_276 = arith.constant 10 : i32
      %shift_left3A_277 = vector.broadcast %shift_left3A_276 : i32 to vector<16xi32>
      %shift_left3A_278 = arith.shli %shift_right_arithmetic3A_275, %shift_left3A_277 : vector<16xi32>
      %or3A_279 = arith.ori %shift_left3A_272, %shift_left3A_278 : vector<16xi32>
      %and3A_280 = arith.constant 7 : i32
      %and3A_281 = vector.broadcast %and3A_280 : i32 to vector<16xi32>
      %and3A_282 = arith.andi %get3A_264, %and3A_281 : vector<16xi32>
      %shift_left3A_283 = arith.constant 7 : i32
      %shift_left3A_284 = vector.broadcast %shift_left3A_283 : i32 to vector<16xi32>
      %shift_left3A_285 = arith.shli %and3A_282, %shift_left3A_284 : vector<16xi32>
      %or3A_286 = arith.ori %or3A_279, %shift_left3A_285 : vector<16xi32>
      %and3A_287 = arith.constant 127 : i32
      %and3A_288 = vector.broadcast %and3A_287 : i32 to vector<16xi32>
      %and3A_289 = arith.andi %get3A_266, %and3A_288 : vector<16xi32>
      %or3A_290 = arith.ori %or3A_286, %and3A_289 : vector<16xi32>
      %mul3A_291 = arith.constant 128 : i32
      %mul3A_292 = arith.muli %scan3A_181, %mul3A_291 : i32
      %add3A_293 = arith.constant 32 : i32
      %add3A_294 = arith.addi %mul3A_292, %add3A_293 : i32
      %swap3A_295 = arith.index_cast %add3A_294 : i32 to index
      %swap3A_296 = tpu.vector_load %arg9[%swap3A_295] {strides = array<i32>} : memref<512xi32, #tpu.memory_space<vmem>>, vector<16xi32>,
      tpu.vector_store %arg9[%swap3A_295], %or3A_290 {strides = array<i32>} : memref<512xi32, #tpu.memory_space<vmem>>, vector<16xi32>,
      %mul3A_297 = arith.constant 128 : i32
      %mul3A_298 = arith.muli %scan3A_181, %mul3A_297 : i32
      %add3A_299 = arith.constant 0 : i32
      %add3A_300 = arith.addi %add3A_299, %mul3A_298 : i32
      %add3A_301 = arith.constant 48 : i32
      %add3A_302 = arith.addi %add3A_300, %add3A_301 : i32
      %get3A_303 = arith.index_cast %add3A_302 : i32 to index
      %get3A_304 = tpu.vector_load %arg6[%get3A_303] {strides = array<i32>} : memref<4096xi32, #tpu.memory_space<vmem>>, vector<16xi32>,
      %get3A_305 = arith.index_cast %add3A_302 : i32 to index
      %get3A_306 = tpu.vector_load %arg7[%get3A_305] {strides = array<i32>} : memref<4096xi32, #tpu.memory_space<vmem>>, vector<16xi32>,
      %shift_right_arithmetic3A_307 = arith.constant 3 : i32
      %shift_right_arithmetic3A_308 = vector.broadcast %shift_right_arithmetic3A_307 : i32 to vector<16xi32>
      %shift_right_arithmetic3A_309 = arith.shrsi %get3A_304, %shift_right_arithmetic3A_308 : vector<16xi32>
      %shift_left3A_310 = arith.constant 15 : i32
      %shift_left3A_311 = vector.broadcast %shift_left3A_310 : i32 to vector<16xi32>
      %shift_left3A_312 = arith.shli %shift_right_arithmetic3A_309, %shift_left3A_311 : vector<16xi32>
      %shift_right_arithmetic3A_313 = arith.constant 7 : i32
      %shift_right_arithmetic3A_314 = vector.broadcast %shift_right_arithmetic3A_313 : i32 to vector<16xi32>
      %shift_right_arithmetic3A_315 = arith.shrsi %get3A_306, %shift_right_arithmetic3A_314 : vector<16xi32>
      %shift_left3A_316 = arith.constant 10 : i32
      %shift_left3A_317 = vector.broadcast %shift_left3A_316 : i32 to vector<16xi32>
      %shift_left3A_318 = arith.shli %shift_right_arithmetic3A_315, %shift_left3A_317 : vector<16xi32>
      %or3A_319 = arith.ori %shift_left3A_312, %shift_left3A_318 : vector<16xi32>
      %and3A_320 = arith.constant 7 : i32
      %and3A_321 = vector.broadcast %and3A_320 : i32 to vector<16xi32>
      %and3A_322 = arith.andi %get3A_304, %and3A_321 : vector<16xi32>
      %shift_left3A_323 = arith.constant 7 : i32
      %shift_left3A_324 = vector.broadcast %shift_left3A_323 : i32 to vector<16xi32>
      %shift_left3A_325 = arith.shli %and3A_322, %shift_left3A_324 : vector<16xi32>
      %or3A_326 = arith.ori %or3A_319, %shift_left3A_325 : vector<16xi32>
      %and3A_327 = arith.constant 127 : i32
      %and3A_328 = vector.broadcast %and3A_327 : i32 to vector<16xi32>
      %and3A_329 = arith.andi %get3A_306, %and3A_328 : vector<16xi32>
      %or3A_330 = arith.ori %or3A_326, %and3A_329 : vector<16xi32>
      %mul3A_331 = arith.constant 128 : i32
      %mul3A_332 = arith.muli %scan3A_181, %mul3A_331 : i32
      %add3A_333 = arith.constant 48 : i32
      %add3A_334 = arith.addi %mul3A_332, %add3A_333 : i32
      %swap3A_335 = arith.index_cast %add3A_334 : i32 to index
      %swap3A_336 = tpu.vector_load %arg9[%swap3A_335] {strides = array<i32>} : memref<512xi32, #tpu.memory_space<vmem>>, vector<16xi32>,
      tpu.vector_store %arg9[%swap3A_335], %or3A_330 {strides = array<i32>} : memref<512xi32, #tpu.memory_space<vmem>>, vector<16xi32>,
      %mul3A_337 = arith.constant 128 : i32
      %mul3A_338 = arith.muli %scan3A_181, %mul3A_337 : i32
      %add3A_339 = arith.constant 0 : i32
      %add3A_340 = arith.addi %add3A_339, %mul3A_338 : i32
      %add3A_341 = arith.constant 64 : i32
      %add3A_342 = arith.addi %add3A_340, %add3A_341 : i32
      %get3A_343 = arith.index_cast %add3A_342 : i32 to index
      %get3A_344 = tpu.vector_load %arg6[%get3A_343] {strides = array<i32>} : memref<4096xi32, #tpu.memory_space<vmem>>, vector<16xi32>,
      %get3A_345 = arith.index_cast %add3A_342 : i32 to index
      %get3A_346 = tpu.vector_load %arg7[%get3A_345] {strides = array<i32>} : memref<4096xi32, #tpu.memory_space<vmem>>, vector<16xi32>,
      %shift_right_arithmetic3A_347 = arith.constant 3 : i32
      %shift_right_arithmetic3A_348 = vector.broadcast %shift_right_arithmetic3A_347 : i32 to vector<16xi32>
      %shift_right_arithmetic3A_349 = arith.shrsi %get3A_344, %shift_right_arithmetic3A_348 : vector<16xi32>
      %shift_left3A_350 = arith.constant 15 : i32
      %shift_left3A_351 = vector.broadcast %shift_left3A_350 : i32 to vector<16xi32>
      %shift_left3A_352 = arith.shli %shift_right_arithmetic3A_349, %shift_left3A_351 : vector<16xi32>
      %shift_right_arithmetic3A_353 = arith.constant 7 : i32
      %shift_right_arithmetic3A_354 = vector.broadcast %shift_right_arithmetic3A_353 : i32 to vector<16xi32>
      %shift_right_arithmetic3A_355 = arith.shrsi %get3A_346, %shift_right_arithmetic3A_354 : vector<16xi32>
      %shift_left3A_356 = arith.constant 10 : i32
      %shift_left3A_357 = vector.broadcast %shift_left3A_356 : i32 to vector<16xi32>
      %shift_left3A_358 = arith.shli %shift_right_arithmetic3A_355, %shift_left3A_357 : vector<16xi32>
      %or3A_359 = arith.ori %shift_left3A_352, %shift_left3A_358 : vector<16xi32>
      %and3A_360 = arith.constant 7 : i32
      %and3A_361 = vector.broadcast %and3A_360 : i32 to vector<16xi32>
      %and3A_362 = arith.andi %get3A_344, %and3A_361 : vector<16xi32>
      %shift_left3A_363 = arith.constant 7 : i32
      %shift_left3A_364 = vector.broadcast %shift_left3A_363 : i32 to vector<16xi32>
      %shift_left3A_365 = arith.shli %and3A_362, %shift_left3A_364 : vector<16xi32>
      %or3A_366 = arith.ori %or3A_359, %shift_left3A_365 : vector<16xi32>
      %and3A_367 = arith.constant 127 : i32
      %and3A_368 = vector.broadcast %and3A_367 : i32 to vector<16xi32>
      %and3A_369 = arith.andi %get3A_346, %and3A_368 : vector<16xi32>
      %or3A_370 = arith.ori %or3A_366, %and3A_369 : vector<16xi32>
      %mul3A_371 = arith.constant 128 : i32
      %mul3A_372 = arith.muli %scan3A_181, %mul3A_371 : i32
      %add3A_373 = arith.constant 64 : i32
      %add3A_374 = arith.addi %mul3A_372, %add3A_373 : i32
      %swap3A_375 = arith.index_cast %add3A_374 : i32 to index
      %swap3A_376 = tpu.vector_load %arg9[%swap3A_375] {strides = array<i32>} : memref<512xi32, #tpu.memory_space<vmem>>, vector<16xi32>,
      tpu.vector_store %arg9[%swap3A_375], %or3A_370 {strides = array<i32>} : memref<512xi32, #tpu.memory_space<vmem>>, vector<16xi32>,
      %mul3A_377 = arith.constant 128 : i32
      %mul3A_378 = arith.muli %scan3A_181, %mul3A_377 : i32
      %add3A_379 = arith.constant 0 : i32
      %add3A_380 = arith.addi %add3A_379, %mul3A_378 : i32
      %add3A_381 = arith.constant 80 : i32
      %add3A_382 = arith.addi %add3A_380, %add3A_381 : i32
      %get3A_383 = arith.index_cast %add3A_382 : i32 to index
      %get3A_384 = tpu.vector_load %arg6[%get3A_383] {strides = array<i32>} : memref<4096xi32, #tpu.memory_space<vmem>>, vector<16xi32>,
      %get3A_385 = arith.index_cast %add3A_382 : i32 to index
      %get3A_386 = tpu.vector_load %arg7[%get3A_385] {strides = array<i32>} : memref<4096xi32, #tpu.memory_space<vmem>>, vector<16xi32>,
      %shift_right_arithmetic3A_387 = arith.constant 3 : i32
      %shift_right_arithmetic3A_388 = vector.broadcast %shift_right_arithmetic3A_387 : i32 to vector<16xi32>
      %shift_right_arithmetic3A_389 = arith.shrsi %get3A_384, %shift_right_arithmetic3A_388 : vector<16xi32>
      %shift_left3A_390 = arith.constant 15 : i32
      %shift_left3A_391 = vector.broadcast %shift_left3A_390 : i32 to vector<16xi32>
      %shift_left3A_392 = arith.shli %shift_right_arithmetic3A_389, %shift_left3A_391 : vector<16xi32>
      %shift_right_arithmetic3A_393 = arith.constant 7 : i32
      %shift_right_arithmetic3A_394 = vector.broadcast %shift_right_arithmetic3A_393 : i32 to vector<16xi32>
      %shift_right_arithmetic3A_395 = arith.shrsi %get3A_386, %shift_right_arithmetic3A_394 : vector<16xi32>
      %shift_left3A_396 = arith.constant 10 : i32
      %shift_left3A_397 = vector.broadcast %shift_left3A_396 : i32 to vector<16xi32>
      %shift_left3A_398 = arith.shli %shift_right_arithmetic3A_395, %shift_left3A_397 : vector<16xi32>
      %or3A_399 = arith.ori %shift_left3A_392, %shift_left3A_398 : vector<16xi32>
      %and3A_400 = arith.constant 7 : i32
      %and3A_401 = vector.broadcast %and3A_400 : i32 to vector<16xi32>
      %and3A_402 = arith.andi %get3A_384, %and3A_401 : vector<16xi32>
      %shift_left3A_403 = arith.constant 7 : i32
      %shift_left3A_404 = vector.broadcast %shift_left3A_403 : i32 to vector<16xi32>
      %shift_left3A_405 = arith.shli %and3A_402, %shift_left3A_404 : vector<16xi32>
      %or3A_406 = arith.ori %or3A_399, %shift_left3A_405 : vector<16xi32>
      %and3A_407 = arith.constant 127 : i32
      %and3A_408 = vector.broadcast %and3A_407 : i32 to vector<16xi32>
      %and3A_409 = arith.andi %get3A_386, %and3A_408 : vector<16xi32>
      %or3A_410 = arith.ori %or3A_406, %and3A_409 : vector<16xi32>
      %mul3A_411 = arith.constant 128 : i32
      %mul3A_412 = arith.muli %scan3A_181, %mul3A_411 : i32
      %add3A_413 = arith.constant 80 : i32
      %add3A_414 = arith.addi %mul3A_412, %add3A_413 : i32
      %swap3A_415 = arith.index_cast %add3A_414 : i32 to index
      %swap3A_416 = tpu.vector_load %arg9[%swap3A_415] {strides = array<i32>} : memref<512xi32, #tpu.memory_space<vmem>>, vector<16xi32>,
      tpu.vector_store %arg9[%swap3A_415], %or3A_410 {strides = array<i32>} : memref<512xi32, #tpu.memory_space<vmem>>, vector<16xi32>,
      %mul3A_417 = arith.constant 128 : i32
      %mul3A_418 = arith.muli %scan3A_181, %mul3A_417 : i32
      %add3A_419 = arith.constant 0 : i32
      %add3A_420 = arith.addi %add3A_419, %mul3A_418 : i32
      %add3A_421 = arith.constant 96 : i32
      %add3A_422 = arith.addi %add3A_420, %add3A_421 : i32
      %get3A_423 = arith.index_cast %add3A_422 : i32 to index
      %get3A_424 = tpu.vector_load %arg6[%get3A_423] {strides = array<i32>} : memref<4096xi32, #tpu.memory_space<vmem>>, vector<16xi32>,
      %get3A_425 = arith.index_cast %add3A_422 : i32 to index
      %get3A_426 = tpu.vector_load %arg7[%get3A_425] {strides = array<i32>} : memref<4096xi32, #tpu.memory_space<vmem>>, vector<16xi32>,
      %shift_right_arithmetic3A_427 = arith.constant 3 : i32
      %shift_right_arithmetic3A_428 = vector.broadcast %shift_right_arithmetic3A_427 : i32 to vector<16xi32>
      %shift_right_arithmetic3A_429 = arith.shrsi %get3A_424, %shift_right_arithmetic3A_428 : vector<16xi32>
      %shift_left3A_430 = arith.constant 15 : i32
      %shift_left3A_431 = vector.broadcast %shift_left3A_430 : i32 to vector<16xi32>
      %shift_left3A_432 = arith.shli %shift_right_arithmetic3A_429, %shift_left3A_431 : vector<16xi32>
      %shift_right_arithmetic3A_433 = arith.constant 7 : i32
      %shift_right_arithmetic3A_434 = vector.broadcast %shift_right_arithmetic3A_433 : i32 to vector<16xi32>
      %shift_right_arithmetic3A_435 = arith.shrsi %get3A_426, %shift_right_arithmetic3A_434 : vector<16xi32>
      %shift_left3A_436 = arith.constant 10 : i32
      %shift_left3A_437 = vector.broadcast %shift_left3A_436 : i32 to vector<16xi32>
      %shift_left3A_438 = arith.shli %shift_right_arithmetic3A_435, %shift_left3A_437 : vector<16xi32>
      %or3A_439 = arith.ori %shift_left3A_432, %shift_left3A_438 : vector<16xi32>
      %and3A_440 = arith.constant 7 : i32
      %and3A_441 = vector.broadcast %and3A_440 : i32 to vector<16xi32>
      %and3A_442 = arith.andi %get3A_424, %and3A_441 : vector<16xi32>
      %shift_left3A_443 = arith.constant 7 : i32
      %shift_left3A_444 = vector.broadcast %shift_left3A_443 : i32 to vector<16xi32>
      %shift_left3A_445 = arith.shli %and3A_442, %shift_left3A_444 : vector<16xi32>
      %or3A_446 = arith.ori %or3A_439, %shift_left3A_445 : vector<16xi32>
      %and3A_447 = arith.constant 127 : i32
      %and3A_448 = vector.broadcast %and3A_447 : i32 to vector<16xi32>
      %and3A_449 = arith.andi %get3A_426, %and3A_448 : vector<16xi32>
      %or3A_450 = arith.ori %or3A_446, %and3A_449 : vector<16xi32>
      %mul3A_451 = arith.constant 128 : i32
      %mul3A_452 = arith.muli %scan3A_181, %mul3A_451 : i32
      %add3A_453 = arith.constant 96 : i32
      %add3A_454 = arith.addi %mul3A_452, %add3A_453 : i32
      %swap3A_455 = arith.index_cast %add3A_454 : i32 to index
      %swap3A_456 = tpu.vector_load %arg9[%swap3A_455] {strides = array<i32>} : memref<512xi32, #tpu.memory_space<vmem>>, vector<16xi32>,
      tpu.vector_store %arg9[%swap3A_455], %or3A_450 {strides = array<i32>} : memref<512xi32, #tpu.memory_space<vmem>>, vector<16xi32>,
      %mul3A_457 = arith.constant 128 : i32
      %mul3A_458 = arith.muli %scan3A_181, %mul3A_457 : i32
      %add3A_459 = arith.constant 0 : i32
      %add3A_460 = arith.addi %add3A_459, %mul3A_458 : i32
      %add3A_461 = arith.constant 112 : i32
      %add3A_462 = arith.addi %add3A_460, %add3A_461 : i32
      %get3A_463 = arith.index_cast %add3A_462 : i32 to index
      %get3A_464 = tpu.vector_load %arg6[%get3A_463] {strides = array<i32>} : memref<4096xi32, #tpu.memory_space<vmem>>, vector<16xi32>,
      %get3A_465 = arith.index_cast %add3A_462 : i32 to index
      %get3A_466 = tpu.vector_load %arg7[%get3A_465] {strides = array<i32>} : memref<4096xi32, #tpu.memory_space<vmem>>, vector<16xi32>,
      %shift_right_arithmetic3A_467 = arith.constant 3 : i32
      %shift_right_arithmetic3A_468 = vector.broadcast %shift_right_arithmetic3A_467 : i32 to vector<16xi32>
      %shift_right_arithmetic3A_469 = arith.shrsi %get3A_464, %shift_right_arithmetic3A_468 : vector<16xi32>
      %shift_left3A_470 = arith.constant 15 : i32
      %shift_left3A_471 = vector.broadcast %shift_left3A_470 : i32 to vector<16xi32>
      %shift_left3A_472 = arith.shli %shift_right_arithmetic3A_469, %shift_left3A_471 : vector<16xi32>
      %shift_right_arithmetic3A_473 = arith.constant 7 : i32
      %shift_right_arithmetic3A_474 = vector.broadcast %shift_right_arithmetic3A_473 : i32 to vector<16xi32>
      %shift_right_arithmetic3A_475 = arith.shrsi %get3A_466, %shift_right_arithmetic3A_474 : vector<16xi32>
      %shift_left3A_476 = arith.constant 10 : i32
      %shift_left3A_477 = vector.broadcast %shift_left3A_476 : i32 to vector<16xi32>
      %shift_left3A_478 = arith.shli %shift_right_arithmetic3A_475, %shift_left3A_477 : vector<16xi32>
      %or3A_479 = arith.ori %shift_left3A_472, %shift_left3A_478 : vector<16xi32>
      %and3A_480 = arith.constant 7 : i32
      %and3A_481 = vector.broadcast %and3A_480 : i32 to vector<16xi32>
      %and3A_482 = arith.andi %get3A_464, %and3A_481 : vector<16xi32>
      %shift_left3A_483 = arith.constant 7 : i32
      %shift_left3A_484 = vector.broadcast %shift_left3A_483 : i32 to vector<16xi32>
      %shift_left3A_485 = arith.shli %and3A_482, %shift_left3A_484 : vector<16xi32>
      %or3A_486 = arith.ori %or3A_479, %shift_left3A_485 : vector<16xi32>
      %and3A_487 = arith.constant 127 : i32
      %and3A_488 = vector.broadcast %and3A_487 : i32 to vector<16xi32>
      %and3A_489 = arith.andi %get3A_466, %and3A_488 : vector<16xi32>
      %or3A_490 = arith.ori %or3A_486, %and3A_489 : vector<16xi32>
      %mul3A_491 = arith.constant 128 : i32
      %mul3A_492 = arith.muli %scan3A_181, %mul3A_491 : i32
      %add3A_493 = arith.constant 112 : i32
      %add3A_494 = arith.addi %mul3A_492, %add3A_493 : i32
      %swap3A_495 = arith.index_cast %add3A_494 : i32 to index
      %swap3A_496 = tpu.vector_load %arg9[%swap3A_495] {strides = array<i32>} : memref<512xi32, #tpu.memory_space<vmem>>, vector<16xi32>,
      tpu.vector_store %arg9[%swap3A_495], %or3A_490 {strides = array<i32>} : memref<512xi32, #tpu.memory_space<vmem>>, vector<16xi32>,
      %scan3A_497 = arith.constant 0 : i32
      scf.yield %scan3A_497 : i32
    }
    %scan3A_10 = arith.constant 4 : i32
    %dma_start3A_11 = arith.constant 0 : i32
    %dma_start3A_12 = tpu.memref_slice %arg2[%dma_start3A_11] : memref<16777216xf32, #tpu.memory_space<hbm>> -> memref<16777216xf32, #tpu.memory_space<hbm>>
    tpu.enqueue_indirect_dma source(%dma_start3A_12 : memref<16777216xf32, #tpu.memory_space<hbm>>) target(%arg17 : memref<512xf32, #tpu.memory_space<vmem>>) offsets(%arg9 : memref<512xi32, #tpu.memory_space<vmem>>) semaphore(%arg25 : memref<!tpu.dma_semaphore, #tpu.memory_space<semaphore_mem>>)
    %scan3A_13 = arith.constant 0 : i32
    %scan3A_14 = arith.constant 0 : i32
    %scan3A_15 = arith.constant 4 : i32
    %scan3A_16 = arith.addi %scan3A_14, %scan3A_15 : i32
    %scan3A_17 = arith.constant 1 : i32
    %scan3A_18 = scf.for %scan3A_181 = %scan3A_14 to %scan3A_16 step %scan3A_17 iter_args(%scan3A_182 = %scan3A_13) -> (i32)  : i32 {
      %mul3A_183 = arith.constant 128 : i32
      %mul3A_184 = arith.muli %scan3A_181, %mul3A_183 : i32
      %add3A_185 = arith.constant 512 : i32
      %add3A_186 = arith.addi %add3A_185, %mul3A_184 : i32
      %add3A_187 = arith.constant 0 : i32
      %add3A_188 = arith.addi %add3A_186, %add3A_187 : i32
      %get3A = arith.index_cast %add3A_188 : i32 to index
      %get3A_189 = tpu.vector_load %arg6[%get3A] {strides = array<i32>} : memref<4096xi32, #tpu.memory_space<vmem>>, vector<16xi32>,
      %get3A_190 = arith.index_cast %add3A_188 : i32 to index
      %get3A_191 = tpu.vector_load %arg7[%get3A_190] {strides = array<i32>} : memref<4096xi32, #tpu.memory_space<vmem>>, vector<16xi32>,
      %shift_right_arithmetic3A = arith.constant 3 : i32
      %shift_right_arithmetic3A_192 = vector.broadcast %shift_right_arithmetic3A : i32 to vector<16xi32>
      %shift_right_arithmetic3A_193 = arith.shrsi %get3A_189, %shift_right_arithmetic3A_192 : vector<16xi32>
      %shift_left3A = arith.constant 15 : i32
      %shift_left3A_194 = vector.broadcast %shift_left3A : i32 to vector<16xi32>
      %shift_left3A_195 = arith.shli %shift_right_arithmetic3A_193, %shift_left3A_194 : vector<16xi32>
      %shift_right_arithmetic3A_196 = arith.constant 7 : i32
      %shift_right_arithmetic3A_197 = vector.broadcast %shift_right_arithmetic3A_196 : i32 to vector<16xi32>
      %shift_right_arithmetic3A_198 = arith.shrsi %get3A_191, %shift_right_arithmetic3A_197 : vector<16xi32>
      %shift_left3A_199 = arith.constant 10 : i32
      %shift_left3A_200 = vector.broadcast %shift_left3A_199 : i32 to vector<16xi32>
      %shift_left3A_201 = arith.shli %shift_right_arithmetic3A_198, %shift_left3A_200 : vector<16xi32>
      %or3A = arith.ori %shift_left3A_195, %shift_left3A_201 : vector<16xi32>
      %and3A = arith.constant 7 : i32
      %and3A_202 = vector.broadcast %and3A : i32 to vector<16xi32>
      %and3A_203 = arith.andi %get3A_189, %and3A_202 : vector<16xi32>
      %shift_left3A_204 = arith.constant 7 : i32
      %shift_left3A_205 = vector.broadcast %shift_left3A_204 : i32 to vector<16xi32>
      %shift_left3A_206 = arith.shli %and3A_203, %shift_left3A_205 : vector<16xi32>
      %or3A_207 = arith.ori %or3A, %shift_left3A_206 : vector<16xi32>
      %and3A_208 = arith.constant 127 : i32
      %and3A_209 = vector.broadcast %and3A_208 : i32 to vector<16xi32>
      %and3A_210 = arith.andi %get3A_191, %and3A_209 : vector<16xi32>
      %or3A_211 = arith.ori %or3A_207, %and3A_210 : vector<16xi32>
      %mul3A_212 = arith.constant 128 : i32
      %mul3A_213 = arith.muli %scan3A_181, %mul3A_212 : i32
      %add3A_214 = arith.constant 0 : i32
      %add3A_215 = arith.addi %mul3A_213, %add3A_214 : i32
      %swap3A = arith.index_cast %add3A_215 : i32 to index
      %swap3A_216 = tpu.vector_load %arg10[%swap3A] {strides = array<i32>} : memref<512xi32, #tpu.memory_space<vmem>>, vector<16xi32>,
      tpu.vector_store %arg10[%swap3A], %or3A_211 {strides = array<i32>} : memref<512xi32, #tpu.memory_space<vmem>>, vector<16xi32>,
      %mul3A_217 = arith.constant 128 : i32
      %mul3A_218 = arith.muli %scan3A_181, %mul3A_217 : i32
      %add3A_219 = arith.constant 512 : i32
      %add3A_220 = arith.addi %add3A_219, %mul3A_218 : i32
      %add3A_221 = arith.constant 16 : i32
      %add3A_222 = arith.addi %add3A_220, %add3A_221 : i32
      %get3A_223 = arith.index_cast %add3A_222 : i32 to index
      %get3A_224 = tpu.vector_load %arg6[%get3A_223] {strides = array<i32>} : memref<4096xi32, #tpu.memory_space<vmem>>, vector<16xi32>,
      %get3A_225 = arith.index_cast %add3A_222 : i32 to index
      %get3A_226 = tpu.vector_load %arg7[%get3A_225] {strides = array<i32>} : memref<4096xi32, #tpu.memory_space<vmem>>, vector<16xi32>,
      %shift_right_arithmetic3A_227 = arith.constant 3 : i32
      %shift_right_arithmetic3A_228 = vector.broadcast %shift_right_arithmetic3A_227 : i32 to vector<16xi32>
      %shift_right_arithmetic3A_229 = arith.shrsi %get3A_224, %shift_right_arithmetic3A_228 : vector<16xi32>
      %shift_left3A_230 = arith.constant 15 : i32
      %shift_left3A_231 = vector.broadcast %shift_left3A_230 : i32 to vector<16xi32>
      %shift_left3A_232 = arith.shli %shift_right_arithmetic3A_229, %shift_left3A_231 : vector<16xi32>
      %shift_right_arithmetic3A_233 = arith.constant 7 : i32
      %shift_right_arithmetic3A_234 = vector.broadcast %shift_right_arithmetic3A_233 : i32 to vector<16xi32>
      %shift_right_arithmetic3A_235 = arith.shrsi %get3A_226, %shift_right_arithmetic3A_234 : vector<16xi32>
      %shift_left3A_236 = arith.constant 10 : i32
      %shift_left3A_237 = vector.broadcast %shift_left3A_236 : i32 to vector<16xi32>
      %shift_left3A_238 = arith.shli %shift_right_arithmetic3A_235, %shift_left3A_237 : vector<16xi32>
      %or3A_239 = arith.ori %shift_left3A_232, %shift_left3A_238 : vector<16xi32>
      %and3A_240 = arith.constant 7 : i32
      %and3A_241 = vector.broadcast %and3A_240 : i32 to vector<16xi32>
      %and3A_242 = arith.andi %get3A_224, %and3A_241 : vector<16xi32>
      %shift_left3A_243 = arith.constant 7 : i32
      %shift_left3A_244 = vector.broadcast %shift_left3A_243 : i32 to vector<16xi32>
      %shift_left3A_245 = arith.shli %and3A_242, %shift_left3A_244 : vector<16xi32>
      %or3A_246 = arith.ori %or3A_239, %shift_left3A_245 : vector<16xi32>
      %and3A_247 = arith.constant 127 : i32
      %and3A_248 = vector.broadcast %and3A_247 : i32 to vector<16xi32>
      %and3A_249 = arith.andi %get3A_226, %and3A_248 : vector<16xi32>
      %or3A_250 = arith.ori %or3A_246, %and3A_249 : vector<16xi32>
      %mul3A_251 = arith.constant 128 : i32
      %mul3A_252 = arith.muli %scan3A_181, %mul3A_251 : i32
      %add3A_253 = arith.constant 16 : i32
      %add3A_254 = arith.addi %mul3A_252, %add3A_253 : i32
      %swap3A_255 = arith.index_cast %add3A_254 : i32 to index
      %swap3A_256 = tpu.vector_load %arg10[%swap3A_255] {strides = array<i32>} : memref<512xi32, #tpu.memory_space<vmem>>, vector<16xi32>,
      tpu.vector_store %arg10[%swap3A_255], %or3A_250 {strides = array<i32>} : memref<512xi32, #tpu.memory_space<vmem>>, vector<16xi32>,
      %mul3A_257 = arith.constant 128 : i32
      %mul3A_258 = arith.muli %scan3A_181, %mul3A_257 : i32
      %add3A_259 = arith.constant 512 : i32
      %add3A_260 = arith.addi %add3A_259, %mul3A_258 : i32
      %add3A_261 = arith.constant 32 : i32
      %add3A_262 = arith.addi %add3A_260, %add3A_261 : i32
      %get3A_263 = arith.index_cast %add3A_262 : i32 to index
      %get3A_264 = tpu.vector_load %arg6[%get3A_263] {strides = array<i32>} : memref<4096xi32, #tpu.memory_space<vmem>>, vector<16xi32>,
      %get3A_265 = arith.index_cast %add3A_262 : i32 to index
      %get3A_266 = tpu.vector_load %arg7[%get3A_265] {strides = array<i32>} : memref<4096xi32, #tpu.memory_space<vmem>>, vector<16xi32>,
      %shift_right_arithmetic3A_267 = arith.constant 3 : i32
      %shift_right_arithmetic3A_268 = vector.broadcast %shift_right_arithmetic3A_267 : i32 to vector<16xi32>
      %shift_right_arithmetic3A_269 = arith.shrsi %get3A_264, %shift_right_arithmetic3A_268 : vector<16xi32>
      %shift_left3A_270 = arith.constant 15 : i32
      %shift_left3A_271 = vector.broadcast %shift_left3A_270 : i32 to vector<16xi32>
      %shift_left3A_272 = arith.shli %shift_right_arithmetic3A_269, %shift_left3A_271 : vector<16xi32>
      %shift_right_arithmetic3A_273 = arith.constant 7 : i32
      %shift_right_arithmetic3A_274 = vector.broadcast %shift_right_arithmetic3A_273 : i32 to vector<16xi32>
      %shift_right_arithmetic3A_275 = arith.shrsi %get3A_266, %shift_right_arithmetic3A_274 : vector<16xi32>
      %shift_left3A_276 = arith.constant 10 : i32
      %shift_left3A_277 = vector.broadcast %shift_left3A_276 : i32 to vector<16xi32>
      %shift_left3A_278 = arith.shli %shift_right_arithmetic3A_275, %shift_left3A_277 : vector<16xi32>
      %or3A_279 = arith.ori %shift_left3A_272, %shift_left3A_278 : vector<16xi32>
      %and3A_280 = arith.constant 7 : i32
      %and3A_281 = vector.broadcast %and3A_280 : i32 to vector<16xi32>
      %and3A_282 = arith.andi %get3A_264, %and3A_281 : vector<16xi32>
      %shift_left3A_283 = arith.constant 7 : i32
      %shift_left3A_284 = vector.broadcast %shift_left3A_283 : i32 to vector<16xi32>
      %shift_left3A_285 = arith.shli %and3A_282, %shift_left3A_284 : vector<16xi32>
      %or3A_286 = arith.ori %or3A_279, %shift_left3A_285 : vector<16xi32>
      %and3A_287 = arith.constant 127 : i32
      %and3A_288 = vector.broadcast %and3A_287 : i32 to vector<16xi32>
      %and3A_289 = arith.andi %get3A_266, %and3A_288 : vector<16xi32>
      %or3A_290 = arith.ori %or3A_286, %and3A_289 : vector<16xi32>
      %mul3A_291 = arith.constant 128 : i32
      %mul3A_292 = arith.muli %scan3A_181, %mul3A_291 : i32
      %add3A_293 = arith.constant 32 : i32
      %add3A_294 = arith.addi %mul3A_292, %add3A_293 : i32
      %swap3A_295 = arith.index_cast %add3A_294 : i32 to index
      %swap3A_296 = tpu.vector_load %arg10[%swap3A_295] {strides = array<i32>} : memref<512xi32, #tpu.memory_space<vmem>>, vector<16xi32>,
      tpu.vector_store %arg10[%swap3A_295], %or3A_290 {strides = array<i32>} : memref<512xi32, #tpu.memory_space<vmem>>, vector<16xi32>,
      %mul3A_297 = arith.constant 128 : i32
      %mul3A_298 = arith.muli %scan3A_181, %mul3A_297 : i32
      %add3A_299 = arith.constant 512 : i32
      %add3A_300 = arith.addi %add3A_299, %mul3A_298 : i32
      %add3A_301 = arith.constant 48 : i32
      %add3A_302 = arith.addi %add3A_300, %add3A_301 : i32
      %get3A_303 = arith.index_cast %add3A_302 : i32 to index
      %get3A_304 = tpu.vector_load %arg6[%get3A_303] {strides = array<i32>} : memref<4096xi32, #tpu.memory_space<vmem>>, vector<16xi32>,
      %get3A_305 = arith.index_cast %add3A_302 : i32 to index
      %get3A_306 = tpu.vector_load %arg7[%get3A_305] {strides = array<i32>} : memref<4096xi32, #tpu.memory_space<vmem>>, vector<16xi32>,
      %shift_right_arithmetic3A_307 = arith.constant 3 : i32
      %shift_right_arithmetic3A_308 = vector.broadcast %shift_right_arithmetic3A_307 : i32 to vector<16xi32>
      %shift_right_arithmetic3A_309 = arith.shrsi %get3A_304, %shift_right_arithmetic3A_308 : vector<16xi32>
      %shift_left3A_310 = arith.constant 15 : i32
      %shift_left3A_311 = vector.broadcast %shift_left3A_310 : i32 to vector<16xi32>
      %shift_left3A_312 = arith.shli %shift_right_arithmetic3A_309, %shift_left3A_311 : vector<16xi32>
      %shift_right_arithmetic3A_313 = arith.constant 7 : i32
      %shift_right_arithmetic3A_314 = vector.broadcast %shift_right_arithmetic3A_313 : i32 to vector<16xi32>
      %shift_right_arithmetic3A_315 = arith.shrsi %get3A_306, %shift_right_arithmetic3A_314 : vector<16xi32>
      %shift_left3A_316 = arith.constant 10 : i32
      %shift_left3A_317 = vector.broadcast %shift_left3A_316 : i32 to vector<16xi32>
      %shift_left3A_318 = arith.shli %shift_right_arithmetic3A_315, %shift_left3A_317 : vector<16xi32>
      %or3A_319 = arith.ori %shift_left3A_312, %shift_left3A_318 : vector<16xi32>
      %and3A_320 = arith.constant 7 : i32
      %and3A_321 = vector.broadcast %and3A_320 : i32 to vector<16xi32>
      %and3A_322 = arith.andi %get3A_304, %and3A_321 : vector<16xi32>
      %shift_left3A_323 = arith.constant 7 : i32
      %shift_left3A_324 = vector.broadcast %shift_left3A_323 : i32 to vector<16xi32>
      %shift_left3A_325 = arith.shli %and3A_322, %shift_left3A_324 : vector<16xi32>
      %or3A_326 = arith.ori %or3A_319, %shift_left3A_325 : vector<16xi32>
      %and3A_327 = arith.constant 127 : i32
      %and3A_328 = vector.broadcast %and3A_327 : i32 to vector<16xi32>
      %and3A_329 = arith.andi %get3A_306, %and3A_328 : vector<16xi32>
      %or3A_330 = arith.ori %or3A_326, %and3A_329 : vector<16xi32>
      %mul3A_331 = arith.constant 128 : i32
      %mul3A_332 = arith.muli %scan3A_181, %mul3A_331 : i32
      %add3A_333 = arith.constant 48 : i32
      %add3A_334 = arith.addi %mul3A_332, %add3A_333 : i32
      %swap3A_335 = arith.index_cast %add3A_334 : i32 to index
      %swap3A_336 = tpu.vector_load %arg10[%swap3A_335] {strides = array<i32>} : memref<512xi32, #tpu.memory_space<vmem>>, vector<16xi32>,
      tpu.vector_store %arg10[%swap3A_335], %or3A_330 {strides = array<i32>} : memref<512xi32, #tpu.memory_space<vmem>>, vector<16xi32>,
      %mul3A_337 = arith.constant 128 : i32
      %mul3A_338 = arith.muli %scan3A_181, %mul3A_337 : i32
      %add3A_339 = arith.constant 512 : i32
      %add3A_340 = arith.addi %add3A_339, %mul3A_338 : i32
      %add3A_341 = arith.constant 64 : i32
      %add3A_342 = arith.addi %add3A_340, %add3A_341 : i32
      %get3A_343 = arith.index_cast %add3A_342 : i32 to index
      %get3A_344 = tpu.vector_load %arg6[%get3A_343] {strides = array<i32>} : memref<4096xi32, #tpu.memory_space<vmem>>, vector<16xi32>,
      %get3A_345 = arith.index_cast %add3A_342 : i32 to index
      %get3A_346 = tpu.vector_load %arg7[%get3A_345] {strides = array<i32>} : memref<4096xi32, #tpu.memory_space<vmem>>, vector<16xi32>,
      %shift_right_arithmetic3A_347 = arith.constant 3 : i32
      %shift_right_arithmetic3A_348 = vector.broadcast %shift_right_arithmetic3A_347 : i32 to vector<16xi32>
      %shift_right_arithmetic3A_349 = arith.shrsi %get3A_344, %shift_right_arithmetic3A_348 : vector<16xi32>
      %shift_left3A_350 = arith.constant 15 : i32
      %shift_left3A_351 = vector.broadcast %shift_left3A_350 : i32 to vector<16xi32>
      %shift_left3A_352 = arith.shli %shift_right_arithmetic3A_349, %shift_left3A_351 : vector<16xi32>
      %shift_right_arithmetic3A_353 = arith.constant 7 : i32
      %shift_right_arithmetic3A_354 = vector.broadcast %shift_right_arithmetic3A_353 : i32 to vector<16xi32>
      %shift_right_arithmetic3A_355 = arith.shrsi %get3A_346, %shift_right_arithmetic3A_354 : vector<16xi32>
      %shift_left3A_356 = arith.constant 10 : i32
      %shift_left3A_357 = vector.broadcast %shift_left3A_356 : i32 to vector<16xi32>
      %shift_left3A_358 = arith.shli %shift_right_arithmetic3A_355, %shift_left3A_357 : vector<16xi32>
      %or3A_359 = arith.ori %shift_left3A_352, %shift_left3A_358 : vector<16xi32>
      %and3A_360 = arith.constant 7 : i32
      %and3A_361 = vector.broadcast %and3A_360 : i32 to vector<16xi32>
      %and3A_362 = arith.andi %get3A_344, %and3A_361 : vector<16xi32>
      %shift_left3A_363 = arith.constant 7 : i32
      %shift_left3A_364 = vector.broadcast %shift_left3A_363 : i32 to vector<16xi32>
      %shift_left3A_365 = arith.shli %and3A_362, %shift_left3A_364 : vector<16xi32>
      %or3A_366 = arith.ori %or3A_359, %shift_left3A_365 : vector<16xi32>
      %and3A_367 = arith.constant 127 : i32
      %and3A_368 = vector.broadcast %and3A_367 : i32 to vector<16xi32>
      %and3A_369 = arith.andi %get3A_346, %and3A_368 : vector<16xi32>
      %or3A_370 = arith.ori %or3A_366, %and3A_369 : vector<16xi32>
      %mul3A_371 = arith.constant 128 : i32
      %mul3A_372 = arith.muli %scan3A_181, %mul3A_371 : i32
      %add3A_373 = arith.constant 64 : i32
      %add3A_374 = arith.addi %mul3A_372, %add3A_373 : i32
      %swap3A_375 = arith.index_cast %add3A_374 : i32 to index
      %swap3A_376 = tpu.vector_load %arg10[%swap3A_375] {strides = array<i32>} : memref<512xi32, #tpu.memory_space<vmem>>, vector<16xi32>,
      tpu.vector_store %arg10[%swap3A_375], %or3A_370 {strides = array<i32>} : memref<512xi32, #tpu.memory_space<vmem>>, vector<16xi32>,
      %mul3A_377 = arith.constant 128 : i32
      %mul3A_378 = arith.muli %scan3A_181, %mul3A_377 : i32
      %add3A_379 = arith.constant 512 : i32
      %add3A_380 = arith.addi %add3A_379, %mul3A_378 : i32
      %add3A_381 = arith.constant 80 : i32
      %add3A_382 = arith.addi %add3A_380, %add3A_381 : i32
      %get3A_383 = arith.index_cast %add3A_382 : i32 to index
      %get3A_384 = tpu.vector_load %arg6[%get3A_383] {strides = array<i32>} : memref<4096xi32, #tpu.memory_space<vmem>>, vector<16xi32>,
      %get3A_385 = arith.index_cast %add3A_382 : i32 to index
      %get3A_386 = tpu.vector_load %arg7[%get3A_385] {strides = array<i32>} : memref<4096xi32, #tpu.memory_space<vmem>>, vector<16xi32>,
      %shift_right_arithmetic3A_387 = arith.constant 3 : i32
      %shift_right_arithmetic3A_388 = vector.broadcast %shift_right_arithmetic3A_387 : i32 to vector<16xi32>
      %shift_right_arithmetic3A_389 = arith.shrsi %get3A_384, %shift_right_arithmetic3A_388 : vector<16xi32>
      %shift_left3A_390 = arith.constant 15 : i32
      %shift_left3A_391 = vector.broadcast %shift_left3A_390 : i32 to vector<16xi32>
      %shift_left3A_392 = arith.shli %shift_right_arithmetic3A_389, %shift_left3A_391 : vector<16xi32>
      %shift_right_arithmetic3A_393 = arith.constant 7 : i32
      %shift_right_arithmetic3A_394 = vector.broadcast %shift_right_arithmetic3A_393 : i32 to vector<16xi32>
      %shift_right_arithmetic3A_395 = arith.shrsi %get3A_386, %shift_right_arithmetic3A_394 : vector<16xi32>
      %shift_left3A_396 = arith.constant 10 : i32
      %shift_left3A_397 = vector.broadcast %shift_left3A_396 : i32 to vector<16xi32>
      %shift_left3A_398 = arith.shli %shift_right_arithmetic3A_395, %shift_left3A_397 : vector<16xi32>
      %or3A_399 = arith.ori %shift_left3A_392, %shift_left3A_398 : vector<16xi32>
      %and3A_400 = arith.constant 7 : i32
      %and3A_401 = vector.broadcast %and3A_400 : i32 to vector<16xi32>
      %and3A_402 = arith.andi %get3A_384, %and3A_401 : vector<16xi32>
      %shift_left3A_403 = arith.constant 7 : i32
      %shift_left3A_404 = vector.broadcast %shift_left3A_403 : i32 to vector<16xi32>
      %shift_left3A_405 = arith.shli %and3A_402, %shift_left3A_404 : vector<16xi32>
      %or3A_406 = arith.ori %or3A_399, %shift_left3A_405 : vector<16xi32>
      %and3A_407 = arith.constant 127 : i32
      %and3A_408 = vector.broadcast %and3A_407 : i32 to vector<16xi32>
      %and3A_409 = arith.andi %get3A_386, %and3A_408 : vector<16xi32>
      %or3A_410 = arith.ori %or3A_406, %and3A_409 : vector<16xi32>
      %mul3A_411 = arith.constant 128 : i32
      %mul3A_412 = arith.muli %scan3A_181, %mul3A_411 : i32
      %add3A_413 = arith.constant 80 : i32
      %add3A_414 = arith.addi %mul3A_412, %add3A_413 : i32
      %swap3A_415 = arith.index_cast %add3A_414 : i32 to index
      %swap3A_416 = tpu.vector_load %arg10[%swap3A_415] {strides = array<i32>} : memref<512xi32, #tpu.memory_space<vmem>>, vector<16xi32>,
      tpu.vector_store %arg10[%swap3A_415], %or3A_410 {strides = array<i32>} : memref<512xi32, #tpu.memory_space<vmem>>, vector<16xi32>,
      %mul3A_417 = arith.constant 128 : i32
      %mul3A_418 = arith.muli %scan3A_181, %mul3A_417 : i32
      %add3A_419 = arith.constant 512 : i32
      %add3A_420 = arith.addi %add3A_419, %mul3A_418 : i32
      %add3A_421 = arith.constant 96 : i32
      %add3A_422 = arith.addi %add3A_420, %add3A_421 : i32
      %get3A_423 = arith.index_cast %add3A_422 : i32 to index
      %get3A_424 = tpu.vector_load %arg6[%get3A_423] {strides = array<i32>} : memref<4096xi32, #tpu.memory_space<vmem>>, vector<16xi32>,
      %get3A_425 = arith.index_cast %add3A_422 : i32 to index
      %get3A_426 = tpu.vector_load %arg7[%get3A_425] {strides = array<i32>} : memref<4096xi32, #tpu.memory_space<vmem>>, vector<16xi32>,
      %shift_right_arithmetic3A_427 = arith.constant 3 : i32
      %shift_right_arithmetic3A_428 = vector.broadcast %shift_right_arithmetic3A_427 : i32 to vector<16xi32>
      %shift_right_arithmetic3A_429 = arith.shrsi %get3A_424, %shift_right_arithmetic3A_428 : vector<16xi32>
      %shift_left3A_430 = arith.constant 15 : i32
      %shift_left3A_431 = vector.broadcast %shift_left3A_430 : i32 to vector<16xi32>
      %shift_left3A_432 = arith.shli %shift_right_arithmetic3A_429, %shift_left3A_431 : vector<16xi32>
      %shift_right_arithmetic3A_433 = arith.constant 7 : i32
      %shift_right_arithmetic3A_434 = vector.broadcast %shift_right_arithmetic3A_433 : i32 to vector<16xi32>
      %shift_right_arithmetic3A_435 = arith.shrsi %get3A_426, %shift_right_arithmetic3A_434 : vector<16xi32>
      %shift_left3A_436 = arith.constant 10 : i32
      %shift_left3A_437 = vector.broadcast %shift_left3A_436 : i32 to vector<16xi32>
      %shift_left3A_438 = arith.shli %shift_right_arithmetic3A_435, %shift_left3A_437 : vector<16xi32>
      %or3A_439 = arith.ori %shift_left3A_432, %shift_left3A_438 : vector<16xi32>
      %and3A_440 = arith.constant 7 : i32
      %and3A_441 = vector.broadcast %and3A_440 : i32 to vector<16xi32>
      %and3A_442 = arith.andi %get3A_424, %and3A_441 : vector<16xi32>
      %shift_left3A_443 = arith.constant 7 : i32
      %shift_left3A_444 = vector.broadcast %shift_left3A_443 : i32 to vector<16xi32>
      %shift_left3A_445 = arith.shli %and3A_442, %shift_left3A_444 : vector<16xi32>
      %or3A_446 = arith.ori %or3A_439, %shift_left3A_445 : vector<16xi32>
      %and3A_447 = arith.constant 127 : i32
      %and3A_448 = vector.broadcast %and3A_447 : i32 to vector<16xi32>
      %and3A_449 = arith.andi %get3A_426, %and3A_448 : vector<16xi32>
      %or3A_450 = arith.ori %or3A_446, %and3A_449 : vector<16xi32>
      %mul3A_451 = arith.constant 128 : i32
      %mul3A_452 = arith.muli %scan3A_181, %mul3A_451 : i32
      %add3A_453 = arith.constant 96 : i32
      %add3A_454 = arith.addi %mul3A_452, %add3A_453 : i32
      %swap3A_455 = arith.index_cast %add3A_454 : i32 to index
      %swap3A_456 = tpu.vector_load %arg10[%swap3A_455] {strides = array<i32>} : memref<512xi32, #tpu.memory_space<vmem>>, vector<16xi32>,
      tpu.vector_store %arg10[%swap3A_455], %or3A_450 {strides = array<i32>} : memref<512xi32, #tpu.memory_space<vmem>>, vector<16xi32>,
      %mul3A_457 = arith.constant 128 : i32
      %mul3A_458 = arith.muli %scan3A_181, %mul3A_457 : i32
      %add3A_459 = arith.constant 512 : i32
      %add3A_460 = arith.addi %add3A_459, %mul3A_458 : i32
      %add3A_461 = arith.constant 112 : i32
      %add3A_462 = arith.addi %add3A_460, %add3A_461 : i32
      %get3A_463 = arith.index_cast %add3A_462 : i32 to index
      %get3A_464 = tpu.vector_load %arg6[%get3A_463] {strides = array<i32>} : memref<4096xi32, #tpu.memory_space<vmem>>, vector<16xi32>,
      %get3A_465 = arith.index_cast %add3A_462 : i32 to index
      %get3A_466 = tpu.vector_load %arg7[%get3A_465] {strides = array<i32>} : memref<4096xi32, #tpu.memory_space<vmem>>, vector<16xi32>,
      %shift_right_arithmetic3A_467 = arith.constant 3 : i32
      %shift_right_arithmetic3A_468 = vector.broadcast %shift_right_arithmetic3A_467 : i32 to vector<16xi32>
      %shift_right_arithmetic3A_469 = arith.shrsi %get3A_464, %shift_right_arithmetic3A_468 : vector<16xi32>
      %shift_left3A_470 = arith.constant 15 : i32
      %shift_left3A_471 = vector.broadcast %shift_left3A_470 : i32 to vector<16xi32>
      %shift_left3A_472 = arith.shli %shift_right_arithmetic3A_469, %shift_left3A_471 : vector<16xi32>
      %shift_right_arithmetic3A_473 = arith.constant 7 : i32
      %shift_right_arithmetic3A_474 = vector.broadcast %shift_right_arithmetic3A_473 : i32 to vector<16xi32>
      %shift_right_arithmetic3A_475 = arith.shrsi %get3A_466, %shift_right_arithmetic3A_474 : vector<16xi32>
      %shift_left3A_476 = arith.constant 10 : i32
      %shift_left3A_477 = vector.broadcast %shift_left3A_476 : i32 to vector<16xi32>
      %shift_left3A_478 = arith.shli %shift_right_arithmetic3A_475, %shift_left3A_477 : vector<16xi32>
      %or3A_479 = arith.ori %shift_left3A_472, %shift_left3A_478 : vector<16xi32>
      %and3A_480 = arith.constant 7 : i32
      %and3A_481 = vector.broadcast %and3A_480 : i32 to vector<16xi32>
      %and3A_482 = arith.andi %get3A_464, %and3A_481 : vector<16xi32>
      %shift_left3A_483 = arith.constant 7 : i32
      %shift_left3A_484 = vector.broadcast %shift_left3A_483 : i32 to vector<16xi32>
      %shift_left3A_485 = arith.shli %and3A_482, %shift_left3A_484 : vector<16xi32>
      %or3A_486 = arith.ori %or3A_479, %shift_left3A_485 : vector<16xi32>
      %and3A_487 = arith.constant 127 : i32
      %and3A_488 = vector.broadcast %and3A_487 : i32 to vector<16xi32>
      %and3A_489 = arith.andi %get3A_466, %and3A_488 : vector<16xi32>
      %or3A_490 = arith.ori %or3A_486, %and3A_489 : vector<16xi32>
      %mul3A_491 = arith.constant 128 : i32
      %mul3A_492 = arith.muli %scan3A_181, %mul3A_491 : i32
      %add3A_493 = arith.constant 112 : i32
      %add3A_494 = arith.addi %mul3A_492, %add3A_493 : i32
      %swap3A_495 = arith.index_cast %add3A_494 : i32 to index
      %swap3A_496 = tpu.vector_load %arg10[%swap3A_495] {strides = array<i32>} : memref<512xi32, #tpu.memory_space<vmem>>, vector<16xi32>,
      tpu.vector_store %arg10[%swap3A_495], %or3A_490 {strides = array<i32>} : memref<512xi32, #tpu.memory_space<vmem>>, vector<16xi32>,
      %scan3A_497 = arith.constant 0 : i32
      scf.yield %scan3A_497 : i32
    }
    %scan3A_19 = arith.constant 4 : i32
    %dma_start3A_20 = arith.constant 0 : i32
    %dma_start3A_21 = tpu.memref_slice %arg2[%dma_start3A_20] : memref<16777216xf32, #tpu.memory_space<hbm>> -> memref<16777216xf32, #tpu.memory_space<hbm>>
    tpu.enqueue_indirect_dma source(%dma_start3A_21 : memref<16777216xf32, #tpu.memory_space<hbm>>) target(%arg18 : memref<512xf32, #tpu.memory_space<vmem>>) offsets(%arg10 : memref<512xi32, #tpu.memory_space<vmem>>) semaphore(%arg26 : memref<!tpu.dma_semaphore, #tpu.memory_space<semaphore_mem>>)
    %scan3A_22 = arith.constant 0 : i32
    %scan3A_23 = arith.constant 0 : i32
    %scan3A_24 = arith.constant 4 : i32
    %scan3A_25 = arith.addi %scan3A_23, %scan3A_24 : i32
    %scan3A_26 = arith.constant 1 : i32
    %scan3A_27 = scf.for %scan3A_181 = %scan3A_23 to %scan3A_25 step %scan3A_26 iter_args(%scan3A_182 = %scan3A_22) -> (i32)  : i32 {
      %mul3A_183 = arith.constant 128 : i32
      %mul3A_184 = arith.muli %scan3A_181, %mul3A_183 : i32
      %add3A_185 = arith.constant 1024 : i32
      %add3A_186 = arith.addi %add3A_185, %mul3A_184 : i32
      %add3A_187 = arith.constant 0 : i32
      %add3A_188 = arith.addi %add3A_186, %add3A_187 : i32
      %get3A = arith.index_cast %add3A_188 : i32 to index
      %get3A_189 = tpu.vector_load %arg6[%get3A] {strides = array<i32>} : memref<4096xi32, #tpu.memory_space<vmem>>, vector<16xi32>,
      %get3A_190 = arith.index_cast %add3A_188 : i32 to index
      %get3A_191 = tpu.vector_load %arg7[%get3A_190] {strides = array<i32>} : memref<4096xi32, #tpu.memory_space<vmem>>, vector<16xi32>,
      %shift_right_arithmetic3A = arith.constant 3 : i32
      %shift_right_arithmetic3A_192 = vector.broadcast %shift_right_arithmetic3A : i32 to vector<16xi32>
      %shift_right_arithmetic3A_193 = arith.shrsi %get3A_189, %shift_right_arithmetic3A_192 : vector<16xi32>
      %shift_left3A = arith.constant 15 : i32
      %shift_left3A_194 = vector.broadcast %shift_left3A : i32 to vector<16xi32>
      %shift_left3A_195 = arith.shli %shift_right_arithmetic3A_193, %shift_left3A_194 : vector<16xi32>
      %shift_right_arithmetic3A_196 = arith.constant 7 : i32
      %shift_right_arithmetic3A_197 = vector.broadcast %shift_right_arithmetic3A_196 : i32 to vector<16xi32>
      %shift_right_arithmetic3A_198 = arith.shrsi %get3A_191, %shift_right_arithmetic3A_197 : vector<16xi32>
      %shift_left3A_199 = arith.constant 10 : i32
      %shift_left3A_200 = vector.broadcast %shift_left3A_199 : i32 to vector<16xi32>
      %shift_left3A_201 = arith.shli %shift_right_arithmetic3A_198, %shift_left3A_200 : vector<16xi32>
      %or3A = arith.ori %shift_left3A_195, %shift_left3A_201 : vector<16xi32>
      %and3A = arith.constant 7 : i32
      %and3A_202 = vector.broadcast %and3A : i32 to vector<16xi32>
      %and3A_203 = arith.andi %get3A_189, %and3A_202 : vector<16xi32>
      %shift_left3A_204 = arith.constant 7 : i32
      %shift_left3A_205 = vector.broadcast %shift_left3A_204 : i32 to vector<16xi32>
      %shift_left3A_206 = arith.shli %and3A_203, %shift_left3A_205 : vector<16xi32>
      %or3A_207 = arith.ori %or3A, %shift_left3A_206 : vector<16xi32>
      %and3A_208 = arith.constant 127 : i32
      %and3A_209 = vector.broadcast %and3A_208 : i32 to vector<16xi32>
      %and3A_210 = arith.andi %get3A_191, %and3A_209 : vector<16xi32>
      %or3A_211 = arith.ori %or3A_207, %and3A_210 : vector<16xi32>
      %mul3A_212 = arith.constant 128 : i32
      %mul3A_213 = arith.muli %scan3A_181, %mul3A_212 : i32
      %add3A_214 = arith.constant 0 : i32
      %add3A_215 = arith.addi %mul3A_213, %add3A_214 : i32
      %swap3A = arith.index_cast %add3A_215 : i32 to index
      %swap3A_216 = tpu.vector_load %arg11[%swap3A] {strides = array<i32>} : memref<512xi32, #tpu.memory_space<vmem>>, vector<16xi32>,
      tpu.vector_store %arg11[%swap3A], %or3A_211 {strides = array<i32>} : memref<512xi32, #tpu.memory_space<vmem>>, vector<16xi32>,
      %mul3A_217 = arith.constant 128 : i32
      %mul3A_218 = arith.muli %scan3A_181, %mul3A_217 : i32
      %add3A_219 = arith.constant 1024 : i32
      %add3A_220 = arith.addi %add3A_219, %mul3A_218 : i32
      %add3A_221 = arith.constant 16 : i32
      %add3A_222 = arith.addi %add3A_220, %add3A_221 : i32
      %get3A_223 = arith.index_cast %add3A_222 : i32 to index
      %get3A_224 = tpu.vector_load %arg6[%get3A_223] {strides = array<i32>} : memref<4096xi32, #tpu.memory_space<vmem>>, vector<16xi32>,
      %get3A_225 = arith.index_cast %add3A_222 : i32 to index
      %get3A_226 = tpu.vector_load %arg7[%get3A_225] {strides = array<i32>} : memref<4096xi32, #tpu.memory_space<vmem>>, vector<16xi32>,
      %shift_right_arithmetic3A_227 = arith.constant 3 : i32
      %shift_right_arithmetic3A_228 = vector.broadcast %shift_right_arithmetic3A_227 : i32 to vector<16xi32>
      %shift_right_arithmetic3A_229 = arith.shrsi %get3A_224, %shift_right_arithmetic3A_228 : vector<16xi32>
      %shift_left3A_230 = arith.constant 15 : i32
      %shift_left3A_231 = vector.broadcast %shift_left3A_230 : i32 to vector<16xi32>
      %shift_left3A_232 = arith.shli %shift_right_arithmetic3A_229, %shift_left3A_231 : vector<16xi32>
      %shift_right_arithmetic3A_233 = arith.constant 7 : i32
      %shift_right_arithmetic3A_234 = vector.broadcast %shift_right_arithmetic3A_233 : i32 to vector<16xi32>
      %shift_right_arithmetic3A_235 = arith.shrsi %get3A_226, %shift_right_arithmetic3A_234 : vector<16xi32>
      %shift_left3A_236 = arith.constant 10 : i32
      %shift_left3A_237 = vector.broadcast %shift_left3A_236 : i32 to vector<16xi32>
      %shift_left3A_238 = arith.shli %shift_right_arithmetic3A_235, %shift_left3A_237 : vector<16xi32>
      %or3A_239 = arith.ori %shift_left3A_232, %shift_left3A_238 : vector<16xi32>
      %and3A_240 = arith.constant 7 : i32
      %and3A_241 = vector.broadcast %and3A_240 : i32 to vector<16xi32>
      %and3A_242 = arith.andi %get3A_224, %and3A_241 : vector<16xi32>
      %shift_left3A_243 = arith.constant 7 : i32
      %shift_left3A_244 = vector.broadcast %shift_left3A_243 : i32 to vector<16xi32>
      %shift_left3A_245 = arith.shli %and3A_242, %shift_left3A_244 : vector<16xi32>
      %or3A_246 = arith.ori %or3A_239, %shift_left3A_245 : vector<16xi32>
      %and3A_247 = arith.constant 127 : i32
      %and3A_248 = vector.broadcast %and3A_247 : i32 to vector<16xi32>
      %and3A_249 = arith.andi %get3A_226, %and3A_248 : vector<16xi32>
      %or3A_250 = arith.ori %or3A_246, %and3A_249 : vector<16xi32>
      %mul3A_251 = arith.constant 128 : i32
      %mul3A_252 = arith.muli %scan3A_181, %mul3A_251 : i32
      %add3A_253 = arith.constant 16 : i32
      %add3A_254 = arith.addi %mul3A_252, %add3A_253 : i32
      %swap3A_255 = arith.index_cast %add3A_254 : i32 to index
      %swap3A_256 = tpu.vector_load %arg11[%swap3A_255] {strides = array<i32>} : memref<512xi32, #tpu.memory_space<vmem>>, vector<16xi32>,
      tpu.vector_store %arg11[%swap3A_255], %or3A_250 {strides = array<i32>} : memref<512xi32, #tpu.memory_space<vmem>>, vector<16xi32>,
      %mul3A_257 = arith.constant 128 : i32
      %mul3A_258 = arith.muli %scan3A_181, %mul3A_257 : i32
      %add3A_259 = arith.constant 1024 : i32
      %add3A_260 = arith.addi %add3A_259, %mul3A_258 : i32
      %add3A_261 = arith.constant 32 : i32
      %add3A_262 = arith.addi %add3A_260, %add3A_261 : i32
      %get3A_263 = arith.index_cast %add3A_262 : i32 to index
      %get3A_264 = tpu.vector_load %arg6[%get3A_263] {strides = array<i32>} : memref<4096xi32, #tpu.memory_space<vmem>>, vector<16xi32>,
      %get3A_265 = arith.index_cast %add3A_262 : i32 to index
      %get3A_266 = tpu.vector_load %arg7[%get3A_265] {strides = array<i32>} : memref<4096xi32, #tpu.memory_space<vmem>>, vector<16xi32>,
      %shift_right_arithmetic3A_267 = arith.constant 3 : i32
      %shift_right_arithmetic3A_268 = vector.broadcast %shift_right_arithmetic3A_267 : i32 to vector<16xi32>
      %shift_right_arithmetic3A_269 = arith.shrsi %get3A_264, %shift_right_arithmetic3A_268 : vector<16xi32>
      %shift_left3A_270 = arith.constant 15 : i32
      %shift_left3A_271 = vector.broadcast %shift_left3A_270 : i32 to vector<16xi32>
      %shift_left3A_272 = arith.shli %shift_right_arithmetic3A_269, %shift_left3A_271 : vector<16xi32>
      %shift_right_arithmetic3A_273 = arith.constant 7 : i32
      %shift_right_arithmetic3A_274 = vector.broadcast %shift_right_arithmetic3A_273 : i32 to vector<16xi32>
      %shift_right_arithmetic3A_275 = arith.shrsi %get3A_266, %shift_right_arithmetic3A_274 : vector<16xi32>
      %shift_left3A_276 = arith.constant 10 : i32
      %shift_left3A_277 = vector.broadcast %shift_left3A_276 : i32 to vector<16xi32>
      %shift_left3A_278 = arith.shli %shift_right_arithmetic3A_275, %shift_left3A_277 : vector<16xi32>
      %or3A_279 = arith.ori %shift_left3A_272, %shift_left3A_278 : vector<16xi32>
      %and3A_280 = arith.constant 7 : i32
      %and3A_281 = vector.broadcast %and3A_280 : i32 to vector<16xi32>
      %and3A_282 = arith.andi %get3A_264, %and3A_281 : vector<16xi32>
      %shift_left3A_283 = arith.constant 7 : i32
      %shift_left3A_284 = vector.broadcast %shift_left3A_283 : i32 to vector<16xi32>
      %shift_left3A_285 = arith.shli %and3A_282, %shift_left3A_284 : vector<16xi32>
      %or3A_286 = arith.ori %or3A_279, %shift_left3A_285 : vector<16xi32>
      %and3A_287 = arith.constant 127 : i32
      %and3A_288 = vector.broadcast %and3A_287 : i32 to vector<16xi32>
      %and3A_289 = arith.andi %get3A_266, %and3A_288 : vector<16xi32>
      %or3A_290 = arith.ori %or3A_286, %and3A_289 : vector<16xi32>
      %mul3A_291 = arith.constant 128 : i32
      %mul3A_292 = arith.muli %scan3A_181, %mul3A_291 : i32
      %add3A_293 = arith.constant 32 : i32
      %add3A_294 = arith.addi %mul3A_292, %add3A_293 : i32
      %swap3A_295 = arith.index_cast %add3A_294 : i32 to index
      %swap3A_296 = tpu.vector_load %arg11[%swap3A_295] {strides = array<i32>} : memref<512xi32, #tpu.memory_space<vmem>>, vector<16xi32>,
      tpu.vector_store %arg11[%swap3A_295], %or3A_290 {strides = array<i32>} : memref<512xi32, #tpu.memory_space<vmem>>, vector<16xi32>,
      %mul3A_297 = arith.constant 128 : i32
      %mul3A_298 = arith.muli %scan3A_181, %mul3A_297 : i32
      %add3A_299 = arith.constant 1024 : i32
      %add3A_300 = arith.addi %add3A_299, %mul3A_298 : i32
      %add3A_301 = arith.constant 48 : i32
      %add3A_302 = arith.addi %add3A_300, %add3A_301 : i32
      %get3A_303 = arith.index_cast %add3A_302 : i32 to index
      %get3A_304 = tpu.vector_load %arg6[%get3A_303] {strides = array<i32>} : memref<4096xi32, #tpu.memory_space<vmem>>, vector<16xi32>,
      %get3A_305 = arith.index_cast %add3A_302 : i32 to index
      %get3A_306 = tpu.vector_load %arg7[%get3A_305] {strides = array<i32>} : memref<4096xi32, #tpu.memory_space<vmem>>, vector<16xi32>,
      %shift_right_arithmetic3A_307 = arith.constant 3 : i32
      %shift_right_arithmetic3A_308 = vector.broadcast %shift_right_arithmetic3A_307 : i32 to vector<16xi32>
      %shift_right_arithmetic3A_309 = arith.shrsi %get3A_304, %shift_right_arithmetic3A_308 : vector<16xi32>
      %shift_left3A_310 = arith.constant 15 : i32
      %shift_left3A_311 = vector.broadcast %shift_left3A_310 : i32 to vector<16xi32>
      %shift_left3A_312 = arith.shli %shift_right_arithmetic3A_309, %shift_left3A_311 : vector<16xi32>
      %shift_right_arithmetic3A_313 = arith.constant 7 : i32
      %shift_right_arithmetic3A_314 = vector.broadcast %shift_right_arithmetic3A_313 : i32 to vector<16xi32>
      %shift_right_arithmetic3A_315 = arith.shrsi %get3A_306, %shift_right_arithmetic3A_314 : vector<16xi32>
      %shift_left3A_316 = arith.constant 10 : i32
      %shift_left3A_317 = vector.broadcast %shift_left3A_316 : i32 to vector<16xi32>
      %shift_left3A_318 = arith.shli %shift_right_arithmetic3A_315, %shift_left3A_317 : vector<16xi32>
      %or3A_319 = arith.ori %shift_left3A_312, %shift_left3A_318 : vector<16xi32>
      %and3A_320 = arith.constant 7 : i32
      %and3A_321 = vector.broadcast %and3A_320 : i32 to vector<16xi32>
      %and3A_322 = arith.andi %get3A_304, %and3A_321 : vector<16xi32>
      %shift_left3A_323 = arith.constant 7 : i32
      %shift_left3A_324 = vector.broadcast %shift_left3A_323 : i32 to vector<16xi32>
      %shift_left3A_325 = arith.shli %and3A_322, %shift_left3A_324 : vector<16xi32>
      %or3A_326 = arith.ori %or3A_319, %shift_left3A_325 : vector<16xi32>
      %and3A_327 = arith.constant 127 : i32
      %and3A_328 = vector.broadcast %and3A_327 : i32 to vector<16xi32>
      %and3A_329 = arith.andi %get3A_306, %and3A_328 : vector<16xi32>
      %or3A_330 = arith.ori %or3A_326, %and3A_329 : vector<16xi32>
      %mul3A_331 = arith.constant 128 : i32
      %mul3A_332 = arith.muli %scan3A_181, %mul3A_331 : i32
      %add3A_333 = arith.constant 48 : i32
      %add3A_334 = arith.addi %mul3A_332, %add3A_333 : i32
      %swap3A_335 = arith.index_cast %add3A_334 : i32 to index
      %swap3A_336 = tpu.vector_load %arg11[%swap3A_335] {strides = array<i32>} : memref<512xi32, #tpu.memory_space<vmem>>, vector<16xi32>,
      tpu.vector_store %arg11[%swap3A_335], %or3A_330 {strides = array<i32>} : memref<512xi32, #tpu.memory_space<vmem>>, vector<16xi32>,
      %mul3A_337 = arith.constant 128 : i32
      %mul3A_338 = arith.muli %scan3A_181, %mul3A_337 : i32
      %add3A_339 = arith.constant 1024 : i32
      %add3A_340 = arith.addi %add3A_339, %mul3A_338 : i32
      %add3A_341 = arith.constant 64 : i32
      %add3A_342 = arith.addi %add3A_340, %add3A_341 : i32
      %get3A_343 = arith.index_cast %add3A_342 : i32 to index
      %get3A_344 = tpu.vector_load %arg6[%get3A_343] {strides = array<i32>} : memref<4096xi32, #tpu.memory_space<vmem>>, vector<16xi32>,
      %get3A_345 = arith.index_cast %add3A_342 : i32 to index
      %get3A_346 = tpu.vector_load %arg7[%get3A_345] {strides = array<i32>} : memref<4096xi32, #tpu.memory_space<vmem>>, vector<16xi32>,
      %shift_right_arithmetic3A_347 = arith.constant 3 : i32
      %shift_right_arithmetic3A_348 = vector.broadcast %shift_right_arithmetic3A_347 : i32 to vector<16xi32>
      %shift_right_arithmetic3A_349 = arith.shrsi %get3A_344, %shift_right_arithmetic3A_348 : vector<16xi32>
      %shift_left3A_350 = arith.constant 15 : i32
      %shift_left3A_351 = vector.broadcast %shift_left3A_350 : i32 to vector<16xi32>
      %shift_left3A_352 = arith.shli %shift_right_arithmetic3A_349, %shift_left3A_351 : vector<16xi32>
      %shift_right_arithmetic3A_353 = arith.constant 7 : i32
      %shift_right_arithmetic3A_354 = vector.broadcast %shift_right_arithmetic3A_353 : i32 to vector<16xi32>
      %shift_right_arithmetic3A_355 = arith.shrsi %get3A_346, %shift_right_arithmetic3A_354 : vector<16xi32>
      %shift_left3A_356 = arith.constant 10 : i32
      %shift_left3A_357 = vector.broadcast %shift_left3A_356 : i32 to vector<16xi32>
      %shift_left3A_358 = arith.shli %shift_right_arithmetic3A_355, %shift_left3A_357 : vector<16xi32>
      %or3A_359 = arith.ori %shift_left3A_352, %shift_left3A_358 : vector<16xi32>
      %and3A_360 = arith.constant 7 : i32
      %and3A_361 = vector.broadcast %and3A_360 : i32 to vector<16xi32>
      %and3A_362 = arith.andi %get3A_344, %and3A_361 : vector<16xi32>
      %shift_left3A_363 = arith.constant 7 : i32
      %shift_left3A_364 = vector.broadcast %shift_left3A_363 : i32 to vector<16xi32>
      %shift_left3A_365 = arith.shli %and3A_362, %shift_left3A_364 : vector<16xi32>
      %or3A_366 = arith.ori %or3A_359, %shift_left3A_365 : vector<16xi32>
      %and3A_367 = arith.constant 127 : i32
      %and3A_368 = vector.broadcast %and3A_367 : i32 to vector<16xi32>
      %and3A_369 = arith.andi %get3A_346, %and3A_368 : vector<16xi32>
      %or3A_370 = arith.ori %or3A_366, %and3A_369 : vector<16xi32>
      %mul3A_371 = arith.constant 128 : i32
      %mul3A_372 = arith.muli %scan3A_181, %mul3A_371 : i32
      %add3A_373 = arith.constant 64 : i32
      %add3A_374 = arith.addi %mul3A_372, %add3A_373 : i32
      %swap3A_375 = arith.index_cast %add3A_374 : i32 to index
      %swap3A_376 = tpu.vector_load %arg11[%swap3A_375] {strides = array<i32>} : memref<512xi32, #tpu.memory_space<vmem>>, vector<16xi32>,
      tpu.vector_store %arg11[%swap3A_375], %or3A_370 {strides = array<i32>} : memref<512xi32, #tpu.memory_space<vmem>>, vector<16xi32>,
      %mul3A_377 = arith.constant 128 : i32
      %mul3A_378 = arith.muli %scan3A_181, %mul3A_377 : i32
      %add3A_379 = arith.constant 1024 : i32
      %add3A_380 = arith.addi %add3A_379, %mul3A_378 : i32
      %add3A_381 = arith.constant 80 : i32
      %add3A_382 = arith.addi %add3A_380, %add3A_381 : i32
      %get3A_383 = arith.index_cast %add3A_382 : i32 to index
      %get3A_384 = tpu.vector_load %arg6[%get3A_383] {strides = array<i32>} : memref<4096xi32, #tpu.memory_space<vmem>>, vector<16xi32>,
      %get3A_385 = arith.index_cast %add3A_382 : i32 to index
      %get3A_386 = tpu.vector_load %arg7[%get3A_385] {strides = array<i32>} : memref<4096xi32, #tpu.memory_space<vmem>>, vector<16xi32>,
      %shift_right_arithmetic3A_387 = arith.constant 3 : i32
      %shift_right_arithmetic3A_388 = vector.broadcast %shift_right_arithmetic3A_387 : i32 to vector<16xi32>
      %shift_right_arithmetic3A_389 = arith.shrsi %get3A_384, %shift_right_arithmetic3A_388 : vector<16xi32>
      %shift_left3A_390 = arith.constant 15 : i32
      %shift_left3A_391 = vector.broadcast %shift_left3A_390 : i32 to vector<16xi32>
      %shift_left3A_392 = arith.shli %shift_right_arithmetic3A_389, %shift_left3A_391 : vector<16xi32>
      %shift_right_arithmetic3A_393 = arith.constant 7 : i32
      %shift_right_arithmetic3A_394 = vector.broadcast %shift_right_arithmetic3A_393 : i32 to vector<16xi32>
      %shift_right_arithmetic3A_395 = arith.shrsi %get3A_386, %shift_right_arithmetic3A_394 : vector<16xi32>
      %shift_left3A_396 = arith.constant 10 : i32
      %shift_left3A_397 = vector.broadcast %shift_left3A_396 : i32 to vector<16xi32>
      %shift_left3A_398 = arith.shli %shift_right_arithmetic3A_395, %shift_left3A_397 : vector<16xi32>
      %or3A_399 = arith.ori %shift_left3A_392, %shift_left3A_398 : vector<16xi32>
      %and3A_400 = arith.constant 7 : i32
      %and3A_401 = vector.broadcast %and3A_400 : i32 to vector<16xi32>
      %and3A_402 = arith.andi %get3A_384, %and3A_401 : vector<16xi32>
      %shift_left3A_403 = arith.constant 7 : i32
      %shift_left3A_404 = vector.broadcast %shift_left3A_403 : i32 to vector<16xi32>
      %shift_left3A_405 = arith.shli %and3A_402, %shift_left3A_404 : vector<16xi32>
      %or3A_406 = arith.ori %or3A_399, %shift_left3A_405 : vector<16xi32>
      %and3A_407 = arith.constant 127 : i32
      %and3A_408 = vector.broadcast %and3A_407 : i32 to vector<16xi32>
      %and3A_409 = arith.andi %get3A_386, %and3A_408 : vector<16xi32>
      %or3A_410 = arith.ori %or3A_406, %and3A_409 : vector<16xi32>
      %mul3A_411 = arith.constant 128 : i32
      %mul3A_412 = arith.muli %scan3A_181, %mul3A_411 : i32
      %add3A_413 = arith.constant 80 : i32
      %add3A_414 = arith.addi %mul3A_412, %add3A_413 : i32
      %swap3A_415 = arith.index_cast %add3A_414 : i32 to index
      %swap3A_416 = tpu.vector_load %arg11[%swap3A_415] {strides = array<i32>} : memref<512xi32, #tpu.memory_space<vmem>>, vector<16xi32>,
      tpu.vector_store %arg11[%swap3A_415], %or3A_410 {strides = array<i32>} : memref<512xi32, #tpu.memory_space<vmem>>, vector<16xi32>,
      %mul3A_417 = arith.constant 128 : i32
      %mul3A_418 = arith.muli %scan3A_181, %mul3A_417 : i32
      %add3A_419 = arith.constant 1024 : i32
      %add3A_420 = arith.addi %add3A_419, %mul3A_418 : i32
      %add3A_421 = arith.constant 96 : i32
      %add3A_422 = arith.addi %add3A_420, %add3A_421 : i32
      %get3A_423 = arith.index_cast %add3A_422 : i32 to index
      %get3A_424 = tpu.vector_load %arg6[%get3A_423] {strides = array<i32>} : memref<4096xi32, #tpu.memory_space<vmem>>, vector<16xi32>,
      %get3A_425 = arith.index_cast %add3A_422 : i32 to index
      %get3A_426 = tpu.vector_load %arg7[%get3A_425] {strides = array<i32>} : memref<4096xi32, #tpu.memory_space<vmem>>, vector<16xi32>,
      %shift_right_arithmetic3A_427 = arith.constant 3 : i32
      %shift_right_arithmetic3A_428 = vector.broadcast %shift_right_arithmetic3A_427 : i32 to vector<16xi32>
      %shift_right_arithmetic3A_429 = arith.shrsi %get3A_424, %shift_right_arithmetic3A_428 : vector<16xi32>
      %shift_left3A_430 = arith.constant 15 : i32
      %shift_left3A_431 = vector.broadcast %shift_left3A_430 : i32 to vector<16xi32>
      %shift_left3A_432 = arith.shli %shift_right_arithmetic3A_429, %shift_left3A_431 : vector<16xi32>
      %shift_right_arithmetic3A_433 = arith.constant 7 : i32
      %shift_right_arithmetic3A_434 = vector.broadcast %shift_right_arithmetic3A_433 : i32 to vector<16xi32>
      %shift_right_arithmetic3A_435 = arith.shrsi %get3A_426, %shift_right_arithmetic3A_434 : vector<16xi32>
      %shift_left3A_436 = arith.constant 10 : i32
      %shift_left3A_437 = vector.broadcast %shift_left3A_436 : i32 to vector<16xi32>
      %shift_left3A_438 = arith.shli %shift_right_arithmetic3A_435, %shift_left3A_437 : vector<16xi32>
      %or3A_439 = arith.ori %shift_left3A_432, %shift_left3A_438 : vector<16xi32>
      %and3A_440 = arith.constant 7 : i32
      %and3A_441 = vector.broadcast %and3A_440 : i32 to vector<16xi32>
      %and3A_442 = arith.andi %get3A_424, %and3A_441 : vector<16xi32>
      %shift_left3A_443 = arith.constant 7 : i32
      %shift_left3A_444 = vector.broadcast %shift_left3A_443 : i32 to vector<16xi32>
      %shift_left3A_445 = arith.shli %and3A_442, %shift_left3A_444 : vector<16xi32>
      %or3A_446 = arith.ori %or3A_439, %shift_left3A_445 : vector<16xi32>
      %and3A_447 = arith.constant 127 : i32
      %and3A_448 = vector.broadcast %and3A_447 : i32 to vector<16xi32>
      %and3A_449 = arith.andi %get3A_426, %and3A_448 : vector<16xi32>
      %or3A_450 = arith.ori %or3A_446, %and3A_449 : vector<16xi32>
      %mul3A_451 = arith.constant 128 : i32
      %mul3A_452 = arith.muli %scan3A_181, %mul3A_451 : i32
      %add3A_453 = arith.constant 96 : i32
      %add3A_454 = arith.addi %mul3A_452, %add3A_453 : i32
      %swap3A_455 = arith.index_cast %add3A_454 : i32 to index
      %swap3A_456 = tpu.vector_load %arg11[%swap3A_455] {strides = array<i32>} : memref<512xi32, #tpu.memory_space<vmem>>, vector<16xi32>,
      tpu.vector_store %arg11[%swap3A_455], %or3A_450 {strides = array<i32>} : memref<512xi32, #tpu.memory_space<vmem>>, vector<16xi32>,
      %mul3A_457 = arith.constant 128 : i32
      %mul3A_458 = arith.muli %scan3A_181, %mul3A_457 : i32
      %add3A_459 = arith.constant 1024 : i32
      %add3A_460 = arith.addi %add3A_459, %mul3A_458 : i32
      %add3A_461 = arith.constant 112 : i32
      %add3A_462 = arith.addi %add3A_460, %add3A_461 : i32
      %get3A_463 = arith.index_cast %add3A_462 : i32 to index
      %get3A_464 = tpu.vector_load %arg6[%get3A_463] {strides = array<i32>} : memref<4096xi32, #tpu.memory_space<vmem>>, vector<16xi32>,
      %get3A_465 = arith.index_cast %add3A_462 : i32 to index
      %get3A_466 = tpu.vector_load %arg7[%get3A_465] {strides = array<i32>} : memref<4096xi32, #tpu.memory_space<vmem>>, vector<16xi32>,
      %shift_right_arithmetic3A_467 = arith.constant 3 : i32
      %shift_right_arithmetic3A_468 = vector.broadcast %shift_right_arithmetic3A_467 : i32 to vector<16xi32>
      %shift_right_arithmetic3A_469 = arith.shrsi %get3A_464, %shift_right_arithmetic3A_468 : vector<16xi32>
      %shift_left3A_470 = arith.constant 15 : i32
      %shift_left3A_471 = vector.broadcast %shift_left3A_470 : i32 to vector<16xi32>
      %shift_left3A_472 = arith.shli %shift_right_arithmetic3A_469, %shift_left3A_471 : vector<16xi32>
      %shift_right_arithmetic3A_473 = arith.constant 7 : i32
      %shift_right_arithmetic3A_474 = vector.broadcast %shift_right_arithmetic3A_473 : i32 to vector<16xi32>
      %shift_right_arithmetic3A_475 = arith.shrsi %get3A_466, %shift_right_arithmetic3A_474 : vector<16xi32>
      %shift_left3A_476 = arith.constant 10 : i32
      %shift_left3A_477 = vector.broadcast %shift_left3A_476 : i32 to vector<16xi32>
      %shift_left3A_478 = arith.shli %shift_right_arithmetic3A_475, %shift_left3A_477 : vector<16xi32>
      %or3A_479 = arith.ori %shift_left3A_472, %shift_left3A_478 : vector<16xi32>
      %and3A_480 = arith.constant 7 : i32
      %and3A_481 = vector.broadcast %and3A_480 : i32 to vector<16xi32>
      %and3A_482 = arith.andi %get3A_464, %and3A_481 : vector<16xi32>
      %shift_left3A_483 = arith.constant 7 : i32
      %shift_left3A_484 = vector.broadcast %shift_left3A_483 : i32 to vector<16xi32>
      %shift_left3A_485 = arith.shli %and3A_482, %shift_left3A_484 : vector<16xi32>
      %or3A_486 = arith.ori %or3A_479, %shift_left3A_485 : vector<16xi32>
      %and3A_487 = arith.constant 127 : i32
      %and3A_488 = vector.broadcast %and3A_487 : i32 to vector<16xi32>
      %and3A_489 = arith.andi %get3A_466, %and3A_488 : vector<16xi32>
      %or3A_490 = arith.ori %or3A_486, %and3A_489 : vector<16xi32>
      %mul3A_491 = arith.constant 128 : i32
      %mul3A_492 = arith.muli %scan3A_181, %mul3A_491 : i32
      %add3A_493 = arith.constant 112 : i32
      %add3A_494 = arith.addi %mul3A_492, %add3A_493 : i32
      %swap3A_495 = arith.index_cast %add3A_494 : i32 to index
      %swap3A_496 = tpu.vector_load %arg11[%swap3A_495] {strides = array<i32>} : memref<512xi32, #tpu.memory_space<vmem>>, vector<16xi32>,
      tpu.vector_store %arg11[%swap3A_495], %or3A_490 {strides = array<i32>} : memref<512xi32, #tpu.memory_space<vmem>>, vector<16xi32>,
      %scan3A_497 = arith.constant 0 : i32
      scf.yield %scan3A_497 : i32
    }
    %scan3A_28 = arith.constant 4 : i32
    %dma_start3A_29 = arith.constant 0 : i32
    %dma_start3A_30 = tpu.memref_slice %arg2[%dma_start3A_29] : memref<16777216xf32, #tpu.memory_space<hbm>> -> memref<16777216xf32, #tpu.memory_space<hbm>>
    tpu.enqueue_indirect_dma source(%dma_start3A_30 : memref<16777216xf32, #tpu.memory_space<hbm>>) target(%arg19 : memref<512xf32, #tpu.memory_space<vmem>>) offsets(%arg11 : memref<512xi32, #tpu.memory_space<vmem>>) semaphore(%arg27 : memref<!tpu.dma_semaphore, #tpu.memory_space<semaphore_mem>>)
    %scan3A_31 = arith.constant 0 : i32
    %scan3A_32 = arith.constant 0 : i32
    %scan3A_33 = arith.constant 4 : i32
    %scan3A_34 = arith.addi %scan3A_32, %scan3A_33 : i32
    %scan3A_35 = arith.constant 1 : i32
    %scan3A_36 = scf.for %scan3A_181 = %scan3A_32 to %scan3A_34 step %scan3A_35 iter_args(%scan3A_182 = %scan3A_31) -> (i32)  : i32 {
      %mul3A_183 = arith.constant 128 : i32
      %mul3A_184 = arith.muli %scan3A_181, %mul3A_183 : i32
      %add3A_185 = arith.constant 1536 : i32
      %add3A_186 = arith.addi %add3A_185, %mul3A_184 : i32
      %add3A_187 = arith.constant 0 : i32
      %add3A_188 = arith.addi %add3A_186, %add3A_187 : i32
      %get3A = arith.index_cast %add3A_188 : i32 to index
      %get3A_189 = tpu.vector_load %arg6[%get3A] {strides = array<i32>} : memref<4096xi32, #tpu.memory_space<vmem>>, vector<16xi32>,
      %get3A_190 = arith.index_cast %add3A_188 : i32 to index
      %get3A_191 = tpu.vector_load %arg7[%get3A_190] {strides = array<i32>} : memref<4096xi32, #tpu.memory_space<vmem>>, vector<16xi32>,
      %shift_right_arithmetic3A = arith.constant 3 : i32
      %shift_right_arithmetic3A_192 = vector.broadcast %shift_right_arithmetic3A : i32 to vector<16xi32>
      %shift_right_arithmetic3A_193 = arith.shrsi %get3A_189, %shift_right_arithmetic3A_192 : vector<16xi32>
      %shift_left3A = arith.constant 15 : i32
      %shift_left3A_194 = vector.broadcast %shift_left3A : i32 to vector<16xi32>
      %shift_left3A_195 = arith.shli %shift_right_arithmetic3A_193, %shift_left3A_194 : vector<16xi32>
      %shift_right_arithmetic3A_196 = arith.constant 7 : i32
      %shift_right_arithmetic3A_197 = vector.broadcast %shift_right_arithmetic3A_196 : i32 to vector<16xi32>
      %shift_right_arithmetic3A_198 = arith.shrsi %get3A_191, %shift_right_arithmetic3A_197 : vector<16xi32>
      %shift_left3A_199 = arith.constant 10 : i32
      %shift_left3A_200 = vector.broadcast %shift_left3A_199 : i32 to vector<16xi32>
      %shift_left3A_201 = arith.shli %shift_right_arithmetic3A_198, %shift_left3A_200 : vector<16xi32>
      %or3A = arith.ori %shift_left3A_195, %shift_left3A_201 : vector<16xi32>
      %and3A = arith.constant 7 : i32
      %and3A_202 = vector.broadcast %and3A : i32 to vector<16xi32>
      %and3A_203 = arith.andi %get3A_189, %and3A_202 : vector<16xi32>
      %shift_left3A_204 = arith.constant 7 : i32
      %shift_left3A_205 = vector.broadcast %shift_left3A_204 : i32 to vector<16xi32>
      %shift_left3A_206 = arith.shli %and3A_203, %shift_left3A_205 : vector<16xi32>
      %or3A_207 = arith.ori %or3A, %shift_left3A_206 : vector<16xi32>
      %and3A_208 = arith.constant 127 : i32
      %and3A_209 = vector.broadcast %and3A_208 : i32 to vector<16xi32>
      %and3A_210 = arith.andi %get3A_191, %and3A_209 : vector<16xi32>
      %or3A_211 = arith.ori %or3A_207, %and3A_210 : vector<16xi32>
      %mul3A_212 = arith.constant 128 : i32
      %mul3A_213 = arith.muli %scan3A_181, %mul3A_212 : i32
      %add3A_214 = arith.constant 0 : i32
      %add3A_215 = arith.addi %mul3A_213, %add3A_214 : i32
      %swap3A = arith.index_cast %add3A_215 : i32 to index
      %swap3A_216 = tpu.vector_load %arg12[%swap3A] {strides = array<i32>} : memref<512xi32, #tpu.memory_space<vmem>>, vector<16xi32>,
      tpu.vector_store %arg12[%swap3A], %or3A_211 {strides = array<i32>} : memref<512xi32, #tpu.memory_space<vmem>>, vector<16xi32>,
      %mul3A_217 = arith.constant 128 : i32
      %mul3A_218 = arith.muli %scan3A_181, %mul3A_217 : i32
      %add3A_219 = arith.constant 1536 : i32
      %add3A_220 = arith.addi %add3A_219, %mul3A_218 : i32
      %add3A_221 = arith.constant 16 : i32
      %add3A_222 = arith.addi %add3A_220, %add3A_221 : i32
      %get3A_223 = arith.index_cast %add3A_222 : i32 to index
      %get3A_224 = tpu.vector_load %arg6[%get3A_223] {strides = array<i32>} : memref<4096xi32, #tpu.memory_space<vmem>>, vector<16xi32>,
      %get3A_225 = arith.index_cast %add3A_222 : i32 to index
      %get3A_226 = tpu.vector_load %arg7[%get3A_225] {strides = array<i32>} : memref<4096xi32, #tpu.memory_space<vmem>>, vector<16xi32>,
      %shift_right_arithmetic3A_227 = arith.constant 3 : i32
      %shift_right_arithmetic3A_228 = vector.broadcast %shift_right_arithmetic3A_227 : i32 to vector<16xi32>
      %shift_right_arithmetic3A_229 = arith.shrsi %get3A_224, %shift_right_arithmetic3A_228 : vector<16xi32>
      %shift_left3A_230 = arith.constant 15 : i32
      %shift_left3A_231 = vector.broadcast %shift_left3A_230 : i32 to vector<16xi32>
      %shift_left3A_232 = arith.shli %shift_right_arithmetic3A_229, %shift_left3A_231 : vector<16xi32>
      %shift_right_arithmetic3A_233 = arith.constant 7 : i32
      %shift_right_arithmetic3A_234 = vector.broadcast %shift_right_arithmetic3A_233 : i32 to vector<16xi32>
      %shift_right_arithmetic3A_235 = arith.shrsi %get3A_226, %shift_right_arithmetic3A_234 : vector<16xi32>
      %shift_left3A_236 = arith.constant 10 : i32
      %shift_left3A_237 = vector.broadcast %shift_left3A_236 : i32 to vector<16xi32>
      %shift_left3A_238 = arith.shli %shift_right_arithmetic3A_235, %shift_left3A_237 : vector<16xi32>
      %or3A_239 = arith.ori %shift_left3A_232, %shift_left3A_238 : vector<16xi32>
      %and3A_240 = arith.constant 7 : i32
      %and3A_241 = vector.broadcast %and3A_240 : i32 to vector<16xi32>
      %and3A_242 = arith.andi %get3A_224, %and3A_241 : vector<16xi32>
      %shift_left3A_243 = arith.constant 7 : i32
      %shift_left3A_244 = vector.broadcast %shift_left3A_243 : i32 to vector<16xi32>
      %shift_left3A_245 = arith.shli %and3A_242, %shift_left3A_244 : vector<16xi32>
      %or3A_246 = arith.ori %or3A_239, %shift_left3A_245 : vector<16xi32>
      %and3A_247 = arith.constant 127 : i32
      %and3A_248 = vector.broadcast %and3A_247 : i32 to vector<16xi32>
      %and3A_249 = arith.andi %get3A_226, %and3A_248 : vector<16xi32>
      %or3A_250 = arith.ori %or3A_246, %and3A_249 : vector<16xi32>
      %mul3A_251 = arith.constant 128 : i32
      %mul3A_252 = arith.muli %scan3A_181, %mul3A_251 : i32
      %add3A_253 = arith.constant 16 : i32
      %add3A_254 = arith.addi %mul3A_252, %add3A_253 : i32
      %swap3A_255 = arith.index_cast %add3A_254 : i32 to index
      %swap3A_256 = tpu.vector_load %arg12[%swap3A_255] {strides = array<i32>} : memref<512xi32, #tpu.memory_space<vmem>>, vector<16xi32>,
      tpu.vector_store %arg12[%swap3A_255], %or3A_250 {strides = array<i32>} : memref<512xi32, #tpu.memory_space<vmem>>, vector<16xi32>,
      %mul3A_257 = arith.constant 128 : i32
      %mul3A_258 = arith.muli %scan3A_181, %mul3A_257 : i32
      %add3A_259 = arith.constant 1536 : i32
      %add3A_260 = arith.addi %add3A_259, %mul3A_258 : i32
      %add3A_261 = arith.constant 32 : i32
      %add3A_262 = arith.addi %add3A_260, %add3A_261 : i32
      %get3A_263 = arith.index_cast %add3A_262 : i32 to index
      %get3A_264 = tpu.vector_load %arg6[%get3A_263] {strides = array<i32>} : memref<4096xi32, #tpu.memory_space<vmem>>, vector<16xi32>,
      %get3A_265 = arith.index_cast %add3A_262 : i32 to index
      %get3A_266 = tpu.vector_load %arg7[%get3A_265] {strides = array<i32>} : memref<4096xi32, #tpu.memory_space<vmem>>, vector<16xi32>,
      %shift_right_arithmetic3A_267 = arith.constant 3 : i32
      %shift_right_arithmetic3A_268 = vector.broadcast %shift_right_arithmetic3A_267 : i32 to vector<16xi32>
      %shift_right_arithmetic3A_269 = arith.shrsi %get3A_264, %shift_right_arithmetic3A_268 : vector<16xi32>
      %shift_left3A_270 = arith.constant 15 : i32
      %shift_left3A_271 = vector.broadcast %shift_left3A_270 : i32 to vector<16xi32>
      %shift_left3A_272 = arith.shli %shift_right_arithmetic3A_269, %shift_left3A_271 : vector<16xi32>
      %shift_right_arithmetic3A_273 = arith.constant 7 : i32
      %shift_right_arithmetic3A_274 = vector.broadcast %shift_right_arithmetic3A_273 : i32 to vector<16xi32>
      %shift_right_arithmetic3A_275 = arith.shrsi %get3A_266, %shift_right_arithmetic3A_274 : vector<16xi32>
      %shift_left3A_276 = arith.constant 10 : i32
      %shift_left3A_277 = vector.broadcast %shift_left3A_276 : i32 to vector<16xi32>
      %shift_left3A_278 = arith.shli %shift_right_arithmetic3A_275, %shift_left3A_277 : vector<16xi32>
      %or3A_279 = arith.ori %shift_left3A_272, %shift_left3A_278 : vector<16xi32>
      %and3A_280 = arith.constant 7 : i32
      %and3A_281 = vector.broadcast %and3A_280 : i32 to vector<16xi32>
      %and3A_282 = arith.andi %get3A_264, %and3A_281 : vector<16xi32>
      %shift_left3A_283 = arith.constant 7 : i32
      %shift_left3A_284 = vector.broadcast %shift_left3A_283 : i32 to vector<16xi32>
      %shift_left3A_285 = arith.shli %and3A_282, %shift_left3A_284 : vector<16xi32>
      %or3A_286 = arith.ori %or3A_279, %shift_left3A_285 : vector<16xi32>
      %and3A_287 = arith.constant 127 : i32
      %and3A_288 = vector.broadcast %and3A_287 : i32 to vector<16xi32>
      %and3A_289 = arith.andi %get3A_266, %and3A_288 : vector<16xi32>
      %or3A_290 = arith.ori %or3A_286, %and3A_289 : vector<16xi32>
      %mul3A_291 = arith.constant 128 : i32
      %mul3A_292 = arith.muli %scan3A_181, %mul3A_291 : i32
      %add3A_293 = arith.constant 32 : i32
      %add3A_294 = arith.addi %mul3A_292, %add3A_293 : i32
      %swap3A_295 = arith.index_cast %add3A_294 : i32 to index
      %swap3A_296 = tpu.vector_load %arg12[%swap3A_295] {strides = array<i32>} : memref<512xi32, #tpu.memory_space<vmem>>, vector<16xi32>,
      tpu.vector_store %arg12[%swap3A_295], %or3A_290 {strides = array<i32>} : memref<512xi32, #tpu.memory_space<vmem>>, vector<16xi32>,
      %mul3A_297 = arith.constant 128 : i32
      %mul3A_298 = arith.muli %scan3A_181, %mul3A_297 : i32
      %add3A_299 = arith.constant 1536 : i32
      %add3A_300 = arith.addi %add3A_299, %mul3A_298 : i32
      %add3A_301 = arith.constant 48 : i32
      %add3A_302 = arith.addi %add3A_300, %add3A_301 : i32
      %get3A_303 = arith.index_cast %add3A_302 : i32 to index
      %get3A_304 = tpu.vector_load %arg6[%get3A_303] {strides = array<i32>} : memref<4096xi32, #tpu.memory_space<vmem>>, vector<16xi32>,
      %get3A_305 = arith.index_cast %add3A_302 : i32 to index
      %get3A_306 = tpu.vector_load %arg7[%get3A_305] {strides = array<i32>} : memref<4096xi32, #tpu.memory_space<vmem>>, vector<16xi32>,
      %shift_right_arithmetic3A_307 = arith.constant 3 : i32
      %shift_right_arithmetic3A_308 = vector.broadcast %shift_right_arithmetic3A_307 : i32 to vector<16xi32>
      %shift_right_arithmetic3A_309 = arith.shrsi %get3A_304, %shift_right_arithmetic3A_308 : vector<16xi32>
      %shift_left3A_310 = arith.constant 15 : i32
      %shift_left3A_311 = vector.broadcast %shift_left3A_310 : i32 to vector<16xi32>
      %shift_left3A_312 = arith.shli %shift_right_arithmetic3A_309, %shift_left3A_311 : vector<16xi32>
      %shift_right_arithmetic3A_313 = arith.constant 7 : i32
      %shift_right_arithmetic3A_314 = vector.broadcast %shift_right_arithmetic3A_313 : i32 to vector<16xi32>
      %shift_right_arithmetic3A_315 = arith.shrsi %get3A_306, %shift_right_arithmetic3A_314 : vector<16xi32>
      %shift_left3A_316 = arith.constant 10 : i32
      %shift_left3A_317 = vector.broadcast %shift_left3A_316 : i32 to vector<16xi32>
      %shift_left3A_318 = arith.shli %shift_right_arithmetic3A_315, %shift_left3A_317 : vector<16xi32>
      %or3A_319 = arith.ori %shift_left3A_312, %shift_left3A_318 : vector<16xi32>
      %and3A_320 = arith.constant 7 : i32
      %and3A_321 = vector.broadcast %and3A_320 : i32 to vector<16xi32>
      %and3A_322 = arith.andi %get3A_304, %and3A_321 : vector<16xi32>
      %shift_left3A_323 = arith.constant 7 : i32
      %shift_left3A_324 = vector.broadcast %shift_left3A_323 : i32 to vector<16xi32>
      %shift_left3A_325 = arith.shli %and3A_322, %shift_left3A_324 : vector<16xi32>
      %or3A_326 = arith.ori %or3A_319, %shift_left3A_325 : vector<16xi32>
      %and3A_327 = arith.constant 127 : i32
      %and3A_328 = vector.broadcast %and3A_327 : i32 to vector<16xi32>
      %and3A_329 = arith.andi %get3A_306, %and3A_328 : vector<16xi32>
      %or3A_330 = arith.ori %or3A_326, %and3A_329 : vector<16xi32>
      %mul3A_331 = arith.constant 128 : i32
      %mul3A_332 = arith.muli %scan3A_181, %mul3A_331 : i32
      %add3A_333 = arith.constant 48 : i32
      %add3A_334 = arith.addi %mul3A_332, %add3A_333 : i32
      %swap3A_335 = arith.index_cast %add3A_334 : i32 to index
      %swap3A_336 = tpu.vector_load %arg12[%swap3A_335] {strides = array<i32>} : memref<512xi32, #tpu.memory_space<vmem>>, vector<16xi32>,
      tpu.vector_store %arg12[%swap3A_335], %or3A_330 {strides = array<i32>} : memref<512xi32, #tpu.memory_space<vmem>>, vector<16xi32>,
      %mul3A_337 = arith.constant 128 : i32
      %mul3A_338 = arith.muli %scan3A_181, %mul3A_337 : i32
      %add3A_339 = arith.constant 1536 : i32
      %add3A_340 = arith.addi %add3A_339, %mul3A_338 : i32
      %add3A_341 = arith.constant 64 : i32
      %add3A_342 = arith.addi %add3A_340, %add3A_341 : i32
      %get3A_343 = arith.index_cast %add3A_342 : i32 to index
      %get3A_344 = tpu.vector_load %arg6[%get3A_343] {strides = array<i32>} : memref<4096xi32, #tpu.memory_space<vmem>>, vector<16xi32>,
      %get3A_345 = arith.index_cast %add3A_342 : i32 to index
      %get3A_346 = tpu.vector_load %arg7[%get3A_345] {strides = array<i32>} : memref<4096xi32, #tpu.memory_space<vmem>>, vector<16xi32>,
      %shift_right_arithmetic3A_347 = arith.constant 3 : i32
      %shift_right_arithmetic3A_348 = vector.broadcast %shift_right_arithmetic3A_347 : i32 to vector<16xi32>
      %shift_right_arithmetic3A_349 = arith.shrsi %get3A_344, %shift_right_arithmetic3A_348 : vector<16xi32>
      %shift_left3A_350 = arith.constant 15 : i32
      %shift_left3A_351 = vector.broadcast %shift_left3A_350 : i32 to vector<16xi32>
      %shift_left3A_352 = arith.shli %shift_right_arithmetic3A_349, %shift_left3A_351 : vector<16xi32>
      %shift_right_arithmetic3A_353 = arith.constant 7 : i32
      %shift_right_arithmetic3A_354 = vector.broadcast %shift_right_arithmetic3A_353 : i32 to vector<16xi32>
      %shift_right_arithmetic3A_355 = arith.shrsi %get3A_346, %shift_right_arithmetic3A_354 : vector<16xi32>
      %shift_left3A_356 = arith.constant 10 : i32
      %shift_left3A_357 = vector.broadcast %shift_left3A_356 : i32 to vector<16xi32>
      %shift_left3A_358 = arith.shli %shift_right_arithmetic3A_355, %shift_left3A_357 : vector<16xi32>
      %or3A_359 = arith.ori %shift_left3A_352, %shift_left3A_358 : vector<16xi32>
      %and3A_360 = arith.constant 7 : i32
      %and3A_361 = vector.broadcast %and3A_360 : i32 to vector<16xi32>
      %and3A_362 = arith.andi %get3A_344, %and3A_361 : vector<16xi32>
      %shift_left3A_363 = arith.constant 7 : i32
      %shift_left3A_364 = vector.broadcast %shift_left3A_363 : i32 to vector<16xi32>
      %shift_left3A_365 = arith.shli %and3A_362, %shift_left3A_364 : vector<16xi32>
      %or3A_366 = arith.ori %or3A_359, %shift_left3A_365 : vector<16xi32>
      %and3A_367 = arith.constant 127 : i32
      %and3A_368 = vector.broadcast %and3A_367 : i32 to vector<16xi32>
      %and3A_369 = arith.andi %get3A_346, %and3A_368 : vector<16xi32>
      %or3A_370 = arith.ori %or3A_366, %and3A_369 : vector<16xi32>
      %mul3A_371 = arith.constant 128 : i32
      %mul3A_372 = arith.muli %scan3A_181, %mul3A_371 : i32
      %add3A_373 = arith.constant 64 : i32
      %add3A_374 = arith.addi %mul3A_372, %add3A_373 : i32
      %swap3A_375 = arith.index_cast %add3A_374 : i32 to index
      %swap3A_376 = tpu.vector_load %arg12[%swap3A_375] {strides = array<i32>} : memref<512xi32, #tpu.memory_space<vmem>>, vector<16xi32>,
      tpu.vector_store %arg12[%swap3A_375], %or3A_370 {strides = array<i32>} : memref<512xi32, #tpu.memory_space<vmem>>, vector<16xi32>,
      %mul3A_377 = arith.constant 128 : i32
      %mul3A_378 = arith.muli %scan3A_181, %mul3A_377 : i32
      %add3A_379 = arith.constant 1536 : i32
      %add3A_380 = arith.addi %add3A_379, %mul3A_378 : i32
      %add3A_381 = arith.constant 80 : i32
      %add3A_382 = arith.addi %add3A_380, %add3A_381 : i32
      %get3A_383 = arith.index_cast %add3A_382 : i32 to index
      %get3A_384 = tpu.vector_load %arg6[%get3A_383] {strides = array<i32>} : memref<4096xi32, #tpu.memory_space<vmem>>, vector<16xi32>,
      %get3A_385 = arith.index_cast %add3A_382 : i32 to index
      %get3A_386 = tpu.vector_load %arg7[%get3A_385] {strides = array<i32>} : memref<4096xi32, #tpu.memory_space<vmem>>, vector<16xi32>,
      %shift_right_arithmetic3A_387 = arith.constant 3 : i32
      %shift_right_arithmetic3A_388 = vector.broadcast %shift_right_arithmetic3A_387 : i32 to vector<16xi32>
      %shift_right_arithmetic3A_389 = arith.shrsi %get3A_384, %shift_right_arithmetic3A_388 : vector<16xi32>
      %shift_left3A_390 = arith.constant 15 : i32
      %shift_left3A_391 = vector.broadcast %shift_left3A_390 : i32 to vector<16xi32>
      %shift_left3A_392 = arith.shli %shift_right_arithmetic3A_389, %shift_left3A_391 : vector<16xi32>
      %shift_right_arithmetic3A_393 = arith.constant 7 : i32
      %shift_right_arithmetic3A_394 = vector.broadcast %shift_right_arithmetic3A_393 : i32 to vector<16xi32>
      %shift_right_arithmetic3A_395 = arith.shrsi %get3A_386, %shift_right_arithmetic3A_394 : vector<16xi32>
      %shift_left3A_396 = arith.constant 10 : i32
      %shift_left3A_397 = vector.broadcast %shift_left3A_396 : i32 to vector<16xi32>
      %shift_left3A_398 = arith.shli %shift_right_arithmetic3A_395, %shift_left3A_397 : vector<16xi32>
      %or3A_399 = arith.ori %shift_left3A_392, %shift_left3A_398 : vector<16xi32>
      %and3A_400 = arith.constant 7 : i32
      %and3A_401 = vector.broadcast %and3A_400 : i32 to vector<16xi32>
      %and3A_402 = arith.andi %get3A_384, %and3A_401 : vector<16xi32>
      %shift_left3A_403 = arith.constant 7 : i32
      %shift_left3A_404 = vector.broadcast %shift_left3A_403 : i32 to vector<16xi32>
      %shift_left3A_405 = arith.shli %and3A_402, %shift_left3A_404 : vector<16xi32>
      %or3A_406 = arith.ori %or3A_399, %shift_left3A_405 : vector<16xi32>
      %and3A_407 = arith.constant 127 : i32
      %and3A_408 = vector.broadcast %and3A_407 : i32 to vector<16xi32>
      %and3A_409 = arith.andi %get3A_386, %and3A_408 : vector<16xi32>
      %or3A_410 = arith.ori %or3A_406, %and3A_409 : vector<16xi32>
      %mul3A_411 = arith.constant 128 : i32
      %mul3A_412 = arith.muli %scan3A_181, %mul3A_411 : i32
      %add3A_413 = arith.constant 80 : i32
      %add3A_414 = arith.addi %mul3A_412, %add3A_413 : i32
      %swap3A_415 = arith.index_cast %add3A_414 : i32 to index
      %swap3A_416 = tpu.vector_load %arg12[%swap3A_415] {strides = array<i32>} : memref<512xi32, #tpu.memory_space<vmem>>, vector<16xi32>,
      tpu.vector_store %arg12[%swap3A_415], %or3A_410 {strides = array<i32>} : memref<512xi32, #tpu.memory_space<vmem>>, vector<16xi32>,
      %mul3A_417 = arith.constant 128 : i32
      %mul3A_418 = arith.muli %scan3A_181, %mul3A_417 : i32
      %add3A_419 = arith.constant 1536 : i32
      %add3A_420 = arith.addi %add3A_419, %mul3A_418 : i32
      %add3A_421 = arith.constant 96 : i32
      %add3A_422 = arith.addi %add3A_420, %add3A_421 : i32
      %get3A_423 = arith.index_cast %add3A_422 : i32 to index
      %get3A_424 = tpu.vector_load %arg6[%get3A_423] {strides = array<i32>} : memref<4096xi32, #tpu.memory_space<vmem>>, vector<16xi32>,
      %get3A_425 = arith.index_cast %add3A_422 : i32 to index
      %get3A_426 = tpu.vector_load %arg7[%get3A_425] {strides = array<i32>} : memref<4096xi32, #tpu.memory_space<vmem>>, vector<16xi32>,
      %shift_right_arithmetic3A_427 = arith.constant 3 : i32
      %shift_right_arithmetic3A_428 = vector.broadcast %shift_right_arithmetic3A_427 : i32 to vector<16xi32>
      %shift_right_arithmetic3A_429 = arith.shrsi %get3A_424, %shift_right_arithmetic3A_428 : vector<16xi32>
      %shift_left3A_430 = arith.constant 15 : i32
      %shift_left3A_431 = vector.broadcast %shift_left3A_430 : i32 to vector<16xi32>
      %shift_left3A_432 = arith.shli %shift_right_arithmetic3A_429, %shift_left3A_431 : vector<16xi32>
      %shift_right_arithmetic3A_433 = arith.constant 7 : i32
      %shift_right_arithmetic3A_434 = vector.broadcast %shift_right_arithmetic3A_433 : i32 to vector<16xi32>
      %shift_right_arithmetic3A_435 = arith.shrsi %get3A_426, %shift_right_arithmetic3A_434 : vector<16xi32>
      %shift_left3A_436 = arith.constant 10 : i32
      %shift_left3A_437 = vector.broadcast %shift_left3A_436 : i32 to vector<16xi32>
      %shift_left3A_438 = arith.shli %shift_right_arithmetic3A_435, %shift_left3A_437 : vector<16xi32>
      %or3A_439 = arith.ori %shift_left3A_432, %shift_left3A_438 : vector<16xi32>
      %and3A_440 = arith.constant 7 : i32
      %and3A_441 = vector.broadcast %and3A_440 : i32 to vector<16xi32>
      %and3A_442 = arith.andi %get3A_424, %and3A_441 : vector<16xi32>
      %shift_left3A_443 = arith.constant 7 : i32
      %shift_left3A_444 = vector.broadcast %shift_left3A_443 : i32 to vector<16xi32>
      %shift_left3A_445 = arith.shli %and3A_442, %shift_left3A_444 : vector<16xi32>
      %or3A_446 = arith.ori %or3A_439, %shift_left3A_445 : vector<16xi32>
      %and3A_447 = arith.constant 127 : i32
      %and3A_448 = vector.broadcast %and3A_447 : i32 to vector<16xi32>
      %and3A_449 = arith.andi %get3A_426, %and3A_448 : vector<16xi32>
      %or3A_450 = arith.ori %or3A_446, %and3A_449 : vector<16xi32>
      %mul3A_451 = arith.constant 128 : i32
      %mul3A_452 = arith.muli %scan3A_181, %mul3A_451 : i32
      %add3A_453 = arith.constant 96 : i32
      %add3A_454 = arith.addi %mul3A_452, %add3A_453 : i32
      %swap3A_455 = arith.index_cast %add3A_454 : i32 to index
      %swap3A_456 = tpu.vector_load %arg12[%swap3A_455] {strides = array<i32>} : memref<512xi32, #tpu.memory_space<vmem>>, vector<16xi32>,
      tpu.vector_store %arg12[%swap3A_455], %or3A_450 {strides = array<i32>} : memref<512xi32, #tpu.memory_space<vmem>>, vector<16xi32>,
      %mul3A_457 = arith.constant 128 : i32
      %mul3A_458 = arith.muli %scan3A_181, %mul3A_457 : i32
      %add3A_459 = arith.constant 1536 : i32
      %add3A_460 = arith.addi %add3A_459, %mul3A_458 : i32
      %add3A_461 = arith.constant 112 : i32
      %add3A_462 = arith.addi %add3A_460, %add3A_461 : i32
      %get3A_463 = arith.index_cast %add3A_462 : i32 to index
      %get3A_464 = tpu.vector_load %arg6[%get3A_463] {strides = array<i32>} : memref<4096xi32, #tpu.memory_space<vmem>>, vector<16xi32>,
      %get3A_465 = arith.index_cast %add3A_462 : i32 to index
      %get3A_466 = tpu.vector_load %arg7[%get3A_465] {strides = array<i32>} : memref<4096xi32, #tpu.memory_space<vmem>>, vector<16xi32>,
      %shift_right_arithmetic3A_467 = arith.constant 3 : i32
      %shift_right_arithmetic3A_468 = vector.broadcast %shift_right_arithmetic3A_467 : i32 to vector<16xi32>
      %shift_right_arithmetic3A_469 = arith.shrsi %get3A_464, %shift_right_arithmetic3A_468 : vector<16xi32>
      %shift_left3A_470 = arith.constant 15 : i32
      %shift_left3A_471 = vector.broadcast %shift_left3A_470 : i32 to vector<16xi32>
      %shift_left3A_472 = arith.shli %shift_right_arithmetic3A_469, %shift_left3A_471 : vector<16xi32>
      %shift_right_arithmetic3A_473 = arith.constant 7 : i32
      %shift_right_arithmetic3A_474 = vector.broadcast %shift_right_arithmetic3A_473 : i32 to vector<16xi32>
      %shift_right_arithmetic3A_475 = arith.shrsi %get3A_466, %shift_right_arithmetic3A_474 : vector<16xi32>
      %shift_left3A_476 = arith.constant 10 : i32
      %shift_left3A_477 = vector.broadcast %shift_left3A_476 : i32 to vector<16xi32>
      %shift_left3A_478 = arith.shli %shift_right_arithmetic3A_475, %shift_left3A_477 : vector<16xi32>
      %or3A_479 = arith.ori %shift_left3A_472, %shift_left3A_478 : vector<16xi32>
      %and3A_480 = arith.constant 7 : i32
      %and3A_481 = vector.broadcast %and3A_480 : i32 to vector<16xi32>
      %and3A_482 = arith.andi %get3A_464, %and3A_481 : vector<16xi32>
      %shift_left3A_483 = arith.constant 7 : i32
      %shift_left3A_484 = vector.broadcast %shift_left3A_483 : i32 to vector<16xi32>
      %shift_left3A_485 = arith.shli %and3A_482, %shift_left3A_484 : vector<16xi32>
      %or3A_486 = arith.ori %or3A_479, %shift_left3A_485 : vector<16xi32>
      %and3A_487 = arith.constant 127 : i32
      %and3A_488 = vector.broadcast %and3A_487 : i32 to vector<16xi32>
      %and3A_489 = arith.andi %get3A_466, %and3A_488 : vector<16xi32>
      %or3A_490 = arith.ori %or3A_486, %and3A_489 : vector<16xi32>
      %mul3A_491 = arith.constant 128 : i32
      %mul3A_492 = arith.muli %scan3A_181, %mul3A_491 : i32
      %add3A_493 = arith.constant 112 : i32
      %add3A_494 = arith.addi %mul3A_492, %add3A_493 : i32
      %swap3A_495 = arith.index_cast %add3A_494 : i32 to index
      %swap3A_496 = tpu.vector_load %arg12[%swap3A_495] {strides = array<i32>} : memref<512xi32, #tpu.memory_space<vmem>>, vector<16xi32>,
      tpu.vector_store %arg12[%swap3A_495], %or3A_490 {strides = array<i32>} : memref<512xi32, #tpu.memory_space<vmem>>, vector<16xi32>,
      %scan3A_497 = arith.constant 0 : i32
      scf.yield %scan3A_497 : i32
    }
    %scan3A_37 = arith.constant 4 : i32
    %dma_start3A_38 = arith.constant 0 : i32
    %dma_start3A_39 = tpu.memref_slice %arg2[%dma_start3A_38] : memref<16777216xf32, #tpu.memory_space<hbm>> -> memref<16777216xf32, #tpu.memory_space<hbm>>
    tpu.enqueue_indirect_dma source(%dma_start3A_39 : memref<16777216xf32, #tpu.memory_space<hbm>>) target(%arg20 : memref<512xf32, #tpu.memory_space<vmem>>) offsets(%arg12 : memref<512xi32, #tpu.memory_space<vmem>>) semaphore(%arg28 : memref<!tpu.dma_semaphore, #tpu.memory_space<semaphore_mem>>)
    %scan3A_40 = arith.constant 0 : i32
    %scan3A_41 = arith.constant 0 : i32
    %scan3A_42 = arith.constant 4 : i32
    %scan3A_43 = arith.addi %scan3A_41, %scan3A_42 : i32
    %scan3A_44 = arith.constant 1 : i32
    %scan3A_45 = scf.for %scan3A_181 = %scan3A_41 to %scan3A_43 step %scan3A_44 iter_args(%scan3A_182 = %scan3A_40) -> (i32)  : i32 {
      %mul3A_183 = arith.constant 128 : i32
      %mul3A_184 = arith.muli %scan3A_181, %mul3A_183 : i32
      %add3A_185 = arith.constant 2048 : i32
      %add3A_186 = arith.addi %add3A_185, %mul3A_184 : i32
      %add3A_187 = arith.constant 0 : i32
      %add3A_188 = arith.addi %add3A_186, %add3A_187 : i32
      %get3A = arith.index_cast %add3A_188 : i32 to index
      %get3A_189 = tpu.vector_load %arg6[%get3A] {strides = array<i32>} : memref<4096xi32, #tpu.memory_space<vmem>>, vector<16xi32>,
      %get3A_190 = arith.index_cast %add3A_188 : i32 to index
      %get3A_191 = tpu.vector_load %arg7[%get3A_190] {strides = array<i32>} : memref<4096xi32, #tpu.memory_space<vmem>>, vector<16xi32>,
      %shift_right_arithmetic3A = arith.constant 3 : i32
      %shift_right_arithmetic3A_192 = vector.broadcast %shift_right_arithmetic3A : i32 to vector<16xi32>
      %shift_right_arithmetic3A_193 = arith.shrsi %get3A_189, %shift_right_arithmetic3A_192 : vector<16xi32>
      %shift_left3A = arith.constant 15 : i32
      %shift_left3A_194 = vector.broadcast %shift_left3A : i32 to vector<16xi32>
      %shift_left3A_195 = arith.shli %shift_right_arithmetic3A_193, %shift_left3A_194 : vector<16xi32>
      %shift_right_arithmetic3A_196 = arith.constant 7 : i32
      %shift_right_arithmetic3A_197 = vector.broadcast %shift_right_arithmetic3A_196 : i32 to vector<16xi32>
      %shift_right_arithmetic3A_198 = arith.shrsi %get3A_191, %shift_right_arithmetic3A_197 : vector<16xi32>
      %shift_left3A_199 = arith.constant 10 : i32
      %shift_left3A_200 = vector.broadcast %shift_left3A_199 : i32 to vector<16xi32>
      %shift_left3A_201 = arith.shli %shift_right_arithmetic3A_198, %shift_left3A_200 : vector<16xi32>
      %or3A = arith.ori %shift_left3A_195, %shift_left3A_201 : vector<16xi32>
      %and3A = arith.constant 7 : i32
      %and3A_202 = vector.broadcast %and3A : i32 to vector<16xi32>
      %and3A_203 = arith.andi %get3A_189, %and3A_202 : vector<16xi32>
      %shift_left3A_204 = arith.constant 7 : i32
      %shift_left3A_205 = vector.broadcast %shift_left3A_204 : i32 to vector<16xi32>
      %shift_left3A_206 = arith.shli %and3A_203, %shift_left3A_205 : vector<16xi32>
      %or3A_207 = arith.ori %or3A, %shift_left3A_206 : vector<16xi32>
      %and3A_208 = arith.constant 127 : i32
      %and3A_209 = vector.broadcast %and3A_208 : i32 to vector<16xi32>
      %and3A_210 = arith.andi %get3A_191, %and3A_209 : vector<16xi32>
      %or3A_211 = arith.ori %or3A_207, %and3A_210 : vector<16xi32>
      %mul3A_212 = arith.constant 128 : i32
      %mul3A_213 = arith.muli %scan3A_181, %mul3A_212 : i32
      %add3A_214 = arith.constant 0 : i32
      %add3A_215 = arith.addi %mul3A_213, %add3A_214 : i32
      %swap3A = arith.index_cast %add3A_215 : i32 to index
      %swap3A_216 = tpu.vector_load %arg13[%swap3A] {strides = array<i32>} : memref<512xi32, #tpu.memory_space<vmem>>, vector<16xi32>,
      tpu.vector_store %arg13[%swap3A], %or3A_211 {strides = array<i32>} : memref<512xi32, #tpu.memory_space<vmem>>, vector<16xi32>,
      %mul3A_217 = arith.constant 128 : i32
      %mul3A_218 = arith.muli %scan3A_181, %mul3A_217 : i32
      %add3A_219 = arith.constant 2048 : i32
      %add3A_220 = arith.addi %add3A_219, %mul3A_218 : i32
      %add3A_221 = arith.constant 16 : i32
      %add3A_222 = arith.addi %add3A_220, %add3A_221 : i32
      %get3A_223 = arith.index_cast %add3A_222 : i32 to index
      %get3A_224 = tpu.vector_load %arg6[%get3A_223] {strides = array<i32>} : memref<4096xi32, #tpu.memory_space<vmem>>, vector<16xi32>,
      %get3A_225 = arith.index_cast %add3A_222 : i32 to index
      %get3A_226 = tpu.vector_load %arg7[%get3A_225] {strides = array<i32>} : memref<4096xi32, #tpu.memory_space<vmem>>, vector<16xi32>,
      %shift_right_arithmetic3A_227 = arith.constant 3 : i32
      %shift_right_arithmetic3A_228 = vector.broadcast %shift_right_arithmetic3A_227 : i32 to vector<16xi32>
      %shift_right_arithmetic3A_229 = arith.shrsi %get3A_224, %shift_right_arithmetic3A_228 : vector<16xi32>
      %shift_left3A_230 = arith.constant 15 : i32
      %shift_left3A_231 = vector.broadcast %shift_left3A_230 : i32 to vector<16xi32>
      %shift_left3A_232 = arith.shli %shift_right_arithmetic3A_229, %shift_left3A_231 : vector<16xi32>
      %shift_right_arithmetic3A_233 = arith.constant 7 : i32
      %shift_right_arithmetic3A_234 = vector.broadcast %shift_right_arithmetic3A_233 : i32 to vector<16xi32>
      %shift_right_arithmetic3A_235 = arith.shrsi %get3A_226, %shift_right_arithmetic3A_234 : vector<16xi32>
      %shift_left3A_236 = arith.constant 10 : i32
      %shift_left3A_237 = vector.broadcast %shift_left3A_236 : i32 to vector<16xi32>
      %shift_left3A_238 = arith.shli %shift_right_arithmetic3A_235, %shift_left3A_237 : vector<16xi32>
      %or3A_239 = arith.ori %shift_left3A_232, %shift_left3A_238 : vector<16xi32>
      %and3A_240 = arith.constant 7 : i32
      %and3A_241 = vector.broadcast %and3A_240 : i32 to vector<16xi32>
      %and3A_242 = arith.andi %get3A_224, %and3A_241 : vector<16xi32>
      %shift_left3A_243 = arith.constant 7 : i32
      %shift_left3A_244 = vector.broadcast %shift_left3A_243 : i32 to vector<16xi32>
      %shift_left3A_245 = arith.shli %and3A_242, %shift_left3A_244 : vector<16xi32>
      %or3A_246 = arith.ori %or3A_239, %shift_left3A_245 : vector<16xi32>
      %and3A_247 = arith.constant 127 : i32
      %and3A_248 = vector.broadcast %and3A_247 : i32 to vector<16xi32>
      %and3A_249 = arith.andi %get3A_226, %and3A_248 : vector<16xi32>
      %or3A_250 = arith.ori %or3A_246, %and3A_249 : vector<16xi32>
      %mul3A_251 = arith.constant 128 : i32
      %mul3A_252 = arith.muli %scan3A_181, %mul3A_251 : i32
      %add3A_253 = arith.constant 16 : i32
      %add3A_254 = arith.addi %mul3A_252, %add3A_253 : i32
      %swap3A_255 = arith.index_cast %add3A_254 : i32 to index
      %swap3A_256 = tpu.vector_load %arg13[%swap3A_255] {strides = array<i32>} : memref<512xi32, #tpu.memory_space<vmem>>, vector<16xi32>,
      tpu.vector_store %arg13[%swap3A_255], %or3A_250 {strides = array<i32>} : memref<512xi32, #tpu.memory_space<vmem>>, vector<16xi32>,
      %mul3A_257 = arith.constant 128 : i32
      %mul3A_258 = arith.muli %scan3A_181, %mul3A_257 : i32
      %add3A_259 = arith.constant 2048 : i32
      %add3A_260 = arith.addi %add3A_259, %mul3A_258 : i32
      %add3A_261 = arith.constant 32 : i32
      %add3A_262 = arith.addi %add3A_260, %add3A_261 : i32
      %get3A_263 = arith.index_cast %add3A_262 : i32 to index
      %get3A_264 = tpu.vector_load %arg6[%get3A_263] {strides = array<i32>} : memref<4096xi32, #tpu.memory_space<vmem>>, vector<16xi32>,
      %get3A_265 = arith.index_cast %add3A_262 : i32 to index
      %get3A_266 = tpu.vector_load %arg7[%get3A_265] {strides = array<i32>} : memref<4096xi32, #tpu.memory_space<vmem>>, vector<16xi32>,
      %shift_right_arithmetic3A_267 = arith.constant 3 : i32
      %shift_right_arithmetic3A_268 = vector.broadcast %shift_right_arithmetic3A_267 : i32 to vector<16xi32>
      %shift_right_arithmetic3A_269 = arith.shrsi %get3A_264, %shift_right_arithmetic3A_268 : vector<16xi32>
      %shift_left3A_270 = arith.constant 15 : i32
      %shift_left3A_271 = vector.broadcast %shift_left3A_270 : i32 to vector<16xi32>
      %shift_left3A_272 = arith.shli %shift_right_arithmetic3A_269, %shift_left3A_271 : vector<16xi32>
      %shift_right_arithmetic3A_273 = arith.constant 7 : i32
      %shift_right_arithmetic3A_274 = vector.broadcast %shift_right_arithmetic3A_273 : i32 to vector<16xi32>
      %shift_right_arithmetic3A_275 = arith.shrsi %get3A_266, %shift_right_arithmetic3A_274 : vector<16xi32>
      %shift_left3A_276 = arith.constant 10 : i32
      %shift_left3A_277 = vector.broadcast %shift_left3A_276 : i32 to vector<16xi32>
      %shift_left3A_278 = arith.shli %shift_right_arithmetic3A_275, %shift_left3A_277 : vector<16xi32>
      %or3A_279 = arith.ori %shift_left3A_272, %shift_left3A_278 : vector<16xi32>
      %and3A_280 = arith.constant 7 : i32
      %and3A_281 = vector.broadcast %and3A_280 : i32 to vector<16xi32>
      %and3A_282 = arith.andi %get3A_264, %and3A_281 : vector<16xi32>
      %shift_left3A_283 = arith.constant 7 : i32
      %shift_left3A_284 = vector.broadcast %shift_left3A_283 : i32 to vector<16xi32>
      %shift_left3A_285 = arith.shli %and3A_282, %shift_left3A_284 : vector<16xi32>
      %or3A_286 = arith.ori %or3A_279, %shift_left3A_285 : vector<16xi32>
      %and3A_287 = arith.constant 127 : i32
      %and3A_288 = vector.broadcast %and3A_287 : i32 to vector<16xi32>
      %and3A_289 = arith.andi %get3A_266, %and3A_288 : vector<16xi32>
      %or3A_290 = arith.ori %or3A_286, %and3A_289 : vector<16xi32>
      %mul3A_291 = arith.constant 128 : i32
      %mul3A_292 = arith.muli %scan3A_181, %mul3A_291 : i32
      %add3A_293 = arith.constant 32 : i32
      %add3A_294 = arith.addi %mul3A_292, %add3A_293 : i32
      %swap3A_295 = arith.index_cast %add3A_294 : i32 to index
      %swap3A_296 = tpu.vector_load %arg13[%swap3A_295] {strides = array<i32>} : memref<512xi32, #tpu.memory_space<vmem>>, vector<16xi32>,
      tpu.vector_store %arg13[%swap3A_295], %or3A_290 {strides = array<i32>} : memref<512xi32, #tpu.memory_space<vmem>>, vector<16xi32>,
      %mul3A_297 = arith.constant 128 : i32
      %mul3A_298 = arith.muli %scan3A_181, %mul3A_297 : i32
      %add3A_299 = arith.constant 2048 : i32
      %add3A_300 = arith.addi %add3A_299, %mul3A_298 : i32
      %add3A_301 = arith.constant 48 : i32
      %add3A_302 = arith.addi %add3A_300, %add3A_301 : i32
      %get3A_303 = arith.index_cast %add3A_302 : i32 to index
      %get3A_304 = tpu.vector_load %arg6[%get3A_303] {strides = array<i32>} : memref<4096xi32, #tpu.memory_space<vmem>>, vector<16xi32>,
      %get3A_305 = arith.index_cast %add3A_302 : i32 to index
      %get3A_306 = tpu.vector_load %arg7[%get3A_305] {strides = array<i32>} : memref<4096xi32, #tpu.memory_space<vmem>>, vector<16xi32>,
      %shift_right_arithmetic3A_307 = arith.constant 3 : i32
      %shift_right_arithmetic3A_308 = vector.broadcast %shift_right_arithmetic3A_307 : i32 to vector<16xi32>
      %shift_right_arithmetic3A_309 = arith.shrsi %get3A_304, %shift_right_arithmetic3A_308 : vector<16xi32>
      %shift_left3A_310 = arith.constant 15 : i32
      %shift_left3A_311 = vector.broadcast %shift_left3A_310 : i32 to vector<16xi32>
      %shift_left3A_312 = arith.shli %shift_right_arithmetic3A_309, %shift_left3A_311 : vector<16xi32>
      %shift_right_arithmetic3A_313 = arith.constant 7 : i32
      %shift_right_arithmetic3A_314 = vector.broadcast %shift_right_arithmetic3A_313 : i32 to vector<16xi32>
      %shift_right_arithmetic3A_315 = arith.shrsi %get3A_306, %shift_right_arithmetic3A_314 : vector<16xi32>
      %shift_left3A_316 = arith.constant 10 : i32
      %shift_left3A_317 = vector.broadcast %shift_left3A_316 : i32 to vector<16xi32>
      %shift_left3A_318 = arith.shli %shift_right_arithmetic3A_315, %shift_left3A_317 : vector<16xi32>
      %or3A_319 = arith.ori %shift_left3A_312, %shift_left3A_318 : vector<16xi32>
      %and3A_320 = arith.constant 7 : i32
      %and3A_321 = vector.broadcast %and3A_320 : i32 to vector<16xi32>
      %and3A_322 = arith.andi %get3A_304, %and3A_321 : vector<16xi32>
      %shift_left3A_323 = arith.constant 7 : i32
      %shift_left3A_324 = vector.broadcast %shift_left3A_323 : i32 to vector<16xi32>
      %shift_left3A_325 = arith.shli %and3A_322, %shift_left3A_324 : vector<16xi32>
      %or3A_326 = arith.ori %or3A_319, %shift_left3A_325 : vector<16xi32>
      %and3A_327 = arith.constant 127 : i32
      %and3A_328 = vector.broadcast %and3A_327 : i32 to vector<16xi32>
      %and3A_329 = arith.andi %get3A_306, %and3A_328 : vector<16xi32>
      %or3A_330 = arith.ori %or3A_326, %and3A_329 : vector<16xi32>
      %mul3A_331 = arith.constant 128 : i32
      %mul3A_332 = arith.muli %scan3A_181, %mul3A_331 : i32
      %add3A_333 = arith.constant 48 : i32
      %add3A_334 = arith.addi %mul3A_332, %add3A_333 : i32
      %swap3A_335 = arith.index_cast %add3A_334 : i32 to index
      %swap3A_336 = tpu.vector_load %arg13[%swap3A_335] {strides = array<i32>} : memref<512xi32, #tpu.memory_space<vmem>>, vector<16xi32>,
      tpu.vector_store %arg13[%swap3A_335], %or3A_330 {strides = array<i32>} : memref<512xi32, #tpu.memory_space<vmem>>, vector<16xi32>,
      %mul3A_337 = arith.constant 128 : i32
      %mul3A_338 = arith.muli %scan3A_181, %mul3A_337 : i32
      %add3A_339 = arith.constant 2048 : i32
      %add3A_340 = arith.addi %add3A_339, %mul3A_338 : i32
      %add3A_341 = arith.constant 64 : i32
      %add3A_342 = arith.addi %add3A_340, %add3A_341 : i32
      %get3A_343 = arith.index_cast %add3A_342 : i32 to index
      %get3A_344 = tpu.vector_load %arg6[%get3A_343] {strides = array<i32>} : memref<4096xi32, #tpu.memory_space<vmem>>, vector<16xi32>,
      %get3A_345 = arith.index_cast %add3A_342 : i32 to index
      %get3A_346 = tpu.vector_load %arg7[%get3A_345] {strides = array<i32>} : memref<4096xi32, #tpu.memory_space<vmem>>, vector<16xi32>,
      %shift_right_arithmetic3A_347 = arith.constant 3 : i32
      %shift_right_arithmetic3A_348 = vector.broadcast %shift_right_arithmetic3A_347 : i32 to vector<16xi32>
      %shift_right_arithmetic3A_349 = arith.shrsi %get3A_344, %shift_right_arithmetic3A_348 : vector<16xi32>
      %shift_left3A_350 = arith.constant 15 : i32
      %shift_left3A_351 = vector.broadcast %shift_left3A_350 : i32 to vector<16xi32>
      %shift_left3A_352 = arith.shli %shift_right_arithmetic3A_349, %shift_left3A_351 : vector<16xi32>
      %shift_right_arithmetic3A_353 = arith.constant 7 : i32
      %shift_right_arithmetic3A_354 = vector.broadcast %shift_right_arithmetic3A_353 : i32 to vector<16xi32>
      %shift_right_arithmetic3A_355 = arith.shrsi %get3A_346, %shift_right_arithmetic3A_354 : vector<16xi32>
      %shift_left3A_356 = arith.constant 10 : i32
      %shift_left3A_357 = vector.broadcast %shift_left3A_356 : i32 to vector<16xi32>
      %shift_left3A_358 = arith.shli %shift_right_arithmetic3A_355, %shift_left3A_357 : vector<16xi32>
      %or3A_359 = arith.ori %shift_left3A_352, %shift_left3A_358 : vector<16xi32>
      %and3A_360 = arith.constant 7 : i32
      %and3A_361 = vector.broadcast %and3A_360 : i32 to vector<16xi32>
      %and3A_362 = arith.andi %get3A_344, %and3A_361 : vector<16xi32>
      %shift_left3A_363 = arith.constant 7 : i32
      %shift_left3A_364 = vector.broadcast %shift_left3A_363 : i32 to vector<16xi32>
      %shift_left3A_365 = arith.shli %and3A_362, %shift_left3A_364 : vector<16xi32>
      %or3A_366 = arith.ori %or3A_359, %shift_left3A_365 : vector<16xi32>
      %and3A_367 = arith.constant 127 : i32
      %and3A_368 = vector.broadcast %and3A_367 : i32 to vector<16xi32>
      %and3A_369 = arith.andi %get3A_346, %and3A_368 : vector<16xi32>
      %or3A_370 = arith.ori %or3A_366, %and3A_369 : vector<16xi32>
      %mul3A_371 = arith.constant 128 : i32
      %mul3A_372 = arith.muli %scan3A_181, %mul3A_371 : i32
      %add3A_373 = arith.constant 64 : i32
      %add3A_374 = arith.addi %mul3A_372, %add3A_373 : i32
      %swap3A_375 = arith.index_cast %add3A_374 : i32 to index
      %swap3A_376 = tpu.vector_load %arg13[%swap3A_375] {strides = array<i32>} : memref<512xi32, #tpu.memory_space<vmem>>, vector<16xi32>,
      tpu.vector_store %arg13[%swap3A_375], %or3A_370 {strides = array<i32>} : memref<512xi32, #tpu.memory_space<vmem>>, vector<16xi32>,
      %mul3A_377 = arith.constant 128 : i32
      %mul3A_378 = arith.muli %scan3A_181, %mul3A_377 : i32
      %add3A_379 = arith.constant 2048 : i32
      %add3A_380 = arith.addi %add3A_379, %mul3A_378 : i32
      %add3A_381 = arith.constant 80 : i32
      %add3A_382 = arith.addi %add3A_380, %add3A_381 : i32
      %get3A_383 = arith.index_cast %add3A_382 : i32 to index
      %get3A_384 = tpu.vector_load %arg6[%get3A_383] {strides = array<i32>} : memref<4096xi32, #tpu.memory_space<vmem>>, vector<16xi32>,
      %get3A_385 = arith.index_cast %add3A_382 : i32 to index
      %get3A_386 = tpu.vector_load %arg7[%get3A_385] {strides = array<i32>} : memref<4096xi32, #tpu.memory_space<vmem>>, vector<16xi32>,
      %shift_right_arithmetic3A_387 = arith.constant 3 : i32
      %shift_right_arithmetic3A_388 = vector.broadcast %shift_right_arithmetic3A_387 : i32 to vector<16xi32>
      %shift_right_arithmetic3A_389 = arith.shrsi %get3A_384, %shift_right_arithmetic3A_388 : vector<16xi32>
      %shift_left3A_390 = arith.constant 15 : i32
      %shift_left3A_391 = vector.broadcast %shift_left3A_390 : i32 to vector<16xi32>
      %shift_left3A_392 = arith.shli %shift_right_arithmetic3A_389, %shift_left3A_391 : vector<16xi32>
      %shift_right_arithmetic3A_393 = arith.constant 7 : i32
      %shift_right_arithmetic3A_394 = vector.broadcast %shift_right_arithmetic3A_393 : i32 to vector<16xi32>
      %shift_right_arithmetic3A_395 = arith.shrsi %get3A_386, %shift_right_arithmetic3A_394 : vector<16xi32>
      %shift_left3A_396 = arith.constant 10 : i32
      %shift_left3A_397 = vector.broadcast %shift_left3A_396 : i32 to vector<16xi32>
      %shift_left3A_398 = arith.shli %shift_right_arithmetic3A_395, %shift_left3A_397 : vector<16xi32>
      %or3A_399 = arith.ori %shift_left3A_392, %shift_left3A_398 : vector<16xi32>
      %and3A_400 = arith.constant 7 : i32
      %and3A_401 = vector.broadcast %and3A_400 : i32 to vector<16xi32>
      %and3A_402 = arith.andi %get3A_384, %and3A_401 : vector<16xi32>
      %shift_left3A_403 = arith.constant 7 : i32
      %shift_left3A_404 = vector.broadcast %shift_left3A_403 : i32 to vector<16xi32>
      %shift_left3A_405 = arith.shli %and3A_402, %shift_left3A_404 : vector<16xi32>
      %or3A_406 = arith.ori %or3A_399, %shift_left3A_405 : vector<16xi32>
      %and3A_407 = arith.constant 127 : i32
      %and3A_408 = vector.broadcast %and3A_407 : i32 to vector<16xi32>
      %and3A_409 = arith.andi %get3A_386, %and3A_408 : vector<16xi32>
      %or3A_410 = arith.ori %or3A_406, %and3A_409 : vector<16xi32>
      %mul3A_411 = arith.constant 128 : i32
      %mul3A_412 = arith.muli %scan3A_181, %mul3A_411 : i32
      %add3A_413 = arith.constant 80 : i32
      %add3A_414 = arith.addi %mul3A_412, %add3A_413 : i32
      %swap3A_415 = arith.index_cast %add3A_414 : i32 to index
      %swap3A_416 = tpu.vector_load %arg13[%swap3A_415] {strides = array<i32>} : memref<512xi32, #tpu.memory_space<vmem>>, vector<16xi32>,
      tpu.vector_store %arg13[%swap3A_415], %or3A_410 {strides = array<i32>} : memref<512xi32, #tpu.memory_space<vmem>>, vector<16xi32>,
      %mul3A_417 = arith.constant 128 : i32
      %mul3A_418 = arith.muli %scan3A_181, %mul3A_417 : i32
      %add3A_419 = arith.constant 2048 : i32
      %add3A_420 = arith.addi %add3A_419, %mul3A_418 : i32
      %add3A_421 = arith.constant 96 : i32
      %add3A_422 = arith.addi %add3A_420, %add3A_421 : i32
      %get3A_423 = arith.index_cast %add3A_422 : i32 to index
      %get3A_424 = tpu.vector_load %arg6[%get3A_423] {strides = array<i32>} : memref<4096xi32, #tpu.memory_space<vmem>>, vector<16xi32>,
      %get3A_425 = arith.index_cast %add3A_422 : i32 to index
      %get3A_426 = tpu.vector_load %arg7[%get3A_425] {strides = array<i32>} : memref<4096xi32, #tpu.memory_space<vmem>>, vector<16xi32>,
      %shift_right_arithmetic3A_427 = arith.constant 3 : i32
      %shift_right_arithmetic3A_428 = vector.broadcast %shift_right_arithmetic3A_427 : i32 to vector<16xi32>
      %shift_right_arithmetic3A_429 = arith.shrsi %get3A_424, %shift_right_arithmetic3A_428 : vector<16xi32>
      %shift_left3A_430 = arith.constant 15 : i32
      %shift_left3A_431 = vector.broadcast %shift_left3A_430 : i32 to vector<16xi32>
      %shift_left3A_432 = arith.shli %shift_right_arithmetic3A_429, %shift_left3A_431 : vector<16xi32>
      %shift_right_arithmetic3A_433 = arith.constant 7 : i32
      %shift_right_arithmetic3A_434 = vector.broadcast %shift_right_arithmetic3A_433 : i32 to vector<16xi32>
      %shift_right_arithmetic3A_435 = arith.shrsi %get3A_426, %shift_right_arithmetic3A_434 : vector<16xi32>
      %shift_left3A_436 = arith.constant 10 : i32
      %shift_left3A_437 = vector.broadcast %shift_left3A_436 : i32 to vector<16xi32>
      %shift_left3A_438 = arith.shli %shift_right_arithmetic3A_435, %shift_left3A_437 : vector<16xi32>
      %or3A_439 = arith.ori %shift_left3A_432, %shift_left3A_438 : vector<16xi32>
      %and3A_440 = arith.constant 7 : i32
      %and3A_441 = vector.broadcast %and3A_440 : i32 to vector<16xi32>
      %and3A_442 = arith.andi %get3A_424, %and3A_441 : vector<16xi32>
      %shift_left3A_443 = arith.constant 7 : i32
      %shift_left3A_444 = vector.broadcast %shift_left3A_443 : i32 to vector<16xi32>
      %shift_left3A_445 = arith.shli %and3A_442, %shift_left3A_444 : vector<16xi32>
      %or3A_446 = arith.ori %or3A_439, %shift_left3A_445 : vector<16xi32>
      %and3A_447 = arith.constant 127 : i32
      %and3A_448 = vector.broadcast %and3A_447 : i32 to vector<16xi32>
      %and3A_449 = arith.andi %get3A_426, %and3A_448 : vector<16xi32>
      %or3A_450 = arith.ori %or3A_446, %and3A_449 : vector<16xi32>
      %mul3A_451 = arith.constant 128 : i32
      %mul3A_452 = arith.muli %scan3A_181, %mul3A_451 : i32
      %add3A_453 = arith.constant 96 : i32
      %add3A_454 = arith.addi %mul3A_452, %add3A_453 : i32
      %swap3A_455 = arith.index_cast %add3A_454 : i32 to index
      %swap3A_456 = tpu.vector_load %arg13[%swap3A_455] {strides = array<i32>} : memref<512xi32, #tpu.memory_space<vmem>>, vector<16xi32>,
      tpu.vector_store %arg13[%swap3A_455], %or3A_450 {strides = array<i32>} : memref<512xi32, #tpu.memory_space<vmem>>, vector<16xi32>,
      %mul3A_457 = arith.constant 128 : i32
      %mul3A_458 = arith.muli %scan3A_181, %mul3A_457 : i32
      %add3A_459 = arith.constant 2048 : i32
      %add3A_460 = arith.addi %add3A_459, %mul3A_458 : i32
      %add3A_461 = arith.constant 112 : i32
      %add3A_462 = arith.addi %add3A_460, %add3A_461 : i32
      %get3A_463 = arith.index_cast %add3A_462 : i32 to index
      %get3A_464 = tpu.vector_load %arg6[%get3A_463] {strides = array<i32>} : memref<4096xi32, #tpu.memory_space<vmem>>, vector<16xi32>,
      %get3A_465 = arith.index_cast %add3A_462 : i32 to index
      %get3A_466 = tpu.vector_load %arg7[%get3A_465] {strides = array<i32>} : memref<4096xi32, #tpu.memory_space<vmem>>, vector<16xi32>,
      %shift_right_arithmetic3A_467 = arith.constant 3 : i32
      %shift_right_arithmetic3A_468 = vector.broadcast %shift_right_arithmetic3A_467 : i32 to vector<16xi32>
      %shift_right_arithmetic3A_469 = arith.shrsi %get3A_464, %shift_right_arithmetic3A_468 : vector<16xi32>
      %shift_left3A_470 = arith.constant 15 : i32
      %shift_left3A_471 = vector.broadcast %shift_left3A_470 : i32 to vector<16xi32>
      %shift_left3A_472 = arith.shli %shift_right_arithmetic3A_469, %shift_left3A_471 : vector<16xi32>
      %shift_right_arithmetic3A_473 = arith.constant 7 : i32
      %shift_right_arithmetic3A_474 = vector.broadcast %shift_right_arithmetic3A_473 : i32 to vector<16xi32>
      %shift_right_arithmetic3A_475 = arith.shrsi %get3A_466, %shift_right_arithmetic3A_474 : vector<16xi32>
      %shift_left3A_476 = arith.constant 10 : i32
      %shift_left3A_477 = vector.broadcast %shift_left3A_476 : i32 to vector<16xi32>
      %shift_left3A_478 = arith.shli %shift_right_arithmetic3A_475, %shift_left3A_477 : vector<16xi32>
      %or3A_479 = arith.ori %shift_left3A_472, %shift_left3A_478 : vector<16xi32>
      %and3A_480 = arith.constant 7 : i32
      %and3A_481 = vector.broadcast %and3A_480 : i32 to vector<16xi32>
      %and3A_482 = arith.andi %get3A_464, %and3A_481 : vector<16xi32>
      %shift_left3A_483 = arith.constant 7 : i32
      %shift_left3A_484 = vector.broadcast %shift_left3A_483 : i32 to vector<16xi32>
      %shift_left3A_485 = arith.shli %and3A_482, %shift_left3A_484 : vector<16xi32>
      %or3A_486 = arith.ori %or3A_479, %shift_left3A_485 : vector<16xi32>
      %and3A_487 = arith.constant 127 : i32
      %and3A_488 = vector.broadcast %and3A_487 : i32 to vector<16xi32>
      %and3A_489 = arith.andi %get3A_466, %and3A_488 : vector<16xi32>
      %or3A_490 = arith.ori %or3A_486, %and3A_489 : vector<16xi32>
      %mul3A_491 = arith.constant 128 : i32
      %mul3A_492 = arith.muli %scan3A_181, %mul3A_491 : i32
      %add3A_493 = arith.constant 112 : i32
      %add3A_494 = arith.addi %mul3A_492, %add3A_493 : i32
      %swap3A_495 = arith.index_cast %add3A_494 : i32 to index
      %swap3A_496 = tpu.vector_load %arg13[%swap3A_495] {strides = array<i32>} : memref<512xi32, #tpu.memory_space<vmem>>, vector<16xi32>,
      tpu.vector_store %arg13[%swap3A_495], %or3A_490 {strides = array<i32>} : memref<512xi32, #tpu.memory_space<vmem>>, vector<16xi32>,
      %scan3A_497 = arith.constant 0 : i32
      scf.yield %scan3A_497 : i32
    }
    %scan3A_46 = arith.constant 4 : i32
    %dma_start3A_47 = arith.constant 0 : i32
    %dma_start3A_48 = tpu.memref_slice %arg2[%dma_start3A_47] : memref<16777216xf32, #tpu.memory_space<hbm>> -> memref<16777216xf32, #tpu.memory_space<hbm>>
    tpu.enqueue_indirect_dma source(%dma_start3A_48 : memref<16777216xf32, #tpu.memory_space<hbm>>) target(%arg21 : memref<512xf32, #tpu.memory_space<vmem>>) offsets(%arg13 : memref<512xi32, #tpu.memory_space<vmem>>) semaphore(%arg29 : memref<!tpu.dma_semaphore, #tpu.memory_space<semaphore_mem>>)
    %scan3A_49 = arith.constant 0 : i32
    %scan3A_50 = arith.constant 0 : i32
    %scan3A_51 = arith.constant 4 : i32
    %scan3A_52 = arith.addi %scan3A_50, %scan3A_51 : i32
    %scan3A_53 = arith.constant 1 : i32
    %scan3A_54 = scf.for %scan3A_181 = %scan3A_50 to %scan3A_52 step %scan3A_53 iter_args(%scan3A_182 = %scan3A_49) -> (i32)  : i32 {
      %mul3A_183 = arith.constant 128 : i32
      %mul3A_184 = arith.muli %scan3A_181, %mul3A_183 : i32
      %add3A_185 = arith.constant 2560 : i32
      %add3A_186 = arith.addi %add3A_185, %mul3A_184 : i32
      %add3A_187 = arith.constant 0 : i32
      %add3A_188 = arith.addi %add3A_186, %add3A_187 : i32
      %get3A = arith.index_cast %add3A_188 : i32 to index
      %get3A_189 = tpu.vector_load %arg6[%get3A] {strides = array<i32>} : memref<4096xi32, #tpu.memory_space<vmem>>, vector<16xi32>,
      %get3A_190 = arith.index_cast %add3A_188 : i32 to index
      %get3A_191 = tpu.vector_load %arg7[%get3A_190] {strides = array<i32>} : memref<4096xi32, #tpu.memory_space<vmem>>, vector<16xi32>,
      %shift_right_arithmetic3A = arith.constant 3 : i32
      %shift_right_arithmetic3A_192 = vector.broadcast %shift_right_arithmetic3A : i32 to vector<16xi32>
      %shift_right_arithmetic3A_193 = arith.shrsi %get3A_189, %shift_right_arithmetic3A_192 : vector<16xi32>
      %shift_left3A = arith.constant 15 : i32
      %shift_left3A_194 = vector.broadcast %shift_left3A : i32 to vector<16xi32>
      %shift_left3A_195 = arith.shli %shift_right_arithmetic3A_193, %shift_left3A_194 : vector<16xi32>
      %shift_right_arithmetic3A_196 = arith.constant 7 : i32
      %shift_right_arithmetic3A_197 = vector.broadcast %shift_right_arithmetic3A_196 : i32 to vector<16xi32>
      %shift_right_arithmetic3A_198 = arith.shrsi %get3A_191, %shift_right_arithmetic3A_197 : vector<16xi32>
      %shift_left3A_199 = arith.constant 10 : i32
      %shift_left3A_200 = vector.broadcast %shift_left3A_199 : i32 to vector<16xi32>
      %shift_left3A_201 = arith.shli %shift_right_arithmetic3A_198, %shift_left3A_200 : vector<16xi32>
      %or3A = arith.ori %shift_left3A_195, %shift_left3A_201 : vector<16xi32>
      %and3A = arith.constant 7 : i32
      %and3A_202 = vector.broadcast %and3A : i32 to vector<16xi32>
      %and3A_203 = arith.andi %get3A_189, %and3A_202 : vector<16xi32>
      %shift_left3A_204 = arith.constant 7 : i32
      %shift_left3A_205 = vector.broadcast %shift_left3A_204 : i32 to vector<16xi32>
      %shift_left3A_206 = arith.shli %and3A_203, %shift_left3A_205 : vector<16xi32>
      %or3A_207 = arith.ori %or3A, %shift_left3A_206 : vector<16xi32>
      %and3A_208 = arith.constant 127 : i32
      %and3A_209 = vector.broadcast %and3A_208 : i32 to vector<16xi32>
      %and3A_210 = arith.andi %get3A_191, %and3A_209 : vector<16xi32>
      %or3A_211 = arith.ori %or3A_207, %and3A_210 : vector<16xi32>
      %mul3A_212 = arith.constant 128 : i32
      %mul3A_213 = arith.muli %scan3A_181, %mul3A_212 : i32
      %add3A_214 = arith.constant 0 : i32
      %add3A_215 = arith.addi %mul3A_213, %add3A_214 : i32
      %swap3A = arith.index_cast %add3A_215 : i32 to index
      %swap3A_216 = tpu.vector_load %arg14[%swap3A] {strides = array<i32>} : memref<512xi32, #tpu.memory_space<vmem>>, vector<16xi32>,
      tpu.vector_store %arg14[%swap3A], %or3A_211 {strides = array<i32>} : memref<512xi32, #tpu.memory_space<vmem>>, vector<16xi32>,
      %mul3A_217 = arith.constant 128 : i32
      %mul3A_218 = arith.muli %scan3A_181, %mul3A_217 : i32
      %add3A_219 = arith.constant 2560 : i32
      %add3A_220 = arith.addi %add3A_219, %mul3A_218 : i32
      %add3A_221 = arith.constant 16 : i32
      %add3A_222 = arith.addi %add3A_220, %add3A_221 : i32
      %get3A_223 = arith.index_cast %add3A_222 : i32 to index
      %get3A_224 = tpu.vector_load %arg6[%get3A_223] {strides = array<i32>} : memref<4096xi32, #tpu.memory_space<vmem>>, vector<16xi32>,
      %get3A_225 = arith.index_cast %add3A_222 : i32 to index
      %get3A_226 = tpu.vector_load %arg7[%get3A_225] {strides = array<i32>} : memref<4096xi32, #tpu.memory_space<vmem>>, vector<16xi32>,
      %shift_right_arithmetic3A_227 = arith.constant 3 : i32
      %shift_right_arithmetic3A_228 = vector.broadcast %shift_right_arithmetic3A_227 : i32 to vector<16xi32>
      %shift_right_arithmetic3A_229 = arith.shrsi %get3A_224, %shift_right_arithmetic3A_228 : vector<16xi32>
      %shift_left3A_230 = arith.constant 15 : i32
      %shift_left3A_231 = vector.broadcast %shift_left3A_230 : i32 to vector<16xi32>
      %shift_left3A_232 = arith.shli %shift_right_arithmetic3A_229, %shift_left3A_231 : vector<16xi32>
      %shift_right_arithmetic3A_233 = arith.constant 7 : i32
      %shift_right_arithmetic3A_234 = vector.broadcast %shift_right_arithmetic3A_233 : i32 to vector<16xi32>
      %shift_right_arithmetic3A_235 = arith.shrsi %get3A_226, %shift_right_arithmetic3A_234 : vector<16xi32>
      %shift_left3A_236 = arith.constant 10 : i32
      %shift_left3A_237 = vector.broadcast %shift_left3A_236 : i32 to vector<16xi32>
      %shift_left3A_238 = arith.shli %shift_right_arithmetic3A_235, %shift_left3A_237 : vector<16xi32>
      %or3A_239 = arith.ori %shift_left3A_232, %shift_left3A_238 : vector<16xi32>
      %and3A_240 = arith.constant 7 : i32
      %and3A_241 = vector.broadcast %and3A_240 : i32 to vector<16xi32>
      %and3A_242 = arith.andi %get3A_224, %and3A_241 : vector<16xi32>
      %shift_left3A_243 = arith.constant 7 : i32
      %shift_left3A_244 = vector.broadcast %shift_left3A_243 : i32 to vector<16xi32>
      %shift_left3A_245 = arith.shli %and3A_242, %shift_left3A_244 : vector<16xi32>
      %or3A_246 = arith.ori %or3A_239, %shift_left3A_245 : vector<16xi32>
      %and3A_247 = arith.constant 127 : i32
      %and3A_248 = vector.broadcast %and3A_247 : i32 to vector<16xi32>
      %and3A_249 = arith.andi %get3A_226, %and3A_248 : vector<16xi32>
      %or3A_250 = arith.ori %or3A_246, %and3A_249 : vector<16xi32>
      %mul3A_251 = arith.constant 128 : i32
      %mul3A_252 = arith.muli %scan3A_181, %mul3A_251 : i32
      %add3A_253 = arith.constant 16 : i32
      %add3A_254 = arith.addi %mul3A_252, %add3A_253 : i32
      %swap3A_255 = arith.index_cast %add3A_254 : i32 to index
      %swap3A_256 = tpu.vector_load %arg14[%swap3A_255] {strides = array<i32>} : memref<512xi32, #tpu.memory_space<vmem>>, vector<16xi32>,
      tpu.vector_store %arg14[%swap3A_255], %or3A_250 {strides = array<i32>} : memref<512xi32, #tpu.memory_space<vmem>>, vector<16xi32>,
      %mul3A_257 = arith.constant 128 : i32
      %mul3A_258 = arith.muli %scan3A_181, %mul3A_257 : i32
      %add3A_259 = arith.constant 2560 : i32
      %add3A_260 = arith.addi %add3A_259, %mul3A_258 : i32
      %add3A_261 = arith.constant 32 : i32
      %add3A_262 = arith.addi %add3A_260, %add3A_261 : i32
      %get3A_263 = arith.index_cast %add3A_262 : i32 to index
      %get3A_264 = tpu.vector_load %arg6[%get3A_263] {strides = array<i32>} : memref<4096xi32, #tpu.memory_space<vmem>>, vector<16xi32>,
      %get3A_265 = arith.index_cast %add3A_262 : i32 to index
      %get3A_266 = tpu.vector_load %arg7[%get3A_265] {strides = array<i32>} : memref<4096xi32, #tpu.memory_space<vmem>>, vector<16xi32>,
      %shift_right_arithmetic3A_267 = arith.constant 3 : i32
      %shift_right_arithmetic3A_268 = vector.broadcast %shift_right_arithmetic3A_267 : i32 to vector<16xi32>
      %shift_right_arithmetic3A_269 = arith.shrsi %get3A_264, %shift_right_arithmetic3A_268 : vector<16xi32>
      %shift_left3A_270 = arith.constant 15 : i32
      %shift_left3A_271 = vector.broadcast %shift_left3A_270 : i32 to vector<16xi32>
      %shift_left3A_272 = arith.shli %shift_right_arithmetic3A_269, %shift_left3A_271 : vector<16xi32>
      %shift_right_arithmetic3A_273 = arith.constant 7 : i32
      %shift_right_arithmetic3A_274 = vector.broadcast %shift_right_arithmetic3A_273 : i32 to vector<16xi32>
      %shift_right_arithmetic3A_275 = arith.shrsi %get3A_266, %shift_right_arithmetic3A_274 : vector<16xi32>
      %shift_left3A_276 = arith.constant 10 : i32
      %shift_left3A_277 = vector.broadcast %shift_left3A_276 : i32 to vector<16xi32>
      %shift_left3A_278 = arith.shli %shift_right_arithmetic3A_275, %shift_left3A_277 : vector<16xi32>
      %or3A_279 = arith.ori %shift_left3A_272, %shift_left3A_278 : vector<16xi32>
      %and3A_280 = arith.constant 7 : i32
      %and3A_281 = vector.broadcast %and3A_280 : i32 to vector<16xi32>
      %and3A_282 = arith.andi %get3A_264, %and3A_281 : vector<16xi32>
      %shift_left3A_283 = arith.constant 7 : i32
      %shift_left3A_284 = vector.broadcast %shift_left3A_283 : i32 to vector<16xi32>
      %shift_left3A_285 = arith.shli %and3A_282, %shift_left3A_284 : vector<16xi32>
      %or3A_286 = arith.ori %or3A_279, %shift_left3A_285 : vector<16xi32>
      %and3A_287 = arith.constant 127 : i32
      %and3A_288 = vector.broadcast %and3A_287 : i32 to vector<16xi32>
      %and3A_289 = arith.andi %get3A_266, %and3A_288 : vector<16xi32>
      %or3A_290 = arith.ori %or3A_286, %and3A_289 : vector<16xi32>
      %mul3A_291 = arith.constant 128 : i32
      %mul3A_292 = arith.muli %scan3A_181, %mul3A_291 : i32
      %add3A_293 = arith.constant 32 : i32
      %add3A_294 = arith.addi %mul3A_292, %add3A_293 : i32
      %swap3A_295 = arith.index_cast %add3A_294 : i32 to index
      %swap3A_296 = tpu.vector_load %arg14[%swap3A_295] {strides = array<i32>} : memref<512xi32, #tpu.memory_space<vmem>>, vector<16xi32>,
      tpu.vector_store %arg14[%swap3A_295], %or3A_290 {strides = array<i32>} : memref<512xi32, #tpu.memory_space<vmem>>, vector<16xi32>,
      %mul3A_297 = arith.constant 128 : i32
      %mul3A_298 = arith.muli %scan3A_181, %mul3A_297 : i32
      %add3A_299 = arith.constant 2560 : i32
      %add3A_300 = arith.addi %add3A_299, %mul3A_298 : i32
      %add3A_301 = arith.constant 48 : i32
      %add3A_302 = arith.addi %add3A_300, %add3A_301 : i32
      %get3A_303 = arith.index_cast %add3A_302 : i32 to index
      %get3A_304 = tpu.vector_load %arg6[%get3A_303] {strides = array<i32>} : memref<4096xi32, #tpu.memory_space<vmem>>, vector<16xi32>,
      %get3A_305 = arith.index_cast %add3A_302 : i32 to index
      %get3A_306 = tpu.vector_load %arg7[%get3A_305] {strides = array<i32>} : memref<4096xi32, #tpu.memory_space<vmem>>, vector<16xi32>,
      %shift_right_arithmetic3A_307 = arith.constant 3 : i32
      %shift_right_arithmetic3A_308 = vector.broadcast %shift_right_arithmetic3A_307 : i32 to vector<16xi32>
      %shift_right_arithmetic3A_309 = arith.shrsi %get3A_304, %shift_right_arithmetic3A_308 : vector<16xi32>
      %shift_left3A_310 = arith.constant 15 : i32
      %shift_left3A_311 = vector.broadcast %shift_left3A_310 : i32 to vector<16xi32>
      %shift_left3A_312 = arith.shli %shift_right_arithmetic3A_309, %shift_left3A_311 : vector<16xi32>
      %shift_right_arithmetic3A_313 = arith.constant 7 : i32
      %shift_right_arithmetic3A_314 = vector.broadcast %shift_right_arithmetic3A_313 : i32 to vector<16xi32>
      %shift_right_arithmetic3A_315 = arith.shrsi %get3A_306, %shift_right_arithmetic3A_314 : vector<16xi32>
      %shift_left3A_316 = arith.constant 10 : i32
      %shift_left3A_317 = vector.broadcast %shift_left3A_316 : i32 to vector<16xi32>
      %shift_left3A_318 = arith.shli %shift_right_arithmetic3A_315, %shift_left3A_317 : vector<16xi32>
      %or3A_319 = arith.ori %shift_left3A_312, %shift_left3A_318 : vector<16xi32>
      %and3A_320 = arith.constant 7 : i32
      %and3A_321 = vector.broadcast %and3A_320 : i32 to vector<16xi32>
      %and3A_322 = arith.andi %get3A_304, %and3A_321 : vector<16xi32>
      %shift_left3A_323 = arith.constant 7 : i32
      %shift_left3A_324 = vector.broadcast %shift_left3A_323 : i32 to vector<16xi32>
      %shift_left3A_325 = arith.shli %and3A_322, %shift_left3A_324 : vector<16xi32>
      %or3A_326 = arith.ori %or3A_319, %shift_left3A_325 : vector<16xi32>
      %and3A_327 = arith.constant 127 : i32
      %and3A_328 = vector.broadcast %and3A_327 : i32 to vector<16xi32>
      %and3A_329 = arith.andi %get3A_306, %and3A_328 : vector<16xi32>
      %or3A_330 = arith.ori %or3A_326, %and3A_329 : vector<16xi32>
      %mul3A_331 = arith.constant 128 : i32
      %mul3A_332 = arith.muli %scan3A_181, %mul3A_331 : i32
      %add3A_333 = arith.constant 48 : i32
      %add3A_334 = arith.addi %mul3A_332, %add3A_333 : i32
      %swap3A_335 = arith.index_cast %add3A_334 : i32 to index
      %swap3A_336 = tpu.vector_load %arg14[%swap3A_335] {strides = array<i32>} : memref<512xi32, #tpu.memory_space<vmem>>, vector<16xi32>,
      tpu.vector_store %arg14[%swap3A_335], %or3A_330 {strides = array<i32>} : memref<512xi32, #tpu.memory_space<vmem>>, vector<16xi32>,
      %mul3A_337 = arith.constant 128 : i32
      %mul3A_338 = arith.muli %scan3A_181, %mul3A_337 : i32
      %add3A_339 = arith.constant 2560 : i32
      %add3A_340 = arith.addi %add3A_339, %mul3A_338 : i32
      %add3A_341 = arith.constant 64 : i32
      %add3A_342 = arith.addi %add3A_340, %add3A_341 : i32
      %get3A_343 = arith.index_cast %add3A_342 : i32 to index
      %get3A_344 = tpu.vector_load %arg6[%get3A_343] {strides = array<i32>} : memref<4096xi32, #tpu.memory_space<vmem>>, vector<16xi32>,
      %get3A_345 = arith.index_cast %add3A_342 : i32 to index
      %get3A_346 = tpu.vector_load %arg7[%get3A_345] {strides = array<i32>} : memref<4096xi32, #tpu.memory_space<vmem>>, vector<16xi32>,
      %shift_right_arithmetic3A_347 = arith.constant 3 : i32
      %shift_right_arithmetic3A_348 = vector.broadcast %shift_right_arithmetic3A_347 : i32 to vector<16xi32>
      %shift_right_arithmetic3A_349 = arith.shrsi %get3A_344, %shift_right_arithmetic3A_348 : vector<16xi32>
      %shift_left3A_350 = arith.constant 15 : i32
      %shift_left3A_351 = vector.broadcast %shift_left3A_350 : i32 to vector<16xi32>
      %shift_left3A_352 = arith.shli %shift_right_arithmetic3A_349, %shift_left3A_351 : vector<16xi32>
      %shift_right_arithmetic3A_353 = arith.constant 7 : i32
      %shift_right_arithmetic3A_354 = vector.broadcast %shift_right_arithmetic3A_353 : i32 to vector<16xi32>
      %shift_right_arithmetic3A_355 = arith.shrsi %get3A_346, %shift_right_arithmetic3A_354 : vector<16xi32>
      %shift_left3A_356 = arith.constant 10 : i32
      %shift_left3A_357 = vector.broadcast %shift_left3A_356 : i32 to vector<16xi32>
      %shift_left3A_358 = arith.shli %shift_right_arithmetic3A_355, %shift_left3A_357 : vector<16xi32>
      %or3A_359 = arith.ori %shift_left3A_352, %shift_left3A_358 : vector<16xi32>
      %and3A_360 = arith.constant 7 : i32
      %and3A_361 = vector.broadcast %and3A_360 : i32 to vector<16xi32>
      %and3A_362 = arith.andi %get3A_344, %and3A_361 : vector<16xi32>
      %shift_left3A_363 = arith.constant 7 : i32
      %shift_left3A_364 = vector.broadcast %shift_left3A_363 : i32 to vector<16xi32>
      %shift_left3A_365 = arith.shli %and3A_362, %shift_left3A_364 : vector<16xi32>
      %or3A_366 = arith.ori %or3A_359, %shift_left3A_365 : vector<16xi32>
      %and3A_367 = arith.constant 127 : i32
      %and3A_368 = vector.broadcast %and3A_367 : i32 to vector<16xi32>
      %and3A_369 = arith.andi %get3A_346, %and3A_368 : vector<16xi32>
      %or3A_370 = arith.ori %or3A_366, %and3A_369 : vector<16xi32>
      %mul3A_371 = arith.constant 128 : i32
      %mul3A_372 = arith.muli %scan3A_181, %mul3A_371 : i32
      %add3A_373 = arith.constant 64 : i32
      %add3A_374 = arith.addi %mul3A_372, %add3A_373 : i32
      %swap3A_375 = arith.index_cast %add3A_374 : i32 to index
      %swap3A_376 = tpu.vector_load %arg14[%swap3A_375] {strides = array<i32>} : memref<512xi32, #tpu.memory_space<vmem>>, vector<16xi32>,
      tpu.vector_store %arg14[%swap3A_375], %or3A_370 {strides = array<i32>} : memref<512xi32, #tpu.memory_space<vmem>>, vector<16xi32>,
      %mul3A_377 = arith.constant 128 : i32
      %mul3A_378 = arith.muli %scan3A_181, %mul3A_377 : i32
      %add3A_379 = arith.constant 2560 : i32
      %add3A_380 = arith.addi %add3A_379, %mul3A_378 : i32
      %add3A_381 = arith.constant 80 : i32
      %add3A_382 = arith.addi %add3A_380, %add3A_381 : i32
      %get3A_383 = arith.index_cast %add3A_382 : i32 to index
      %get3A_384 = tpu.vector_load %arg6[%get3A_383] {strides = array<i32>} : memref<4096xi32, #tpu.memory_space<vmem>>, vector<16xi32>,
      %get3A_385 = arith.index_cast %add3A_382 : i32 to index
      %get3A_386 = tpu.vector_load %arg7[%get3A_385] {strides = array<i32>} : memref<4096xi32, #tpu.memory_space<vmem>>, vector<16xi32>,
      %shift_right_arithmetic3A_387 = arith.constant 3 : i32
      %shift_right_arithmetic3A_388 = vector.broadcast %shift_right_arithmetic3A_387 : i32 to vector<16xi32>
      %shift_right_arithmetic3A_389 = arith.shrsi %get3A_384, %shift_right_arithmetic3A_388 : vector<16xi32>
      %shift_left3A_390 = arith.constant 15 : i32
      %shift_left3A_391 = vector.broadcast %shift_left3A_390 : i32 to vector<16xi32>
      %shift_left3A_392 = arith.shli %shift_right_arithmetic3A_389, %shift_left3A_391 : vector<16xi32>
      %shift_right_arithmetic3A_393 = arith.constant 7 : i32
      %shift_right_arithmetic3A_394 = vector.broadcast %shift_right_arithmetic3A_393 : i32 to vector<16xi32>
      %shift_right_arithmetic3A_395 = arith.shrsi %get3A_386, %shift_right_arithmetic3A_394 : vector<16xi32>
      %shift_left3A_396 = arith.constant 10 : i32
      %shift_left3A_397 = vector.broadcast %shift_left3A_396 : i32 to vector<16xi32>
      %shift_left3A_398 = arith.shli %shift_right_arithmetic3A_395, %shift_left3A_397 : vector<16xi32>
      %or3A_399 = arith.ori %shift_left3A_392, %shift_left3A_398 : vector<16xi32>
      %and3A_400 = arith.constant 7 : i32
      %and3A_401 = vector.broadcast %and3A_400 : i32 to vector<16xi32>
      %and3A_402 = arith.andi %get3A_384, %and3A_401 : vector<16xi32>
      %shift_left3A_403 = arith.constant 7 : i32
      %shift_left3A_404 = vector.broadcast %shift_left3A_403 : i32 to vector<16xi32>
      %shift_left3A_405 = arith.shli %and3A_402, %shift_left3A_404 : vector<16xi32>
      %or3A_406 = arith.ori %or3A_399, %shift_left3A_405 : vector<16xi32>
      %and3A_407 = arith.constant 127 : i32
      %and3A_408 = vector.broadcast %and3A_407 : i32 to vector<16xi32>
      %and3A_409 = arith.andi %get3A_386, %and3A_408 : vector<16xi32>
      %or3A_410 = arith.ori %or3A_406, %and3A_409 : vector<16xi32>
      %mul3A_411 = arith.constant 128 : i32
      %mul3A_412 = arith.muli %scan3A_181, %mul3A_411 : i32
      %add3A_413 = arith.constant 80 : i32
      %add3A_414 = arith.addi %mul3A_412, %add3A_413 : i32
      %swap3A_415 = arith.index_cast %add3A_414 : i32 to index
      %swap3A_416 = tpu.vector_load %arg14[%swap3A_415] {strides = array<i32>} : memref<512xi32, #tpu.memory_space<vmem>>, vector<16xi32>,
      tpu.vector_store %arg14[%swap3A_415], %or3A_410 {strides = array<i32>} : memref<512xi32, #tpu.memory_space<vmem>>, vector<16xi32>,
      %mul3A_417 = arith.constant 128 : i32
      %mul3A_418 = arith.muli %scan3A_181, %mul3A_417 : i32
      %add3A_419 = arith.constant 2560 : i32
      %add3A_420 = arith.addi %add3A_419, %mul3A_418 : i32
      %add3A_421 = arith.constant 96 : i32
      %add3A_422 = arith.addi %add3A_420, %add3A_421 : i32
      %get3A_423 = arith.index_cast %add3A_422 : i32 to index
      %get3A_424 = tpu.vector_load %arg6[%get3A_423] {strides = array<i32>} : memref<4096xi32, #tpu.memory_space<vmem>>, vector<16xi32>,
      %get3A_425 = arith.index_cast %add3A_422 : i32 to index
      %get3A_426 = tpu.vector_load %arg7[%get3A_425] {strides = array<i32>} : memref<4096xi32, #tpu.memory_space<vmem>>, vector<16xi32>,
      %shift_right_arithmetic3A_427 = arith.constant 3 : i32
      %shift_right_arithmetic3A_428 = vector.broadcast %shift_right_arithmetic3A_427 : i32 to vector<16xi32>
      %shift_right_arithmetic3A_429 = arith.shrsi %get3A_424, %shift_right_arithmetic3A_428 : vector<16xi32>
      %shift_left3A_430 = arith.constant 15 : i32
      %shift_left3A_431 = vector.broadcast %shift_left3A_430 : i32 to vector<16xi32>
      %shift_left3A_432 = arith.shli %shift_right_arithmetic3A_429, %shift_left3A_431 : vector<16xi32>
      %shift_right_arithmetic3A_433 = arith.constant 7 : i32
      %shift_right_arithmetic3A_434 = vector.broadcast %shift_right_arithmetic3A_433 : i32 to vector<16xi32>
      %shift_right_arithmetic3A_435 = arith.shrsi %get3A_426, %shift_right_arithmetic3A_434 : vector<16xi32>
      %shift_left3A_436 = arith.constant 10 : i32
      %shift_left3A_437 = vector.broadcast %shift_left3A_436 : i32 to vector<16xi32>
      %shift_left3A_438 = arith.shli %shift_right_arithmetic3A_435, %shift_left3A_437 : vector<16xi32>
      %or3A_439 = arith.ori %shift_left3A_432, %shift_left3A_438 : vector<16xi32>
      %and3A_440 = arith.constant 7 : i32
      %and3A_441 = vector.broadcast %and3A_440 : i32 to vector<16xi32>
      %and3A_442 = arith.andi %get3A_424, %and3A_441 : vector<16xi32>
      %shift_left3A_443 = arith.constant 7 : i32
      %shift_left3A_444 = vector.broadcast %shift_left3A_443 : i32 to vector<16xi32>
      %shift_left3A_445 = arith.shli %and3A_442, %shift_left3A_444 : vector<16xi32>
      %or3A_446 = arith.ori %or3A_439, %shift_left3A_445 : vector<16xi32>
      %and3A_447 = arith.constant 127 : i32
      %and3A_448 = vector.broadcast %and3A_447 : i32 to vector<16xi32>
      %and3A_449 = arith.andi %get3A_426, %and3A_448 : vector<16xi32>
      %or3A_450 = arith.ori %or3A_446, %and3A_449 : vector<16xi32>
      %mul3A_451 = arith.constant 128 : i32
      %mul3A_452 = arith.muli %scan3A_181, %mul3A_451 : i32
      %add3A_453 = arith.constant 96 : i32
      %add3A_454 = arith.addi %mul3A_452, %add3A_453 : i32
      %swap3A_455 = arith.index_cast %add3A_454 : i32 to index
      %swap3A_456 = tpu.vector_load %arg14[%swap3A_455] {strides = array<i32>} : memref<512xi32, #tpu.memory_space<vmem>>, vector<16xi32>,
      tpu.vector_store %arg14[%swap3A_455], %or3A_450 {strides = array<i32>} : memref<512xi32, #tpu.memory_space<vmem>>, vector<16xi32>,
      %mul3A_457 = arith.constant 128 : i32
      %mul3A_458 = arith.muli %scan3A_181, %mul3A_457 : i32
      %add3A_459 = arith.constant 2560 : i32
      %add3A_460 = arith.addi %add3A_459, %mul3A_458 : i32
      %add3A_461 = arith.constant 112 : i32
      %add3A_462 = arith.addi %add3A_460, %add3A_461 : i32
      %get3A_463 = arith.index_cast %add3A_462 : i32 to index
      %get3A_464 = tpu.vector_load %arg6[%get3A_463] {strides = array<i32>} : memref<4096xi32, #tpu.memory_space<vmem>>, vector<16xi32>,
      %get3A_465 = arith.index_cast %add3A_462 : i32 to index
      %get3A_466 = tpu.vector_load %arg7[%get3A_465] {strides = array<i32>} : memref<4096xi32, #tpu.memory_space<vmem>>, vector<16xi32>,
      %shift_right_arithmetic3A_467 = arith.constant 3 : i32
      %shift_right_arithmetic3A_468 = vector.broadcast %shift_right_arithmetic3A_467 : i32 to vector<16xi32>
      %shift_right_arithmetic3A_469 = arith.shrsi %get3A_464, %shift_right_arithmetic3A_468 : vector<16xi32>
      %shift_left3A_470 = arith.constant 15 : i32
      %shift_left3A_471 = vector.broadcast %shift_left3A_470 : i32 to vector<16xi32>
      %shift_left3A_472 = arith.shli %shift_right_arithmetic3A_469, %shift_left3A_471 : vector<16xi32>
      %shift_right_arithmetic3A_473 = arith.constant 7 : i32
      %shift_right_arithmetic3A_474 = vector.broadcast %shift_right_arithmetic3A_473 : i32 to vector<16xi32>
      %shift_right_arithmetic3A_475 = arith.shrsi %get3A_466, %shift_right_arithmetic3A_474 : vector<16xi32>
      %shift_left3A_476 = arith.constant 10 : i32
      %shift_left3A_477 = vector.broadcast %shift_left3A_476 : i32 to vector<16xi32>
      %shift_left3A_478 = arith.shli %shift_right_arithmetic3A_475, %shift_left3A_477 : vector<16xi32>
      %or3A_479 = arith.ori %shift_left3A_472, %shift_left3A_478 : vector<16xi32>
      %and3A_480 = arith.constant 7 : i32
      %and3A_481 = vector.broadcast %and3A_480 : i32 to vector<16xi32>
      %and3A_482 = arith.andi %get3A_464, %and3A_481 : vector<16xi32>
      %shift_left3A_483 = arith.constant 7 : i32
      %shift_left3A_484 = vector.broadcast %shift_left3A_483 : i32 to vector<16xi32>
      %shift_left3A_485 = arith.shli %and3A_482, %shift_left3A_484 : vector<16xi32>
      %or3A_486 = arith.ori %or3A_479, %shift_left3A_485 : vector<16xi32>
      %and3A_487 = arith.constant 127 : i32
      %and3A_488 = vector.broadcast %and3A_487 : i32 to vector<16xi32>
      %and3A_489 = arith.andi %get3A_466, %and3A_488 : vector<16xi32>
      %or3A_490 = arith.ori %or3A_486, %and3A_489 : vector<16xi32>
      %mul3A_491 = arith.constant 128 : i32
      %mul3A_492 = arith.muli %scan3A_181, %mul3A_491 : i32
      %add3A_493 = arith.constant 112 : i32
      %add3A_494 = arith.addi %mul3A_492, %add3A_493 : i32
      %swap3A_495 = arith.index_cast %add3A_494 : i32 to index
      %swap3A_496 = tpu.vector_load %arg14[%swap3A_495] {strides = array<i32>} : memref<512xi32, #tpu.memory_space<vmem>>, vector<16xi32>,
      tpu.vector_store %arg14[%swap3A_495], %or3A_490 {strides = array<i32>} : memref<512xi32, #tpu.memory_space<vmem>>, vector<16xi32>,
      %scan3A_497 = arith.constant 0 : i32
      scf.yield %scan3A_497 : i32
    }
    %scan3A_55 = arith.constant 4 : i32
    %dma_start3A_56 = arith.constant 0 : i32
    %dma_start3A_57 = tpu.memref_slice %arg2[%dma_start3A_56] : memref<16777216xf32, #tpu.memory_space<hbm>> -> memref<16777216xf32, #tpu.memory_space<hbm>>
    tpu.enqueue_indirect_dma source(%dma_start3A_57 : memref<16777216xf32, #tpu.memory_space<hbm>>) target(%arg22 : memref<512xf32, #tpu.memory_space<vmem>>) offsets(%arg14 : memref<512xi32, #tpu.memory_space<vmem>>) semaphore(%arg30 : memref<!tpu.dma_semaphore, #tpu.memory_space<semaphore_mem>>)
    %scan3A_58 = arith.constant 0 : i32
    %scan3A_59 = arith.constant 0 : i32
    %scan3A_60 = arith.constant 4 : i32
    %scan3A_61 = arith.addi %scan3A_59, %scan3A_60 : i32
    %scan3A_62 = arith.constant 1 : i32
    %scan3A_63 = scf.for %scan3A_181 = %scan3A_59 to %scan3A_61 step %scan3A_62 iter_args(%scan3A_182 = %scan3A_58) -> (i32)  : i32 {
      %mul3A_183 = arith.constant 128 : i32
      %mul3A_184 = arith.muli %scan3A_181, %mul3A_183 : i32
      %add3A_185 = arith.constant 3072 : i32
      %add3A_186 = arith.addi %add3A_185, %mul3A_184 : i32
      %add3A_187 = arith.constant 0 : i32
      %add3A_188 = arith.addi %add3A_186, %add3A_187 : i32
      %get3A = arith.index_cast %add3A_188 : i32 to index
      %get3A_189 = tpu.vector_load %arg6[%get3A] {strides = array<i32>} : memref<4096xi32, #tpu.memory_space<vmem>>, vector<16xi32>,
      %get3A_190 = arith.index_cast %add3A_188 : i32 to index
      %get3A_191 = tpu.vector_load %arg7[%get3A_190] {strides = array<i32>} : memref<4096xi32, #tpu.memory_space<vmem>>, vector<16xi32>,
      %shift_right_arithmetic3A = arith.constant 3 : i32
      %shift_right_arithmetic3A_192 = vector.broadcast %shift_right_arithmetic3A : i32 to vector<16xi32>
      %shift_right_arithmetic3A_193 = arith.shrsi %get3A_189, %shift_right_arithmetic3A_192 : vector<16xi32>
      %shift_left3A = arith.constant 15 : i32
      %shift_left3A_194 = vector.broadcast %shift_left3A : i32 to vector<16xi32>
      %shift_left3A_195 = arith.shli %shift_right_arithmetic3A_193, %shift_left3A_194 : vector<16xi32>
      %shift_right_arithmetic3A_196 = arith.constant 7 : i32
      %shift_right_arithmetic3A_197 = vector.broadcast %shift_right_arithmetic3A_196 : i32 to vector<16xi32>
      %shift_right_arithmetic3A_198 = arith.shrsi %get3A_191, %shift_right_arithmetic3A_197 : vector<16xi32>
      %shift_left3A_199 = arith.constant 10 : i32
      %shift_left3A_200 = vector.broadcast %shift_left3A_199 : i32 to vector<16xi32>
      %shift_left3A_201 = arith.shli %shift_right_arithmetic3A_198, %shift_left3A_200 : vector<16xi32>
      %or3A = arith.ori %shift_left3A_195, %shift_left3A_201 : vector<16xi32>
      %and3A = arith.constant 7 : i32
      %and3A_202 = vector.broadcast %and3A : i32 to vector<16xi32>
      %and3A_203 = arith.andi %get3A_189, %and3A_202 : vector<16xi32>
      %shift_left3A_204 = arith.constant 7 : i32
      %shift_left3A_205 = vector.broadcast %shift_left3A_204 : i32 to vector<16xi32>
      %shift_left3A_206 = arith.shli %and3A_203, %shift_left3A_205 : vector<16xi32>
      %or3A_207 = arith.ori %or3A, %shift_left3A_206 : vector<16xi32>
      %and3A_208 = arith.constant 127 : i32
      %and3A_209 = vector.broadcast %and3A_208 : i32 to vector<16xi32>
      %and3A_210 = arith.andi %get3A_191, %and3A_209 : vector<16xi32>
      %or3A_211 = arith.ori %or3A_207, %and3A_210 : vector<16xi32>
      %mul3A_212 = arith.constant 128 : i32
      %mul3A_213 = arith.muli %scan3A_181, %mul3A_212 : i32
      %add3A_214 = arith.constant 0 : i32
      %add3A_215 = arith.addi %mul3A_213, %add3A_214 : i32
      %swap3A = arith.index_cast %add3A_215 : i32 to index
      %swap3A_216 = tpu.vector_load %arg15[%swap3A] {strides = array<i32>} : memref<512xi32, #tpu.memory_space<vmem>>, vector<16xi32>,
      tpu.vector_store %arg15[%swap3A], %or3A_211 {strides = array<i32>} : memref<512xi32, #tpu.memory_space<vmem>>, vector<16xi32>,
      %mul3A_217 = arith.constant 128 : i32
      %mul3A_218 = arith.muli %scan3A_181, %mul3A_217 : i32
      %add3A_219 = arith.constant 3072 : i32
      %add3A_220 = arith.addi %add3A_219, %mul3A_218 : i32
      %add3A_221 = arith.constant 16 : i32
      %add3A_222 = arith.addi %add3A_220, %add3A_221 : i32
      %get3A_223 = arith.index_cast %add3A_222 : i32 to index
      %get3A_224 = tpu.vector_load %arg6[%get3A_223] {strides = array<i32>} : memref<4096xi32, #tpu.memory_space<vmem>>, vector<16xi32>,
      %get3A_225 = arith.index_cast %add3A_222 : i32 to index
      %get3A_226 = tpu.vector_load %arg7[%get3A_225] {strides = array<i32>} : memref<4096xi32, #tpu.memory_space<vmem>>, vector<16xi32>,
      %shift_right_arithmetic3A_227 = arith.constant 3 : i32
      %shift_right_arithmetic3A_228 = vector.broadcast %shift_right_arithmetic3A_227 : i32 to vector<16xi32>
      %shift_right_arithmetic3A_229 = arith.shrsi %get3A_224, %shift_right_arithmetic3A_228 : vector<16xi32>
      %shift_left3A_230 = arith.constant 15 : i32
      %shift_left3A_231 = vector.broadcast %shift_left3A_230 : i32 to vector<16xi32>
      %shift_left3A_232 = arith.shli %shift_right_arithmetic3A_229, %shift_left3A_231 : vector<16xi32>
      %shift_right_arithmetic3A_233 = arith.constant 7 : i32
      %shift_right_arithmetic3A_234 = vector.broadcast %shift_right_arithmetic3A_233 : i32 to vector<16xi32>
      %shift_right_arithmetic3A_235 = arith.shrsi %get3A_226, %shift_right_arithmetic3A_234 : vector<16xi32>
      %shift_left3A_236 = arith.constant 10 : i32
      %shift_left3A_237 = vector.broadcast %shift_left3A_236 : i32 to vector<16xi32>
      %shift_left3A_238 = arith.shli %shift_right_arithmetic3A_235, %shift_left3A_237 : vector<16xi32>
      %or3A_239 = arith.ori %shift_left3A_232, %shift_left3A_238 : vector<16xi32>
      %and3A_240 = arith.constant 7 : i32
      %and3A_241 = vector.broadcast %and3A_240 : i32 to vector<16xi32>
      %and3A_242 = arith.andi %get3A_224, %and3A_241 : vector<16xi32>
      %shift_left3A_243 = arith.constant 7 : i32
      %shift_left3A_244 = vector.broadcast %shift_left3A_243 : i32 to vector<16xi32>
      %shift_left3A_245 = arith.shli %and3A_242, %shift_left3A_244 : vector<16xi32>
      %or3A_246 = arith.ori %or3A_239, %shift_left3A_245 : vector<16xi32>
      %and3A_247 = arith.constant 127 : i32
      %and3A_248 = vector.broadcast %and3A_247 : i32 to vector<16xi32>
      %and3A_249 = arith.andi %get3A_226, %and3A_248 : vector<16xi32>
      %or3A_250 = arith.ori %or3A_246, %and3A_249 : vector<16xi32>
      %mul3A_251 = arith.constant 128 : i32
      %mul3A_252 = arith.muli %scan3A_181, %mul3A_251 : i32
      %add3A_253 = arith.constant 16 : i32
      %add3A_254 = arith.addi %mul3A_252, %add3A_253 : i32
      %swap3A_255 = arith.index_cast %add3A_254 : i32 to index
      %swap3A_256 = tpu.vector_load %arg15[%swap3A_255] {strides = array<i32>} : memref<512xi32, #tpu.memory_space<vmem>>, vector<16xi32>,
      tpu.vector_store %arg15[%swap3A_255], %or3A_250 {strides = array<i32>} : memref<512xi32, #tpu.memory_space<vmem>>, vector<16xi32>,
      %mul3A_257 = arith.constant 128 : i32
      %mul3A_258 = arith.muli %scan3A_181, %mul3A_257 : i32
      %add3A_259 = arith.constant 3072 : i32
      %add3A_260 = arith.addi %add3A_259, %mul3A_258 : i32
      %add3A_261 = arith.constant 32 : i32
      %add3A_262 = arith.addi %add3A_260, %add3A_261 : i32
      %get3A_263 = arith.index_cast %add3A_262 : i32 to index
      %get3A_264 = tpu.vector_load %arg6[%get3A_263] {strides = array<i32>} : memref<4096xi32, #tpu.memory_space<vmem>>, vector<16xi32>,
      %get3A_265 = arith.index_cast %add3A_262 : i32 to index
      %get3A_266 = tpu.vector_load %arg7[%get3A_265] {strides = array<i32>} : memref<4096xi32, #tpu.memory_space<vmem>>, vector<16xi32>,
      %shift_right_arithmetic3A_267 = arith.constant 3 : i32
      %shift_right_arithmetic3A_268 = vector.broadcast %shift_right_arithmetic3A_267 : i32 to vector<16xi32>
      %shift_right_arithmetic3A_269 = arith.shrsi %get3A_264, %shift_right_arithmetic3A_268 : vector<16xi32>
      %shift_left3A_270 = arith.constant 15 : i32
      %shift_left3A_271 = vector.broadcast %shift_left3A_270 : i32 to vector<16xi32>
      %shift_left3A_272 = arith.shli %shift_right_arithmetic3A_269, %shift_left3A_271 : vector<16xi32>
      %shift_right_arithmetic3A_273 = arith.constant 7 : i32
      %shift_right_arithmetic3A_274 = vector.broadcast %shift_right_arithmetic3A_273 : i32 to vector<16xi32>
      %shift_right_arithmetic3A_275 = arith.shrsi %get3A_266, %shift_right_arithmetic3A_274 : vector<16xi32>
      %shift_left3A_276 = arith.constant 10 : i32
      %shift_left3A_277 = vector.broadcast %shift_left3A_276 : i32 to vector<16xi32>
      %shift_left3A_278 = arith.shli %shift_right_arithmetic3A_275, %shift_left3A_277 : vector<16xi32>
      %or3A_279 = arith.ori %shift_left3A_272, %shift_left3A_278 : vector<16xi32>
      %and3A_280 = arith.constant 7 : i32
      %and3A_281 = vector.broadcast %and3A_280 : i32 to vector<16xi32>
      %and3A_282 = arith.andi %get3A_264, %and3A_281 : vector<16xi32>
      %shift_left3A_283 = arith.constant 7 : i32
      %shift_left3A_284 = vector.broadcast %shift_left3A_283 : i32 to vector<16xi32>
      %shift_left3A_285 = arith.shli %and3A_282, %shift_left3A_284 : vector<16xi32>
      %or3A_286 = arith.ori %or3A_279, %shift_left3A_285 : vector<16xi32>
      %and3A_287 = arith.constant 127 : i32
      %and3A_288 = vector.broadcast %and3A_287 : i32 to vector<16xi32>
      %and3A_289 = arith.andi %get3A_266, %and3A_288 : vector<16xi32>
      %or3A_290 = arith.ori %or3A_286, %and3A_289 : vector<16xi32>
      %mul3A_291 = arith.constant 128 : i32
      %mul3A_292 = arith.muli %scan3A_181, %mul3A_291 : i32
      %add3A_293 = arith.constant 32 : i32
      %add3A_294 = arith.addi %mul3A_292, %add3A_293 : i32
      %swap3A_295 = arith.index_cast %add3A_294 : i32 to index
      %swap3A_296 = tpu.vector_load %arg15[%swap3A_295] {strides = array<i32>} : memref<512xi32, #tpu.memory_space<vmem>>, vector<16xi32>,
      tpu.vector_store %arg15[%swap3A_295], %or3A_290 {strides = array<i32>} : memref<512xi32, #tpu.memory_space<vmem>>, vector<16xi32>,
      %mul3A_297 = arith.constant 128 : i32
      %mul3A_298 = arith.muli %scan3A_181, %mul3A_297 : i32
      %add3A_299 = arith.constant 3072 : i32
      %add3A_300 = arith.addi %add3A_299, %mul3A_298 : i32
      %add3A_301 = arith.constant 48 : i32
      %add3A_302 = arith.addi %add3A_300, %add3A_301 : i32
      %get3A_303 = arith.index_cast %add3A_302 : i32 to index
      %get3A_304 = tpu.vector_load %arg6[%get3A_303] {strides = array<i32>} : memref<4096xi32, #tpu.memory_space<vmem>>, vector<16xi32>,
      %get3A_305 = arith.index_cast %add3A_302 : i32 to index
      %get3A_306 = tpu.vector_load %arg7[%get3A_305] {strides = array<i32>} : memref<4096xi32, #tpu.memory_space<vmem>>, vector<16xi32>,
      %shift_right_arithmetic3A_307 = arith.constant 3 : i32
      %shift_right_arithmetic3A_308 = vector.broadcast %shift_right_arithmetic3A_307 : i32 to vector<16xi32>
      %shift_right_arithmetic3A_309 = arith.shrsi %get3A_304, %shift_right_arithmetic3A_308 : vector<16xi32>
      %shift_left3A_310 = arith.constant 15 : i32
      %shift_left3A_311 = vector.broadcast %shift_left3A_310 : i32 to vector<16xi32>
      %shift_left3A_312 = arith.shli %shift_right_arithmetic3A_309, %shift_left3A_311 : vector<16xi32>
      %shift_right_arithmetic3A_313 = arith.constant 7 : i32
      %shift_right_arithmetic3A_314 = vector.broadcast %shift_right_arithmetic3A_313 : i32 to vector<16xi32>
      %shift_right_arithmetic3A_315 = arith.shrsi %get3A_306, %shift_right_arithmetic3A_314 : vector<16xi32>
      %shift_left3A_316 = arith.constant 10 : i32
      %shift_left3A_317 = vector.broadcast %shift_left3A_316 : i32 to vector<16xi32>
      %shift_left3A_318 = arith.shli %shift_right_arithmetic3A_315, %shift_left3A_317 : vector<16xi32>
      %or3A_319 = arith.ori %shift_left3A_312, %shift_left3A_318 : vector<16xi32>
      %and3A_320 = arith.constant 7 : i32
      %and3A_321 = vector.broadcast %and3A_320 : i32 to vector<16xi32>
      %and3A_322 = arith.andi %get3A_304, %and3A_321 : vector<16xi32>
      %shift_left3A_323 = arith.constant 7 : i32
      %shift_left3A_324 = vector.broadcast %shift_left3A_323 : i32 to vector<16xi32>
      %shift_left3A_325 = arith.shli %and3A_322, %shift_left3A_324 : vector<16xi32>
      %or3A_326 = arith.ori %or3A_319, %shift_left3A_325 : vector<16xi32>
      %and3A_327 = arith.constant 127 : i32
      %and3A_328 = vector.broadcast %and3A_327 : i32 to vector<16xi32>
      %and3A_329 = arith.andi %get3A_306, %and3A_328 : vector<16xi32>
      %or3A_330 = arith.ori %or3A_326, %and3A_329 : vector<16xi32>
      %mul3A_331 = arith.constant 128 : i32
      %mul3A_332 = arith.muli %scan3A_181, %mul3A_331 : i32
      %add3A_333 = arith.constant 48 : i32
      %add3A_334 = arith.addi %mul3A_332, %add3A_333 : i32
      %swap3A_335 = arith.index_cast %add3A_334 : i32 to index
      %swap3A_336 = tpu.vector_load %arg15[%swap3A_335] {strides = array<i32>} : memref<512xi32, #tpu.memory_space<vmem>>, vector<16xi32>,
      tpu.vector_store %arg15[%swap3A_335], %or3A_330 {strides = array<i32>} : memref<512xi32, #tpu.memory_space<vmem>>, vector<16xi32>,
      %mul3A_337 = arith.constant 128 : i32
      %mul3A_338 = arith.muli %scan3A_181, %mul3A_337 : i32
      %add3A_339 = arith.constant 3072 : i32
      %add3A_340 = arith.addi %add3A_339, %mul3A_338 : i32
      %add3A_341 = arith.constant 64 : i32
      %add3A_342 = arith.addi %add3A_340, %add3A_341 : i32
      %get3A_343 = arith.index_cast %add3A_342 : i32 to index
      %get3A_344 = tpu.vector_load %arg6[%get3A_343] {strides = array<i32>} : memref<4096xi32, #tpu.memory_space<vmem>>, vector<16xi32>,
      %get3A_345 = arith.index_cast %add3A_342 : i32 to index
      %get3A_346 = tpu.vector_load %arg7[%get3A_345] {strides = array<i32>} : memref<4096xi32, #tpu.memory_space<vmem>>, vector<16xi32>,
      %shift_right_arithmetic3A_347 = arith.constant 3 : i32
      %shift_right_arithmetic3A_348 = vector.broadcast %shift_right_arithmetic3A_347 : i32 to vector<16xi32>
      %shift_right_arithmetic3A_349 = arith.shrsi %get3A_344, %shift_right_arithmetic3A_348 : vector<16xi32>
      %shift_left3A_350 = arith.constant 15 : i32
      %shift_left3A_351 = vector.broadcast %shift_left3A_350 : i32 to vector<16xi32>
      %shift_left3A_352 = arith.shli %shift_right_arithmetic3A_349, %shift_left3A_351 : vector<16xi32>
      %shift_right_arithmetic3A_353 = arith.constant 7 : i32
      %shift_right_arithmetic3A_354 = vector.broadcast %shift_right_arithmetic3A_353 : i32 to vector<16xi32>
      %shift_right_arithmetic3A_355 = arith.shrsi %get3A_346, %shift_right_arithmetic3A_354 : vector<16xi32>
      %shift_left3A_356 = arith.constant 10 : i32
      %shift_left3A_357 = vector.broadcast %shift_left3A_356 : i32 to vector<16xi32>
      %shift_left3A_358 = arith.shli %shift_right_arithmetic3A_355, %shift_left3A_357 : vector<16xi32>
      %or3A_359 = arith.ori %shift_left3A_352, %shift_left3A_358 : vector<16xi32>
      %and3A_360 = arith.constant 7 : i32
      %and3A_361 = vector.broadcast %and3A_360 : i32 to vector<16xi32>
      %and3A_362 = arith.andi %get3A_344, %and3A_361 : vector<16xi32>
      %shift_left3A_363 = arith.constant 7 : i32
      %shift_left3A_364 = vector.broadcast %shift_left3A_363 : i32 to vector<16xi32>
      %shift_left3A_365 = arith.shli %and3A_362, %shift_left3A_364 : vector<16xi32>
      %or3A_366 = arith.ori %or3A_359, %shift_left3A_365 : vector<16xi32>
      %and3A_367 = arith.constant 127 : i32
      %and3A_368 = vector.broadcast %and3A_367 : i32 to vector<16xi32>
      %and3A_369 = arith.andi %get3A_346, %and3A_368 : vector<16xi32>
      %or3A_370 = arith.ori %or3A_366, %and3A_369 : vector<16xi32>
      %mul3A_371 = arith.constant 128 : i32
      %mul3A_372 = arith.muli %scan3A_181, %mul3A_371 : i32
      %add3A_373 = arith.constant 64 : i32
      %add3A_374 = arith.addi %mul3A_372, %add3A_373 : i32
      %swap3A_375 = arith.index_cast %add3A_374 : i32 to index
      %swap3A_376 = tpu.vector_load %arg15[%swap3A_375] {strides = array<i32>} : memref<512xi32, #tpu.memory_space<vmem>>, vector<16xi32>,
      tpu.vector_store %arg15[%swap3A_375], %or3A_370 {strides = array<i32>} : memref<512xi32, #tpu.memory_space<vmem>>, vector<16xi32>,
      %mul3A_377 = arith.constant 128 : i32
      %mul3A_378 = arith.muli %scan3A_181, %mul3A_377 : i32
      %add3A_379 = arith.constant 3072 : i32
      %add3A_380 = arith.addi %add3A_379, %mul3A_378 : i32
      %add3A_381 = arith.constant 80 : i32
      %add3A_382 = arith.addi %add3A_380, %add3A_381 : i32
      %get3A_383 = arith.index_cast %add3A_382 : i32 to index
      %get3A_384 = tpu.vector_load %arg6[%get3A_383] {strides = array<i32>} : memref<4096xi32, #tpu.memory_space<vmem>>, vector<16xi32>,
      %get3A_385 = arith.index_cast %add3A_382 : i32 to index
      %get3A_386 = tpu.vector_load %arg7[%get3A_385] {strides = array<i32>} : memref<4096xi32, #tpu.memory_space<vmem>>, vector<16xi32>,
      %shift_right_arithmetic3A_387 = arith.constant 3 : i32
      %shift_right_arithmetic3A_388 = vector.broadcast %shift_right_arithmetic3A_387 : i32 to vector<16xi32>
      %shift_right_arithmetic3A_389 = arith.shrsi %get3A_384, %shift_right_arithmetic3A_388 : vector<16xi32>
      %shift_left3A_390 = arith.constant 15 : i32
      %shift_left3A_391 = vector.broadcast %shift_left3A_390 : i32 to vector<16xi32>
      %shift_left3A_392 = arith.shli %shift_right_arithmetic3A_389, %shift_left3A_391 : vector<16xi32>
      %shift_right_arithmetic3A_393 = arith.constant 7 : i32
      %shift_right_arithmetic3A_394 = vector.broadcast %shift_right_arithmetic3A_393 : i32 to vector<16xi32>
      %shift_right_arithmetic3A_395 = arith.shrsi %get3A_386, %shift_right_arithmetic3A_394 : vector<16xi32>
      %shift_left3A_396 = arith.constant 10 : i32
      %shift_left3A_397 = vector.broadcast %shift_left3A_396 : i32 to vector<16xi32>
      %shift_left3A_398 = arith.shli %shift_right_arithmetic3A_395, %shift_left3A_397 : vector<16xi32>
      %or3A_399 = arith.ori %shift_left3A_392, %shift_left3A_398 : vector<16xi32>
      %and3A_400 = arith.constant 7 : i32
      %and3A_401 = vector.broadcast %and3A_400 : i32 to vector<16xi32>
      %and3A_402 = arith.andi %get3A_384, %and3A_401 : vector<16xi32>
      %shift_left3A_403 = arith.constant 7 : i32
      %shift_left3A_404 = vector.broadcast %shift_left3A_403 : i32 to vector<16xi32>
      %shift_left3A_405 = arith.shli %and3A_402, %shift_left3A_404 : vector<16xi32>
      %or3A_406 = arith.ori %or3A_399, %shift_left3A_405 : vector<16xi32>
      %and3A_407 = arith.constant 127 : i32
      %and3A_408 = vector.broadcast %and3A_407 : i32 to vector<16xi32>
      %and3A_409 = arith.andi %get3A_386, %and3A_408 : vector<16xi32>
      %or3A_410 = arith.ori %or3A_406, %and3A_409 : vector<16xi32>
      %mul3A_411 = arith.constant 128 : i32
      %mul3A_412 = arith.muli %scan3A_181, %mul3A_411 : i32
      %add3A_413 = arith.constant 80 : i32
      %add3A_414 = arith.addi %mul3A_412, %add3A_413 : i32
      %swap3A_415 = arith.index_cast %add3A_414 : i32 to index
      %swap3A_416 = tpu.vector_load %arg15[%swap3A_415] {strides = array<i32>} : memref<512xi32, #tpu.memory_space<vmem>>, vector<16xi32>,
      tpu.vector_store %arg15[%swap3A_415], %or3A_410 {strides = array<i32>} : memref<512xi32, #tpu.memory_space<vmem>>, vector<16xi32>,
      %mul3A_417 = arith.constant 128 : i32
      %mul3A_418 = arith.muli %scan3A_181, %mul3A_417 : i32
      %add3A_419 = arith.constant 3072 : i32
      %add3A_420 = arith.addi %add3A_419, %mul3A_418 : i32
      %add3A_421 = arith.constant 96 : i32
      %add3A_422 = arith.addi %add3A_420, %add3A_421 : i32
      %get3A_423 = arith.index_cast %add3A_422 : i32 to index
      %get3A_424 = tpu.vector_load %arg6[%get3A_423] {strides = array<i32>} : memref<4096xi32, #tpu.memory_space<vmem>>, vector<16xi32>,
      %get3A_425 = arith.index_cast %add3A_422 : i32 to index
      %get3A_426 = tpu.vector_load %arg7[%get3A_425] {strides = array<i32>} : memref<4096xi32, #tpu.memory_space<vmem>>, vector<16xi32>,
      %shift_right_arithmetic3A_427 = arith.constant 3 : i32
      %shift_right_arithmetic3A_428 = vector.broadcast %shift_right_arithmetic3A_427 : i32 to vector<16xi32>
      %shift_right_arithmetic3A_429 = arith.shrsi %get3A_424, %shift_right_arithmetic3A_428 : vector<16xi32>
      %shift_left3A_430 = arith.constant 15 : i32
      %shift_left3A_431 = vector.broadcast %shift_left3A_430 : i32 to vector<16xi32>
      %shift_left3A_432 = arith.shli %shift_right_arithmetic3A_429, %shift_left3A_431 : vector<16xi32>
      %shift_right_arithmetic3A_433 = arith.constant 7 : i32
      %shift_right_arithmetic3A_434 = vector.broadcast %shift_right_arithmetic3A_433 : i32 to vector<16xi32>
      %shift_right_arithmetic3A_435 = arith.shrsi %get3A_426, %shift_right_arithmetic3A_434 : vector<16xi32>
      %shift_left3A_436 = arith.constant 10 : i32
      %shift_left3A_437 = vector.broadcast %shift_left3A_436 : i32 to vector<16xi32>
      %shift_left3A_438 = arith.shli %shift_right_arithmetic3A_435, %shift_left3A_437 : vector<16xi32>
      %or3A_439 = arith.ori %shift_left3A_432, %shift_left3A_438 : vector<16xi32>
      %and3A_440 = arith.constant 7 : i32
      %and3A_441 = vector.broadcast %and3A_440 : i32 to vector<16xi32>
      %and3A_442 = arith.andi %get3A_424, %and3A_441 : vector<16xi32>
      %shift_left3A_443 = arith.constant 7 : i32
      %shift_left3A_444 = vector.broadcast %shift_left3A_443 : i32 to vector<16xi32>
      %shift_left3A_445 = arith.shli %and3A_442, %shift_left3A_444 : vector<16xi32>
      %or3A_446 = arith.ori %or3A_439, %shift_left3A_445 : vector<16xi32>
      %and3A_447 = arith.constant 127 : i32
      %and3A_448 = vector.broadcast %and3A_447 : i32 to vector<16xi32>
      %and3A_449 = arith.andi %get3A_426, %and3A_448 : vector<16xi32>
      %or3A_450 = arith.ori %or3A_446, %and3A_449 : vector<16xi32>
      %mul3A_451 = arith.constant 128 : i32
      %mul3A_452 = arith.muli %scan3A_181, %mul3A_451 : i32
      %add3A_453 = arith.constant 96 : i32
      %add3A_454 = arith.addi %mul3A_452, %add3A_453 : i32
      %swap3A_455 = arith.index_cast %add3A_454 : i32 to index
      %swap3A_456 = tpu.vector_load %arg15[%swap3A_455] {strides = array<i32>} : memref<512xi32, #tpu.memory_space<vmem>>, vector<16xi32>,
      tpu.vector_store %arg15[%swap3A_455], %or3A_450 {strides = array<i32>} : memref<512xi32, #tpu.memory_space<vmem>>, vector<16xi32>,
      %mul3A_457 = arith.constant 128 : i32
      %mul3A_458 = arith.muli %scan3A_181, %mul3A_457 : i32
      %add3A_459 = arith.constant 3072 : i32
      %add3A_460 = arith.addi %add3A_459, %mul3A_458 : i32
      %add3A_461 = arith.constant 112 : i32
      %add3A_462 = arith.addi %add3A_460, %add3A_461 : i32
      %get3A_463 = arith.index_cast %add3A_462 : i32 to index
      %get3A_464 = tpu.vector_load %arg6[%get3A_463] {strides = array<i32>} : memref<4096xi32, #tpu.memory_space<vmem>>, vector<16xi32>,
      %get3A_465 = arith.index_cast %add3A_462 : i32 to index
      %get3A_466 = tpu.vector_load %arg7[%get3A_465] {strides = array<i32>} : memref<4096xi32, #tpu.memory_space<vmem>>, vector<16xi32>,
      %shift_right_arithmetic3A_467 = arith.constant 3 : i32
      %shift_right_arithmetic3A_468 = vector.broadcast %shift_right_arithmetic3A_467 : i32 to vector<16xi32>
      %shift_right_arithmetic3A_469 = arith.shrsi %get3A_464, %shift_right_arithmetic3A_468 : vector<16xi32>
      %shift_left3A_470 = arith.constant 15 : i32
      %shift_left3A_471 = vector.broadcast %shift_left3A_470 : i32 to vector<16xi32>
      %shift_left3A_472 = arith.shli %shift_right_arithmetic3A_469, %shift_left3A_471 : vector<16xi32>
      %shift_right_arithmetic3A_473 = arith.constant 7 : i32
      %shift_right_arithmetic3A_474 = vector.broadcast %shift_right_arithmetic3A_473 : i32 to vector<16xi32>
      %shift_right_arithmetic3A_475 = arith.shrsi %get3A_466, %shift_right_arithmetic3A_474 : vector<16xi32>
      %shift_left3A_476 = arith.constant 10 : i32
      %shift_left3A_477 = vector.broadcast %shift_left3A_476 : i32 to vector<16xi32>
      %shift_left3A_478 = arith.shli %shift_right_arithmetic3A_475, %shift_left3A_477 : vector<16xi32>
      %or3A_479 = arith.ori %shift_left3A_472, %shift_left3A_478 : vector<16xi32>
      %and3A_480 = arith.constant 7 : i32
      %and3A_481 = vector.broadcast %and3A_480 : i32 to vector<16xi32>
      %and3A_482 = arith.andi %get3A_464, %and3A_481 : vector<16xi32>
      %shift_left3A_483 = arith.constant 7 : i32
      %shift_left3A_484 = vector.broadcast %shift_left3A_483 : i32 to vector<16xi32>
      %shift_left3A_485 = arith.shli %and3A_482, %shift_left3A_484 : vector<16xi32>
      %or3A_486 = arith.ori %or3A_479, %shift_left3A_485 : vector<16xi32>
      %and3A_487 = arith.constant 127 : i32
      %and3A_488 = vector.broadcast %and3A_487 : i32 to vector<16xi32>
      %and3A_489 = arith.andi %get3A_466, %and3A_488 : vector<16xi32>
      %or3A_490 = arith.ori %or3A_486, %and3A_489 : vector<16xi32>
      %mul3A_491 = arith.constant 128 : i32
      %mul3A_492 = arith.muli %scan3A_181, %mul3A_491 : i32
      %add3A_493 = arith.constant 112 : i32
      %add3A_494 = arith.addi %mul3A_492, %add3A_493 : i32
      %swap3A_495 = arith.index_cast %add3A_494 : i32 to index
      %swap3A_496 = tpu.vector_load %arg15[%swap3A_495] {strides = array<i32>} : memref<512xi32, #tpu.memory_space<vmem>>, vector<16xi32>,
      tpu.vector_store %arg15[%swap3A_495], %or3A_490 {strides = array<i32>} : memref<512xi32, #tpu.memory_space<vmem>>, vector<16xi32>,
      %scan3A_497 = arith.constant 0 : i32
      scf.yield %scan3A_497 : i32
    }
    %scan3A_64 = arith.constant 4 : i32
    %dma_start3A_65 = arith.constant 0 : i32
    %dma_start3A_66 = tpu.memref_slice %arg2[%dma_start3A_65] : memref<16777216xf32, #tpu.memory_space<hbm>> -> memref<16777216xf32, #tpu.memory_space<hbm>>
    tpu.enqueue_indirect_dma source(%dma_start3A_66 : memref<16777216xf32, #tpu.memory_space<hbm>>) target(%arg23 : memref<512xf32, #tpu.memory_space<vmem>>) offsets(%arg15 : memref<512xi32, #tpu.memory_space<vmem>>) semaphore(%arg31 : memref<!tpu.dma_semaphore, #tpu.memory_space<semaphore_mem>>)
    %scan3A_67 = arith.constant 0 : i32
    %scan3A_68 = arith.constant 0 : i32
    %scan3A_69 = arith.constant 4 : i32
    %scan3A_70 = arith.addi %scan3A_68, %scan3A_69 : i32
    %scan3A_71 = arith.constant 1 : i32
    %scan3A_72 = scf.for %scan3A_181 = %scan3A_68 to %scan3A_70 step %scan3A_71 iter_args(%scan3A_182 = %scan3A_67) -> (i32)  : i32 {
      %mul3A_183 = arith.constant 128 : i32
      %mul3A_184 = arith.muli %scan3A_181, %mul3A_183 : i32
      %add3A_185 = arith.constant 3584 : i32
      %add3A_186 = arith.addi %add3A_185, %mul3A_184 : i32
      %add3A_187 = arith.constant 0 : i32
      %add3A_188 = arith.addi %add3A_186, %add3A_187 : i32
      %get3A = arith.index_cast %add3A_188 : i32 to index
      %get3A_189 = tpu.vector_load %arg6[%get3A] {strides = array<i32>} : memref<4096xi32, #tpu.memory_space<vmem>>, vector<16xi32>,
      %get3A_190 = arith.index_cast %add3A_188 : i32 to index
      %get3A_191 = tpu.vector_load %arg7[%get3A_190] {strides = array<i32>} : memref<4096xi32, #tpu.memory_space<vmem>>, vector<16xi32>,
      %shift_right_arithmetic3A = arith.constant 3 : i32
      %shift_right_arithmetic3A_192 = vector.broadcast %shift_right_arithmetic3A : i32 to vector<16xi32>
      %shift_right_arithmetic3A_193 = arith.shrsi %get3A_189, %shift_right_arithmetic3A_192 : vector<16xi32>
      %shift_left3A = arith.constant 15 : i32
      %shift_left3A_194 = vector.broadcast %shift_left3A : i32 to vector<16xi32>
      %shift_left3A_195 = arith.shli %shift_right_arithmetic3A_193, %shift_left3A_194 : vector<16xi32>
      %shift_right_arithmetic3A_196 = arith.constant 7 : i32
      %shift_right_arithmetic3A_197 = vector.broadcast %shift_right_arithmetic3A_196 : i32 to vector<16xi32>
      %shift_right_arithmetic3A_198 = arith.shrsi %get3A_191, %shift_right_arithmetic3A_197 : vector<16xi32>
      %shift_left3A_199 = arith.constant 10 : i32
      %shift_left3A_200 = vector.broadcast %shift_left3A_199 : i32 to vector<16xi32>
      %shift_left3A_201 = arith.shli %shift_right_arithmetic3A_198, %shift_left3A_200 : vector<16xi32>
      %or3A = arith.ori %shift_left3A_195, %shift_left3A_201 : vector<16xi32>
      %and3A = arith.constant 7 : i32
      %and3A_202 = vector.broadcast %and3A : i32 to vector<16xi32>
      %and3A_203 = arith.andi %get3A_189, %and3A_202 : vector<16xi32>
      %shift_left3A_204 = arith.constant 7 : i32
      %shift_left3A_205 = vector.broadcast %shift_left3A_204 : i32 to vector<16xi32>
      %shift_left3A_206 = arith.shli %and3A_203, %shift_left3A_205 : vector<16xi32>
      %or3A_207 = arith.ori %or3A, %shift_left3A_206 : vector<16xi32>
      %and3A_208 = arith.constant 127 : i32
      %and3A_209 = vector.broadcast %and3A_208 : i32 to vector<16xi32>
      %and3A_210 = arith.andi %get3A_191, %and3A_209 : vector<16xi32>
      %or3A_211 = arith.ori %or3A_207, %and3A_210 : vector<16xi32>
      %mul3A_212 = arith.constant 128 : i32
      %mul3A_213 = arith.muli %scan3A_181, %mul3A_212 : i32
      %add3A_214 = arith.constant 0 : i32
      %add3A_215 = arith.addi %mul3A_213, %add3A_214 : i32
      %swap3A = arith.index_cast %add3A_215 : i32 to index
      %swap3A_216 = tpu.vector_load %arg16[%swap3A] {strides = array<i32>} : memref<512xi32, #tpu.memory_space<vmem>>, vector<16xi32>,
      tpu.vector_store %arg16[%swap3A], %or3A_211 {strides = array<i32>} : memref<512xi32, #tpu.memory_space<vmem>>, vector<16xi32>,
      %mul3A_217 = arith.constant 128 : i32
      %mul3A_218 = arith.muli %scan3A_181, %mul3A_217 : i32
      %add3A_219 = arith.constant 3584 : i32
      %add3A_220 = arith.addi %add3A_219, %mul3A_218 : i32
      %add3A_221 = arith.constant 16 : i32
      %add3A_222 = arith.addi %add3A_220, %add3A_221 : i32
      %get3A_223 = arith.index_cast %add3A_222 : i32 to index
      %get3A_224 = tpu.vector_load %arg6[%get3A_223] {strides = array<i32>} : memref<4096xi32, #tpu.memory_space<vmem>>, vector<16xi32>,
      %get3A_225 = arith.index_cast %add3A_222 : i32 to index
      %get3A_226 = tpu.vector_load %arg7[%get3A_225] {strides = array<i32>} : memref<4096xi32, #tpu.memory_space<vmem>>, vector<16xi32>,
      %shift_right_arithmetic3A_227 = arith.constant 3 : i32
      %shift_right_arithmetic3A_228 = vector.broadcast %shift_right_arithmetic3A_227 : i32 to vector<16xi32>
      %shift_right_arithmetic3A_229 = arith.shrsi %get3A_224, %shift_right_arithmetic3A_228 : vector<16xi32>
      %shift_left3A_230 = arith.constant 15 : i32
      %shift_left3A_231 = vector.broadcast %shift_left3A_230 : i32 to vector<16xi32>
      %shift_left3A_232 = arith.shli %shift_right_arithmetic3A_229, %shift_left3A_231 : vector<16xi32>
      %shift_right_arithmetic3A_233 = arith.constant 7 : i32
      %shift_right_arithmetic3A_234 = vector.broadcast %shift_right_arithmetic3A_233 : i32 to vector<16xi32>
      %shift_right_arithmetic3A_235 = arith.shrsi %get3A_226, %shift_right_arithmetic3A_234 : vector<16xi32>
      %shift_left3A_236 = arith.constant 10 : i32
      %shift_left3A_237 = vector.broadcast %shift_left3A_236 : i32 to vector<16xi32>
      %shift_left3A_238 = arith.shli %shift_right_arithmetic3A_235, %shift_left3A_237 : vector<16xi32>
      %or3A_239 = arith.ori %shift_left3A_232, %shift_left3A_238 : vector<16xi32>
      %and3A_240 = arith.constant 7 : i32
      %and3A_241 = vector.broadcast %and3A_240 : i32 to vector<16xi32>
      %and3A_242 = arith.andi %get3A_224, %and3A_241 : vector<16xi32>
      %shift_left3A_243 = arith.constant 7 : i32
      %shift_left3A_244 = vector.broadcast %shift_left3A_243 : i32 to vector<16xi32>
      %shift_left3A_245 = arith.shli %and3A_242, %shift_left3A_244 : vector<16xi32>
      %or3A_246 = arith.ori %or3A_239, %shift_left3A_245 : vector<16xi32>
      %and3A_247 = arith.constant 127 : i32
      %and3A_248 = vector.broadcast %and3A_247 : i32 to vector<16xi32>
      %and3A_249 = arith.andi %get3A_226, %and3A_248 : vector<16xi32>
      %or3A_250 = arith.ori %or3A_246, %and3A_249 : vector<16xi32>
      %mul3A_251 = arith.constant 128 : i32
      %mul3A_252 = arith.muli %scan3A_181, %mul3A_251 : i32
      %add3A_253 = arith.constant 16 : i32
      %add3A_254 = arith.addi %mul3A_252, %add3A_253 : i32
      %swap3A_255 = arith.index_cast %add3A_254 : i32 to index
      %swap3A_256 = tpu.vector_load %arg16[%swap3A_255] {strides = array<i32>} : memref<512xi32, #tpu.memory_space<vmem>>, vector<16xi32>,
      tpu.vector_store %arg16[%swap3A_255], %or3A_250 {strides = array<i32>} : memref<512xi32, #tpu.memory_space<vmem>>, vector<16xi32>,
      %mul3A_257 = arith.constant 128 : i32
      %mul3A_258 = arith.muli %scan3A_181, %mul3A_257 : i32
      %add3A_259 = arith.constant 3584 : i32
      %add3A_260 = arith.addi %add3A_259, %mul3A_258 : i32
      %add3A_261 = arith.constant 32 : i32
      %add3A_262 = arith.addi %add3A_260, %add3A_261 : i32
      %get3A_263 = arith.index_cast %add3A_262 : i32 to index
      %get3A_264 = tpu.vector_load %arg6[%get3A_263] {strides = array<i32>} : memref<4096xi32, #tpu.memory_space<vmem>>, vector<16xi32>,
      %get3A_265 = arith.index_cast %add3A_262 : i32 to index
      %get3A_266 = tpu.vector_load %arg7[%get3A_265] {strides = array<i32>} : memref<4096xi32, #tpu.memory_space<vmem>>, vector<16xi32>,
      %shift_right_arithmetic3A_267 = arith.constant 3 : i32
      %shift_right_arithmetic3A_268 = vector.broadcast %shift_right_arithmetic3A_267 : i32 to vector<16xi32>
      %shift_right_arithmetic3A_269 = arith.shrsi %get3A_264, %shift_right_arithmetic3A_268 : vector<16xi32>
      %shift_left3A_270 = arith.constant 15 : i32
      %shift_left3A_271 = vector.broadcast %shift_left3A_270 : i32 to vector<16xi32>
      %shift_left3A_272 = arith.shli %shift_right_arithmetic3A_269, %shift_left3A_271 : vector<16xi32>
      %shift_right_arithmetic3A_273 = arith.constant 7 : i32
      %shift_right_arithmetic3A_274 = vector.broadcast %shift_right_arithmetic3A_273 : i32 to vector<16xi32>
      %shift_right_arithmetic3A_275 = arith.shrsi %get3A_266, %shift_right_arithmetic3A_274 : vector<16xi32>
      %shift_left3A_276 = arith.constant 10 : i32
      %shift_left3A_277 = vector.broadcast %shift_left3A_276 : i32 to vector<16xi32>
      %shift_left3A_278 = arith.shli %shift_right_arithmetic3A_275, %shift_left3A_277 : vector<16xi32>
      %or3A_279 = arith.ori %shift_left3A_272, %shift_left3A_278 : vector<16xi32>
      %and3A_280 = arith.constant 7 : i32
      %and3A_281 = vector.broadcast %and3A_280 : i32 to vector<16xi32>
      %and3A_282 = arith.andi %get3A_264, %and3A_281 : vector<16xi32>
      %shift_left3A_283 = arith.constant 7 : i32
      %shift_left3A_284 = vector.broadcast %shift_left3A_283 : i32 to vector<16xi32>
      %shift_left3A_285 = arith.shli %and3A_282, %shift_left3A_284 : vector<16xi32>
      %or3A_286 = arith.ori %or3A_279, %shift_left3A_285 : vector<16xi32>
      %and3A_287 = arith.constant 127 : i32
      %and3A_288 = vector.broadcast %and3A_287 : i32 to vector<16xi32>
      %and3A_289 = arith.andi %get3A_266, %and3A_288 : vector<16xi32>
      %or3A_290 = arith.ori %or3A_286, %and3A_289 : vector<16xi32>
      %mul3A_291 = arith.constant 128 : i32
      %mul3A_292 = arith.muli %scan3A_181, %mul3A_291 : i32
      %add3A_293 = arith.constant 32 : i32
      %add3A_294 = arith.addi %mul3A_292, %add3A_293 : i32
      %swap3A_295 = arith.index_cast %add3A_294 : i32 to index
      %swap3A_296 = tpu.vector_load %arg16[%swap3A_295] {strides = array<i32>} : memref<512xi32, #tpu.memory_space<vmem>>, vector<16xi32>,
      tpu.vector_store %arg16[%swap3A_295], %or3A_290 {strides = array<i32>} : memref<512xi32, #tpu.memory_space<vmem>>, vector<16xi32>,
      %mul3A_297 = arith.constant 128 : i32
      %mul3A_298 = arith.muli %scan3A_181, %mul3A_297 : i32
      %add3A_299 = arith.constant 3584 : i32
      %add3A_300 = arith.addi %add3A_299, %mul3A_298 : i32
      %add3A_301 = arith.constant 48 : i32
      %add3A_302 = arith.addi %add3A_300, %add3A_301 : i32
      %get3A_303 = arith.index_cast %add3A_302 : i32 to index
      %get3A_304 = tpu.vector_load %arg6[%get3A_303] {strides = array<i32>} : memref<4096xi32, #tpu.memory_space<vmem>>, vector<16xi32>,
      %get3A_305 = arith.index_cast %add3A_302 : i32 to index
      %get3A_306 = tpu.vector_load %arg7[%get3A_305] {strides = array<i32>} : memref<4096xi32, #tpu.memory_space<vmem>>, vector<16xi32>,
      %shift_right_arithmetic3A_307 = arith.constant 3 : i32
      %shift_right_arithmetic3A_308 = vector.broadcast %shift_right_arithmetic3A_307 : i32 to vector<16xi32>
      %shift_right_arithmetic3A_309 = arith.shrsi %get3A_304, %shift_right_arithmetic3A_308 : vector<16xi32>
      %shift_left3A_310 = arith.constant 15 : i32
      %shift_left3A_311 = vector.broadcast %shift_left3A_310 : i32 to vector<16xi32>
      %shift_left3A_312 = arith.shli %shift_right_arithmetic3A_309, %shift_left3A_311 : vector<16xi32>
      %shift_right_arithmetic3A_313 = arith.constant 7 : i32
      %shift_right_arithmetic3A_314 = vector.broadcast %shift_right_arithmetic3A_313 : i32 to vector<16xi32>
      %shift_right_arithmetic3A_315 = arith.shrsi %get3A_306, %shift_right_arithmetic3A_314 : vector<16xi32>
      %shift_left3A_316 = arith.constant 10 : i32
      %shift_left3A_317 = vector.broadcast %shift_left3A_316 : i32 to vector<16xi32>
      %shift_left3A_318 = arith.shli %shift_right_arithmetic3A_315, %shift_left3A_317 : vector<16xi32>
      %or3A_319 = arith.ori %shift_left3A_312, %shift_left3A_318 : vector<16xi32>
      %and3A_320 = arith.constant 7 : i32
      %and3A_321 = vector.broadcast %and3A_320 : i32 to vector<16xi32>
      %and3A_322 = arith.andi %get3A_304, %and3A_321 : vector<16xi32>
      %shift_left3A_323 = arith.constant 7 : i32
      %shift_left3A_324 = vector.broadcast %shift_left3A_323 : i32 to vector<16xi32>
      %shift_left3A_325 = arith.shli %and3A_322, %shift_left3A_324 : vector<16xi32>
      %or3A_326 = arith.ori %or3A_319, %shift_left3A_325 : vector<16xi32>
      %and3A_327 = arith.constant 127 : i32
      %and3A_328 = vector.broadcast %and3A_327 : i32 to vector<16xi32>
      %and3A_329 = arith.andi %get3A_306, %and3A_328 : vector<16xi32>
      %or3A_330 = arith.ori %or3A_326, %and3A_329 : vector<16xi32>
      %mul3A_331 = arith.constant 128 : i32
      %mul3A_332 = arith.muli %scan3A_181, %mul3A_331 : i32
      %add3A_333 = arith.constant 48 : i32
      %add3A_334 = arith.addi %mul3A_332, %add3A_333 : i32
      %swap3A_335 = arith.index_cast %add3A_334 : i32 to index
      %swap3A_336 = tpu.vector_load %arg16[%swap3A_335] {strides = array<i32>} : memref<512xi32, #tpu.memory_space<vmem>>, vector<16xi32>,
      tpu.vector_store %arg16[%swap3A_335], %or3A_330 {strides = array<i32>} : memref<512xi32, #tpu.memory_space<vmem>>, vector<16xi32>,
      %mul3A_337 = arith.constant 128 : i32
      %mul3A_338 = arith.muli %scan3A_181, %mul3A_337 : i32
      %add3A_339 = arith.constant 3584 : i32
      %add3A_340 = arith.addi %add3A_339, %mul3A_338 : i32
      %add3A_341 = arith.constant 64 : i32
      %add3A_342 = arith.addi %add3A_340, %add3A_341 : i32
      %get3A_343 = arith.index_cast %add3A_342 : i32 to index
      %get3A_344 = tpu.vector_load %arg6[%get3A_343] {strides = array<i32>} : memref<4096xi32, #tpu.memory_space<vmem>>, vector<16xi32>,
      %get3A_345 = arith.index_cast %add3A_342 : i32 to index
      %get3A_346 = tpu.vector_load %arg7[%get3A_345] {strides = array<i32>} : memref<4096xi32, #tpu.memory_space<vmem>>, vector<16xi32>,
      %shift_right_arithmetic3A_347 = arith.constant 3 : i32
      %shift_right_arithmetic3A_348 = vector.broadcast %shift_right_arithmetic3A_347 : i32 to vector<16xi32>
      %shift_right_arithmetic3A_349 = arith.shrsi %get3A_344, %shift_right_arithmetic3A_348 : vector<16xi32>
      %shift_left3A_350 = arith.constant 15 : i32
      %shift_left3A_351 = vector.broadcast %shift_left3A_350 : i32 to vector<16xi32>
      %shift_left3A_352 = arith.shli %shift_right_arithmetic3A_349, %shift_left3A_351 : vector<16xi32>
      %shift_right_arithmetic3A_353 = arith.constant 7 : i32
      %shift_right_arithmetic3A_354 = vector.broadcast %shift_right_arithmetic3A_353 : i32 to vector<16xi32>
      %shift_right_arithmetic3A_355 = arith.shrsi %get3A_346, %shift_right_arithmetic3A_354 : vector<16xi32>
      %shift_left3A_356 = arith.constant 10 : i32
      %shift_left3A_357 = vector.broadcast %shift_left3A_356 : i32 to vector<16xi32>
      %shift_left3A_358 = arith.shli %shift_right_arithmetic3A_355, %shift_left3A_357 : vector<16xi32>
      %or3A_359 = arith.ori %shift_left3A_352, %shift_left3A_358 : vector<16xi32>
      %and3A_360 = arith.constant 7 : i32
      %and3A_361 = vector.broadcast %and3A_360 : i32 to vector<16xi32>
      %and3A_362 = arith.andi %get3A_344, %and3A_361 : vector<16xi32>
      %shift_left3A_363 = arith.constant 7 : i32
      %shift_left3A_364 = vector.broadcast %shift_left3A_363 : i32 to vector<16xi32>
      %shift_left3A_365 = arith.shli %and3A_362, %shift_left3A_364 : vector<16xi32>
      %or3A_366 = arith.ori %or3A_359, %shift_left3A_365 : vector<16xi32>
      %and3A_367 = arith.constant 127 : i32
      %and3A_368 = vector.broadcast %and3A_367 : i32 to vector<16xi32>
      %and3A_369 = arith.andi %get3A_346, %and3A_368 : vector<16xi32>
      %or3A_370 = arith.ori %or3A_366, %and3A_369 : vector<16xi32>
      %mul3A_371 = arith.constant 128 : i32
      %mul3A_372 = arith.muli %scan3A_181, %mul3A_371 : i32
      %add3A_373 = arith.constant 64 : i32
      %add3A_374 = arith.addi %mul3A_372, %add3A_373 : i32
      %swap3A_375 = arith.index_cast %add3A_374 : i32 to index
      %swap3A_376 = tpu.vector_load %arg16[%swap3A_375] {strides = array<i32>} : memref<512xi32, #tpu.memory_space<vmem>>, vector<16xi32>,
      tpu.vector_store %arg16[%swap3A_375], %or3A_370 {strides = array<i32>} : memref<512xi32, #tpu.memory_space<vmem>>, vector<16xi32>,
      %mul3A_377 = arith.constant 128 : i32
      %mul3A_378 = arith.muli %scan3A_181, %mul3A_377 : i32
      %add3A_379 = arith.constant 3584 : i32
      %add3A_380 = arith.addi %add3A_379, %mul3A_378 : i32
      %add3A_381 = arith.constant 80 : i32
      %add3A_382 = arith.addi %add3A_380, %add3A_381 : i32
      %get3A_383 = arith.index_cast %add3A_382 : i32 to index
      %get3A_384 = tpu.vector_load %arg6[%get3A_383] {strides = array<i32>} : memref<4096xi32, #tpu.memory_space<vmem>>, vector<16xi32>,
      %get3A_385 = arith.index_cast %add3A_382 : i32 to index
      %get3A_386 = tpu.vector_load %arg7[%get3A_385] {strides = array<i32>} : memref<4096xi32, #tpu.memory_space<vmem>>, vector<16xi32>,
      %shift_right_arithmetic3A_387 = arith.constant 3 : i32
      %shift_right_arithmetic3A_388 = vector.broadcast %shift_right_arithmetic3A_387 : i32 to vector<16xi32>
      %shift_right_arithmetic3A_389 = arith.shrsi %get3A_384, %shift_right_arithmetic3A_388 : vector<16xi32>
      %shift_left3A_390 = arith.constant 15 : i32
      %shift_left3A_391 = vector.broadcast %shift_left3A_390 : i32 to vector<16xi32>
      %shift_left3A_392 = arith.shli %shift_right_arithmetic3A_389, %shift_left3A_391 : vector<16xi32>
      %shift_right_arithmetic3A_393 = arith.constant 7 : i32
      %shift_right_arithmetic3A_394 = vector.broadcast %shift_right_arithmetic3A_393 : i32 to vector<16xi32>
      %shift_right_arithmetic3A_395 = arith.shrsi %get3A_386, %shift_right_arithmetic3A_394 : vector<16xi32>
      %shift_left3A_396 = arith.constant 10 : i32
      %shift_left3A_397 = vector.broadcast %shift_left3A_396 : i32 to vector<16xi32>
      %shift_left3A_398 = arith.shli %shift_right_arithmetic3A_395, %shift_left3A_397 : vector<16xi32>
      %or3A_399 = arith.ori %shift_left3A_392, %shift_left3A_398 : vector<16xi32>
      %and3A_400 = arith.constant 7 : i32
      %and3A_401 = vector.broadcast %and3A_400 : i32 to vector<16xi32>
      %and3A_402 = arith.andi %get3A_384, %and3A_401 : vector<16xi32>
      %shift_left3A_403 = arith.constant 7 : i32
      %shift_left3A_404 = vector.broadcast %shift_left3A_403 : i32 to vector<16xi32>
      %shift_left3A_405 = arith.shli %and3A_402, %shift_left3A_404 : vector<16xi32>
      %or3A_406 = arith.ori %or3A_399, %shift_left3A_405 : vector<16xi32>
      %and3A_407 = arith.constant 127 : i32
      %and3A_408 = vector.broadcast %and3A_407 : i32 to vector<16xi32>
      %and3A_409 = arith.andi %get3A_386, %and3A_408 : vector<16xi32>
      %or3A_410 = arith.ori %or3A_406, %and3A_409 : vector<16xi32>
      %mul3A_411 = arith.constant 128 : i32
      %mul3A_412 = arith.muli %scan3A_181, %mul3A_411 : i32
      %add3A_413 = arith.constant 80 : i32
      %add3A_414 = arith.addi %mul3A_412, %add3A_413 : i32
      %swap3A_415 = arith.index_cast %add3A_414 : i32 to index
      %swap3A_416 = tpu.vector_load %arg16[%swap3A_415] {strides = array<i32>} : memref<512xi32, #tpu.memory_space<vmem>>, vector<16xi32>,
      tpu.vector_store %arg16[%swap3A_415], %or3A_410 {strides = array<i32>} : memref<512xi32, #tpu.memory_space<vmem>>, vector<16xi32>,
      %mul3A_417 = arith.constant 128 : i32
      %mul3A_418 = arith.muli %scan3A_181, %mul3A_417 : i32
      %add3A_419 = arith.constant 3584 : i32
      %add3A_420 = arith.addi %add3A_419, %mul3A_418 : i32
      %add3A_421 = arith.constant 96 : i32
      %add3A_422 = arith.addi %add3A_420, %add3A_421 : i32
      %get3A_423 = arith.index_cast %add3A_422 : i32 to index
      %get3A_424 = tpu.vector_load %arg6[%get3A_423] {strides = array<i32>} : memref<4096xi32, #tpu.memory_space<vmem>>, vector<16xi32>,
      %get3A_425 = arith.index_cast %add3A_422 : i32 to index
      %get3A_426 = tpu.vector_load %arg7[%get3A_425] {strides = array<i32>} : memref<4096xi32, #tpu.memory_space<vmem>>, vector<16xi32>,
      %shift_right_arithmetic3A_427 = arith.constant 3 : i32
      %shift_right_arithmetic3A_428 = vector.broadcast %shift_right_arithmetic3A_427 : i32 to vector<16xi32>
      %shift_right_arithmetic3A_429 = arith.shrsi %get3A_424, %shift_right_arithmetic3A_428 : vector<16xi32>
      %shift_left3A_430 = arith.constant 15 : i32
      %shift_left3A_431 = vector.broadcast %shift_left3A_430 : i32 to vector<16xi32>
      %shift_left3A_432 = arith.shli %shift_right_arithmetic3A_429, %shift_left3A_431 : vector<16xi32>
      %shift_right_arithmetic3A_433 = arith.constant 7 : i32
      %shift_right_arithmetic3A_434 = vector.broadcast %shift_right_arithmetic3A_433 : i32 to vector<16xi32>
      %shift_right_arithmetic3A_435 = arith.shrsi %get3A_426, %shift_right_arithmetic3A_434 : vector<16xi32>
      %shift_left3A_436 = arith.constant 10 : i32
      %shift_left3A_437 = vector.broadcast %shift_left3A_436 : i32 to vector<16xi32>
      %shift_left3A_438 = arith.shli %shift_right_arithmetic3A_435, %shift_left3A_437 : vector<16xi32>
      %or3A_439 = arith.ori %shift_left3A_432, %shift_left3A_438 : vector<16xi32>
      %and3A_440 = arith.constant 7 : i32
      %and3A_441 = vector.broadcast %and3A_440 : i32 to vector<16xi32>
      %and3A_442 = arith.andi %get3A_424, %and3A_441 : vector<16xi32>
      %shift_left3A_443 = arith.constant 7 : i32
      %shift_left3A_444 = vector.broadcast %shift_left3A_443 : i32 to vector<16xi32>
      %shift_left3A_445 = arith.shli %and3A_442, %shift_left3A_444 : vector<16xi32>
      %or3A_446 = arith.ori %or3A_439, %shift_left3A_445 : vector<16xi32>
      %and3A_447 = arith.constant 127 : i32
      %and3A_448 = vector.broadcast %and3A_447 : i32 to vector<16xi32>
      %and3A_449 = arith.andi %get3A_426, %and3A_448 : vector<16xi32>
      %or3A_450 = arith.ori %or3A_446, %and3A_449 : vector<16xi32>
      %mul3A_451 = arith.constant 128 : i32
      %mul3A_452 = arith.muli %scan3A_181, %mul3A_451 : i32
      %add3A_453 = arith.constant 96 : i32
      %add3A_454 = arith.addi %mul3A_452, %add3A_453 : i32
      %swap3A_455 = arith.index_cast %add3A_454 : i32 to index
      %swap3A_456 = tpu.vector_load %arg16[%swap3A_455] {strides = array<i32>} : memref<512xi32, #tpu.memory_space<vmem>>, vector<16xi32>,
      tpu.vector_store %arg16[%swap3A_455], %or3A_450 {strides = array<i32>} : memref<512xi32, #tpu.memory_space<vmem>>, vector<16xi32>,
      %mul3A_457 = arith.constant 128 : i32
      %mul3A_458 = arith.muli %scan3A_181, %mul3A_457 : i32
      %add3A_459 = arith.constant 3584 : i32
      %add3A_460 = arith.addi %add3A_459, %mul3A_458 : i32
      %add3A_461 = arith.constant 112 : i32
      %add3A_462 = arith.addi %add3A_460, %add3A_461 : i32
      %get3A_463 = arith.index_cast %add3A_462 : i32 to index
      %get3A_464 = tpu.vector_load %arg6[%get3A_463] {strides = array<i32>} : memref<4096xi32, #tpu.memory_space<vmem>>, vector<16xi32>,
      %get3A_465 = arith.index_cast %add3A_462 : i32 to index
      %get3A_466 = tpu.vector_load %arg7[%get3A_465] {strides = array<i32>} : memref<4096xi32, #tpu.memory_space<vmem>>, vector<16xi32>,
      %shift_right_arithmetic3A_467 = arith.constant 3 : i32
      %shift_right_arithmetic3A_468 = vector.broadcast %shift_right_arithmetic3A_467 : i32 to vector<16xi32>
      %shift_right_arithmetic3A_469 = arith.shrsi %get3A_464, %shift_right_arithmetic3A_468 : vector<16xi32>
      %shift_left3A_470 = arith.constant 15 : i32
      %shift_left3A_471 = vector.broadcast %shift_left3A_470 : i32 to vector<16xi32>
      %shift_left3A_472 = arith.shli %shift_right_arithmetic3A_469, %shift_left3A_471 : vector<16xi32>
      %shift_right_arithmetic3A_473 = arith.constant 7 : i32
      %shift_right_arithmetic3A_474 = vector.broadcast %shift_right_arithmetic3A_473 : i32 to vector<16xi32>
      %shift_right_arithmetic3A_475 = arith.shrsi %get3A_466, %shift_right_arithmetic3A_474 : vector<16xi32>
      %shift_left3A_476 = arith.constant 10 : i32
      %shift_left3A_477 = vector.broadcast %shift_left3A_476 : i32 to vector<16xi32>
      %shift_left3A_478 = arith.shli %shift_right_arithmetic3A_475, %shift_left3A_477 : vector<16xi32>
      %or3A_479 = arith.ori %shift_left3A_472, %shift_left3A_478 : vector<16xi32>
      %and3A_480 = arith.constant 7 : i32
      %and3A_481 = vector.broadcast %and3A_480 : i32 to vector<16xi32>
      %and3A_482 = arith.andi %get3A_464, %and3A_481 : vector<16xi32>
      %shift_left3A_483 = arith.constant 7 : i32
      %shift_left3A_484 = vector.broadcast %shift_left3A_483 : i32 to vector<16xi32>
      %shift_left3A_485 = arith.shli %and3A_482, %shift_left3A_484 : vector<16xi32>
      %or3A_486 = arith.ori %or3A_479, %shift_left3A_485 : vector<16xi32>
      %and3A_487 = arith.constant 127 : i32
      %and3A_488 = vector.broadcast %and3A_487 : i32 to vector<16xi32>
      %and3A_489 = arith.andi %get3A_466, %and3A_488 : vector<16xi32>
      %or3A_490 = arith.ori %or3A_486, %and3A_489 : vector<16xi32>
      %mul3A_491 = arith.constant 128 : i32
      %mul3A_492 = arith.muli %scan3A_181, %mul3A_491 : i32
      %add3A_493 = arith.constant 112 : i32
      %add3A_494 = arith.addi %mul3A_492, %add3A_493 : i32
      %swap3A_495 = arith.index_cast %add3A_494 : i32 to index
      %swap3A_496 = tpu.vector_load %arg16[%swap3A_495] {strides = array<i32>} : memref<512xi32, #tpu.memory_space<vmem>>, vector<16xi32>,
      tpu.vector_store %arg16[%swap3A_495], %or3A_490 {strides = array<i32>} : memref<512xi32, #tpu.memory_space<vmem>>, vector<16xi32>,
      %scan3A_497 = arith.constant 0 : i32
      scf.yield %scan3A_497 : i32
    }
    %scan3A_73 = arith.constant 4 : i32
    %dma_start3A_74 = arith.constant 0 : i32
    %dma_start3A_75 = tpu.memref_slice %arg2[%dma_start3A_74] : memref<16777216xf32, #tpu.memory_space<hbm>> -> memref<16777216xf32, #tpu.memory_space<hbm>>
    tpu.enqueue_indirect_dma source(%dma_start3A_75 : memref<16777216xf32, #tpu.memory_space<hbm>>) target(%arg24 : memref<512xf32, #tpu.memory_space<vmem>>) offsets(%arg16 : memref<512xi32, #tpu.memory_space<vmem>>) semaphore(%arg32 : memref<!tpu.dma_semaphore, #tpu.memory_space<semaphore_mem>>)
    %dma_wait3A = tpu.memref_slice %arg4[%mul3A_2] : memref<131072xf32, #tpu.memory_space<hbm>> -> memref<4096xf32, #tpu.memory_space<hbm>>
    %dma_wait3A_76 = tpu.memref_slice %arg4[%mul3A_2] : memref<131072xf32, #tpu.memory_space<hbm>> -> memref<4096xf32, #tpu.memory_space<hbm>>
    tpu.wait_dma2 semaphore(%arg33 : memref<!tpu.dma_semaphore, #tpu.memory_space<semaphore_mem>>) src(%dma_wait3A_76 : memref<4096xf32, #tpu.memory_space<hbm>>) dst(%arg8 : memref<4096xf32, #tpu.memory_space<vmem>>)
    %dma_wait3A_77 = arith.constant 0 : i32
    %dma_wait3A_78 = tpu.memref_slice %arg2[%dma_wait3A_77] : memref<16777216xf32, #tpu.memory_space<hbm>> -> memref<16777216xf32, #tpu.memory_space<hbm>>
    tpu.wait_indirect_dma semaphore(%arg25 : memref<!tpu.dma_semaphore, #tpu.memory_space<semaphore_mem>>) src(%dma_wait3A_78 : memref<16777216xf32, #tpu.memory_space<hbm>>) dst(%arg17 : memref<512xf32, #tpu.memory_space<vmem>>)
    %scan3A_79 = arith.constant 0 : i32
    %scan3A_80 = arith.constant 0 : i32
    %scan3A_81 = arith.constant 32 : i32
    %scan3A_82 = arith.addi %scan3A_80, %scan3A_81 : i32
    %scan3A_83 = arith.constant 1 : i32
    %scan3A_84 = scf.for %scan3A_181 = %scan3A_80 to %scan3A_82 step %scan3A_83 iter_args(%scan3A_182 = %scan3A_79) -> (i32)  : i32 {
      %mul3A_183 = arith.constant 16 : i32
      %mul3A_184 = arith.muli %scan3A_181, %mul3A_183 : i32
      %get3A = arith.index_cast %mul3A_184 : i32 to index
      %get3A_185 = tpu.vector_load %arg17[%get3A] {strides = array<i32>} : memref<512xf32, #tpu.memory_space<vmem>>, vector<16xf32>,
      %mul3A_186 = arith.constant 16 : i32
      %mul3A_187 = arith.muli %scan3A_181, %mul3A_186 : i32
      %add3A_188 = arith.constant 0 : i32
      %add3A_189 = arith.addi %add3A_188, %mul3A_187 : i32
      %get3A_190 = arith.index_cast %add3A_189 : i32 to index
      %get3A_191 = tpu.vector_load %arg8[%get3A_190] {strides = array<i32>} : memref<4096xf32, #tpu.memory_space<vmem>>, vector<16xf32>,
      %sub3A = arith.constant 1.000000e+00 : f32
      %sub3A_192 = vector.broadcast %sub3A : f32 to vector<16xf32>
      %sub3A_193 = arith.subf %sub3A_192, %get3A_185 : vector<16xf32>
      %mul3A_194 = arith.mulf %get3A_191, %sub3A_193 : vector<16xf32>
      %add3A_195 = arith.addf %get3A_185, %mul3A_194 : vector<16xf32>
      %div3A = arith.divf %get3A_185, %add3A_195 : vector<16xf32>
      %mul3A_196 = arith.constant 16 : i32
      %mul3A_197 = arith.muli %scan3A_181, %mul3A_196 : i32
      %swap3A = arith.index_cast %mul3A_197 : i32 to index
      %swap3A_198 = tpu.vector_load %arg17[%swap3A] {strides = array<i32>} : memref<512xf32, #tpu.memory_space<vmem>>, vector<16xf32>,
      tpu.vector_store %arg17[%swap3A], %div3A {strides = array<i32>} : memref<512xf32, #tpu.memory_space<vmem>>, vector<16xf32>,
      %scan3A_199 = arith.constant 0 : i32
      scf.yield %scan3A_199 : i32
    }
    %scan3A_85 = arith.constant 32 : i32
    %dma_start3A_86 = arith.constant 0 : i32
    %dma_start3A_87 = tpu.memref_slice %arg2[%dma_start3A_86] : memref<16777216xf32, #tpu.memory_space<hbm>> -> memref<16777216xf32, #tpu.memory_space<hbm>>
    tpu.enqueue_indirect_dma source(%arg17 : memref<512xf32, #tpu.memory_space<vmem>>) target(%dma_start3A_87 : memref<16777216xf32, #tpu.memory_space<hbm>>) offsets(%arg9 : memref<512xi32, #tpu.memory_space<vmem>>) semaphore(%arg34 : memref<!tpu.dma_semaphore, #tpu.memory_space<semaphore_mem>>)
    %dma_wait3A_88 = arith.constant 0 : i32
    %dma_wait3A_89 = tpu.memref_slice %arg2[%dma_wait3A_88] : memref<16777216xf32, #tpu.memory_space<hbm>> -> memref<16777216xf32, #tpu.memory_space<hbm>>
    tpu.wait_indirect_dma semaphore(%arg26 : memref<!tpu.dma_semaphore, #tpu.memory_space<semaphore_mem>>) src(%dma_wait3A_89 : memref<16777216xf32, #tpu.memory_space<hbm>>) dst(%arg18 : memref<512xf32, #tpu.memory_space<vmem>>)
    %scan3A_90 = arith.constant 0 : i32
    %scan3A_91 = arith.constant 0 : i32
    %scan3A_92 = arith.constant 32 : i32
    %scan3A_93 = arith.addi %scan3A_91, %scan3A_92 : i32
    %scan3A_94 = arith.constant 1 : i32
    %scan3A_95 = scf.for %scan3A_181 = %scan3A_91 to %scan3A_93 step %scan3A_94 iter_args(%scan3A_182 = %scan3A_90) -> (i32)  : i32 {
      %mul3A_183 = arith.constant 16 : i32
      %mul3A_184 = arith.muli %scan3A_181, %mul3A_183 : i32
      %get3A = arith.index_cast %mul3A_184 : i32 to index
      %get3A_185 = tpu.vector_load %arg18[%get3A] {strides = array<i32>} : memref<512xf32, #tpu.memory_space<vmem>>, vector<16xf32>,
      %mul3A_186 = arith.constant 16 : i32
      %mul3A_187 = arith.muli %scan3A_181, %mul3A_186 : i32
      %add3A_188 = arith.constant 512 : i32
      %add3A_189 = arith.addi %add3A_188, %mul3A_187 : i32
      %get3A_190 = arith.index_cast %add3A_189 : i32 to index
      %get3A_191 = tpu.vector_load %arg8[%get3A_190] {strides = array<i32>} : memref<4096xf32, #tpu.memory_space<vmem>>, vector<16xf32>,
      %sub3A = arith.constant 1.000000e+00 : f32
      %sub3A_192 = vector.broadcast %sub3A : f32 to vector<16xf32>
      %sub3A_193 = arith.subf %sub3A_192, %get3A_185 : vector<16xf32>
      %mul3A_194 = arith.mulf %get3A_191, %sub3A_193 : vector<16xf32>
      %add3A_195 = arith.addf %get3A_185, %mul3A_194 : vector<16xf32>
      %div3A = arith.divf %get3A_185, %add3A_195 : vector<16xf32>
      %mul3A_196 = arith.constant 16 : i32
      %mul3A_197 = arith.muli %scan3A_181, %mul3A_196 : i32
      %swap3A = arith.index_cast %mul3A_197 : i32 to index
      %swap3A_198 = tpu.vector_load %arg18[%swap3A] {strides = array<i32>} : memref<512xf32, #tpu.memory_space<vmem>>, vector<16xf32>,
      tpu.vector_store %arg18[%swap3A], %div3A {strides = array<i32>} : memref<512xf32, #tpu.memory_space<vmem>>, vector<16xf32>,
      %scan3A_199 = arith.constant 0 : i32
      scf.yield %scan3A_199 : i32
    }
    %scan3A_96 = arith.constant 32 : i32
    %dma_start3A_97 = arith.constant 0 : i32
    %dma_start3A_98 = tpu.memref_slice %arg2[%dma_start3A_97] : memref<16777216xf32, #tpu.memory_space<hbm>> -> memref<16777216xf32, #tpu.memory_space<hbm>>
    tpu.enqueue_indirect_dma source(%arg18 : memref<512xf32, #tpu.memory_space<vmem>>) target(%dma_start3A_98 : memref<16777216xf32, #tpu.memory_space<hbm>>) offsets(%arg10 : memref<512xi32, #tpu.memory_space<vmem>>) semaphore(%arg34 : memref<!tpu.dma_semaphore, #tpu.memory_space<semaphore_mem>>)
    %dma_wait3A_99 = arith.constant 0 : i32
    %dma_wait3A_100 = tpu.memref_slice %arg2[%dma_wait3A_99] : memref<16777216xf32, #tpu.memory_space<hbm>> -> memref<16777216xf32, #tpu.memory_space<hbm>>
    tpu.wait_indirect_dma semaphore(%arg27 : memref<!tpu.dma_semaphore, #tpu.memory_space<semaphore_mem>>) src(%dma_wait3A_100 : memref<16777216xf32, #tpu.memory_space<hbm>>) dst(%arg19 : memref<512xf32, #tpu.memory_space<vmem>>)
    %scan3A_101 = arith.constant 0 : i32
    %scan3A_102 = arith.constant 0 : i32
    %scan3A_103 = arith.constant 32 : i32
    %scan3A_104 = arith.addi %scan3A_102, %scan3A_103 : i32
    %scan3A_105 = arith.constant 1 : i32
    %scan3A_106 = scf.for %scan3A_181 = %scan3A_102 to %scan3A_104 step %scan3A_105 iter_args(%scan3A_182 = %scan3A_101) -> (i32)  : i32 {
      %mul3A_183 = arith.constant 16 : i32
      %mul3A_184 = arith.muli %scan3A_181, %mul3A_183 : i32
      %get3A = arith.index_cast %mul3A_184 : i32 to index
      %get3A_185 = tpu.vector_load %arg19[%get3A] {strides = array<i32>} : memref<512xf32, #tpu.memory_space<vmem>>, vector<16xf32>,
      %mul3A_186 = arith.constant 16 : i32
      %mul3A_187 = arith.muli %scan3A_181, %mul3A_186 : i32
      %add3A_188 = arith.constant 1024 : i32
      %add3A_189 = arith.addi %add3A_188, %mul3A_187 : i32
      %get3A_190 = arith.index_cast %add3A_189 : i32 to index
      %get3A_191 = tpu.vector_load %arg8[%get3A_190] {strides = array<i32>} : memref<4096xf32, #tpu.memory_space<vmem>>, vector<16xf32>,
      %sub3A = arith.constant 1.000000e+00 : f32
      %sub3A_192 = vector.broadcast %sub3A : f32 to vector<16xf32>
      %sub3A_193 = arith.subf %sub3A_192, %get3A_185 : vector<16xf32>
      %mul3A_194 = arith.mulf %get3A_191, %sub3A_193 : vector<16xf32>
      %add3A_195 = arith.addf %get3A_185, %mul3A_194 : vector<16xf32>
      %div3A = arith.divf %get3A_185, %add3A_195 : vector<16xf32>
      %mul3A_196 = arith.constant 16 : i32
      %mul3A_197 = arith.muli %scan3A_181, %mul3A_196 : i32
      %swap3A = arith.index_cast %mul3A_197 : i32 to index
      %swap3A_198 = tpu.vector_load %arg19[%swap3A] {strides = array<i32>} : memref<512xf32, #tpu.memory_space<vmem>>, vector<16xf32>,
      tpu.vector_store %arg19[%swap3A], %div3A {strides = array<i32>} : memref<512xf32, #tpu.memory_space<vmem>>, vector<16xf32>,
      %scan3A_199 = arith.constant 0 : i32
      scf.yield %scan3A_199 : i32
    }
    %scan3A_107 = arith.constant 32 : i32
    %dma_start3A_108 = arith.constant 0 : i32
    %dma_start3A_109 = tpu.memref_slice %arg2[%dma_start3A_108] : memref<16777216xf32, #tpu.memory_space<hbm>> -> memref<16777216xf32, #tpu.memory_space<hbm>>
    tpu.enqueue_indirect_dma source(%arg19 : memref<512xf32, #tpu.memory_space<vmem>>) target(%dma_start3A_109 : memref<16777216xf32, #tpu.memory_space<hbm>>) offsets(%arg11 : memref<512xi32, #tpu.memory_space<vmem>>) semaphore(%arg34 : memref<!tpu.dma_semaphore, #tpu.memory_space<semaphore_mem>>)
    %dma_wait3A_110 = arith.constant 0 : i32
    %dma_wait3A_111 = tpu.memref_slice %arg2[%dma_wait3A_110] : memref<16777216xf32, #tpu.memory_space<hbm>> -> memref<16777216xf32, #tpu.memory_space<hbm>>
    tpu.wait_indirect_dma semaphore(%arg28 : memref<!tpu.dma_semaphore, #tpu.memory_space<semaphore_mem>>) src(%dma_wait3A_111 : memref<16777216xf32, #tpu.memory_space<hbm>>) dst(%arg20 : memref<512xf32, #tpu.memory_space<vmem>>)
    %scan3A_112 = arith.constant 0 : i32
    %scan3A_113 = arith.constant 0 : i32
    %scan3A_114 = arith.constant 32 : i32
    %scan3A_115 = arith.addi %scan3A_113, %scan3A_114 : i32
    %scan3A_116 = arith.constant 1 : i32
    %scan3A_117 = scf.for %scan3A_181 = %scan3A_113 to %scan3A_115 step %scan3A_116 iter_args(%scan3A_182 = %scan3A_112) -> (i32)  : i32 {
      %mul3A_183 = arith.constant 16 : i32
      %mul3A_184 = arith.muli %scan3A_181, %mul3A_183 : i32
      %get3A = arith.index_cast %mul3A_184 : i32 to index
      %get3A_185 = tpu.vector_load %arg20[%get3A] {strides = array<i32>} : memref<512xf32, #tpu.memory_space<vmem>>, vector<16xf32>,
      %mul3A_186 = arith.constant 16 : i32
      %mul3A_187 = arith.muli %scan3A_181, %mul3A_186 : i32
      %add3A_188 = arith.constant 1536 : i32
      %add3A_189 = arith.addi %add3A_188, %mul3A_187 : i32
      %get3A_190 = arith.index_cast %add3A_189 : i32 to index
      %get3A_191 = tpu.vector_load %arg8[%get3A_190] {strides = array<i32>} : memref<4096xf32, #tpu.memory_space<vmem>>, vector<16xf32>,
      %sub3A = arith.constant 1.000000e+00 : f32
      %sub3A_192 = vector.broadcast %sub3A : f32 to vector<16xf32>
      %sub3A_193 = arith.subf %sub3A_192, %get3A_185 : vector<16xf32>
      %mul3A_194 = arith.mulf %get3A_191, %sub3A_193 : vector<16xf32>
      %add3A_195 = arith.addf %get3A_185, %mul3A_194 : vector<16xf32>
      %div3A = arith.divf %get3A_185, %add3A_195 : vector<16xf32>
      %mul3A_196 = arith.constant 16 : i32
      %mul3A_197 = arith.muli %scan3A_181, %mul3A_196 : i32
      %swap3A = arith.index_cast %mul3A_197 : i32 to index
      %swap3A_198 = tpu.vector_load %arg20[%swap3A] {strides = array<i32>} : memref<512xf32, #tpu.memory_space<vmem>>, vector<16xf32>,
      tpu.vector_store %arg20[%swap3A], %div3A {strides = array<i32>} : memref<512xf32, #tpu.memory_space<vmem>>, vector<16xf32>,
      %scan3A_199 = arith.constant 0 : i32
      scf.yield %scan3A_199 : i32
    }
    %scan3A_118 = arith.constant 32 : i32
    %dma_start3A_119 = arith.constant 0 : i32
    %dma_start3A_120 = tpu.memref_slice %arg2[%dma_start3A_119] : memref<16777216xf32, #tpu.memory_space<hbm>> -> memref<16777216xf32, #tpu.memory_space<hbm>>
    tpu.enqueue_indirect_dma source(%arg20 : memref<512xf32, #tpu.memory_space<vmem>>) target(%dma_start3A_120 : memref<16777216xf32, #tpu.memory_space<hbm>>) offsets(%arg12 : memref<512xi32, #tpu.memory_space<vmem>>) semaphore(%arg34 : memref<!tpu.dma_semaphore, #tpu.memory_space<semaphore_mem>>)
    %dma_wait3A_121 = arith.constant 0 : i32
    %dma_wait3A_122 = tpu.memref_slice %arg2[%dma_wait3A_121] : memref<16777216xf32, #tpu.memory_space<hbm>> -> memref<16777216xf32, #tpu.memory_space<hbm>>
    tpu.wait_indirect_dma semaphore(%arg29 : memref<!tpu.dma_semaphore, #tpu.memory_space<semaphore_mem>>) src(%dma_wait3A_122 : memref<16777216xf32, #tpu.memory_space<hbm>>) dst(%arg21 : memref<512xf32, #tpu.memory_space<vmem>>)
    %scan3A_123 = arith.constant 0 : i32
    %scan3A_124 = arith.constant 0 : i32
    %scan3A_125 = arith.constant 32 : i32
    %scan3A_126 = arith.addi %scan3A_124, %scan3A_125 : i32
    %scan3A_127 = arith.constant 1 : i32
    %scan3A_128 = scf.for %scan3A_181 = %scan3A_124 to %scan3A_126 step %scan3A_127 iter_args(%scan3A_182 = %scan3A_123) -> (i32)  : i32 {
      %mul3A_183 = arith.constant 16 : i32
      %mul3A_184 = arith.muli %scan3A_181, %mul3A_183 : i32
      %get3A = arith.index_cast %mul3A_184 : i32 to index
      %get3A_185 = tpu.vector_load %arg21[%get3A] {strides = array<i32>} : memref<512xf32, #tpu.memory_space<vmem>>, vector<16xf32>,
      %mul3A_186 = arith.constant 16 : i32
      %mul3A_187 = arith.muli %scan3A_181, %mul3A_186 : i32
      %add3A_188 = arith.constant 2048 : i32
      %add3A_189 = arith.addi %add3A_188, %mul3A_187 : i32
      %get3A_190 = arith.index_cast %add3A_189 : i32 to index
      %get3A_191 = tpu.vector_load %arg8[%get3A_190] {strides = array<i32>} : memref<4096xf32, #tpu.memory_space<vmem>>, vector<16xf32>,
      %sub3A = arith.constant 1.000000e+00 : f32
      %sub3A_192 = vector.broadcast %sub3A : f32 to vector<16xf32>
      %sub3A_193 = arith.subf %sub3A_192, %get3A_185 : vector<16xf32>
      %mul3A_194 = arith.mulf %get3A_191, %sub3A_193 : vector<16xf32>
      %add3A_195 = arith.addf %get3A_185, %mul3A_194 : vector<16xf32>
      %div3A = arith.divf %get3A_185, %add3A_195 : vector<16xf32>
      %mul3A_196 = arith.constant 16 : i32
      %mul3A_197 = arith.muli %scan3A_181, %mul3A_196 : i32
      %swap3A = arith.index_cast %mul3A_197 : i32 to index
      %swap3A_198 = tpu.vector_load %arg21[%swap3A] {strides = array<i32>} : memref<512xf32, #tpu.memory_space<vmem>>, vector<16xf32>,
      tpu.vector_store %arg21[%swap3A], %div3A {strides = array<i32>} : memref<512xf32, #tpu.memory_space<vmem>>, vector<16xf32>,
      %scan3A_199 = arith.constant 0 : i32
      scf.yield %scan3A_199 : i32
    }
    %scan3A_129 = arith.constant 32 : i32
    %dma_start3A_130 = arith.constant 0 : i32
    %dma_start3A_131 = tpu.memref_slice %arg2[%dma_start3A_130] : memref<16777216xf32, #tpu.memory_space<hbm>> -> memref<16777216xf32, #tpu.memory_space<hbm>>
    tpu.enqueue_indirect_dma source(%arg21 : memref<512xf32, #tpu.memory_space<vmem>>) target(%dma_start3A_131 : memref<16777216xf32, #tpu.memory_space<hbm>>) offsets(%arg13 : memref<512xi32, #tpu.memory_space<vmem>>) semaphore(%arg34 : memref<!tpu.dma_semaphore, #tpu.memory_space<semaphore_mem>>)
    %dma_wait3A_132 = arith.constant 0 : i32
    %dma_wait3A_133 = tpu.memref_slice %arg2[%dma_wait3A_132] : memref<16777216xf32, #tpu.memory_space<hbm>> -> memref<16777216xf32, #tpu.memory_space<hbm>>
    tpu.wait_indirect_dma semaphore(%arg30 : memref<!tpu.dma_semaphore, #tpu.memory_space<semaphore_mem>>) src(%dma_wait3A_133 : memref<16777216xf32, #tpu.memory_space<hbm>>) dst(%arg22 : memref<512xf32, #tpu.memory_space<vmem>>)
    %scan3A_134 = arith.constant 0 : i32
    %scan3A_135 = arith.constant 0 : i32
    %scan3A_136 = arith.constant 32 : i32
    %scan3A_137 = arith.addi %scan3A_135, %scan3A_136 : i32
    %scan3A_138 = arith.constant 1 : i32
    %scan3A_139 = scf.for %scan3A_181 = %scan3A_135 to %scan3A_137 step %scan3A_138 iter_args(%scan3A_182 = %scan3A_134) -> (i32)  : i32 {
      %mul3A_183 = arith.constant 16 : i32
      %mul3A_184 = arith.muli %scan3A_181, %mul3A_183 : i32
      %get3A = arith.index_cast %mul3A_184 : i32 to index
      %get3A_185 = tpu.vector_load %arg22[%get3A] {strides = array<i32>} : memref<512xf32, #tpu.memory_space<vmem>>, vector<16xf32>,
      %mul3A_186 = arith.constant 16 : i32
      %mul3A_187 = arith.muli %scan3A_181, %mul3A_186 : i32
      %add3A_188 = arith.constant 2560 : i32
      %add3A_189 = arith.addi %add3A_188, %mul3A_187 : i32
      %get3A_190 = arith.index_cast %add3A_189 : i32 to index
      %get3A_191 = tpu.vector_load %arg8[%get3A_190] {strides = array<i32>} : memref<4096xf32, #tpu.memory_space<vmem>>, vector<16xf32>,
      %sub3A = arith.constant 1.000000e+00 : f32
      %sub3A_192 = vector.broadcast %sub3A : f32 to vector<16xf32>
      %sub3A_193 = arith.subf %sub3A_192, %get3A_185 : vector<16xf32>
      %mul3A_194 = arith.mulf %get3A_191, %sub3A_193 : vector<16xf32>
      %add3A_195 = arith.addf %get3A_185, %mul3A_194 : vector<16xf32>
      %div3A = arith.divf %get3A_185, %add3A_195 : vector<16xf32>
      %mul3A_196 = arith.constant 16 : i32
      %mul3A_197 = arith.muli %scan3A_181, %mul3A_196 : i32
      %swap3A = arith.index_cast %mul3A_197 : i32 to index
      %swap3A_198 = tpu.vector_load %arg22[%swap3A] {strides = array<i32>} : memref<512xf32, #tpu.memory_space<vmem>>, vector<16xf32>,
      tpu.vector_store %arg22[%swap3A], %div3A {strides = array<i32>} : memref<512xf32, #tpu.memory_space<vmem>>, vector<16xf32>,
      %scan3A_199 = arith.constant 0 : i32
      scf.yield %scan3A_199 : i32
    }
    %scan3A_140 = arith.constant 32 : i32
    %dma_start3A_141 = arith.constant 0 : i32
    %dma_start3A_142 = tpu.memref_slice %arg2[%dma_start3A_141] : memref<16777216xf32, #tpu.memory_space<hbm>> -> memref<16777216xf32, #tpu.memory_space<hbm>>
    tpu.enqueue_indirect_dma source(%arg22 : memref<512xf32, #tpu.memory_space<vmem>>) target(%dma_start3A_142 : memref<16777216xf32, #tpu.memory_space<hbm>>) offsets(%arg14 : memref<512xi32, #tpu.memory_space<vmem>>) semaphore(%arg34 : memref<!tpu.dma_semaphore, #tpu.memory_space<semaphore_mem>>)
    %dma_wait3A_143 = arith.constant 0 : i32
    %dma_wait3A_144 = tpu.memref_slice %arg2[%dma_wait3A_143] : memref<16777216xf32, #tpu.memory_space<hbm>> -> memref<16777216xf32, #tpu.memory_space<hbm>>
    tpu.wait_indirect_dma semaphore(%arg31 : memref<!tpu.dma_semaphore, #tpu.memory_space<semaphore_mem>>) src(%dma_wait3A_144 : memref<16777216xf32, #tpu.memory_space<hbm>>) dst(%arg23 : memref<512xf32, #tpu.memory_space<vmem>>)
    %scan3A_145 = arith.constant 0 : i32
    %scan3A_146 = arith.constant 0 : i32
    %scan3A_147 = arith.constant 32 : i32
    %scan3A_148 = arith.addi %scan3A_146, %scan3A_147 : i32
    %scan3A_149 = arith.constant 1 : i32
    %scan3A_150 = scf.for %scan3A_181 = %scan3A_146 to %scan3A_148 step %scan3A_149 iter_args(%scan3A_182 = %scan3A_145) -> (i32)  : i32 {
      %mul3A_183 = arith.constant 16 : i32
      %mul3A_184 = arith.muli %scan3A_181, %mul3A_183 : i32
      %get3A = arith.index_cast %mul3A_184 : i32 to index
      %get3A_185 = tpu.vector_load %arg23[%get3A] {strides = array<i32>} : memref<512xf32, #tpu.memory_space<vmem>>, vector<16xf32>,
      %mul3A_186 = arith.constant 16 : i32
      %mul3A_187 = arith.muli %scan3A_181, %mul3A_186 : i32
      %add3A_188 = arith.constant 3072 : i32
      %add3A_189 = arith.addi %add3A_188, %mul3A_187 : i32
      %get3A_190 = arith.index_cast %add3A_189 : i32 to index
      %get3A_191 = tpu.vector_load %arg8[%get3A_190] {strides = array<i32>} : memref<4096xf32, #tpu.memory_space<vmem>>, vector<16xf32>,
      %sub3A = arith.constant 1.000000e+00 : f32
      %sub3A_192 = vector.broadcast %sub3A : f32 to vector<16xf32>
      %sub3A_193 = arith.subf %sub3A_192, %get3A_185 : vector<16xf32>
      %mul3A_194 = arith.mulf %get3A_191, %sub3A_193 : vector<16xf32>
      %add3A_195 = arith.addf %get3A_185, %mul3A_194 : vector<16xf32>
      %div3A = arith.divf %get3A_185, %add3A_195 : vector<16xf32>
      %mul3A_196 = arith.constant 16 : i32
      %mul3A_197 = arith.muli %scan3A_181, %mul3A_196 : i32
      %swap3A = arith.index_cast %mul3A_197 : i32 to index
      %swap3A_198 = tpu.vector_load %arg23[%swap3A] {strides = array<i32>} : memref<512xf32, #tpu.memory_space<vmem>>, vector<16xf32>,
      tpu.vector_store %arg23[%swap3A], %div3A {strides = array<i32>} : memref<512xf32, #tpu.memory_space<vmem>>, vector<16xf32>,
      %scan3A_199 = arith.constant 0 : i32
      scf.yield %scan3A_199 : i32
    }
    %scan3A_151 = arith.constant 32 : i32
    %dma_start3A_152 = arith.constant 0 : i32
    %dma_start3A_153 = tpu.memref_slice %arg2[%dma_start3A_152] : memref<16777216xf32, #tpu.memory_space<hbm>> -> memref<16777216xf32, #tpu.memory_space<hbm>>
    tpu.enqueue_indirect_dma source(%arg23 : memref<512xf32, #tpu.memory_space<vmem>>) target(%dma_start3A_153 : memref<16777216xf32, #tpu.memory_space<hbm>>) offsets(%arg15 : memref<512xi32, #tpu.memory_space<vmem>>) semaphore(%arg34 : memref<!tpu.dma_semaphore, #tpu.memory_space<semaphore_mem>>)
    %dma_wait3A_154 = arith.constant 0 : i32
    %dma_wait3A_155 = tpu.memref_slice %arg2[%dma_wait3A_154] : memref<16777216xf32, #tpu.memory_space<hbm>> -> memref<16777216xf32, #tpu.memory_space<hbm>>
    tpu.wait_indirect_dma semaphore(%arg32 : memref<!tpu.dma_semaphore, #tpu.memory_space<semaphore_mem>>) src(%dma_wait3A_155 : memref<16777216xf32, #tpu.memory_space<hbm>>) dst(%arg24 : memref<512xf32, #tpu.memory_space<vmem>>)
    %scan3A_156 = arith.constant 0 : i32
    %scan3A_157 = arith.constant 0 : i32
    %scan3A_158 = arith.constant 32 : i32
    %scan3A_159 = arith.addi %scan3A_157, %scan3A_158 : i32
    %scan3A_160 = arith.constant 1 : i32
    %scan3A_161 = scf.for %scan3A_181 = %scan3A_157 to %scan3A_159 step %scan3A_160 iter_args(%scan3A_182 = %scan3A_156) -> (i32)  : i32 {
      %mul3A_183 = arith.constant 16 : i32
      %mul3A_184 = arith.muli %scan3A_181, %mul3A_183 : i32
      %get3A = arith.index_cast %mul3A_184 : i32 to index
      %get3A_185 = tpu.vector_load %arg24[%get3A] {strides = array<i32>} : memref<512xf32, #tpu.memory_space<vmem>>, vector<16xf32>,
      %mul3A_186 = arith.constant 16 : i32
      %mul3A_187 = arith.muli %scan3A_181, %mul3A_186 : i32
      %add3A_188 = arith.constant 3584 : i32
      %add3A_189 = arith.addi %add3A_188, %mul3A_187 : i32
      %get3A_190 = arith.index_cast %add3A_189 : i32 to index
      %get3A_191 = tpu.vector_load %arg8[%get3A_190] {strides = array<i32>} : memref<4096xf32, #tpu.memory_space<vmem>>, vector<16xf32>,
      %sub3A = arith.constant 1.000000e+00 : f32
      %sub3A_192 = vector.broadcast %sub3A : f32 to vector<16xf32>
      %sub3A_193 = arith.subf %sub3A_192, %get3A_185 : vector<16xf32>
      %mul3A_194 = arith.mulf %get3A_191, %sub3A_193 : vector<16xf32>
      %add3A_195 = arith.addf %get3A_185, %mul3A_194 : vector<16xf32>
      %div3A = arith.divf %get3A_185, %add3A_195 : vector<16xf32>
      %mul3A_196 = arith.constant 16 : i32
      %mul3A_197 = arith.muli %scan3A_181, %mul3A_196 : i32
      %swap3A = arith.index_cast %mul3A_197 : i32 to index
      %swap3A_198 = tpu.vector_load %arg24[%swap3A] {strides = array<i32>} : memref<512xf32, #tpu.memory_space<vmem>>, vector<16xf32>,
      tpu.vector_store %arg24[%swap3A], %div3A {strides = array<i32>} : memref<512xf32, #tpu.memory_space<vmem>>, vector<16xf32>,
      %scan3A_199 = arith.constant 0 : i32
      scf.yield %scan3A_199 : i32
    }
    %scan3A_162 = arith.constant 32 : i32
    %dma_start3A_163 = arith.constant 0 : i32
    %dma_start3A_164 = tpu.memref_slice %arg2[%dma_start3A_163] : memref<16777216xf32, #tpu.memory_space<hbm>> -> memref<16777216xf32, #tpu.memory_space<hbm>>
    tpu.enqueue_indirect_dma source(%arg24 : memref<512xf32, #tpu.memory_space<vmem>>) target(%dma_start3A_164 : memref<16777216xf32, #tpu.memory_space<hbm>>) offsets(%arg16 : memref<512xi32, #tpu.memory_space<vmem>>) semaphore(%arg34 : memref<!tpu.dma_semaphore, #tpu.memory_space<semaphore_mem>>)
    %dma_wait3A_165 = arith.constant 0 : i32
    %dma_wait3A_166 = tpu.memref_slice %arg2[%dma_wait3A_165] : memref<16777216xf32, #tpu.memory_space<hbm>> -> memref<16777216xf32, #tpu.memory_space<hbm>>
    tpu.wait_indirect_dma semaphore(%arg34 : memref<!tpu.dma_semaphore, #tpu.memory_space<semaphore_mem>>) src(%arg17 : memref<512xf32, #tpu.memory_space<vmem>>) dst(%dma_wait3A_166 : memref<16777216xf32, #tpu.memory_space<hbm>>)
    %dma_wait3A_167 = arith.constant 0 : i32
    %dma_wait3A_168 = tpu.memref_slice %arg2[%dma_wait3A_167] : memref<16777216xf32, #tpu.memory_space<hbm>> -> memref<16777216xf32, #tpu.memory_space<hbm>>
    tpu.wait_indirect_dma semaphore(%arg34 : memref<!tpu.dma_semaphore, #tpu.memory_space<semaphore_mem>>) src(%arg18 : memref<512xf32, #tpu.memory_space<vmem>>) dst(%dma_wait3A_168 : memref<16777216xf32, #tpu.memory_space<hbm>>)
    %dma_wait3A_169 = arith.constant 0 : i32
    %dma_wait3A_170 = tpu.memref_slice %arg2[%dma_wait3A_169] : memref<16777216xf32, #tpu.memory_space<hbm>> -> memref<16777216xf32, #tpu.memory_space<hbm>>
    tpu.wait_indirect_dma semaphore(%arg34 : memref<!tpu.dma_semaphore, #tpu.memory_space<semaphore_mem>>) src(%arg19 : memref<512xf32, #tpu.memory_space<vmem>>) dst(%dma_wait3A_170 : memref<16777216xf32, #tpu.memory_space<hbm>>)
    %dma_wait3A_171 = arith.constant 0 : i32
    %dma_wait3A_172 = tpu.memref_slice %arg2[%dma_wait3A_171] : memref<16777216xf32, #tpu.memory_space<hbm>> -> memref<16777216xf32, #tpu.memory_space<hbm>>
    tpu.wait_indirect_dma semaphore(%arg34 : memref<!tpu.dma_semaphore, #tpu.memory_space<semaphore_mem>>) src(%arg20 : memref<512xf32, #tpu.memory_space<vmem>>) dst(%dma_wait3A_172 : memref<16777216xf32, #tpu.memory_space<hbm>>)
    %dma_wait3A_173 = arith.constant 0 : i32
    %dma_wait3A_174 = tpu.memref_slice %arg2[%dma_wait3A_173] : memref<16777216xf32, #tpu.memory_space<hbm>> -> memref<16777216xf32, #tpu.memory_space<hbm>>
    tpu.wait_indirect_dma semaphore(%arg34 : memref<!tpu.dma_semaphore, #tpu.memory_space<semaphore_mem>>) src(%arg21 : memref<512xf32, #tpu.memory_space<vmem>>) dst(%dma_wait3A_174 : memref<16777216xf32, #tpu.memory_space<hbm>>)
    %dma_wait3A_175 = arith.constant 0 : i32
    %dma_wait3A_176 = tpu.memref_slice %arg2[%dma_wait3A_175] : memref<16777216xf32, #tpu.memory_space<hbm>> -> memref<16777216xf32, #tpu.memory_space<hbm>>
    tpu.wait_indirect_dma semaphore(%arg34 : memref<!tpu.dma_semaphore, #tpu.memory_space<semaphore_mem>>) src(%arg22 : memref<512xf32, #tpu.memory_space<vmem>>) dst(%dma_wait3A_176 : memref<16777216xf32, #tpu.memory_space<hbm>>)
    %dma_wait3A_177 = arith.constant 0 : i32
    %dma_wait3A_178 = tpu.memref_slice %arg2[%dma_wait3A_177] : memref<16777216xf32, #tpu.memory_space<hbm>> -> memref<16777216xf32, #tpu.memory_space<hbm>>
    tpu.wait_indirect_dma semaphore(%arg34 : memref<!tpu.dma_semaphore, #tpu.memory_space<semaphore_mem>>) src(%arg23 : memref<512xf32, #tpu.memory_space<vmem>>) dst(%dma_wait3A_178 : memref<16777216xf32, #tpu.memory_space<hbm>>)
    %dma_wait3A_179 = arith.constant 0 : i32
    %dma_wait3A_180 = tpu.memref_slice %arg2[%dma_wait3A_179] : memref<16777216xf32, #tpu.memory_space<hbm>> -> memref<16777216xf32, #tpu.memory_space<hbm>>
    tpu.wait_indirect_dma semaphore(%arg34 : memref<!tpu.dma_semaphore, #tpu.memory_space<semaphore_mem>>) src(%arg24 : memref<512xf32, #tpu.memory_space<vmem>>) dst(%dma_wait3A_180 : memref<16777216xf32, #tpu.memory_space<hbm>>)
    return
  }
}

module attributes {stable_mosaic.version = 14 : i64} {
  func.func @_tc_body(%arg0: i32, %arg1: memref<512x128xf32, #tpu.memory_space<vmem>>, %arg2: memref<4096x128xf32, #tpu.memory_space<vmem>>, %arg3: memref<16x16384xf32, #tpu.memory_space<vmem>>, %arg4: memref<512x4096xf32, #tpu.memory_space<vmem>>, %arg5: memref<16384xf32, #tpu.memory_space<vmem>>) attributes {dimension_semantics = [#tpu.dimension_semantics<arbitrary>], iteration_bounds = array<i64: 8>, scalar_prefetch = 0 : i64, scratch_operands = 0 : i64, tpu.core_type = #tpu.core_type<tc>, window_params = [{transform_indices = @transform_0, window_bounds = array<i64: 512, 128>}, {pipeline_mode = #tpu.pipeline_mode<synchronous>, transform_indices = @transform_1, window_bounds = array<i64: 4096, 128>}, {transform_indices = @transform_2, window_bounds = array<i64: 16, 16384>}, {transform_indices = @transform_3, window_bounds = array<i64: 512, 4096>}, {transform_indices = @transform_4, window_bounds = array<i64: 16384>}]} {
    %get3A = arith.constant 0 : index
    %get3A_0 = arith.constant 0 : index
    %get3A_1 = vector.load %arg1[%get3A, %get3A_0] : memref<512x128xf32, #tpu.memory_space<vmem>>, vector<512x128xf32>
    %get3A_2 = arith.constant 0 : index
    %get3A_3 = arith.constant 0 : index
    %get3A_4 = vector.load %arg2[%get3A_2, %get3A_3] : memref<4096x128xf32, #tpu.memory_space<vmem>>, vector<4096x128xf32>
    %dot_general3A = arith.constant dense<0.000000e+00> : vector<512x4096xf32>
    %dot_general3A_5 = tpu.matmul %get3A_1, %get3A_4, %dot_general3A {dimension_numbers = #tpu.dot_dimension_numbers<[1], [1], [0], [0], [0, 0, 1, 0], [], []>, transpose_lhs_hint = false} : vector<512x128xf32>, vector<4096x128xf32>, vector<512x4096xf32> -> vector<512x4096xf32>
    %neg3A = arith.constant 0.000000e+00 : f32
    %neg3A_6 = vector.broadcast %neg3A : f32 to vector<512x4096xf32>
    %neg3A_7 = arith.subf %neg3A_6, %dot_general3A_5 : vector<512x4096xf32>
    %exp3A = math.exp %neg3A_7 : vector<512x4096xf32>
    %add3A = arith.constant 1.000000e+00 : f32
    %add3A_8 = vector.broadcast %add3A : f32 to vector<512x4096xf32>
    %add3A_9 = arith.addf %add3A_8, %exp3A : vector<512x4096xf32>
    %div3A = arith.constant 1.000000e+00 : f32
    %div3A_10 = vector.broadcast %div3A : f32 to vector<512x4096xf32>
    %div3A_11 = arith.divf %div3A_10, %add3A_9 : vector<512x4096xf32>
    %swap3A = arith.constant 0 : index
    %swap3A_12 = arith.constant 0 : index
    %swap3A_13 = vector.load %arg4[%swap3A, %swap3A_12] : memref<512x4096xf32, #tpu.memory_space<vmem>>, vector<512x4096xf32>
    tpu.vector_store %arg4[%swap3A, %swap3A_12], %div3A_11 {strides = array<i32>} : memref<512x4096xf32, #tpu.memory_space<vmem>>, vector<512x4096xf32>,
    %get3A_14 = arith.constant 0 : index
    %get3A_15 = arith.constant 0 : index
    %get3A_16 = vector.load %arg3[%get3A_14, %get3A_15] : memref<16x16384xf32, #tpu.memory_space<vmem>>, vector<16x16384xf32>
    %reduce_sum3A = arith.constant dense<0.000000e+00> : vector<16384xf32>
    %reduce_sum3A_17 = vector.multi_reduction <add>, %get3A_16, %reduce_sum3A [0] : vector<16x16384xf32> to vector<16384xf32>
    %mul3A = arith.constant -6.250000e-02 : f32
    %mul3A_18 = vector.broadcast %mul3A : f32 to vector<16384xf32>
    %mul3A_19 = arith.mulf %reduce_sum3A_17, %mul3A_18 : vector<16384xf32>
    %exp3A_20 = math.exp %mul3A_19 : vector<16384xf32>
    %swap3A_21 = arith.constant 0 : index
    %swap3A_22 = vector.load %arg5[%swap3A_21] : memref<16384xf32, #tpu.memory_space<vmem>>, vector<16384xf32>
    tpu.vector_store %arg5[%swap3A_21], %exp3A_20 {strides = array<i32>} : memref<16384xf32, #tpu.memory_space<vmem>>, vector<16384xf32>,
    return
  }
  func.func @transform_0(%arg0: i32) -> (i32, i32) {
    %c0_i32 = arith.constant 0 : i32
    %c0_i32_0 = arith.constant 0 : i32
    return %arg0, %c0_i32 : i32, i32
  }
  func.func @transform_1(%arg0: i32) -> (i32, i32) {
    %c0_i32 = arith.constant 0 : i32
    %c0_i32_0 = arith.constant 0 : i32
    %c0_i32_1 = arith.constant 0 : i32
    return %c0_i32, %c0_i32_0 : i32, i32
  }
  func.func @transform_2(%arg0: i32) -> (i32, i32) {
    %c0_i32 = arith.constant 0 : i32
    %c0_i32_0 = arith.constant 0 : i32
    return %c0_i32, %arg0 : i32, i32
  }
  func.func @transform_3(%arg0: i32) -> (i32, i32) {
    %c0_i32 = arith.constant 0 : i32
    %c0_i32_0 = arith.constant 0 : i32
    return %arg0, %c0_i32 : i32, i32
  }
  func.func @transform_4(%arg0: i32) -> i32 {
    %c0_i32 = arith.constant 0 : i32
    return %arg0 : i32
  }
}

</mosaic_0001>

<sc_bundles>
// kernel: kernel.4.cloned.1.call-start
scs
__scs_entry_jumppad:
0x0: {  	(pc) =	sbr.rel $0x88, $3  }
0x1: {  	(tag) =	ssettag $0x0;
	lr =	simm.s32 $0x1  }
0x2: {  	[smem:$0x3F9E] =	sst lr;
	_ =	strace $0xD0000000  }
0x3: {  	_ = 	snop  }
0x4: {  	_ = 	snop  }
0x5: {  	_ = 	snop  }
0x6: {  	_ = 	snop  }
0x7: {  	_ = 	snop  }
__scs_overlays_trampoline_lowered:
0x8: {  	[smem:$0x3FAD] =	sst s0  }
0x9: {  	[smem:$0x3FAE] =	sst s1  }
0xa: {  	[smem:$0x3FAF] =	sst s2  }
0xb: {  	[smem:$0x3FB0] =	sst s3  }
0xc: {  	[smem:$0x3FB1] =	sst s4  }
0xd: {  	[smem:$0x3FB2] =	sst s5  }
0xe: {  	[smem:$0x3FB3] =	sst s6  }
0xf: {  	[smem:$0x3FB4] =	sst s7  }
0x10: {  	[smem:$0x3FB5] =	sst s8  }
0x11: {  	[smem:$0x3FB6] =	sst s9;
	s0 =	simm.s32 @!p0 $0x0  }
0x12: {  	s1 =	sld [smem:$0x3F9C];
	s0 =	simm.s32 @p0 $0x1  }
0x13: {  	[smem:$0x3FB7] =	sst s0;
	s0 =	simm.s32 @!p1 $0x0  }
0x14: {  	s2 =	sld [smem:$0x3F9B];
	s0 =	simm.s32 @p1 $0x1  }
0x15: {  	[smem:$0x3FB8] =	sst s0;
	s0 =	simm.s32 @!p2 $0x0  }
0x16: {  	s3 =	sld [smem:$0x3FDB];
	s0 =	simm.s32 @p2 $0x1  }
0x17: {  	s4 =	simm.s32 $0x1BF5;
	[smem:$0x3FBA] =	sst s0  }
0x18: {  	s0 =	sld [smem:$0x3F9D];
	_ =	swait.ge [sflag:s4], $0x0  }
0x19: {  	s7 =	sld [smem:$0x3F9E]  }
0x1a: {  	s8 =	sadd.s32 $0xFFFFE003, lr  }
0x1b: {  	s9 =	sadd.s32 $0xFFFFFEF7, lr;
	s5 =	simm.s32 $0xFFFFFFFF;
	p2 =	slt.u32 s8, $0xFFFFF086  }
0x1c: {  	p1 =	slt.u32 s9, $0xF7A;
	s5 =	simm.s32 @!p2 $0x0  }
0x1d: {  	s5 =	simm.s32 @p1 $0x1;
	p0 =	seq.s32 s7, s2  }
0x1e: {  	s7 =	smul.u32 @!p0 $0xF7A, s2;
	p2 =	seq.s32 @!p0 s5, $0x0  }
0x1f: {  	s9 =	smul.u32 $0xF7A, s1;
	s8 =	simm.s32 @!p0 $0x1BF5;
	p2 =	por !p2, p0  }
0x20: {  	[sflag:s8] =	ssyncset.s32 @!p0 $0xFFFFF086;
	s6 =	sadd.s32 @!p0 s3, s7;
	s7 =	simm.s32 @!p0 $0x108  }
0x21: {  	s3 =	sadd.s32 s3, s9;
	s6 =	sadd.s32 @!p0 $0x88, s6;
	s7 =	simm.s32 @p2 $0x1082  }
0x22: {  	[simem:s7], [sflag:s8] =	dma.local @!p0 [hbm:s6], $0xF7A  }
0x23: {  	s9 =	sor.u32 $0xD0000000, s2;
	s6 =	simm.s32 $0x108;
	_ =	swait.ge @!p0 [sflag:s8], $0x0  }
0x24: {  	s3 =	sadd.s32 $0x88, s3;
	s6 =	simm.s32 @!p1 $0x1082;
	[sflag:s4] =	ssyncset.s32 $0xFFFFF086  }
0x25: {  	[simem:s6], [sflag:s4] =	dma.local [hbm:s3], $0xF7A  }
0x26: {  	[smem:$0x3F9E] =	sst s1;
	(tag) =	ssettag s2;
	_ =	strace s9  }
0x27: {  	s1 =	sld [smem:$0x3FAE]  }
0x28: {  	s2 =	sld [smem:$0x3FAF]  }
0x29: {  	s4 =	sld [smem:$0x3FB1]  }
0x2a: {  	p0 =	seq.s32 s5, $0x0;
	s5 =	sld [smem:$0x3FB2]  }
0x2b: {  	s6 =	sld [smem:$0x3FB3]  }
0x2c: {  	s7 =	sld [smem:$0x3FB4]  }
0x2d: {  	s3 =	simm.s32 $0x108;
	s8 =	sld [smem:$0x3FB5]  }
0x2e: {  	s3 =	simm.s32 @!p0 $0x1082;
	s9 =	sld [smem:$0x3FB6]  }
0x2f: {  	lr =	sadd.s32 s0, s3;
	s0 =	sld [smem:$0x3FAD]  }
0x30: {  	s3 =	sld [smem:$0x3FB0]  }
0x31: {  	[smem:$0x3FB9] =	sst s10  }
0x32: {  	s10 =	sld [smem:$0x3FB7];
	_ =	sdelay $0x3  }
0x33: {  	p0 =	seq.s32 s10, $0x1;
	s10 =	sld [smem:$0x3FB9];
	_ =	sdelay $0x3  }
0x34: {  	[smem:$0x3FB9] =	sst s10  }
0x35: {  	s10 =	sld [smem:$0x3FB8];
	_ =	sdelay $0x3  }
0x36: {  	p1 =	seq.s32 s10, $0x1;
	s10 =	sld [smem:$0x3FB9];
	_ =	sdelay $0x3  }
0x37: {  	[smem:$0x3FB9] =	sst s10  }
0x38: {  	s10 =	sld [smem:$0x3FBA]  }
0x39: {  	_ = 	snop;
	(pc) =	sbr.ind lr, $3  }
0x3a: {  	_ = 	snop  }
0x3b: {  	_ = 	snop  }
0x3c: {  	p2 =	seq.s32 s10, $0x1;
	s10 =	sld [smem:$0x3FB9]  }
0x3d: {  	_ =	shalt  }
0x3e: {  	_ =	shalt  }
0x3f: {  	_ =	shalt  }
0x40: {  	_ =	shalt  }
0x41: {  	_ =	shalt  }
0x42: {  	_ =	shalt  }
0x43: {  	_ =	shalt  }
0x44: {  	_ =	shalt  }
0x45: {  	_ =	shalt  }
0x46: {  	_ =	shalt  }
0x47: {  	_ =	shalt  }
0x48: {  	_ =	shalt  }
0x49: {  	_ =	shalt  }
0x4a: {  	_ =	shalt  }
0x4b: {  	_ =	shalt  }
0x4c: {  	_ =	shalt  }
0x4d: {  	_ =	shalt  }
0x4e: {  	_ =	shalt  }
0x4f: {  	_ =	shalt  }
0x50: {  	_ =	shalt  }
0x51: {  	_ =	shalt  }
0x52: {  	_ =	shalt  }
0x53: {  	_ =	shalt  }
0x54: {  	_ =	shalt  }
0x55: {  	_ =	shalt  }
0x56: {  	_ =	shalt  }
0x57: {  	_ =	shalt  }
0x58: {  	_ =	shalt  }
0x59: {  	_ =	shalt  }
0x5a: {  	_ =	shalt  }
0x5b: {  	_ =	shalt  }
0x5c: {  	_ =	shalt  }
0x5d: {  	_ =	shalt  }
0x5e: {  	_ =	shalt  }
0x5f: {  	_ =	shalt  }
0x60: {  	_ =	shalt  }
0x61: {  	_ =	shalt  }
0x62: {  	_ =	shalt  }
0x63: {  	_ =	shalt  }
0x64: {  	_ =	shalt  }
0x65: {  	_ =	shalt  }
0x66: {  	_ =	shalt  }
0x67: {  	_ =	shalt  }
0x68: {  	_ =	shalt  }
0x69: {  	_ =	shalt  }
0x6a: {  	_ =	shalt  }
0x6b: {  	_ =	shalt  }
0x6c: {  	_ =	shalt  }
0x6d: {  	_ =	shalt  }
0x6e: {  	_ =	shalt  }
0x6f: {  	_ =	shalt  }
0x70: {  	_ =	shalt  }
0x71: {  	_ =	shalt  }
0x72: {  	_ =	shalt  }
0x73: {  	_ =	shalt  }
0x74: {  	_ =	shalt  }
0x75: {  	_ =	shalt  }
0x76: {  	_ =	shalt  }
0x77: {  	_ =	shalt  }
0x78: {  	_ =	shalt  }
0x79: {  	_ =	shalt  }
0x7a: {  	_ =	shalt  }
0x7b: {  	_ =	shalt  }
0x7c: {  	_ =	shalt  }
0x7d: {  	_ =	shalt  }
0x7e: {  	_ =	shalt  }
0x7f: {  	_ =	shalt  }
0x80: {  	_ =	shalt  }
0x81: {  	_ =	shalt  }
0x82: {  	_ =	shalt  }
0x83: {  	_ =	shalt  }
0x84: {  	_ =	shalt  }
0x85: {  	_ =	shalt  }
0x86: {  	_ =	shalt  }
0x87: {  	_ =	shalt  }
.Lfunc_end0:
.L_simem_size_0:
called_computation_lowered:
.L_overlay_start_0:
0x88: {  	s2 =	sld [smem:$0x3FD9]  }
0x89: {  	s3 =	sld [smem:$0x3FFE];
	_ =	sdelay $0x1  }
0x8a: {  	s1 =	srdreg.scid  }
0x8b: {  	s0 =	sand.u32 $0x1, s1  }
0x8c: {  	s17 =	sshll.u32 s0, $0xA;
	s2 =	sadd.s32 s3, s2  }
0x8d: {  	s2 =	sadd.s32 s2, s17  }
0x8e: {  	[smem:$0x3FC5] =	sst s2  }
0x8f: {  	_ = 	snop  }
0x90: {  	s2 =	sld [smem:$0x3FC8]  }
0x91: {  	s18 =	sld [smem:$0x3FD0];
	(tm) =	ssettm $0x1  }
0x92: {  	s4 =	sld [smem:$0x3FFB];
	_ =	sdelay $0x3  }
0x93: {  	_ =	strace s4  }
0x94: {  	s4 =	sld [smem:$0x3FFC];
	_ =	sdelay $0x3  }
0x95: {  	_ =	strace s4  }
0x96: {  	s4 =	sld [smem:$0x3FFD];
	_ =	sdelay $0x3  }
0x97: {  	_ =	strace s4  }
0x98: {  	_ =	strace $0x8FFFFFFF  }
0x99: {  	s19 =	sld [smem:$0x3FDB];
	_ =	sdelay $0x1  }
0x9a: {  	s5 =	simm.s32 $_scs_section_size  }
0x9b: {  	s6 =	simm.s32 $_size__tile_overlayer_lowered;
	s7 =	simm.s32 $_tile_overlayer_lowered  }
0x9c: {  	s22 =	simm.s32 $0x1BFF;
	s21 =	sshll.u32 s7, $0x1;
	s4 =	sadd.s32 s5, s19  }
0x9d: {  	s8 =	simm.s32 $0x0;
	s20 =	sshll.u32 s6, $0x1;
	s6 =	sadd.s32 s21, s4  }
0x9e: {  	[timem:s8], [sflag:s22] =	dma.local [hbm:s6], s20  }
0x9f: {  	_ =	swait.ge [sflag:s22], s20  }
0xa0: {  	s5 =	ssub.s32 $0x0, s20;
	[sflag:s22] =	ssyncset.done $0x0  }
0xa1: {  	[sflag:s22] =	ssyncadd.s32 s5;
	_ =	sdelay $0x1  }
0xa2: {  	s23 =	simm.s32 $0x1B8B  }
0xa3: {  	_ =	swait.ge [sflag:s23], $0x1  }
0xa4: {  	[sflag:s23] =	ssyncset.done $0x0  }
0xa5: {  	s25 =	simm.s32 $0x1B8E;
	s24 =	sld [smem:$0x3FFE];
	[sflag:s23] =	ssyncadd.s32 $0xFFFFFFFF  }
0xa6: {  	s26 =	simm.s32 $execute0_lowered;
	[smem:$0x3FD2] =	sst s25  }
0xa7: {  	s6 =	sshll.u32 s26, $0x1;
	_ =	strace $0x80000046;
	[dreg:$0x1] =	wrdreg $0xFFFFFFFF  }
0xa8: {  	s28 =	simm.s32 $_size_execute0_lowered;
	s4 =	sadd.s32 s4, s6;
	[dreg:$0x0] =	wrdreg $0x0  }
0xa9: {  	s6 =	sshll.u32 s28, $0x1;
	[dreg:$0x2] =	wrdreg s4  }
0xaa: {  	[dreg:$0x3] =	wrdreg s6  }
0xab: {  	[dreg:$0x4] =	wrdreg $0xC0  }
0xac: {  	_ =	task [dreg:s8], $0x5FFFF  }
0xad: {  	[dreg:$0x1] =	wrdreg $0xFFFFFFFF  }
0xae: {  	[dreg:$0x0] =	wrdreg $0x60  }
0xaf: {  	[dreg:$0x2] =	wrdreg s18  }
0xb0: {  	[dreg:$0x3] =	wrdreg s2  }
0xb1: {  	[dreg:$0x4] =	wrdreg s24  }
0xb2: {  	[dreg:$0x5] =	wrdreg $0x9  }
0xb3: {  	_ =	task.clear_ibuf [dreg:s8], $0x6FFFF;
	_ =	strace $0x90000046  }
0xb4: {  	s29 =	simm.s32 $0x9;
	_ =	strace $0x80000048  }
0xb5: {  	_ =	swait.ge [sflag:s29], $0x1  }
0xb6: {  	[sflag:s29] =	ssyncadd.s32 $0xFFFFFFFF  }
0xb7: {  	_ =	strace $0x90000048  }
0xb8: {  	_ =	sfence  }
0xb9: {  	s30 =	sld [smem:$0x0];
	_ =	sdelay $0x2  }
0xba: {  	s31 =	sshll.u32 s1, $0xD;
	s1 =	sshrl.u32 s1, $0x2  }
0xbb: {  	s3 =	sand.u32 $0x4000, s31;
	s1 =	sadd.s32 s1, s30  }
0xbc: {  	s0 =	sor.u32 s3, s0;
	s1 =	sshll.u32 s1, $0x11  }
0xbd: {  	s0 =	sor.u32 s1, s0  }
0xbe: {  	s0 =	sadd.s32 $0x8F2B, s0  }
0xbf: {  	[sflag:s0] =	ssyncadd.remote.s32 $0x1  }
0xc0: {  	_ =	sfence.sel $0xFFFF  }
0xc1: {  	[dreg:$0x0] =	wrdreg $0xFFFFFFFF;
	(pc) =	sbr.abs _section_cstart, $3  }
0xc2: {  	[dreg:$0x1] =	wrdreg $0xFFFFFFFF  }
0xc3: {  	_ =	task.clear_ibuf [dreg:s8], $0x2FFFF;
	_ =	strace $0x9FFFFFFF  }
0xc4: {  	(tm) =	ssettm $0x7FFFFFFF  }
0xc5: {  	_ =	shalt  }
tec
execute0_lowered:
.L_overlay_start_1:
0x0: {  	(tag) =	ssettag $0x1  }
0x1: {  	s1 =	rddreg [dreg:$0x0]  }
0x2: {  	s0 =	rddreg [dreg:$0x1]  }
0x3: {  	s2 =	rddreg [dreg:$0x2];
	s4 =	srdreg.scid;
	s3 =	simm.s32 $0x0  }
0x4: {  	s5 =	stileid.u32;
	s10 =	simm.s32 $0xB;
	s13 =	simm.s32 $0x200  }
0x5: {  	s21 =	simm.s32 $0x3000;
	s22 =	simm.s32 $0x3800;
	s23 =	simm.s32 $0x4800  }
0x6: {  	s24 =	simm.s32 $0x3A00;
	s25 =	simm.s32 $0x4A00;
	s26 =	simm.s32 $0x3C00  }
0x7: {  	s28 =	simm.s32 $0x4C00;
	s29 =	simm.s32 $0x3E00;
	s30 =	simm.s32 $0x4E00  }
0x8: {  	s31 =	simm.s32 $0x9;
	s11 =	simm.s32 $0x3;
	s12 =	simm.s32 $0x4  }
0x9: {  	s8 =	simm.s32 $0x5;
	s9 =	simm.s32 $0x6;
	s14 =	simm.s32 $0x7  }
0xa: {  	s15 =	simm.s32 $0x8;
	s16 =	simm.s32 $0xA;
	s4 =	sand.u32 $0x1, s4  }
0xb: {  	s17 =	simm.s32 $0x0;
	s5 =	sshll.u32 s5, $0xD;
	s6 =	sshll.u32 s4, $0xC  }
0xc: {  	[smem:$0x7FF] =	sst s3;
	s4 =	ssub.s32 $0x2, s4;
	s5 =	sor.u32 s6, s5  }
0xd: {  	_ =	strace $0x80000047;
	s7 =	sshrl.u32 s4, $0x1;
	s6 =	sshrl.u32 s5, $0x3  }
0xe: {  	s5 =	sshrl.u32 s5, $0x2;
	s7 =	ssub.s32 s4, s7;
	s2 =	sadd.s32 s6, s2  }
0xf: {  	s4 =	sadd.s32 s0, s5;
	s7 =	smax.u32 s7, $0x1;
	s0 =	simm.s32 $0x1  }
0x10: {  	s5 =	sadd.s32 $0x10, s4;
	s6 =	sadd.s32 $0xC00, s2;
	s2 =	simm.s32 $0x2  }
.LBB2_1:
0x11: {  	s18 =	simm.s32 $0x80;
	s19 =	simm.s32 $0x100  }
0x12: {  	[tilespmem:s3], [sflag:$0xB] =	stream.strided.gather [hbm4b:s4+s18], $0x1000, s19, s18, $0x38;
	[tilespmem:$0x5000] =	vst v63  }
0x13: {  	_ =	swait.ge [sflag:s10], $0x1000  }
0x14: {  	[sflag:s10] =	ssyncset.done $0x0  }
0x15: {  	s20 =	simm.s32 $0x1000;
	[sflag:s10] =	ssyncadd.s32 $0xFFFFF000  }
0x16: {  	[tilespmem:s20], [sflag:$0xB] =	stream.strided.gather [hbm4b:s5+s18], $0x1000, s19, s18, $0x38;
	[tilespmem:$0x5000] =	vst v63  }
0x17: {  	_ =	swait.ge [sflag:s10], $0x1000  }
0x18: {  	[sflag:s10] =	ssyncset.done $0x0  }
0x19: {  	s20 =	simm.s32 $0x2000;
	s18 =	simm.s32 $0x0;
	[sflag:s10] =	ssyncadd.s32 $0xFFFFF000  }
0x1a: {  	[tilespmem:s20], [sflag:$0x9] =	stream.linear.gather [hbm4b:s6+s3], $0x1000, $0x38;
	[tilespmem:$0x5000] =	vst v63  }
0x1b: {  	v0 =	vld [tilespmem:s18+$0x70]  }
0x1c: {  	v1 =	vld [tilespmem:s18+$0x0]  }
0x1d: {  	v2 =	vld [tilespmem:s18+$0x1070]  }
0x1e: {  	v5 =	vld [tilespmem:s18+$0x30]  }
0x1f: {  	v8 =	vld [tilespmem:s18+$0x40]  }
0x20: {  	v9 =	vld [tilespmem:s18+$0x50]  }
0x21: {  	v18 =	vld [tilespmem:s18+$0x1040]  }
0x22: {  	v19 =	vld [tilespmem:s18+$0x1050]  }
0x23: {  	v6 =	vshll.u32 v0, $0xC;
	v0 =	vshll.u32 v0, $0x7  }
0x24: {  	v7 =	vshll.u32 v1, $0xC;
	v10 =	vshll.u32 v2, $0x3;
	v2 =	vand.u32 $0x7F, v2  }
0x25: {  	v1 =	vshll.u32 v1, $0x7;
	v11 =	vshll.u32 v5, $0xC;
	v5 =	vshll.u32 v5, $0x7  }
0x26: {  	v12 =	vshll.u32 v8, $0xC;
	v8 =	vshll.u32 v8, $0x7;
	v14 =	vshll.u32 v9, $0xC  }
0x27: {  	v13 =	vld [tilespmem:s18+$0x1000];
	v9 =	vshll.u32 v9, $0x7;
	v62 =	vand.u32 $0x7F, v18;
	v63 =	vand.u32 $0x7F, v19  }
0x28: {  	v15 =	vld [tilespmem:s18+$0x1010];
	v6 =	vand.u32 $0xFFFF8000, v6;
	v0 =	vand.u32 $0x380, v0;
	v10 =	vand.u32 $0xFFFFFC00, v10  }
0x29: {  	v17 =	vld [tilespmem:s18+$0x1030];
	v7 =	vand.u32 $0xFFFF8000, v7;
	v1 =	vand.u32 $0x380, v1;
	v11 =	vand.u32 $0xFFFF8000, v11  }
0x2a: {  	v3 =	vld [tilespmem:s18+$0x10];
	v5 =	vand.u32 $0x380, v5;
	v12 =	vand.u32 $0xFFFF8000, v12;
	v8 =	vand.u32 $0x380, v8  }
0x2b: {  	v14 =	vand.u32 $0xFFFF8000, v14;
	v9 =	vand.u32 $0x380, v9;
	v0 =	vor.u32 v6, v0  }
0x2c: {  	v4 =	vld [tilespmem:s18+$0x20];
	v20 =	vor.u32 v7, v1;
	v24 =	vor.u32 v11, v5;
	v8 =	vor.u32 v12, v8  }
0x2d: {  	v25 =	vor.u32 v14, v9;
	v9 =	vand.u32 $0x7F, v13;
	v7 =	vshll.u32 v15, $0x3  }
0x2e: {  	v11 =	vand.u32 $0x7F, v15;
	v1 =	vshll.u32 v17, $0x3;
	v15 =	vand.u32 $0x7F, v17  }
0x2f: {  	v23 =	vld [tilespmem:s18+$0x1060];
	v5 =	vshll.u32 v18, $0x3;
	v0 =	vor.u32 v2, v0;
	v2 =	vshll.u32 v3, $0xC  }
0x30: {  	v6 =	vld [tilespmem:s18+$0x60];
	v3 =	vshll.u32 v3, $0x7;
	v14 =	vor.u32 v9, v20;
	v9 =	vor.u32 v62, v8  }
0x31: {  	v0 =	vor.u32 v10, v0;
	v10 =	vshll.u32 v4, $0xC;
	v4 =	vshll.u32 v4, $0x7  }
0x32: {  	[tilespmem:s18+$0x3070] =	vst v0;
	v0 =	vand.u32 $0xFFFF8000, v2;
	v2 =	vand.u32 $0x380, v3;
	v3 =	vand.u32 $0xFFFF8000, v10;
	v10 =	vld [tilespmem:s18+$0x1020]  }
0x33: {  	v8 =	vor.u32 v63, v25;
	v4 =	vand.u32 $0x380, v4;
	v21 =	vor.u32 v0, v2  }
0x34: {  	v22 =	vor.u32 v3, v4;
	v4 =	vshll.u32 v13, $0x3;
	v3 =	vshll.u32 v19, $0x3  }
0x35: {  	v13 =	vand.u32 $0x7F, v23;
	v16 =	vshll.u32 v6, $0xC;
	v6 =	vshll.u32 v6, $0x7  }
0x36: {  	v12 =	vor.u32 v11, v21;
	v16 =	vand.u32 $0xFFFF8000, v16;
	v6 =	vand.u32 $0x380, v6  }
0x37: {  	v0 =	vor.u32 v16, v6;
	v2 =	vshll.u32 v10, $0x3;
	v10 =	vand.u32 $0x7F, v10  }
0x38: {  	s19 =	simm.s32 $0x80;
	s20 =	simm.s32 $0x400;
	v6 =	vshll.u32 v23, $0x3;
	v11 =	vor.u32 v10, v22;
	v10 =	vor.u32 v15, v24  }
.LBB2_2:
0x39: {  	p0 =	sne.s32 s20, $0x600;
	v15 =	vld [tilespmem:s19+$0x70];
	v4 =	vand.u32 $0xFFFFFC00, v4;
	v7 =	vand.u32 $0xFFFFFC00, v7;
	v0 =	vor.u32 v13, v0  }
0x3a: {  	v2 =	vand.u32 $0xFFFFFC00, v2;
	v1 =	vand.u32 $0xFFFFFC00, v1;
	v5 =	vand.u32 $0xFFFFFC00, v5;
	v13 =	vld [tilespmem:s19+$0x0]  }
0x3b: {  	v3 =	vand.u32 $0xFFFFFC00, v3;
	v6 =	vand.u32 $0xFFFFFC00, v6;
	v4 =	vor.u32 v4, v14;
	v16 =	vld [tilespmem:s19+$0x1070]  }
0x3c: {  	v2 =	vor.u32 v2, v11;
	v1 =	vor.u32 v1, v10;
	v14 =	vld [tilespmem:s19+$0x10];
	[tilespmem:s18+$0x3000] =	vst v4;
	v4 =	vor.u32 v7, v12  }
0x3d: {  	v3 =	vor.u32 v3, v8;
	v0 =	vor.u32 v6, v0;
	v7 =	vld [tilespmem:s19+$0x20];
	[tilespmem:s18+$0x3010] =	vst v4;
	v4 =	vor.u32 v5, v9  }
0x3e: {  	v5 =	vld [tilespmem:s19+$0x30];
	v6 =	vshll.u32 v15, $0xC;
	v8 =	vshll.u32 v15, $0x7;
	[tilespmem:s18+$0x3020] =	vst v2  }
0x3f: {  	v2 =	vshll.u32 v13, $0xC;
	v9 =	vld [tilespmem:s19+$0x40];
	v6 =	vand.u32 $0xFFFF8000, v6;
	v8 =	vand.u32 $0x380, v8;
	[tilespmem:s18+$0x3030] =	vst v1  }
0x40: {  	v1 =	vld [tilespmem:s19+$0x50];
	v10 =	vshll.u32 v16, $0x3;
	v11 =	vand.u32 $0x7F, v16;
	v6 =	vor.u32 v6, v8;
	[tilespmem:s18+$0x3040] =	vst v4  }
0x41: {  	v4 =	vshll.u32 v13, $0x7;
	v8 =	vld [tilespmem:s19+$0x60];
	v10 =	vand.u32 $0xFFFFFC00, v10;
	v6 =	vor.u32 v11, v6;
	[tilespmem:s18+$0x3050] =	vst v3  }
0x42: {  	v11 =	vshll.u32 v14, $0xC;
	v12 =	vshll.u32 v14, $0x7;
	v3 =	vld [tilespmem:s19+$0x1000];
	v6 =	vor.u32 v10, v6;
	[tilespmem:s18+$0x3060] =	vst v0;
	s18 =	smov.u32 s19  }
0x43: {  	v0 =	vshll.u32 v7, $0xC;
	v7 =	vshll.u32 v7, $0x7;
	v10 =	vld [tilespmem:s18+$0x1010];
	v13 =	vshll.u32 v5, $0xC;
	[tilespmem:s18+$0x3070] =	vst v6  }
0x44: {  	v5 =	vshll.u32 v5, $0x7;
	v6 =	vld [tilespmem:s18+$0x1020];
	v14 =	vshll.u32 v9, $0xC;
	v9 =	vshll.u32 v9, $0x7  }
0x45: {  	v2 =	vand.u32 $0xFFFF8000, v2;
	v15 =	vld [tilespmem:s18+$0x1030];
	v16 =	vshll.u32 v1, $0xC;
	v1 =	vshll.u32 v1, $0x7  }
0x46: {  	v4 =	vand.u32 $0x380, v4;
	v17 =	vld [tilespmem:s18+$0x1040];
	v18 =	vshll.u32 v8, $0xC;
	v8 =	vshll.u32 v8, $0x7  }
0x47: {  	v11 =	vand.u32 $0xFFFF8000, v11;
	v12 =	vand.u32 $0x380, v12;
	v0 =	vand.u32 $0xFFFF8000, v0;
	v19 =	vld [tilespmem:s18+$0x1050]  }
0x48: {  	v7 =	vand.u32 $0x380, v7;
	v13 =	vand.u32 $0xFFFF8000, v13;
	v5 =	vand.u32 $0x380, v5;
	v20 =	vld [tilespmem:s18+$0x1060]  }
0x49: {  	v14 =	vand.u32 $0xFFFF8000, v14;
	v9 =	vand.u32 $0x380, v9;
	v16 =	vand.u32 $0xFFFF8000, v16  }
0x4a: {  	v1 =	vand.u32 $0x380, v1;
	v18 =	vand.u32 $0xFFFF8000, v18;
	v8 =	vand.u32 $0x380, v8  }
0x4b: {  	v21 =	vor.u32 v2, v4;
	v11 =	vor.u32 v11, v12;
	v22 =	vor.u32 v0, v7  }
0x4c: {  	v23 =	vor.u32 v13, v5;
	v9 =	vor.u32 v14, v9;
	v16 =	vor.u32 v16, v1  }
0x4d: {  	v4 =	vshll.u32 v3, $0x3;
	v12 =	vand.u32 $0x7F, v3;
	v0 =	vor.u32 v18, v8  }
0x4e: {  	v7 =	vshll.u32 v10, $0x3;
	v8 =	vand.u32 $0x7F, v10;
	v2 =	vshll.u32 v6, $0x3  }
.Ltmp0:
0x4f: {  	v10 =	vand.u32 $0x7F, v6;
	v1 =	vshll.u32 v15, $0x3;
	v15 =	vand.u32 $0x7F, v15;
	(pc) =	sbr.rel @p0 .LBB2_2-.Ltmp0, $4  }
0x50: {  	v5 =	vshll.u32 v17, $0x3;
	v17 =	vand.u32 $0x7F, v17;
	v3 =	vshll.u32 v19, $0x3  }
0x51: {  	v18 =	vand.u32 $0x7F, v19;
	v6 =	vshll.u32 v20, $0x3;
	v13 =	vand.u32 $0x7F, v20  }
0x52: {  	v14 =	vor.u32 v12, v21;
	v12 =	vor.u32 v8, v11;
	v11 =	vor.u32 v10, v22  }
0x53: {  	s19 =	sshra.s32 s20, $0x2;
	s20 =	sadd.s32 $0x200, s20;
	v10 =	vor.u32 v15, v23;
	v9 =	vor.u32 v17, v9;
	v8 =	vor.u32 v18, v16  }
0x54: {  	v15 =	vld [tilespmem:s19+$0x70]  }
0x55: {  	v16 =	vld [tilespmem:s19+$0x0];
	v4 =	vand.u32 $0xFFFFFC00, v4  }
0x56: {  	v17 =	vld [tilespmem:s19+$0x1070];
	v7 =	vand.u32 $0xFFFFFC00, v7;
	v2 =	vand.u32 $0xFFFFFC00, v2;
	v4 =	vor.u32 v4, v14  }
0x57: {  	v0 =	vor.u32 v13, v0;
	v1 =	vand.u32 $0xFFFFFC00, v1;
	v14 =	vld [tilespmem:s19+$0x10];
	[tilespmem:s18+$0x3000] =	vst v4;
	v4 =	vor.u32 v7, v12  }
0x58: {  	v5 =	vand.u32 $0xFFFFFC00, v5;
	v3 =	vand.u32 $0xFFFFFC00, v3;
	v2 =	vor.u32 v2, v11;
	v7 =	vld [tilespmem:s19+$0x20];
	[tilespmem:s18+$0x3010] =	vst v4  }
0x59: {  	v1 =	vor.u32 v1, v10;
	v5 =	vor.u32 v5, v9;
	v4 =	vld [tilespmem:s19+$0x30];
	[tilespmem:s18+$0x3020] =	vst v2;
	v2 =	vand.u32 $0xFFFFFC00, v6  }
0x5a: {  	v3 =	vor.u32 v3, v8;
	v0 =	vor.u32 v2, v0;
	v2 =	vshll.u32 v15, $0xC  }
0x5b: {  	v6 =	vld [tilespmem:s19+$0x40];
	[tilespmem:s18+$0x3030] =	vst v1;
	v1 =	vshll.u32 v15, $0x7;
	v8 =	vshll.u32 v16, $0xC;
	v10 =	vshll.u32 v17, $0x3  }
0x5c: {  	v11 =	vand.u32 $0x7F, v17;
	v2 =	vand.u32 $0xFFFF8000, v2;
	v1 =	vand.u32 $0x380, v1  }
0x5d: {  	v10 =	vand.u32 $0xFFFFFC00, v10;
	v12 =	vshll.u32 v14, $0x7;
	v1 =	vor.u32 v2, v1  }
0x5e: {  	v9 =	vld [tilespmem:s19+$0x50];
	[tilespmem:s18+$0x3040] =	vst v5;
	v2 =	vshll.u32 v16, $0x7;
	v1 =	vor.u32 v11, v1;
	v11 =	vshll.u32 v14, $0xC  }
0x5f: {  	v5 =	vld [tilespmem:s19+$0x60];
	[tilespmem:s18+$0x3050] =	vst v3;
	v3 =	vshll.u32 v7, $0xC;
	v7 =	vshll.u32 v7, $0x7;
	v2 =	vand.u32 $0x380, v2  }
0x60: {  	v1 =	vor.u32 v10, v1;
	v13 =	vshll.u32 v4, $0xC;
	v4 =	vshll.u32 v4, $0x7  }
0x61: {  	v3 =	vand.u32 $0xFFFF8000, v3;
	v7 =	vand.u32 $0x380, v7;
	v14 =	vshll.u32 v6, $0xC  }
0x62: {  	v10 =	vld [tilespmem:s19+$0x1000];
	[tilespmem:s18+$0x3060] =	vst v0;
	v0 =	vshll.u32 v6, $0x7;
	v6 =	vand.u32 $0xFFFF8000, v8;
	v13 =	vand.u32 $0xFFFF8000, v13  }
0x63: {  	v4 =	vand.u32 $0x380, v4;
	v3 =	vor.u32 v3, v7;
	v8 =	vshll.u32 v9, $0xC  }
0x64: {  	v15 =	vld [tilespmem:s19+$0x1010];
	v9 =	vshll.u32 v9, $0x7;
	v14 =	vand.u32 $0xFFFF8000, v14;
	v0 =	vand.u32 $0x380, v0  }
0x65: {  	v53 =	vld [tilespmem:s19+$0x1030];
	v2 =	vor.u32 v6, v2;
	v4 =	vor.u32 v13, v4;
	v52 =	vshll.u32 v5, $0xC  }
0x66: {  	[tilespmem:s19+$0x3070] =	vst v1;
	v18 =	vld [tilespmem:s19+$0x1040];
	v1 =	vshll.u32 v5, $0x7;
	v5 =	vand.u32 $0xFFFF8000, v11;
	v11 =	vand.u32 $0x380, v12  }
0x67: {  	v19 =	vld [tilespmem:s19+$0x1050];
	v8 =	vand.u32 $0xFFFF8000, v8;
	v9 =	vand.u32 $0x380, v9;
	v0 =	vor.u32 v14, v0  }
0x68: {  	v6 =	vld [tilespmem:s19+$0x1060];
	v16 =	vand.u32 $0xFFFF8000, v52;
	v1 =	vand.u32 $0x380, v1;
	v5 =	vor.u32 v5, v11  }
0x69: {  	v7 =	vor.u32 v8, v9;
	v8 =	vshll.u32 v10, $0x3;
	v9 =	vand.u32 $0x7F, v10  }
0x6a: {  	v12 =	vld [tilespmem:s19+$0x1020];
	v1 =	vor.u32 v16, v1;
	v10 =	vshll.u32 v15, $0x3;
	v11 =	vand.u32 $0x7F, v15  }
0x6b: {  	v14 =	vshll.u32 v53, $0x3;
	v15 =	vand.u32 $0x7F, v53;
	v54 =	vshll.u32 v18, $0x3  }
0x6c: {  	v55 =	vand.u32 $0x7F, v18;
	v56 =	vshll.u32 v19, $0x3;
	v19 =	vand.u32 $0x7F, v19  }
0x6d: {  	v2 =	vor.u32 v9, v2;
	v8 =	vand.u32 $0xFFFFFC00, v8;
	v20 =	vshll.u32 v6, $0x3  }
0x6e: {  	v6 =	vand.u32 $0x7F, v6;
	v5 =	vor.u32 v11, v5;
	v9 =	vand.u32 $0xFFFFFC00, v10  }
0x6f: {  	v2 =	vor.u32 v8, v2;
	v4 =	vor.u32 v15, v4;
	v13 =	vshll.u32 v12, $0x3  }
0x70: {  	v12 =	vand.u32 $0x7F, v12;
	[tilespmem:s19+$0x3000] =	vst v2;
	v2 =	vor.u32 v9, v5;
	v5 =	vand.u32 $0xFFFFFC00, v14  }
0x71: {  	v3 =	vor.u32 v12, v3;
	v8 =	vand.u32 $0xFFFFFC00, v13;
	[tilespmem:s19+$0x3010] =	vst v2;
	v4 =	vor.u32 v5, v4  }
0x72: {  	v0 =	vor.u32 v55, v0;
	v2 =	vand.u32 $0xFFFFFC00, v54;
	v3 =	vor.u32 v8, v3;
	[tilespmem:s19+$0x3030] =	vst v4  }
0x73: {  	v1 =	vor.u32 v6, v1;
	v0 =	vor.u32 v2, v0;
	v2 =	vand.u32 $0xFFFFFC00, v20;
	[tilespmem:s19+$0x3020] =	vst v3  }
0x74: {  	v5 =	vand.u32 $0xFFFFFC00, v56;
	v3 =	vor.u32 v19, v7;
	[tilespmem:s19+$0x3040] =	vst v0;
	v0 =	vor.u32 v2, v1  }
0x75: {  	v3 =	vor.u32 v5, v3;
	[tilespmem:s19+$0x3060] =	vst v0  }
0x76: {  	s20 =	simm.s32 $0x4000;
	s18 =	simm.s32 $0x0;
	[tilespmem:s19+$0x3050] =	vst v3  }
0x77: {  	[tilespmem:s20], [sflag:$0x1] =	stream.indirect.gather [hbm4b:s1+s13], $0x1, s21, s13, $0xb8;
	[tilespmem:$0x5000] =	vst v63  }
0x78: {  	v0 =	vld [tilespmem:s18+$0x270]  }
0x79: {  	v1 =	vld [tilespmem:s18+$0x200]  }
0x7a: {  	v2 =	vld [tilespmem:s18+$0x1270]  }
0x7b: {  	v5 =	vld [tilespmem:s18+$0x230]  }
0x7c: {  	v8 =	vld [tilespmem:s18+$0x240]  }
0x7d: {  	v9 =	vld [tilespmem:s18+$0x250]  }
0x7e: {  	v59 =	vld [tilespmem:s18+$0x1240]  }
0x7f: {  	v60 =	vld [tilespmem:s18+$0x1250]  }
0x80: {  	v6 =	vshll.u32 v0, $0xC;
	v0 =	vshll.u32 v0, $0x7  }
0x81: {  	v7 =	vshll.u32 v1, $0xC;
	v10 =	vshll.u32 v2, $0x3;
	v2 =	vand.u32 $0x7F, v2  }
0x82: {  	v1 =	vshll.u32 v1, $0x7;
	v11 =	vshll.u32 v5, $0xC;
	v5 =	vshll.u32 v5, $0x7  }
0x83: {  	v12 =	vshll.u32 v8, $0xC;
	v8 =	vshll.u32 v8, $0x7;
	v14 =	vshll.u32 v9, $0xC  }
0x84: {  	v13 =	vld [tilespmem:s18+$0x1200];
	v9 =	vshll.u32 v9, $0x7;
	v62 =	vand.u32 $0x7F, v59;
	v63 =	vand.u32 $0x7F, v60  }
0x85: {  	v15 =	vld [tilespmem:s18+$0x1210];
	v6 =	vand.u32 $0xFFFF8000, v6;
	v0 =	vand.u32 $0x380, v0;
	v10 =	vand.u32 $0xFFFFFC00, v10  }
0x86: {  	v58 =	vld [tilespmem:s18+$0x1230];
	v7 =	vand.u32 $0xFFFF8000, v7;
	v1 =	vand.u32 $0x380, v1;
	v11 =	vand.u32 $0xFFFF8000, v11  }
0x87: {  	v3 =	vld [tilespmem:s18+$0x210];
	v5 =	vand.u32 $0x380, v5;
	v12 =	vand.u32 $0xFFFF8000, v12;
	v8 =	vand.u32 $0x380, v8  }
0x88: {  	v14 =	vand.u32 $0xFFFF8000, v14;
	v9 =	vand.u32 $0x380, v9;
	v0 =	vor.u32 v6, v0  }
0x89: {  	v4 =	vld [tilespmem:s18+$0x220];
	v61 =	vor.u32 v7, v1;
	v24 =	vor.u32 v11, v5;
	v8 =	vor.u32 v12, v8  }
0x8a: {  	v25 =	vor.u32 v14, v9;
	v9 =	vand.u32 $0x7F, v13;
	v7 =	vshll.u32 v15, $0x3  }
0x8b: {  	v11 =	vand.u32 $0x7F, v15;
	v1 =	vshll.u32 v58, $0x3;
	v15 =	vand.u32 $0x7F, v58  }
0x8c: {  	v23 =	vld [tilespmem:s18+$0x1260];
	v5 =	vshll.u32 v59, $0x3;
	v0 =	vor.u32 v2, v0;
	v2 =	vshll.u32 v3, $0xC  }
0x8d: {  	v6 =	vld [tilespmem:s18+$0x260];
	v3 =	vshll.u32 v3, $0x7;
	v14 =	vor.u32 v9, v61;
	v9 =	vor.u32 v62, v8  }
0x8e: {  	v0 =	vor.u32 v10, v0;
	v10 =	vshll.u32 v4, $0xC;
	v4 =	vshll.u32 v4, $0x7  }
0x8f: {  	[tilespmem:s18+$0x3270] =	vst v0;
	v0 =	vand.u32 $0xFFFF8000, v2;
	v2 =	vand.u32 $0x380, v3;
	v3 =	vand.u32 $0xFFFF8000, v10;
	v10 =	vld [tilespmem:s18+$0x1220]  }
0x90: {  	v8 =	vor.u32 v63, v25;
	v4 =	vand.u32 $0x380, v4;
	v21 =	vor.u32 v0, v2  }
0x91: {  	v22 =	vor.u32 v3, v4;
	v4 =	vshll.u32 v13, $0x3;
	v3 =	vshll.u32 v60, $0x3  }
0x92: {  	v13 =	vand.u32 $0x7F, v23;
	v57 =	vshll.u32 v6, $0xC;
	v6 =	vshll.u32 v6, $0x7  }
0x93: {  	v12 =	vor.u32 v11, v21;
	v16 =	vand.u32 $0xFFFF8000, v57;
	v6 =	vand.u32 $0x380, v6  }
0x94: {  	v0 =	vor.u32 v16, v6;
	v2 =	vshll.u32 v10, $0x3;
	v10 =	vand.u32 $0x7F, v10  }
0x95: {  	s19 =	simm.s32 $0x80;
	s20 =	simm.s32 $0x400;
	v6 =	vshll.u32 v23, $0x3;
	v11 =	vor.u32 v10, v22;
	v10 =	vor.u32 v15, v24  }
.LBB2_4:
0x96: {  	p0 =	sne.s32 s20, $0x600;
	v15 =	vld [tilespmem:s19+$0x270];
	v4 =	vand.u32 $0xFFFFFC00, v4;
	v7 =	vand.u32 $0xFFFFFC00, v7;
	v0 =	vor.u32 v13, v0  }
0x97: {  	v2 =	vand.u32 $0xFFFFFC00, v2;
	v1 =	vand.u32 $0xFFFFFC00, v1;
	v5 =	vand.u32 $0xFFFFFC00, v5;
	v13 =	vld [tilespmem:s19+$0x200]  }
0x98: {  	v3 =	vand.u32 $0xFFFFFC00, v3;
	v6 =	vand.u32 $0xFFFFFC00, v6;
	v4 =	vor.u32 v4, v14;
	v16 =	vld [tilespmem:s19+$0x1270]  }
0x99: {  	v2 =	vor.u32 v2, v11;
	v1 =	vor.u32 v1, v10;
	v14 =	vld [tilespmem:s19+$0x210];
	[tilespmem:s18+$0x3200] =	vst v4;
	v4 =	vor.u32 v7, v12  }
0x9a: {  	v3 =	vor.u32 v3, v8;
	v0 =	vor.u32 v6, v0;
	v7 =	vld [tilespmem:s19+$0x220];
	[tilespmem:s18+$0x3210] =	vst v4;
	v4 =	vor.u32 v5, v9  }
0x9b: {  	v5 =	vld [tilespmem:s19+$0x230];
	v6 =	vshll.u32 v15, $0xC;
	v8 =	vshll.u32 v15, $0x7;
	[tilespmem:s18+$0x3220] =	vst v2  }
0x9c: {  	v2 =	vshll.u32 v13, $0xC;
	v9 =	vld [tilespmem:s19+$0x240];
	v6 =	vand.u32 $0xFFFF8000, v6;
	v8 =	vand.u32 $0x380, v8;
	[tilespmem:s18+$0x3230] =	vst v1  }
0x9d: {  	v1 =	vld [tilespmem:s19+$0x250];
	v10 =	vshll.u32 v16, $0x3;
	v11 =	vand.u32 $0x7F, v16;
	v6 =	vor.u32 v6, v8;
	[tilespmem:s18+$0x3240] =	vst v4  }
0x9e: {  	v4 =	vshll.u32 v13, $0x7;
	v8 =	vld [tilespmem:s19+$0x260];
	v10 =	vand.u32 $0xFFFFFC00, v10;
	v6 =	vor.u32 v11, v6;
	[tilespmem:s18+$0x3250] =	vst v3  }
0x9f: {  	v11 =	vshll.u32 v14, $0xC;
	v12 =	vshll.u32 v14, $0x7;
	v3 =	vld [tilespmem:s19+$0x1200];
	v6 =	vor.u32 v10, v6;
	[tilespmem:s18+$0x3260] =	vst v0;
	s18 =	smov.u32 s19  }
0xa0: {  	v0 =	vshll.u32 v7, $0xC;
	v7 =	vshll.u32 v7, $0x7;
	v10 =	vld [tilespmem:s18+$0x1210];
	v13 =	vshll.u32 v5, $0xC;
	[tilespmem:s18+$0x3270] =	vst v6  }
0xa1: {  	v5 =	vshll.u32 v5, $0x7;
	v6 =	vld [tilespmem:s18+$0x1220];
	v14 =	vshll.u32 v9, $0xC;
	v9 =	vshll.u32 v9, $0x7  }
0xa2: {  	v2 =	vand.u32 $0xFFFF8000, v2;
	v15 =	vld [tilespmem:s18+$0x1230];
	v16 =	vshll.u32 v1, $0xC;
	v1 =	vshll.u32 v1, $0x7  }
0xa3: {  	v4 =	vand.u32 $0x380, v4;
	v17 =	vld [tilespmem:s18+$0x1240];
	v18 =	vshll.u32 v8, $0xC;
	v8 =	vshll.u32 v8, $0x7  }
0xa4: {  	v11 =	vand.u32 $0xFFFF8000, v11;
	v12 =	vand.u32 $0x380, v12;
	v0 =	vand.u32 $0xFFFF8000, v0;
	v19 =	vld [tilespmem:s18+$0x1250]  }
0xa5: {  	v7 =	vand.u32 $0x380, v7;
	v13 =	vand.u32 $0xFFFF8000, v13;
	v5 =	vand.u32 $0x380, v5;
	v20 =	vld [tilespmem:s18+$0x1260]  }
0xa6: {  	v14 =	vand.u32 $0xFFFF8000, v14;
	v9 =	vand.u32 $0x380, v9;
	v16 =	vand.u32 $0xFFFF8000, v16  }
0xa7: {  	v1 =	vand.u32 $0x380, v1;
	v18 =	vand.u32 $0xFFFF8000, v18;
	v8 =	vand.u32 $0x380, v8  }
0xa8: {  	v21 =	vor.u32 v2, v4;
	v11 =	vor.u32 v11, v12;
	v22 =	vor.u32 v0, v7  }
0xa9: {  	v23 =	vor.u32 v13, v5;
	v9 =	vor.u32 v14, v9;
	v16 =	vor.u32 v16, v1  }
0xaa: {  	v4 =	vshll.u32 v3, $0x3;
	v12 =	vand.u32 $0x7F, v3;
	v0 =	vor.u32 v18, v8  }
0xab: {  	v7 =	vshll.u32 v10, $0x3;
	v8 =	vand.u32 $0x7F, v10;
	v2 =	vshll.u32 v6, $0x3  }
.Ltmp1:
0xac: {  	v10 =	vand.u32 $0x7F, v6;
	v1 =	vshll.u32 v15, $0x3;
	v15 =	vand.u32 $0x7F, v15;
	(pc) =	sbr.rel @p0 .LBB2_4-.Ltmp1, $4  }
0xad: {  	v5 =	vshll.u32 v17, $0x3;
	v17 =	vand.u32 $0x7F, v17;
	v3 =	vshll.u32 v19, $0x3  }
0xae: {  	v18 =	vand.u32 $0x7F, v19;
	v6 =	vshll.u32 v20, $0x3;
	v13 =	vand.u32 $0x7F, v20  }
0xaf: {  	v14 =	vor.u32 v12, v21;
	v12 =	vor.u32 v8, v11;
	v11 =	vor.u32 v10, v22  }
0xb0: {  	s19 =	sshra.s32 s20, $0x2;
	s20 =	sadd.s32 $0x200, s20;
	v10 =	vor.u32 v15, v23;
	v9 =	vor.u32 v17, v9;
	v8 =	vor.u32 v18, v16  }
0xb1: {  	v15 =	vld [tilespmem:s19+$0x270]  }
0xb2: {  	v16 =	vld [tilespmem:s19+$0x200];
	v4 =	vand.u32 $0xFFFFFC00, v4  }
0xb3: {  	v17 =	vld [tilespmem:s19+$0x1270];
	v7 =	vand.u32 $0xFFFFFC00, v7;
	v2 =	vand.u32 $0xFFFFFC00, v2;
	v4 =	vor.u32 v4, v14  }
0xb4: {  	v0 =	vor.u32 v13, v0;
	v1 =	vand.u32 $0xFFFFFC00, v1;
	v14 =	vld [tilespmem:s19+$0x210];
	[tilespmem:s18+$0x3200] =	vst v4;
	v4 =	vor.u32 v7, v12  }
0xb5: {  	v5 =	vand.u32 $0xFFFFFC00, v5;
	v3 =	vand.u32 $0xFFFFFC00, v3;
	v2 =	vor.u32 v2, v11;
	v7 =	vld [tilespmem:s19+$0x220];
	[tilespmem:s18+$0x3210] =	vst v4  }
0xb6: {  	v1 =	vor.u32 v1, v10;
	v5 =	vor.u32 v5, v9;
	v4 =	vld [tilespmem:s19+$0x230];
	[tilespmem:s18+$0x3220] =	vst v2;
	v2 =	vand.u32 $0xFFFFFC00, v6  }
0xb7: {  	v3 =	vor.u32 v3, v8;
	v0 =	vor.u32 v2, v0;
	v2 =	vshll.u32 v15, $0xC  }
0xb8: {  	v6 =	vld [tilespmem:s19+$0x240];
	[tilespmem:s18+$0x3230] =	vst v1;
	v1 =	vshll.u32 v15, $0x7;
	v8 =	vshll.u32 v16, $0xC;
	v10 =	vshll.u32 v17, $0x3  }
0xb9: {  	v11 =	vand.u32 $0x7F, v17;
	v2 =	vand.u32 $0xFFFF8000, v2;
	v1 =	vand.u32 $0x380, v1  }
0xba: {  	v10 =	vand.u32 $0xFFFFFC00, v10;
	v12 =	vshll.u32 v14, $0x7;
	v1 =	vor.u32 v2, v1  }
0xbb: {  	v9 =	vld [tilespmem:s19+$0x250];
	[tilespmem:s18+$0x3240] =	vst v5;
	v2 =	vshll.u32 v16, $0x7;
	v1 =	vor.u32 v11, v1;
	v11 =	vshll.u32 v14, $0xC  }
0xbc: {  	v5 =	vld [tilespmem:s19+$0x260];
	[tilespmem:s18+$0x3250] =	vst v3;
	v3 =	vshll.u32 v7, $0xC;
	v7 =	vshll.u32 v7, $0x7;
	v2 =	vand.u32 $0x380, v2  }
0xbd: {  	v1 =	vor.u32 v10, v1;
	v13 =	vshll.u32 v4, $0xC;
	v4 =	vshll.u32 v4, $0x7  }
0xbe: {  	v3 =	vand.u32 $0xFFFF8000, v3;
	v7 =	vand.u32 $0x380, v7;
	v14 =	vshll.u32 v6, $0xC  }
0xbf: {  	v10 =	vld [tilespmem:s19+$0x1200];
	[tilespmem:s18+$0x3260] =	vst v0;
	v0 =	vshll.u32 v6, $0x7;
	v6 =	vand.u32 $0xFFFF8000, v8;
	v13 =	vand.u32 $0xFFFF8000, v13  }
0xc0: {  	v4 =	vand.u32 $0x380, v4;
	v3 =	vor.u32 v3, v7;
	v8 =	vshll.u32 v9, $0xC  }
0xc1: {  	v15 =	vld [tilespmem:s19+$0x1210];
	v9 =	vshll.u32 v9, $0x7;
	v14 =	vand.u32 $0xFFFF8000, v14;
	v0 =	vand.u32 $0x380, v0  }
0xc2: {  	v53 =	vld [tilespmem:s19+$0x1230];
	v2 =	vor.u32 v6, v2;
	v4 =	vor.u32 v13, v4;
	v52 =	vshll.u32 v5, $0xC  }
0xc3: {  	[tilespmem:s19+$0x3270] =	vst v1;
	v18 =	vld [tilespmem:s19+$0x1240];
	v1 =	vshll.u32 v5, $0x7;
	v5 =	vand.u32 $0xFFFF8000, v11;
	v11 =	vand.u32 $0x380, v12  }
0xc4: {  	v19 =	vld [tilespmem:s19+$0x1250];
	v8 =	vand.u32 $0xFFFF8000, v8;
	v9 =	vand.u32 $0x380, v9;
	v0 =	vor.u32 v14, v0  }
0xc5: {  	v6 =	vld [tilespmem:s19+$0x1260];
	v16 =	vand.u32 $0xFFFF8000, v52;
	v1 =	vand.u32 $0x380, v1;
	v5 =	vor.u32 v5, v11  }
0xc6: {  	v7 =	vor.u32 v8, v9;
	v8 =	vshll.u32 v10, $0x3;
	v9 =	vand.u32 $0x7F, v10  }
0xc7: {  	v12 =	vld [tilespmem:s19+$0x1220];
	v1 =	vor.u32 v16, v1;
	v10 =	vshll.u32 v15, $0x3;
	v11 =	vand.u32 $0x7F, v15  }
0xc8: {  	v14 =	vshll.u32 v53, $0x3;
	v15 =	vand.u32 $0x7F, v53;
	v54 =	vshll.u32 v18, $0x3  }
0xc9: {  	v55 =	vand.u32 $0x7F, v18;
	v56 =	vshll.u32 v19, $0x3;
	v19 =	vand.u32 $0x7F, v19  }
0xca: {  	v2 =	vor.u32 v9, v2;
	v8 =	vand.u32 $0xFFFFFC00, v8;
	v20 =	vshll.u32 v6, $0x3  }
0xcb: {  	v6 =	vand.u32 $0x7F, v6;
	v5 =	vor.u32 v11, v5;
	v9 =	vand.u32 $0xFFFFFC00, v10  }
0xcc: {  	v2 =	vor.u32 v8, v2;
	v4 =	vor.u32 v15, v4;
	v13 =	vshll.u32 v12, $0x3  }
0xcd: {  	v12 =	vand.u32 $0x7F, v12;
	[tilespmem:s19+$0x3200] =	vst v2;
	v2 =	vor.u32 v9, v5;
	v5 =	vand.u32 $0xFFFFFC00, v14  }
0xce: {  	v3 =	vor.u32 v12, v3;
	v8 =	vand.u32 $0xFFFFFC00, v13;
	[tilespmem:s19+$0x3210] =	vst v2;
	v4 =	vor.u32 v5, v4  }
0xcf: {  	v0 =	vor.u32 v55, v0;
	v2 =	vand.u32 $0xFFFFFC00, v54;
	v3 =	vor.u32 v8, v3;
	[tilespmem:s19+$0x3230] =	vst v4  }
0xd0: {  	v1 =	vor.u32 v6, v1;
	v0 =	vor.u32 v2, v0;
	v2 =	vand.u32 $0xFFFFFC00, v20;
	[tilespmem:s19+$0x3220] =	vst v3  }
0xd1: {  	v5 =	vand.u32 $0xFFFFFC00, v56;
	v3 =	vor.u32 v19, v7;
	[tilespmem:s19+$0x3240] =	vst v0;
	v0 =	vor.u32 v2, v1  }
0xd2: {  	v3 =	vor.u32 v5, v3;
	[tilespmem:s19+$0x3260] =	vst v0  }
0xd3: {  	s20 =	simm.s32 $0x4200;
	s18 =	simm.s32 $0x0;
	[tilespmem:s19+$0x3250] =	vst v3;
	s19 =	simm.s32 $0x3200  }
0xd4: {  	[tilespmem:s20], [sflag:$0x2] =	stream.indirect.gather [hbm4b:s1+s13], $0x1, s19, s13, $0xb8;
	[tilespmem:$0x5000] =	vst v63  }
0xd5: {  	v0 =	vld [tilespmem:s18+$0x470]  }
0xd6: {  	v1 =	vld [tilespmem:s18+$0x400]  }
0xd7: {  	v2 =	vld [tilespmem:s18+$0x1470]  }
0xd8: {  	v5 =	vld [tilespmem:s18+$0x430]  }
0xd9: {  	v8 =	vld [tilespmem:s18+$0x440]  }
0xda: {  	v9 =	vld [tilespmem:s18+$0x450]  }
0xdb: {  	v59 =	vld [tilespmem:s18+$0x1440]  }
0xdc: {  	v60 =	vld [tilespmem:s18+$0x1450]  }
0xdd: {  	v6 =	vshll.u32 v0, $0xC;
	v0 =	vshll.u32 v0, $0x7  }
0xde: {  	v7 =	vshll.u32 v1, $0xC;
	v10 =	vshll.u32 v2, $0x3;
	v2 =	vand.u32 $0x7F, v2  }
0xdf: {  	v1 =	vshll.u32 v1, $0x7;
	v11 =	vshll.u32 v5, $0xC;
	v5 =	vshll.u32 v5, $0x7  }
0xe0: {  	v12 =	vshll.u32 v8, $0xC;
	v8 =	vshll.u32 v8, $0x7;
	v14 =	vshll.u32 v9, $0xC  }
0xe1: {  	v13 =	vld [tilespmem:s18+$0x1400];
	v9 =	vshll.u32 v9, $0x7;
	v62 =	vand.u32 $0x7F, v59;
	v63 =	vand.u32 $0x7F, v60  }
0xe2: {  	v15 =	vld [tilespmem:s18+$0x1410];
	v6 =	vand.u32 $0xFFFF8000, v6;
	v0 =	vand.u32 $0x380, v0;
	v10 =	vand.u32 $0xFFFFFC00, v10  }
0xe3: {  	v58 =	vld [tilespmem:s18+$0x1430];
	v7 =	vand.u32 $0xFFFF8000, v7;
	v1 =	vand.u32 $0x380, v1;
	v11 =	vand.u32 $0xFFFF8000, v11  }
0xe4: {  	v3 =	vld [tilespmem:s18+$0x410];
	v5 =	vand.u32 $0x380, v5;
	v12 =	vand.u32 $0xFFFF8000, v12;
	v8 =	vand.u32 $0x380, v8  }
0xe5: {  	v14 =	vand.u32 $0xFFFF8000, v14;
	v9 =	vand.u32 $0x380, v9;
	v0 =	vor.u32 v6, v0  }
0xe6: {  	v4 =	vld [tilespmem:s18+$0x420];
	v61 =	vor.u32 v7, v1;
	v24 =	vor.u32 v11, v5;
	v8 =	vor.u32 v12, v8  }
0xe7: {  	v25 =	vor.u32 v14, v9;
	v9 =	vand.u32 $0x7F, v13;
	v7 =	vshll.u32 v15, $0x3  }
0xe8: {  	v11 =	vand.u32 $0x7F, v15;
	v1 =	vshll.u32 v58, $0x3;
	v15 =	vand.u32 $0x7F, v58  }
0xe9: {  	v23 =	vld [tilespmem:s18+$0x1460];
	v5 =	vshll.u32 v59, $0x3;
	v0 =	vor.u32 v2, v0;
	v2 =	vshll.u32 v3, $0xC  }
0xea: {  	v6 =	vld [tilespmem:s18+$0x460];
	v3 =	vshll.u32 v3, $0x7;
	v14 =	vor.u32 v9, v61;
	v9 =	vor.u32 v62, v8  }
0xeb: {  	v0 =	vor.u32 v10, v0;
	v10 =	vshll.u32 v4, $0xC;
	v4 =	vshll.u32 v4, $0x7  }
0xec: {  	[tilespmem:s18+$0x3470] =	vst v0;
	v0 =	vand.u32 $0xFFFF8000, v2;
	v2 =	vand.u32 $0x380, v3;
	v3 =	vand.u32 $0xFFFF8000, v10;
	v10 =	vld [tilespmem:s18+$0x1420]  }
0xed: {  	v8 =	vor.u32 v63, v25;
	v4 =	vand.u32 $0x380, v4;
	v21 =	vor.u32 v0, v2  }
0xee: {  	v22 =	vor.u32 v3, v4;
	v4 =	vshll.u32 v13, $0x3;
	v3 =	vshll.u32 v60, $0x3  }
0xef: {  	v13 =	vand.u32 $0x7F, v23;
	v57 =	vshll.u32 v6, $0xC;
	v6 =	vshll.u32 v6, $0x7  }
0xf0: {  	v12 =	vor.u32 v11, v21;
	v16 =	vand.u32 $0xFFFF8000, v57;
	v6 =	vand.u32 $0x380, v6  }
0xf1: {  	v0 =	vor.u32 v16, v6;
	v2 =	vshll.u32 v10, $0x3;
	v10 =	vand.u32 $0x7F, v10  }
0xf2: {  	s19 =	simm.s32 $0x80;
	s20 =	simm.s32 $0x400;
	v6 =	vshll.u32 v23, $0x3;
	v11 =	vor.u32 v10, v22;
	v10 =	vor.u32 v15, v24  }
.LBB2_6:
0xf3: {  	p0 =	sne.s32 s20, $0x600;
	v15 =	vld [tilespmem:s19+$0x470];
	v4 =	vand.u32 $0xFFFFFC00, v4;
	v7 =	vand.u32 $0xFFFFFC00, v7;
	v0 =	vor.u32 v13, v0  }
0xf4: {  	v2 =	vand.u32 $0xFFFFFC00, v2;
	v1 =	vand.u32 $0xFFFFFC00, v1;
	v5 =	vand.u32 $0xFFFFFC00, v5;
	v13 =	vld [tilespmem:s19+$0x400]  }
0xf5: {  	v3 =	vand.u32 $0xFFFFFC00, v3;
	v6 =	vand.u32 $0xFFFFFC00, v6;
	v4 =	vor.u32 v4, v14;
	v16 =	vld [tilespmem:s19+$0x1470]  }
0xf6: {  	v2 =	vor.u32 v2, v11;
	v1 =	vor.u32 v1, v10;
	v14 =	vld [tilespmem:s19+$0x410];
	[tilespmem:s18+$0x3400] =	vst v4;
	v4 =	vor.u32 v7, v12  }
0xf7: {  	v3 =	vor.u32 v3, v8;
	v0 =	vor.u32 v6, v0;
	v7 =	vld [tilespmem:s19+$0x420];
	[tilespmem:s18+$0x3410] =	vst v4;
	v4 =	vor.u32 v5, v9  }
0xf8: {  	v5 =	vld [tilespmem:s19+$0x430];
	v6 =	vshll.u32 v15, $0xC;
	v8 =	vshll.u32 v15, $0x7;
	[tilespmem:s18+$0x3420] =	vst v2  }
0xf9: {  	v2 =	vshll.u32 v13, $0xC;
	v9 =	vld [tilespmem:s19+$0x440];
	v6 =	vand.u32 $0xFFFF8000, v6;
	v8 =	vand.u32 $0x380, v8;
	[tilespmem:s18+$0x3430] =	vst v1  }
0xfa: {  	v1 =	vld [tilespmem:s19+$0x450];
	v10 =	vshll.u32 v16, $0x3;
	v11 =	vand.u32 $0x7F, v16;
	v6 =	vor.u32 v6, v8;
	[tilespmem:s18+$0x3440] =	vst v4  }
0xfb: {  	v4 =	vshll.u32 v13, $0x7;
	v8 =	vld [tilespmem:s19+$0x460];
	v10 =	vand.u32 $0xFFFFFC00, v10;
	v6 =	vor.u32 v11, v6;
	[tilespmem:s18+$0x3450] =	vst v3  }
0xfc: {  	v11 =	vshll.u32 v14, $0xC;
	v12 =	vshll.u32 v14, $0x7;
	v3 =	vld [tilespmem:s19+$0x1400];
	v6 =	vor.u32 v10, v6;
	[tilespmem:s18+$0x3460] =	vst v0;
	s18 =	smov.u32 s19  }
0xfd: {  	v0 =	vshll.u32 v7, $0xC;
	v7 =	vshll.u32 v7, $0x7;
	v10 =	vld [tilespmem:s18+$0x1410];
	v13 =	vshll.u32 v5, $0xC;
	[tilespmem:s18+$0x3470] =	vst v6  }
0xfe: {  	v5 =	vshll.u32 v5, $0x7;
	v6 =	vld [tilespmem:s18+$0x1420];
	v14 =	vshll.u32 v9, $0xC;
	v9 =	vshll.u32 v9, $0x7  }
0xff: {  	v2 =	vand.u32 $0xFFFF8000, v2;
	v15 =	vld [tilespmem:s18+$0x1430];
	v16 =	vshll.u32 v1, $0xC;
	v1 =	vshll.u32 v1, $0x7  }
0x100: {  	v4 =	vand.u32 $0x380, v4;
	v17 =	vld [tilespmem:s18+$0x1440];
	v18 =	vshll.u32 v8, $0xC;
	v8 =	vshll.u32 v8, $0x7  }
0x101: {  	v11 =	vand.u32 $0xFFFF8000, v11;
	v12 =	vand.u32 $0x380, v12;
	v0 =	vand.u32 $0xFFFF8000, v0;
	v19 =	vld [tilespmem:s18+$0x1450]  }
0x102: {  	v7 =	vand.u32 $0x380, v7;
	v13 =	vand.u32 $0xFFFF8000, v13;
	v5 =	vand.u32 $0x380, v5;
	v20 =	vld [tilespmem:s18+$0x1460]  }
0x103: {  	v14 =	vand.u32 $0xFFFF8000, v14;
	v9 =	vand.u32 $0x380, v9;
	v16 =	vand.u32 $0xFFFF8000, v16  }
0x104: {  	v1 =	vand.u32 $0x380, v1;
	v18 =	vand.u32 $0xFFFF8000, v18;
	v8 =	vand.u32 $0x380, v8  }
0x105: {  	v21 =	vor.u32 v2, v4;
	v11 =	vor.u32 v11, v12;
	v22 =	vor.u32 v0, v7  }
0x106: {  	v23 =	vor.u32 v13, v5;
	v9 =	vor.u32 v14, v9;
	v16 =	vor.u32 v16, v1  }
0x107: {  	v4 =	vshll.u32 v3, $0x3;
	v12 =	vand.u32 $0x7F, v3;
	v0 =	vor.u32 v18, v8  }
0x108: {  	v7 =	vshll.u32 v10, $0x3;
	v8 =	vand.u32 $0x7F, v10;
	v2 =	vshll.u32 v6, $0x3  }
.Ltmp2:
0x109: {  	v10 =	vand.u32 $0x7F, v6;
	v1 =	vshll.u32 v15, $0x3;
	v15 =	vand.u32 $0x7F, v15;
	(pc) =	sbr.rel @p0 .LBB2_6-.Ltmp2, $4  }
0x10a: {  	v5 =	vshll.u32 v17, $0x3;
	v17 =	vand.u32 $0x7F, v17;
	v3 =	vshll.u32 v19, $0x3  }
0x10b: {  	v18 =	vand.u32 $0x7F, v19;
	v6 =	vshll.u32 v20, $0x3;
	v13 =	vand.u32 $0x7F, v20  }
0x10c: {  	v14 =	vor.u32 v12, v21;
	v12 =	vor.u32 v8, v11;
	v11 =	vor.u32 v10, v22  }
0x10d: {  	s19 =	sshra.s32 s20, $0x2;
	s20 =	sadd.s32 $0x200, s20;
	v10 =	vor.u32 v15, v23;
	v9 =	vor.u32 v17, v9;
	v8 =	vor.u32 v18, v16  }
0x10e: {  	v15 =	vld [tilespmem:s19+$0x470]  }
0x10f: {  	v16 =	vld [tilespmem:s19+$0x400];
	v4 =	vand.u32 $0xFFFFFC00, v4  }
0x110: {  	v17 =	vld [tilespmem:s19+$0x1470];
	v7 =	vand.u32 $0xFFFFFC00, v7;
	v2 =	vand.u32 $0xFFFFFC00, v2;
	v4 =	vor.u32 v4, v14  }
0x111: {  	v0 =	vor.u32 v13, v0;
	v1 =	vand.u32 $0xFFFFFC00, v1;
	v14 =	vld [tilespmem:s19+$0x410];
	[tilespmem:s18+$0x3400] =	vst v4;
	v4 =	vor.u32 v7, v12  }
0x112: {  	v5 =	vand.u32 $0xFFFFFC00, v5;
	v3 =	vand.u32 $0xFFFFFC00, v3;
	v2 =	vor.u32 v2, v11;
	v7 =	vld [tilespmem:s19+$0x420];
	[tilespmem:s18+$0x3410] =	vst v4  }
0x113: {  	v1 =	vor.u32 v1, v10;
	v5 =	vor.u32 v5, v9;
	v4 =	vld [tilespmem:s19+$0x430];
	[tilespmem:s18+$0x3420] =	vst v2;
	v2 =	vand.u32 $0xFFFFFC00, v6  }
0x114: {  	v3 =	vor.u32 v3, v8;
	v0 =	vor.u32 v2, v0;
	v2 =	vshll.u32 v15, $0xC  }
0x115: {  	v6 =	vld [tilespmem:s19+$0x440];
	[tilespmem:s18+$0x3430] =	vst v1;
	v1 =	vshll.u32 v15, $0x7;
	v8 =	vshll.u32 v16, $0xC;
	v10 =	vshll.u32 v17, $0x3  }
0x116: {  	v11 =	vand.u32 $0x7F, v17;
	v2 =	vand.u32 $0xFFFF8000, v2;
	v1 =	vand.u32 $0x380, v1  }
0x117: {  	v10 =	vand.u32 $0xFFFFFC00, v10;
	v12 =	vshll.u32 v14, $0x7;
	v1 =	vor.u32 v2, v1  }
0x118: {  	v9 =	vld [tilespmem:s19+$0x450];
	[tilespmem:s18+$0x3440] =	vst v5;
	v2 =	vshll.u32 v16, $0x7;
	v1 =	vor.u32 v11, v1;
	v11 =	vshll.u32 v14, $0xC  }
0x119: {  	v5 =	vld [tilespmem:s19+$0x460];
	[tilespmem:s18+$0x3450] =	vst v3;
	v3 =	vshll.u32 v7, $0xC;
	v7 =	vshll.u32 v7, $0x7;
	v2 =	vand.u32 $0x380, v2  }
0x11a: {  	v1 =	vor.u32 v10, v1;
	v13 =	vshll.u32 v4, $0xC;
	v4 =	vshll.u32 v4, $0x7  }
0x11b: {  	v3 =	vand.u32 $0xFFFF8000, v3;
	v7 =	vand.u32 $0x380, v7;
	v14 =	vshll.u32 v6, $0xC  }
0x11c: {  	v10 =	vld [tilespmem:s19+$0x1400];
	[tilespmem:s18+$0x3460] =	vst v0;
	v0 =	vshll.u32 v6, $0x7;
	v6 =	vand.u32 $0xFFFF8000, v8;
	v13 =	vand.u32 $0xFFFF8000, v13  }
0x11d: {  	v4 =	vand.u32 $0x380, v4;
	v3 =	vor.u32 v3, v7;
	v8 =	vshll.u32 v9, $0xC  }
0x11e: {  	v15 =	vld [tilespmem:s19+$0x1410];
	v9 =	vshll.u32 v9, $0x7;
	v14 =	vand.u32 $0xFFFF8000, v14;
	v0 =	vand.u32 $0x380, v0  }
0x11f: {  	v53 =	vld [tilespmem:s19+$0x1430];
	v2 =	vor.u32 v6, v2;
	v4 =	vor.u32 v13, v4;
	v52 =	vshll.u32 v5, $0xC  }
0x120: {  	[tilespmem:s19+$0x3470] =	vst v1;
	v18 =	vld [tilespmem:s19+$0x1440];
	v1 =	vshll.u32 v5, $0x7;
	v5 =	vand.u32 $0xFFFF8000, v11;
	v11 =	vand.u32 $0x380, v12  }
0x121: {  	v19 =	vld [tilespmem:s19+$0x1450];
	v8 =	vand.u32 $0xFFFF8000, v8;
	v9 =	vand.u32 $0x380, v9;
	v0 =	vor.u32 v14, v0  }
0x122: {  	v6 =	vld [tilespmem:s19+$0x1460];
	v16 =	vand.u32 $0xFFFF8000, v52;
	v1 =	vand.u32 $0x380, v1;
	v5 =	vor.u32 v5, v11  }
0x123: {  	v7 =	vor.u32 v8, v9;
	v8 =	vshll.u32 v10, $0x3;
	v9 =	vand.u32 $0x7F, v10  }
0x124: {  	v12 =	vld [tilespmem:s19+$0x1420];
	v1 =	vor.u32 v16, v1;
	v10 =	vshll.u32 v15, $0x3;
	v11 =	vand.u32 $0x7F, v15  }
0x125: {  	v14 =	vshll.u32 v53, $0x3;
	v15 =	vand.u32 $0x7F, v53;
	v54 =	vshll.u32 v18, $0x3  }
0x126: {  	v55 =	vand.u32 $0x7F, v18;
	v56 =	vshll.u32 v19, $0x3;
	v19 =	vand.u32 $0x7F, v19  }
0x127: {  	v2 =	vor.u32 v9, v2;
	v8 =	vand.u32 $0xFFFFFC00, v8;
	v20 =	vshll.u32 v6, $0x3  }
0x128: {  	v6 =	vand.u32 $0x7F, v6;
	v5 =	vor.u32 v11, v5;
	v9 =	vand.u32 $0xFFFFFC00, v10  }
0x129: {  	v2 =	vor.u32 v8, v2;
	v4 =	vor.u32 v15, v4;
	v13 =	vshll.u32 v12, $0x3  }
0x12a: {  	v12 =	vand.u32 $0x7F, v12;
	[tilespmem:s19+$0x3400] =	vst v2;
	v2 =	vor.u32 v9, v5;
	v5 =	vand.u32 $0xFFFFFC00, v14  }
0x12b: {  	v3 =	vor.u32 v12, v3;
	v8 =	vand.u32 $0xFFFFFC00, v13;
	[tilespmem:s19+$0x3410] =	vst v2;
	v4 =	vor.u32 v5, v4  }
0x12c: {  	v0 =	vor.u32 v55, v0;
	v2 =	vand.u32 $0xFFFFFC00, v54;
	v3 =	vor.u32 v8, v3;
	[tilespmem:s19+$0x3430] =	vst v4  }
0x12d: {  	v1 =	vor.u32 v6, v1;
	v0 =	vor.u32 v2, v0;
	v2 =	vand.u32 $0xFFFFFC00, v20;
	[tilespmem:s19+$0x3420] =	vst v3  }
0x12e: {  	v5 =	vand.u32 $0xFFFFFC00, v56;
	v3 =	vor.u32 v19, v7;
	[tilespmem:s19+$0x3440] =	vst v0;
	v0 =	vor.u32 v2, v1  }
0x12f: {  	v3 =	vor.u32 v5, v3;
	[tilespmem:s19+$0x3460] =	vst v0  }
0x130: {  	s20 =	simm.s32 $0x4400;
	s18 =	simm.s32 $0x0;
	[tilespmem:s19+$0x3450] =	vst v3;
	s19 =	simm.s32 $0x3400  }
0x131: {  	[tilespmem:s20], [sflag:$0x3] =	stream.indirect.gather [hbm4b:s1+s13], $0x1, s19, s13, $0xb8;
	[tilespmem:$0x5000] =	vst v63  }
0x132: {  	v0 =	vld [tilespmem:s18+$0x670]  }
0x133: {  	v1 =	vld [tilespmem:s18+$0x600]  }
0x134: {  	v2 =	vld [tilespmem:s18+$0x1670]  }
0x135: {  	v5 =	vld [tilespmem:s18+$0x630]  }
0x136: {  	v8 =	vld [tilespmem:s18+$0x640]  }
0x137: {  	v9 =	vld [tilespmem:s18+$0x650]  }
0x138: {  	v59 =	vld [tilespmem:s18+$0x1640]  }
0x139: {  	v60 =	vld [tilespmem:s18+$0x1650]  }
0x13a: {  	v6 =	vshll.u32 v0, $0xC;
	v0 =	vshll.u32 v0, $0x7  }
0x13b: {  	v7 =	vshll.u32 v1, $0xC;
	v10 =	vshll.u32 v2, $0x3;
	v2 =	vand.u32 $0x7F, v2  }
0x13c: {  	v1 =	vshll.u32 v1, $0x7;
	v11 =	vshll.u32 v5, $0xC;
	v5 =	vshll.u32 v5, $0x7  }
0x13d: {  	v12 =	vshll.u32 v8, $0xC;
	v8 =	vshll.u32 v8, $0x7;
	v14 =	vshll.u32 v9, $0xC  }
0x13e: {  	v13 =	vld [tilespmem:s18+$0x1600];
	v9 =	vshll.u32 v9, $0x7;
	v62 =	vand.u32 $0x7F, v59;
	v63 =	vand.u32 $0x7F, v60  }
0x13f: {  	v15 =	vld [tilespmem:s18+$0x1610];
	v6 =	vand.u32 $0xFFFF8000, v6;
	v0 =	vand.u32 $0x380, v0;
	v10 =	vand.u32 $0xFFFFFC00, v10  }
0x140: {  	v58 =	vld [tilespmem:s18+$0x1630];
	v7 =	vand.u32 $0xFFFF8000, v7;
	v1 =	vand.u32 $0x380, v1;
	v11 =	vand.u32 $0xFFFF8000, v11  }
0x141: {  	v3 =	vld [tilespmem:s18+$0x610];
	v5 =	vand.u32 $0x380, v5;
	v12 =	vand.u32 $0xFFFF8000, v12;
	v8 =	vand.u32 $0x380, v8  }
0x142: {  	v14 =	vand.u32 $0xFFFF8000, v14;
	v9 =	vand.u32 $0x380, v9;
	v0 =	vor.u32 v6, v0  }
0x143: {  	v4 =	vld [tilespmem:s18+$0x620];
	v61 =	vor.u32 v7, v1;
	v24 =	vor.u32 v11, v5;
	v8 =	vor.u32 v12, v8  }
0x144: {  	v25 =	vor.u32 v14, v9;
	v9 =	vand.u32 $0x7F, v13;
	v7 =	vshll.u32 v15, $0x3  }
0x145: {  	v11 =	vand.u32 $0x7F, v15;
	v1 =	vshll.u32 v58, $0x3;
	v15 =	vand.u32 $0x7F, v58  }
0x146: {  	v23 =	vld [tilespmem:s18+$0x1660];
	v5 =	vshll.u32 v59, $0x3;
	v0 =	vor.u32 v2, v0;
	v2 =	vshll.u32 v3, $0xC  }
0x147: {  	v6 =	vld [tilespmem:s18+$0x660];
	v3 =	vshll.u32 v3, $0x7;
	v14 =	vor.u32 v9, v61;
	v9 =	vor.u32 v62, v8  }
0x148: {  	v0 =	vor.u32 v10, v0;
	v10 =	vshll.u32 v4, $0xC;
	v4 =	vshll.u32 v4, $0x7  }
0x149: {  	[tilespmem:s18+$0x3670] =	vst v0;
	v0 =	vand.u32 $0xFFFF8000, v2;
	v2 =	vand.u32 $0x380, v3;
	v3 =	vand.u32 $0xFFFF8000, v10;
	v10 =	vld [tilespmem:s18+$0x1620]  }
0x14a: {  	v8 =	vor.u32 v63, v25;
	v4 =	vand.u32 $0x380, v4;
	v21 =	vor.u32 v0, v2  }
0x14b: {  	v22 =	vor.u32 v3, v4;
	v4 =	vshll.u32 v13, $0x3;
	v3 =	vshll.u32 v60, $0x3  }
0x14c: {  	v13 =	vand.u32 $0x7F, v23;
	v57 =	vshll.u32 v6, $0xC;
	v6 =	vshll.u32 v6, $0x7  }
0x14d: {  	v12 =	vor.u32 v11, v21;
	v16 =	vand.u32 $0xFFFF8000, v57;
	v6 =	vand.u32 $0x380, v6  }
0x14e: {  	v0 =	vor.u32 v16, v6;
	v2 =	vshll.u32 v10, $0x3;
	v10 =	vand.u32 $0x7F, v10  }
0x14f: {  	s19 =	simm.s32 $0x80;
	s20 =	simm.s32 $0x400;
	v6 =	vshll.u32 v23, $0x3;
	v11 =	vor.u32 v10, v22;
	v10 =	vor.u32 v15, v24  }
.LBB2_8:
0x150: {  	p0 =	sne.s32 s20, $0x600;
	v15 =	vld [tilespmem:s19+$0x670];
	v4 =	vand.u32 $0xFFFFFC00, v4;
	v7 =	vand.u32 $0xFFFFFC00, v7;
	v0 =	vor.u32 v13, v0  }
0x151: {  	v2 =	vand.u32 $0xFFFFFC00, v2;
	v1 =	vand.u32 $0xFFFFFC00, v1;
	v5 =	vand.u32 $0xFFFFFC00, v5;
	v13 =	vld [tilespmem:s19+$0x600]  }
0x152: {  	v3 =	vand.u32 $0xFFFFFC00, v3;
	v6 =	vand.u32 $0xFFFFFC00, v6;
	v4 =	vor.u32 v4, v14;
	v16 =	vld [tilespmem:s19+$0x1670]  }
0x153: {  	v2 =	vor.u32 v2, v11;
	v1 =	vor.u32 v1, v10;
	v14 =	vld [tilespmem:s19+$0x610];
	[tilespmem:s18+$0x3600] =	vst v4;
	v4 =	vor.u32 v7, v12  }
0x154: {  	v3 =	vor.u32 v3, v8;
	v0 =	vor.u32 v6, v0;
	v7 =	vld [tilespmem:s19+$0x620];
	[tilespmem:s18+$0x3610] =	vst v4;
	v4 =	vor.u32 v5, v9  }
0x155: {  	v5 =	vld [tilespmem:s19+$0x630];
	v6 =	vshll.u32 v15, $0xC;
	v8 =	vshll.u32 v15, $0x7;
	[tilespmem:s18+$0x3620] =	vst v2  }
0x156: {  	v2 =	vshll.u32 v13, $0xC;
	v9 =	vld [tilespmem:s19+$0x640];
	v6 =	vand.u32 $0xFFFF8000, v6;
	v8 =	vand.u32 $0x380, v8;
	[tilespmem:s18+$0x3630] =	vst v1  }
0x157: {  	v1 =	vld [tilespmem:s19+$0x650];
	v10 =	vshll.u32 v16, $0x3;
	v11 =	vand.u32 $0x7F, v16;
	v6 =	vor.u32 v6, v8;
	[tilespmem:s18+$0x3640] =	vst v4  }
0x158: {  	v4 =	vshll.u32 v13, $0x7;
	v8 =	vld [tilespmem:s19+$0x660];
	v10 =	vand.u32 $0xFFFFFC00, v10;
	v6 =	vor.u32 v11, v6;
	[tilespmem:s18+$0x3650] =	vst v3  }
0x159: {  	v11 =	vshll.u32 v14, $0xC;
	v12 =	vshll.u32 v14, $0x7;
	v3 =	vld [tilespmem:s19+$0x1600];
	v6 =	vor.u32 v10, v6;
	[tilespmem:s18+$0x3660] =	vst v0;
	s18 =	smov.u32 s19  }
0x15a: {  	v0 =	vshll.u32 v7, $0xC;
	v7 =	vshll.u32 v7, $0x7;
	v10 =	vld [tilespmem:s18+$0x1610];
	v13 =	vshll.u32 v5, $0xC;
	[tilespmem:s18+$0x3670] =	vst v6  }
0x15b: {  	v5 =	vshll.u32 v5, $0x7;
	v6 =	vld [tilespmem:s18+$0x1620];
	v14 =	vshll.u32 v9, $0xC;
	v9 =	vshll.u32 v9, $0x7  }
0x15c: {  	v2 =	vand.u32 $0xFFFF8000, v2;
	v15 =	vld [tilespmem:s18+$0x1630];
	v16 =	vshll.u32 v1, $0xC;
	v1 =	vshll.u32 v1, $0x7  }
0x15d: {  	v4 =	vand.u32 $0x380, v4;
	v17 =	vld [tilespmem:s18+$0x1640];
	v18 =	vshll.u32 v8, $0xC;
	v8 =	vshll.u32 v8, $0x7  }
0x15e: {  	v11 =	vand.u32 $0xFFFF8000, v11;
	v12 =	vand.u32 $0x380, v12;
	v0 =	vand.u32 $0xFFFF8000, v0;
	v19 =	vld [tilespmem:s18+$0x1650]  }
0x15f: {  	v7 =	vand.u32 $0x380, v7;
	v13 =	vand.u32 $0xFFFF8000, v13;
	v5 =	vand.u32 $0x380, v5;
	v20 =	vld [tilespmem:s18+$0x1660]  }
0x160: {  	v14 =	vand.u32 $0xFFFF8000, v14;
	v9 =	vand.u32 $0x380, v9;
	v16 =	vand.u32 $0xFFFF8000, v16  }
0x161: {  	v1 =	vand.u32 $0x380, v1;
	v18 =	vand.u32 $0xFFFF8000, v18;
	v8 =	vand.u32 $0x380, v8  }
0x162: {  	v21 =	vor.u32 v2, v4;
	v11 =	vor.u32 v11, v12;
	v22 =	vor.u32 v0, v7  }
0x163: {  	v23 =	vor.u32 v13, v5;
	v9 =	vor.u32 v14, v9;
	v16 =	vor.u32 v16, v1  }
0x164: {  	v4 =	vshll.u32 v3, $0x3;
	v12 =	vand.u32 $0x7F, v3;
	v0 =	vor.u32 v18, v8  }
0x165: {  	v7 =	vshll.u32 v10, $0x3;
	v8 =	vand.u32 $0x7F, v10;
	v2 =	vshll.u32 v6, $0x3  }
.Ltmp3:
0x166: {  	v10 =	vand.u32 $0x7F, v6;
	v1 =	vshll.u32 v15, $0x3;
	v15 =	vand.u32 $0x7F, v15;
	(pc) =	sbr.rel @p0 .LBB2_8-.Ltmp3, $4  }
0x167: {  	v5 =	vshll.u32 v17, $0x3;
	v17 =	vand.u32 $0x7F, v17;
	v3 =	vshll.u32 v19, $0x3  }
0x168: {  	v18 =	vand.u32 $0x7F, v19;
	v6 =	vshll.u32 v20, $0x3;
	v13 =	vand.u32 $0x7F, v20  }
0x169: {  	v14 =	vor.u32 v12, v21;
	v12 =	vor.u32 v8, v11;
	v11 =	vor.u32 v10, v22  }
0x16a: {  	s19 =	sshra.s32 s20, $0x2;
	s20 =	sadd.s32 $0x200, s20;
	v10 =	vor.u32 v15, v23;
	v9 =	vor.u32 v17, v9;
	v8 =	vor.u32 v18, v16  }
0x16b: {  	v15 =	vld [tilespmem:s19+$0x670]  }
0x16c: {  	v16 =	vld [tilespmem:s19+$0x600];
	v4 =	vand.u32 $0xFFFFFC00, v4  }
0x16d: {  	v17 =	vld [tilespmem:s19+$0x1670];
	v7 =	vand.u32 $0xFFFFFC00, v7;
	v2 =	vand.u32 $0xFFFFFC00, v2;
	v4 =	vor.u32 v4, v14  }
0x16e: {  	v0 =	vor.u32 v13, v0;
	v1 =	vand.u32 $0xFFFFFC00, v1;
	v14 =	vld [tilespmem:s19+$0x610];
	[tilespmem:s18+$0x3600] =	vst v4;
	v4 =	vor.u32 v7, v12  }
0x16f: {  	v5 =	vand.u32 $0xFFFFFC00, v5;
	v3 =	vand.u32 $0xFFFFFC00, v3;
	v2 =	vor.u32 v2, v11;
	v7 =	vld [tilespmem:s19+$0x620];
	[tilespmem:s18+$0x3610] =	vst v4  }
0x170: {  	v1 =	vor.u32 v1, v10;
	v5 =	vor.u32 v5, v9;
	v4 =	vld [tilespmem:s19+$0x630];
	[tilespmem:s18+$0x3620] =	vst v2;
	v2 =	vand.u32 $0xFFFFFC00, v6  }
0x171: {  	v3 =	vor.u32 v3, v8;
	v0 =	vor.u32 v2, v0;
	v2 =	vshll.u32 v15, $0xC  }
0x172: {  	v6 =	vld [tilespmem:s19+$0x640];
	[tilespmem:s18+$0x3630] =	vst v1;
	v1 =	vshll.u32 v15, $0x7;
	v8 =	vshll.u32 v16, $0xC;
	v10 =	vshll.u32 v17, $0x3  }
0x173: {  	v11 =	vand.u32 $0x7F, v17;
	v2 =	vand.u32 $0xFFFF8000, v2;
	v1 =	vand.u32 $0x380, v1  }
0x174: {  	v10 =	vand.u32 $0xFFFFFC00, v10;
	v12 =	vshll.u32 v14, $0x7;
	v1 =	vor.u32 v2, v1  }
0x175: {  	v9 =	vld [tilespmem:s19+$0x650];
	[tilespmem:s18+$0x3640] =	vst v5;
	v2 =	vshll.u32 v16, $0x7;
	v1 =	vor.u32 v11, v1;
	v11 =	vshll.u32 v14, $0xC  }
0x176: {  	v5 =	vld [tilespmem:s19+$0x660];
	[tilespmem:s18+$0x3650] =	vst v3;
	v3 =	vshll.u32 v7, $0xC;
	v7 =	vshll.u32 v7, $0x7;
	v2 =	vand.u32 $0x380, v2  }
0x177: {  	v1 =	vor.u32 v10, v1;
	v13 =	vshll.u32 v4, $0xC;
	v4 =	vshll.u32 v4, $0x7  }
0x178: {  	v3 =	vand.u32 $0xFFFF8000, v3;
	v7 =	vand.u32 $0x380, v7;
	v14 =	vshll.u32 v6, $0xC  }
0x179: {  	v10 =	vld [tilespmem:s19+$0x1600];
	[tilespmem:s18+$0x3660] =	vst v0;
	v0 =	vshll.u32 v6, $0x7;
	v6 =	vand.u32 $0xFFFF8000, v8;
	v13 =	vand.u32 $0xFFFF8000, v13  }
0x17a: {  	v4 =	vand.u32 $0x380, v4;
	v3 =	vor.u32 v3, v7;
	v8 =	vshll.u32 v9, $0xC  }
0x17b: {  	v15 =	vld [tilespmem:s19+$0x1610];
	v9 =	vshll.u32 v9, $0x7;
	v14 =	vand.u32 $0xFFFF8000, v14;
	v0 =	vand.u32 $0x380, v0  }
0x17c: {  	v53 =	vld [tilespmem:s19+$0x1630];
	v2 =	vor.u32 v6, v2;
	v4 =	vor.u32 v13, v4;
	v52 =	vshll.u32 v5, $0xC  }
0x17d: {  	[tilespmem:s19+$0x3670] =	vst v1;
	v18 =	vld [tilespmem:s19+$0x1640];
	v1 =	vshll.u32 v5, $0x7;
	v5 =	vand.u32 $0xFFFF8000, v11;
	v11 =	vand.u32 $0x380, v12  }
0x17e: {  	v19 =	vld [tilespmem:s19+$0x1650];
	v8 =	vand.u32 $0xFFFF8000, v8;
	v9 =	vand.u32 $0x380, v9;
	v0 =	vor.u32 v14, v0  }
0x17f: {  	v6 =	vld [tilespmem:s19+$0x1660];
	v16 =	vand.u32 $0xFFFF8000, v52;
	v1 =	vand.u32 $0x380, v1;
	v5 =	vor.u32 v5, v11  }
0x180: {  	v7 =	vor.u32 v8, v9;
	v8 =	vshll.u32 v10, $0x3;
	v9 =	vand.u32 $0x7F, v10  }
0x181: {  	v12 =	vld [tilespmem:s19+$0x1620];
	v1 =	vor.u32 v16, v1;
	v10 =	vshll.u32 v15, $0x3;
	v11 =	vand.u32 $0x7F, v15  }
0x182: {  	v14 =	vshll.u32 v53, $0x3;
	v15 =	vand.u32 $0x7F, v53;
	v54 =	vshll.u32 v18, $0x3  }
0x183: {  	v55 =	vand.u32 $0x7F, v18;
	v56 =	vshll.u32 v19, $0x3;
	v19 =	vand.u32 $0x7F, v19  }
0x184: {  	v2 =	vor.u32 v9, v2;
	v8 =	vand.u32 $0xFFFFFC00, v8;
	v20 =	vshll.u32 v6, $0x3  }
0x185: {  	v6 =	vand.u32 $0x7F, v6;
	v5 =	vor.u32 v11, v5;
	v9 =	vand.u32 $0xFFFFFC00, v10  }
0x186: {  	v2 =	vor.u32 v8, v2;
	v4 =	vor.u32 v15, v4;
	v13 =	vshll.u32 v12, $0x3  }
0x187: {  	v12 =	vand.u32 $0x7F, v12;
	[tilespmem:s19+$0x3600] =	vst v2;
	v2 =	vor.u32 v9, v5;
	v5 =	vand.u32 $0xFFFFFC00, v14  }
0x188: {  	v3 =	vor.u32 v12, v3;
	v8 =	vand.u32 $0xFFFFFC00, v13;
	[tilespmem:s19+$0x3610] =	vst v2;
	v4 =	vor.u32 v5, v4  }
0x189: {  	v0 =	vor.u32 v55, v0;
	v2 =	vand.u32 $0xFFFFFC00, v54;
	v3 =	vor.u32 v8, v3;
	[tilespmem:s19+$0x3630] =	vst v4  }
0x18a: {  	v1 =	vor.u32 v6, v1;
	v0 =	vor.u32 v2, v0;
	v2 =	vand.u32 $0xFFFFFC00, v20;
	[tilespmem:s19+$0x3620] =	vst v3  }
0x18b: {  	v5 =	vand.u32 $0xFFFFFC00, v56;
	v3 =	vor.u32 v19, v7;
	[tilespmem:s19+$0x3640] =	vst v0;
	v0 =	vor.u32 v2, v1  }
0x18c: {  	v3 =	vor.u32 v5, v3;
	[tilespmem:s19+$0x3660] =	vst v0  }
0x18d: {  	s20 =	simm.s32 $0x4600;
	s18 =	simm.s32 $0x0;
	[tilespmem:s19+$0x3650] =	vst v3;
	s19 =	simm.s32 $0x3600  }
0x18e: {  	[tilespmem:s20], [sflag:$0x4] =	stream.indirect.gather [hbm4b:s1+s13], $0x1, s19, s13, $0xb8;
	[tilespmem:$0x5000] =	vst v63  }
0x18f: {  	v0 =	vld [tilespmem:s18+$0x870]  }
0x190: {  	v1 =	vld [tilespmem:s18+$0x800]  }
0x191: {  	v2 =	vld [tilespmem:s18+$0x1870]  }
0x192: {  	v5 =	vld [tilespmem:s18+$0x830]  }
0x193: {  	v8 =	vld [tilespmem:s18+$0x840]  }
0x194: {  	v9 =	vld [tilespmem:s18+$0x850]  }
0x195: {  	v59 =	vld [tilespmem:s18+$0x1840]  }
0x196: {  	v60 =	vld [tilespmem:s18+$0x1850]  }
0x197: {  	v6 =	vshll.u32 v0, $0xC;
	v0 =	vshll.u32 v0, $0x7  }
0x198: {  	v7 =	vshll.u32 v1, $0xC;
	v10 =	vshll.u32 v2, $0x3;
	v2 =	vand.u32 $0x7F, v2  }
0x199: {  	v1 =	vshll.u32 v1, $0x7;
	v11 =	vshll.u32 v5, $0xC;
	v5 =	vshll.u32 v5, $0x7  }
0x19a: {  	v12 =	vshll.u32 v8, $0xC;
	v8 =	vshll.u32 v8, $0x7;
	v14 =	vshll.u32 v9, $0xC  }
0x19b: {  	v13 =	vld [tilespmem:s18+$0x1800];
	v9 =	vshll.u32 v9, $0x7;
	v62 =	vand.u32 $0x7F, v59;
	v63 =	vand.u32 $0x7F, v60  }
0x19c: {  	v15 =	vld [tilespmem:s18+$0x1810];
	v6 =	vand.u32 $0xFFFF8000, v6;
	v0 =	vand.u32 $0x380, v0;
	v10 =	vand.u32 $0xFFFFFC00, v10  }
0x19d: {  	v58 =	vld [tilespmem:s18+$0x1830];
	v7 =	vand.u32 $0xFFFF8000, v7;
	v1 =	vand.u32 $0x380, v1;
	v11 =	vand.u32 $0xFFFF8000, v11  }
0x19e: {  	v3 =	vld [tilespmem:s18+$0x810];
	v5 =	vand.u32 $0x380, v5;
	v12 =	vand.u32 $0xFFFF8000, v12;
	v8 =	vand.u32 $0x380, v8  }
0x19f: {  	v14 =	vand.u32 $0xFFFF8000, v14;
	v9 =	vand.u32 $0x380, v9;
	v0 =	vor.u32 v6, v0  }
0x1a0: {  	v4 =	vld [tilespmem:s18+$0x820];
	v61 =	vor.u32 v7, v1;
	v24 =	vor.u32 v11, v5;
	v8 =	vor.u32 v12, v8  }
0x1a1: {  	v25 =	vor.u32 v14, v9;
	v9 =	vand.u32 $0x7F, v13;
	v7 =	vshll.u32 v15, $0x3  }
0x1a2: {  	v11 =	vand.u32 $0x7F, v15;
	v1 =	vshll.u32 v58, $0x3;
	v15 =	vand.u32 $0x7F, v58  }
0x1a3: {  	v23 =	vld [tilespmem:s18+$0x1860];
	v5 =	vshll.u32 v59, $0x3;
	v0 =	vor.u32 v2, v0;
	v2 =	vshll.u32 v3, $0xC  }
0x1a4: {  	v6 =	vld [tilespmem:s18+$0x860];
	v3 =	vshll.u32 v3, $0x7;
	v14 =	vor.u32 v9, v61;
	v9 =	vor.u32 v62, v8  }
0x1a5: {  	v0 =	vor.u32 v10, v0;
	v10 =	vshll.u32 v4, $0xC;
	v4 =	vshll.u32 v4, $0x7  }
0x1a6: {  	[tilespmem:s18+$0x3870] =	vst v0;
	v0 =	vand.u32 $0xFFFF8000, v2;
	v2 =	vand.u32 $0x380, v3;
	v3 =	vand.u32 $0xFFFF8000, v10;
	v10 =	vld [tilespmem:s18+$0x1820]  }
0x1a7: {  	v8 =	vor.u32 v63, v25;
	v4 =	vand.u32 $0x380, v4;
	v21 =	vor.u32 v0, v2  }
0x1a8: {  	v22 =	vor.u32 v3, v4;
	v4 =	vshll.u32 v13, $0x3;
	v3 =	vshll.u32 v60, $0x3  }
0x1a9: {  	v13 =	vand.u32 $0x7F, v23;
	v57 =	vshll.u32 v6, $0xC;
	v6 =	vshll.u32 v6, $0x7  }
0x1aa: {  	v12 =	vor.u32 v11, v21;
	v16 =	vand.u32 $0xFFFF8000, v57;
	v6 =	vand.u32 $0x380, v6  }
0x1ab: {  	v0 =	vor.u32 v16, v6;
	v2 =	vshll.u32 v10, $0x3;
	v10 =	vand.u32 $0x7F, v10  }
0x1ac: {  	s19 =	simm.s32 $0x80;
	s20 =	simm.s32 $0x400;
	v6 =	vshll.u32 v23, $0x3;
	v11 =	vor.u32 v10, v22;
	v10 =	vor.u32 v15, v24  }
.LBB2_10:
0x1ad: {  	p0 =	sne.s32 s20, $0x600;
	v15 =	vld [tilespmem:s19+$0x870];
	v4 =	vand.u32 $0xFFFFFC00, v4;
	v7 =	vand.u32 $0xFFFFFC00, v7;
	v0 =	vor.u32 v13, v0  }
0x1ae: {  	v2 =	vand.u32 $0xFFFFFC00, v2;
	v1 =	vand.u32 $0xFFFFFC00, v1;
	v5 =	vand.u32 $0xFFFFFC00, v5;
	v13 =	vld [tilespmem:s19+$0x800]  }
0x1af: {  	v3 =	vand.u32 $0xFFFFFC00, v3;
	v6 =	vand.u32 $0xFFFFFC00, v6;
	v4 =	vor.u32 v4, v14;
	v16 =	vld [tilespmem:s19+$0x1870]  }
0x1b0: {  	v2 =	vor.u32 v2, v11;
	v1 =	vor.u32 v1, v10;
	v14 =	vld [tilespmem:s19+$0x810];
	[tilespmem:s18+$0x3800] =	vst v4;
	v4 =	vor.u32 v7, v12  }
0x1b1: {  	v3 =	vor.u32 v3, v8;
	v0 =	vor.u32 v6, v0;
	v7 =	vld [tilespmem:s19+$0x820];
	[tilespmem:s18+$0x3810] =	vst v4;
	v4 =	vor.u32 v5, v9  }
0x1b2: {  	v5 =	vld [tilespmem:s19+$0x830];
	v6 =	vshll.u32 v15, $0xC;
	v8 =	vshll.u32 v15, $0x7;
	[tilespmem:s18+$0x3820] =	vst v2  }
0x1b3: {  	v2 =	vshll.u32 v13, $0xC;
	v9 =	vld [tilespmem:s19+$0x840];
	v6 =	vand.u32 $0xFFFF8000, v6;
	v8 =	vand.u32 $0x380, v8;
	[tilespmem:s18+$0x3830] =	vst v1  }
0x1b4: {  	v1 =	vld [tilespmem:s19+$0x850];
	v10 =	vshll.u32 v16, $0x3;
	v11 =	vand.u32 $0x7F, v16;
	v6 =	vor.u32 v6, v8;
	[tilespmem:s18+$0x3840] =	vst v4  }
0x1b5: {  	v4 =	vshll.u32 v13, $0x7;
	v8 =	vld [tilespmem:s19+$0x860];
	v10 =	vand.u32 $0xFFFFFC00, v10;
	v6 =	vor.u32 v11, v6;
	[tilespmem:s18+$0x3850] =	vst v3  }
0x1b6: {  	v11 =	vshll.u32 v14, $0xC;
	v12 =	vshll.u32 v14, $0x7;
	v3 =	vld [tilespmem:s19+$0x1800];
	v6 =	vor.u32 v10, v6;
	[tilespmem:s18+$0x3860] =	vst v0;
	s18 =	smov.u32 s19  }
0x1b7: {  	v0 =	vshll.u32 v7, $0xC;
	v7 =	vshll.u32 v7, $0x7;
	v10 =	vld [tilespmem:s18+$0x1810];
	v13 =	vshll.u32 v5, $0xC;
	[tilespmem:s18+$0x3870] =	vst v6  }
0x1b8: {  	v5 =	vshll.u32 v5, $0x7;
	v6 =	vld [tilespmem:s18+$0x1820];
	v14 =	vshll.u32 v9, $0xC;
	v9 =	vshll.u32 v9, $0x7  }
0x1b9: {  	v2 =	vand.u32 $0xFFFF8000, v2;
	v15 =	vld [tilespmem:s18+$0x1830];
	v16 =	vshll.u32 v1, $0xC;
	v1 =	vshll.u32 v1, $0x7  }
0x1ba: {  	v4 =	vand.u32 $0x380, v4;
	v17 =	vld [tilespmem:s18+$0x1840];
	v18 =	vshll.u32 v8, $0xC;
	v8 =	vshll.u32 v8, $0x7  }
0x1bb: {  	v11 =	vand.u32 $0xFFFF8000, v11;
	v12 =	vand.u32 $0x380, v12;
	v0 =	vand.u32 $0xFFFF8000, v0;
	v19 =	vld [tilespmem:s18+$0x1850]  }
0x1bc: {  	v7 =	vand.u32 $0x380, v7;
	v13 =	vand.u32 $0xFFFF8000, v13;
	v5 =	vand.u32 $0x380, v5;
	v20 =	vld [tilespmem:s18+$0x1860]  }
0x1bd: {  	v14 =	vand.u32 $0xFFFF8000, v14;
	v9 =	vand.u32 $0x380, v9;
	v16 =	vand.u32 $0xFFFF8000, v16  }
0x1be: {  	v1 =	vand.u32 $0x380, v1;
	v18 =	vand.u32 $0xFFFF8000, v18;
	v8 =	vand.u32 $0x380, v8  }
0x1bf: {  	v21 =	vor.u32 v2, v4;
	v11 =	vor.u32 v11, v12;
	v22 =	vor.u32 v0, v7  }
0x1c0: {  	v23 =	vor.u32 v13, v5;
	v9 =	vor.u32 v14, v9;
	v16 =	vor.u32 v16, v1  }
0x1c1: {  	v4 =	vshll.u32 v3, $0x3;
	v12 =	vand.u32 $0x7F, v3;
	v0 =	vor.u32 v18, v8  }
0x1c2: {  	v7 =	vshll.u32 v10, $0x3;
	v8 =	vand.u32 $0x7F, v10;
	v2 =	vshll.u32 v6, $0x3  }
.Ltmp4:
0x1c3: {  	v10 =	vand.u32 $0x7F, v6;
	v1 =	vshll.u32 v15, $0x3;
	v15 =	vand.u32 $0x7F, v15;
	(pc) =	sbr.rel @p0 .LBB2_10-.Ltmp4, $4  }
0x1c4: {  	v5 =	vshll.u32 v17, $0x3;
	v17 =	vand.u32 $0x7F, v17;
	v3 =	vshll.u32 v19, $0x3  }
0x1c5: {  	v18 =	vand.u32 $0x7F, v19;
	v6 =	vshll.u32 v20, $0x3;
	v13 =	vand.u32 $0x7F, v20  }
0x1c6: {  	v14 =	vor.u32 v12, v21;
	v12 =	vor.u32 v8, v11;
	v11 =	vor.u32 v10, v22  }
0x1c7: {  	s19 =	sshra.s32 s20, $0x2;
	s20 =	sadd.s32 $0x200, s20;
	v10 =	vor.u32 v15, v23;
	v9 =	vor.u32 v17, v9;
	v8 =	vor.u32 v18, v16  }
0x1c8: {  	v15 =	vld [tilespmem:s19+$0x870]  }
0x1c9: {  	v16 =	vld [tilespmem:s19+$0x800];
	v4 =	vand.u32 $0xFFFFFC00, v4  }
0x1ca: {  	v17 =	vld [tilespmem:s19+$0x1870];
	v7 =	vand.u32 $0xFFFFFC00, v7;
	v2 =	vand.u32 $0xFFFFFC00, v2;
	v4 =	vor.u32 v4, v14  }
0x1cb: {  	v0 =	vor.u32 v13, v0;
	v1 =	vand.u32 $0xFFFFFC00, v1;
	v14 =	vld [tilespmem:s19+$0x810];
	[tilespmem:s18+$0x3800] =	vst v4;
	v4 =	vor.u32 v7, v12  }
0x1cc: {  	v5 =	vand.u32 $0xFFFFFC00, v5;
	v3 =	vand.u32 $0xFFFFFC00, v3;
	v2 =	vor.u32 v2, v11;
	v7 =	vld [tilespmem:s19+$0x820];
	[tilespmem:s18+$0x3810] =	vst v4  }
0x1cd: {  	v1 =	vor.u32 v1, v10;
	v5 =	vor.u32 v5, v9;
	v4 =	vld [tilespmem:s19+$0x830];
	[tilespmem:s18+$0x3820] =	vst v2;
	v2 =	vand.u32 $0xFFFFFC00, v6  }
0x1ce: {  	v3 =	vor.u32 v3, v8;
	v0 =	vor.u32 v2, v0;
	v2 =	vshll.u32 v15, $0xC  }
0x1cf: {  	v6 =	vld [tilespmem:s19+$0x840];
	[tilespmem:s18+$0x3830] =	vst v1;
	v1 =	vshll.u32 v15, $0x7;
	v8 =	vshll.u32 v16, $0xC;
	v10 =	vshll.u32 v17, $0x3  }
0x1d0: {  	v11 =	vand.u32 $0x7F, v17;
	v2 =	vand.u32 $0xFFFF8000, v2;
	v1 =	vand.u32 $0x380, v1  }
0x1d1: {  	v10 =	vand.u32 $0xFFFFFC00, v10;
	v12 =	vshll.u32 v14, $0x7;
	v1 =	vor.u32 v2, v1  }
0x1d2: {  	v9 =	vld [tilespmem:s19+$0x850];
	[tilespmem:s18+$0x3840] =	vst v5;
	v2 =	vshll.u32 v16, $0x7;
	v1 =	vor.u32 v11, v1;
	v11 =	vshll.u32 v14, $0xC  }
0x1d3: {  	v5 =	vld [tilespmem:s19+$0x860];
	[tilespmem:s18+$0x3850] =	vst v3;
	v3 =	vshll.u32 v7, $0xC;
	v7 =	vshll.u32 v7, $0x7;
	v2 =	vand.u32 $0x380, v2  }
0x1d4: {  	v1 =	vor.u32 v10, v1;
	v13 =	vshll.u32 v4, $0xC;
	v4 =	vshll.u32 v4, $0x7  }
0x1d5: {  	v3 =	vand.u32 $0xFFFF8000, v3;
	v7 =	vand.u32 $0x380, v7;
	v14 =	vshll.u32 v6, $0xC  }
0x1d6: {  	v10 =	vld [tilespmem:s19+$0x1800];
	[tilespmem:s18+$0x3860] =	vst v0;
	v0 =	vshll.u32 v6, $0x7;
	v6 =	vand.u32 $0xFFFF8000, v8;
	v13 =	vand.u32 $0xFFFF8000, v13  }
0x1d7: {  	v4 =	vand.u32 $0x380, v4;
	v3 =	vor.u32 v3, v7;
	v8 =	vshll.u32 v9, $0xC  }
0x1d8: {  	v15 =	vld [tilespmem:s19+$0x1810];
	v9 =	vshll.u32 v9, $0x7;
	v14 =	vand.u32 $0xFFFF8000, v14;
	v0 =	vand.u32 $0x380, v0  }
0x1d9: {  	v53 =	vld [tilespmem:s19+$0x1830];
	v2 =	vor.u32 v6, v2;
	v4 =	vor.u32 v13, v4;
	v52 =	vshll.u32 v5, $0xC  }
0x1da: {  	[tilespmem:s19+$0x3870] =	vst v1;
	v18 =	vld [tilespmem:s19+$0x1840];
	v1 =	vshll.u32 v5, $0x7;
	v5 =	vand.u32 $0xFFFF8000, v11;
	v11 =	vand.u32 $0x380, v12  }
0x1db: {  	v19 =	vld [tilespmem:s19+$0x1850];
	v8 =	vand.u32 $0xFFFF8000, v8;
	v9 =	vand.u32 $0x380, v9;
	v0 =	vor.u32 v14, v0  }
0x1dc: {  	v6 =	vld [tilespmem:s19+$0x1860];
	v16 =	vand.u32 $0xFFFF8000, v52;
	v1 =	vand.u32 $0x380, v1;
	v5 =	vor.u32 v5, v11  }
0x1dd: {  	v7 =	vor.u32 v8, v9;
	v8 =	vshll.u32 v10, $0x3;
	v9 =	vand.u32 $0x7F, v10  }
0x1de: {  	v12 =	vld [tilespmem:s19+$0x1820];
	v1 =	vor.u32 v16, v1;
	v10 =	vshll.u32 v15, $0x3;
	v11 =	vand.u32 $0x7F, v15  }
0x1df: {  	v14 =	vshll.u32 v53, $0x3;
	v15 =	vand.u32 $0x7F, v53;
	v54 =	vshll.u32 v18, $0x3  }
0x1e0: {  	v55 =	vand.u32 $0x7F, v18;
	v56 =	vshll.u32 v19, $0x3;
	v19 =	vand.u32 $0x7F, v19  }
0x1e1: {  	v2 =	vor.u32 v9, v2;
	v8 =	vand.u32 $0xFFFFFC00, v8;
	v20 =	vshll.u32 v6, $0x3  }
0x1e2: {  	v6 =	vand.u32 $0x7F, v6;
	v5 =	vor.u32 v11, v5;
	v9 =	vand.u32 $0xFFFFFC00, v10  }
0x1e3: {  	v2 =	vor.u32 v8, v2;
	v4 =	vor.u32 v15, v4;
	v13 =	vshll.u32 v12, $0x3  }
0x1e4: {  	v12 =	vand.u32 $0x7F, v12;
	[tilespmem:s19+$0x3800] =	vst v2;
	v2 =	vor.u32 v9, v5;
	v5 =	vand.u32 $0xFFFFFC00, v14  }
0x1e5: {  	v3 =	vor.u32 v12, v3;
	v8 =	vand.u32 $0xFFFFFC00, v13;
	[tilespmem:s19+$0x3810] =	vst v2;
	v4 =	vor.u32 v5, v4  }
0x1e6: {  	v0 =	vor.u32 v55, v0;
	v2 =	vand.u32 $0xFFFFFC00, v54;
	v3 =	vor.u32 v8, v3;
	[tilespmem:s19+$0x3830] =	vst v4  }
0x1e7: {  	v1 =	vor.u32 v6, v1;
	v0 =	vor.u32 v2, v0;
	v2 =	vand.u32 $0xFFFFFC00, v20;
	[tilespmem:s19+$0x3820] =	vst v3  }
0x1e8: {  	v5 =	vand.u32 $0xFFFFFC00, v56;
	v3 =	vor.u32 v19, v7;
	[tilespmem:s19+$0x3840] =	vst v0;
	v0 =	vor.u32 v2, v1  }
0x1e9: {  	v3 =	vor.u32 v5, v3;
	[tilespmem:s19+$0x3860] =	vst v0  }
0x1ea: {  	s18 =	simm.s32 $0x0;
	[tilespmem:s19+$0x3850] =	vst v3  }
0x1eb: {  	[tilespmem:s23], [sflag:$0x5] =	stream.indirect.gather [hbm4b:s1+s13], $0x1, s22, s13, $0xb8;
	[tilespmem:$0x5000] =	vst v63  }
0x1ec: {  	v0 =	vld [tilespmem:s18+$0xA70]  }
0x1ed: {  	v1 =	vld [tilespmem:s18+$0xA00]  }
0x1ee: {  	v2 =	vld [tilespmem:s18+$0x1A70]  }
0x1ef: {  	v5 =	vld [tilespmem:s18+$0xA30]  }
0x1f0: {  	v8 =	vld [tilespmem:s18+$0xA40]  }
0x1f1: {  	v9 =	vld [tilespmem:s18+$0xA50]  }
0x1f2: {  	v59 =	vld [tilespmem:s18+$0x1A40]  }
0x1f3: {  	v60 =	vld [tilespmem:s18+$0x1A50]  }
0x1f4: {  	v6 =	vshll.u32 v0, $0xC;
	v0 =	vshll.u32 v0, $0x7  }
0x1f5: {  	v7 =	vshll.u32 v1, $0xC;
	v10 =	vshll.u32 v2, $0x3;
	v2 =	vand.u32 $0x7F, v2  }
0x1f6: {  	v1 =	vshll.u32 v1, $0x7;
	v11 =	vshll.u32 v5, $0xC;
	v5 =	vshll.u32 v5, $0x7  }
0x1f7: {  	v12 =	vshll.u32 v8, $0xC;
	v8 =	vshll.u32 v8, $0x7;
	v14 =	vshll.u32 v9, $0xC  }
0x1f8: {  	v13 =	vld [tilespmem:s18+$0x1A00];
	v9 =	vshll.u32 v9, $0x7;
	v62 =	vand.u32 $0x7F, v59;
	v63 =	vand.u32 $0x7F, v60  }
0x1f9: {  	v15 =	vld [tilespmem:s18+$0x1A10];
	v6 =	vand.u32 $0xFFFF8000, v6;
	v0 =	vand.u32 $0x380, v0;
	v10 =	vand.u32 $0xFFFFFC00, v10  }
0x1fa: {  	v58 =	vld [tilespmem:s18+$0x1A30];
	v7 =	vand.u32 $0xFFFF8000, v7;
	v1 =	vand.u32 $0x380, v1;
	v11 =	vand.u32 $0xFFFF8000, v11  }
0x1fb: {  	v3 =	vld [tilespmem:s18+$0xA10];
	v5 =	vand.u32 $0x380, v5;
	v12 =	vand.u32 $0xFFFF8000, v12;
	v8 =	vand.u32 $0x380, v8  }
0x1fc: {  	v14 =	vand.u32 $0xFFFF8000, v14;
	v9 =	vand.u32 $0x380, v9;
	v0 =	vor.u32 v6, v0  }
0x1fd: {  	v4 =	vld [tilespmem:s18+$0xA20];
	v61 =	vor.u32 v7, v1;
	v24 =	vor.u32 v11, v5;
	v8 =	vor.u32 v12, v8  }
0x1fe: {  	v25 =	vor.u32 v14, v9;
	v9 =	vand.u32 $0x7F, v13;
	v7 =	vshll.u32 v15, $0x3  }
0x1ff: {  	v11 =	vand.u32 $0x7F, v15;
	v1 =	vshll.u32 v58, $0x3;
	v15 =	vand.u32 $0x7F, v58  }
0x200: {  	v23 =	vld [tilespmem:s18+$0x1A60];
	v5 =	vshll.u32 v59, $0x3;
	v0 =	vor.u32 v2, v0;
	v2 =	vshll.u32 v3, $0xC  }
0x201: {  	v6 =	vld [tilespmem:s18+$0xA60];
	v3 =	vshll.u32 v3, $0x7;
	v14 =	vor.u32 v9, v61;
	v9 =	vor.u32 v62, v8  }
0x202: {  	v0 =	vor.u32 v10, v0;
	v10 =	vshll.u32 v4, $0xC;
	v4 =	vshll.u32 v4, $0x7  }
0x203: {  	[tilespmem:s18+$0x3A70] =	vst v0;
	v0 =	vand.u32 $0xFFFF8000, v2;
	v2 =	vand.u32 $0x380, v3;
	v3 =	vand.u32 $0xFFFF8000, v10;
	v10 =	vld [tilespmem:s18+$0x1A20]  }
0x204: {  	v8 =	vor.u32 v63, v25;
	v4 =	vand.u32 $0x380, v4;
	v21 =	vor.u32 v0, v2  }
0x205: {  	v22 =	vor.u32 v3, v4;
	v4 =	vshll.u32 v13, $0x3;
	v3 =	vshll.u32 v60, $0x3  }
0x206: {  	v13 =	vand.u32 $0x7F, v23;
	v57 =	vshll.u32 v6, $0xC;
	v6 =	vshll.u32 v6, $0x7  }
0x207: {  	v12 =	vor.u32 v11, v21;
	v16 =	vand.u32 $0xFFFF8000, v57;
	v6 =	vand.u32 $0x380, v6  }
0x208: {  	v0 =	vor.u32 v16, v6;
	v2 =	vshll.u32 v10, $0x3;
	v10 =	vand.u32 $0x7F, v10  }
0x209: {  	s20 =	simm.s32 $0x400;
	s19 =	simm.s32 $0x80;
	v6 =	vshll.u32 v23, $0x3;
	v11 =	vor.u32 v10, v22;
	v10 =	vor.u32 v15, v24  }
.LBB2_12:
0x20a: {  	p0 =	sne.s32 s20, $0x600;
	v15 =	vld [tilespmem:s19+$0xA70];
	v4 =	vand.u32 $0xFFFFFC00, v4;
	v7 =	vand.u32 $0xFFFFFC00, v7;
	v0 =	vor.u32 v13, v0  }
0x20b: {  	v2 =	vand.u32 $0xFFFFFC00, v2;
	v1 =	vand.u32 $0xFFFFFC00, v1;
	v5 =	vand.u32 $0xFFFFFC00, v5;
	v13 =	vld [tilespmem:s19+$0xA00]  }
0x20c: {  	v3 =	vand.u32 $0xFFFFFC00, v3;
	v6 =	vand.u32 $0xFFFFFC00, v6;
	v4 =	vor.u32 v4, v14;
	v16 =	vld [tilespmem:s19+$0x1A70]  }
0x20d: {  	v2 =	vor.u32 v2, v11;
	v1 =	vor.u32 v1, v10;
	v14 =	vld [tilespmem:s19+$0xA10];
	[tilespmem:s18+$0x3A00] =	vst v4;
	v4 =	vor.u32 v7, v12  }
0x20e: {  	v3 =	vor.u32 v3, v8;
	v0 =	vor.u32 v6, v0;
	v7 =	vld [tilespmem:s19+$0xA20];
	[tilespmem:s18+$0x3A10] =	vst v4;
	v4 =	vor.u32 v5, v9  }
0x20f: {  	v5 =	vld [tilespmem:s19+$0xA30];
	v6 =	vshll.u32 v15, $0xC;
	v8 =	vshll.u32 v15, $0x7;
	[tilespmem:s18+$0x3A20] =	vst v2  }
0x210: {  	v2 =	vshll.u32 v13, $0xC;
	v9 =	vld [tilespmem:s19+$0xA40];
	v6 =	vand.u32 $0xFFFF8000, v6;
	v8 =	vand.u32 $0x380, v8;
	[tilespmem:s18+$0x3A30] =	vst v1  }
0x211: {  	v1 =	vld [tilespmem:s19+$0xA50];
	v10 =	vshll.u32 v16, $0x3;
	v11 =	vand.u32 $0x7F, v16;
	v6 =	vor.u32 v6, v8;
	[tilespmem:s18+$0x3A40] =	vst v4  }
0x212: {  	v4 =	vshll.u32 v13, $0x7;
	v8 =	vld [tilespmem:s19+$0xA60];
	v10 =	vand.u32 $0xFFFFFC00, v10;
	v6 =	vor.u32 v11, v6;
	[tilespmem:s18+$0x3A50] =	vst v3  }
0x213: {  	v11 =	vshll.u32 v14, $0xC;
	v12 =	vshll.u32 v14, $0x7;
	v3 =	vld [tilespmem:s19+$0x1A00];
	v6 =	vor.u32 v10, v6;
	[tilespmem:s18+$0x3A60] =	vst v0;
	s18 =	smov.u32 s19  }
0x214: {  	v0 =	vshll.u32 v7, $0xC;
	v7 =	vshll.u32 v7, $0x7;
	v10 =	vld [tilespmem:s18+$0x1A10];
	v13 =	vshll.u32 v5, $0xC;
	[tilespmem:s18+$0x3A70] =	vst v6  }
0x215: {  	v5 =	vshll.u32 v5, $0x7;
	v6 =	vld [tilespmem:s18+$0x1A20];
	v14 =	vshll.u32 v9, $0xC;
	v9 =	vshll.u32 v9, $0x7  }
0x216: {  	v2 =	vand.u32 $0xFFFF8000, v2;
	v15 =	vld [tilespmem:s18+$0x1A30];
	v16 =	vshll.u32 v1, $0xC;
	v1 =	vshll.u32 v1, $0x7  }
0x217: {  	v4 =	vand.u32 $0x380, v4;
	v17 =	vld [tilespmem:s18+$0x1A40];
	v18 =	vshll.u32 v8, $0xC;
	v8 =	vshll.u32 v8, $0x7  }
0x218: {  	v11 =	vand.u32 $0xFFFF8000, v11;
	v12 =	vand.u32 $0x380, v12;
	v0 =	vand.u32 $0xFFFF8000, v0;
	v19 =	vld [tilespmem:s18+$0x1A50]  }
0x219: {  	v7 =	vand.u32 $0x380, v7;
	v13 =	vand.u32 $0xFFFF8000, v13;
	v5 =	vand.u32 $0x380, v5;
	v20 =	vld [tilespmem:s18+$0x1A60]  }
0x21a: {  	v14 =	vand.u32 $0xFFFF8000, v14;
	v9 =	vand.u32 $0x380, v9;
	v16 =	vand.u32 $0xFFFF8000, v16  }
0x21b: {  	v1 =	vand.u32 $0x380, v1;
	v18 =	vand.u32 $0xFFFF8000, v18;
	v8 =	vand.u32 $0x380, v8  }
0x21c: {  	v21 =	vor.u32 v2, v4;
	v11 =	vor.u32 v11, v12;
	v22 =	vor.u32 v0, v7  }
0x21d: {  	v23 =	vor.u32 v13, v5;
	v9 =	vor.u32 v14, v9;
	v16 =	vor.u32 v16, v1  }
0x21e: {  	v4 =	vshll.u32 v3, $0x3;
	v12 =	vand.u32 $0x7F, v3;
	v0 =	vor.u32 v18, v8  }
0x21f: {  	v7 =	vshll.u32 v10, $0x3;
	v8 =	vand.u32 $0x7F, v10;
	v2 =	vshll.u32 v6, $0x3  }
.Ltmp5:
0x220: {  	v10 =	vand.u32 $0x7F, v6;
	v1 =	vshll.u32 v15, $0x3;
	v15 =	vand.u32 $0x7F, v15;
	(pc) =	sbr.rel @p0 .LBB2_12-.Ltmp5, $4  }
0x221: {  	v5 =	vshll.u32 v17, $0x3;
	v17 =	vand.u32 $0x7F, v17;
	v3 =	vshll.u32 v19, $0x3  }
0x222: {  	v18 =	vand.u32 $0x7F, v19;
	v6 =	vshll.u32 v20, $0x3;
	v13 =	vand.u32 $0x7F, v20  }
0x223: {  	v14 =	vor.u32 v12, v21;
	v12 =	vor.u32 v8, v11;
	v11 =	vor.u32 v10, v22  }
0x224: {  	s19 =	sshra.s32 s20, $0x2;
	s20 =	sadd.s32 $0x200, s20;
	v10 =	vor.u32 v15, v23;
	v9 =	vor.u32 v17, v9;
	v8 =	vor.u32 v18, v16  }
0x225: {  	v15 =	vld [tilespmem:s19+$0xA70]  }
0x226: {  	v16 =	vld [tilespmem:s19+$0xA00];
	v4 =	vand.u32 $0xFFFFFC00, v4  }
0x227: {  	v17 =	vld [tilespmem:s19+$0x1A70];
	v7 =	vand.u32 $0xFFFFFC00, v7;
	v2 =	vand.u32 $0xFFFFFC00, v2;
	v4 =	vor.u32 v4, v14  }
0x228: {  	v0 =	vor.u32 v13, v0;
	v1 =	vand.u32 $0xFFFFFC00, v1;
	v14 =	vld [tilespmem:s19+$0xA10];
	[tilespmem:s18+$0x3A00] =	vst v4;
	v4 =	vor.u32 v7, v12  }
0x229: {  	v5 =	vand.u32 $0xFFFFFC00, v5;
	v3 =	vand.u32 $0xFFFFFC00, v3;
	v2 =	vor.u32 v2, v11;
	v7 =	vld [tilespmem:s19+$0xA20];
	[tilespmem:s18+$0x3A10] =	vst v4  }
0x22a: {  	v1 =	vor.u32 v1, v10;
	v5 =	vor.u32 v5, v9;
	v4 =	vld [tilespmem:s19+$0xA30];
	[tilespmem:s18+$0x3A20] =	vst v2;
	v2 =	vand.u32 $0xFFFFFC00, v6  }
0x22b: {  	v3 =	vor.u32 v3, v8;
	v0 =	vor.u32 v2, v0;
	v2 =	vshll.u32 v15, $0xC  }
0x22c: {  	v6 =	vld [tilespmem:s19+$0xA40];
	[tilespmem:s18+$0x3A30] =	vst v1;
	v1 =	vshll.u32 v15, $0x7;
	v8 =	vshll.u32 v16, $0xC;
	v10 =	vshll.u32 v17, $0x3  }
0x22d: {  	v11 =	vand.u32 $0x7F, v17;
	v2 =	vand.u32 $0xFFFF8000, v2;
	v1 =	vand.u32 $0x380, v1  }
0x22e: {  	v10 =	vand.u32 $0xFFFFFC00, v10;
	v12 =	vshll.u32 v14, $0x7;
	v1 =	vor.u32 v2, v1  }
0x22f: {  	v9 =	vld [tilespmem:s19+$0xA50];
	[tilespmem:s18+$0x3A40] =	vst v5;
	v2 =	vshll.u32 v16, $0x7;
	v1 =	vor.u32 v11, v1;
	v11 =	vshll.u32 v14, $0xC  }
0x230: {  	v5 =	vld [tilespmem:s19+$0xA60];
	[tilespmem:s18+$0x3A50] =	vst v3;
	v3 =	vshll.u32 v7, $0xC;
	v7 =	vshll.u32 v7, $0x7;
	v2 =	vand.u32 $0x380, v2  }
0x231: {  	v1 =	vor.u32 v10, v1;
	v13 =	vshll.u32 v4, $0xC;
	v4 =	vshll.u32 v4, $0x7  }
0x232: {  	v3 =	vand.u32 $0xFFFF8000, v3;
	v7 =	vand.u32 $0x380, v7;
	v14 =	vshll.u32 v6, $0xC  }
0x233: {  	v10 =	vld [tilespmem:s19+$0x1A00];
	[tilespmem:s18+$0x3A60] =	vst v0;
	v0 =	vshll.u32 v6, $0x7;
	v6 =	vand.u32 $0xFFFF8000, v8;
	v13 =	vand.u32 $0xFFFF8000, v13  }
0x234: {  	v4 =	vand.u32 $0x380, v4;
	v3 =	vor.u32 v3, v7;
	v8 =	vshll.u32 v9, $0xC  }
0x235: {  	v15 =	vld [tilespmem:s19+$0x1A10];
	v9 =	vshll.u32 v9, $0x7;
	v14 =	vand.u32 $0xFFFF8000, v14;
	v0 =	vand.u32 $0x380, v0  }
0x236: {  	v53 =	vld [tilespmem:s19+$0x1A30];
	v2 =	vor.u32 v6, v2;
	v4 =	vor.u32 v13, v4;
	v52 =	vshll.u32 v5, $0xC  }
0x237: {  	[tilespmem:s19+$0x3A70] =	vst v1;
	v18 =	vld [tilespmem:s19+$0x1A40];
	v1 =	vshll.u32 v5, $0x7;
	v5 =	vand.u32 $0xFFFF8000, v11;
	v11 =	vand.u32 $0x380, v12  }
0x238: {  	v19 =	vld [tilespmem:s19+$0x1A50];
	v8 =	vand.u32 $0xFFFF8000, v8;
	v9 =	vand.u32 $0x380, v9;
	v0 =	vor.u32 v14, v0  }
0x239: {  	v6 =	vld [tilespmem:s19+$0x1A60];
	v16 =	vand.u32 $0xFFFF8000, v52;
	v1 =	vand.u32 $0x380, v1;
	v5 =	vor.u32 v5, v11  }
0x23a: {  	v7 =	vor.u32 v8, v9;
	v8 =	vshll.u32 v10, $0x3;
	v9 =	vand.u32 $0x7F, v10  }
0x23b: {  	v12 =	vld [tilespmem:s19+$0x1A20];
	v1 =	vor.u32 v16, v1;
	v10 =	vshll.u32 v15, $0x3;
	v11 =	vand.u32 $0x7F, v15  }
0x23c: {  	v14 =	vshll.u32 v53, $0x3;
	v15 =	vand.u32 $0x7F, v53;
	v54 =	vshll.u32 v18, $0x3  }
0x23d: {  	v55 =	vand.u32 $0x7F, v18;
	v56 =	vshll.u32 v19, $0x3;
	v19 =	vand.u32 $0x7F, v19  }
0x23e: {  	v2 =	vor.u32 v9, v2;
	v8 =	vand.u32 $0xFFFFFC00, v8;
	v20 =	vshll.u32 v6, $0x3  }
0x23f: {  	v6 =	vand.u32 $0x7F, v6;
	v5 =	vor.u32 v11, v5;
	v9 =	vand.u32 $0xFFFFFC00, v10  }
0x240: {  	v2 =	vor.u32 v8, v2;
	v4 =	vor.u32 v15, v4;
	v13 =	vshll.u32 v12, $0x3  }
0x241: {  	v12 =	vand.u32 $0x7F, v12;
	[tilespmem:s19+$0x3A00] =	vst v2;
	v2 =	vor.u32 v9, v5;
	v5 =	vand.u32 $0xFFFFFC00, v14  }
0x242: {  	v3 =	vor.u32 v12, v3;
	v8 =	vand.u32 $0xFFFFFC00, v13;
	[tilespmem:s19+$0x3A10] =	vst v2;
	v4 =	vor.u32 v5, v4  }
0x243: {  	v0 =	vor.u32 v55, v0;
	v2 =	vand.u32 $0xFFFFFC00, v54;
	v3 =	vor.u32 v8, v3;
	[tilespmem:s19+$0x3A30] =	vst v4  }
0x244: {  	v1 =	vor.u32 v6, v1;
	v0 =	vor.u32 v2, v0;
	v2 =	vand.u32 $0xFFFFFC00, v20;
	[tilespmem:s19+$0x3A20] =	vst v3  }
0x245: {  	v5 =	vand.u32 $0xFFFFFC00, v56;
	v3 =	vor.u32 v19, v7;
	[tilespmem:s19+$0x3A40] =	vst v0;
	v0 =	vor.u32 v2, v1  }
0x246: {  	v3 =	vor.u32 v5, v3;
	[tilespmem:s19+$0x3A60] =	vst v0  }
0x247: {  	s18 =	simm.s32 $0x0;
	[tilespmem:s19+$0x3A50] =	vst v3  }
0x248: {  	[tilespmem:s25], [sflag:$0x6] =	stream.indirect.gather [hbm4b:s1+s13], $0x1, s24, s13, $0xb8;
	[tilespmem:$0x5000] =	vst v63  }
0x249: {  	v0 =	vld [tilespmem:s18+$0xC70]  }
0x24a: {  	v1 =	vld [tilespmem:s18+$0xC00]  }
0x24b: {  	v2 =	vld [tilespmem:s18+$0x1C70]  }
0x24c: {  	v5 =	vld [tilespmem:s18+$0xC30]  }
0x24d: {  	v8 =	vld [tilespmem:s18+$0xC40]  }
0x24e: {  	v9 =	vld [tilespmem:s18+$0xC50]  }
0x24f: {  	v59 =	vld [tilespmem:s18+$0x1C40]  }
0x250: {  	v60 =	vld [tilespmem:s18+$0x1C50]  }
0x251: {  	v6 =	vshll.u32 v0, $0xC;
	v0 =	vshll.u32 v0, $0x7  }
0x252: {  	v7 =	vshll.u32 v1, $0xC;
	v10 =	vshll.u32 v2, $0x3;
	v2 =	vand.u32 $0x7F, v2  }
0x253: {  	v1 =	vshll.u32 v1, $0x7;
	v11 =	vshll.u32 v5, $0xC;
	v5 =	vshll.u32 v5, $0x7  }
0x254: {  	v12 =	vshll.u32 v8, $0xC;
	v8 =	vshll.u32 v8, $0x7;
	v14 =	vshll.u32 v9, $0xC  }
0x255: {  	v13 =	vld [tilespmem:s18+$0x1C00];
	v9 =	vshll.u32 v9, $0x7;
	v62 =	vand.u32 $0x7F, v59;
	v63 =	vand.u32 $0x7F, v60  }
0x256: {  	v15 =	vld [tilespmem:s18+$0x1C10];
	v6 =	vand.u32 $0xFFFF8000, v6;
	v0 =	vand.u32 $0x380, v0;
	v10 =	vand.u32 $0xFFFFFC00, v10  }
0x257: {  	v58 =	vld [tilespmem:s18+$0x1C30];
	v7 =	vand.u32 $0xFFFF8000, v7;
	v1 =	vand.u32 $0x380, v1;
	v11 =	vand.u32 $0xFFFF8000, v11  }
0x258: {  	v3 =	vld [tilespmem:s18+$0xC10];
	v5 =	vand.u32 $0x380, v5;
	v12 =	vand.u32 $0xFFFF8000, v12;
	v8 =	vand.u32 $0x380, v8  }
0x259: {  	v14 =	vand.u32 $0xFFFF8000, v14;
	v9 =	vand.u32 $0x380, v9;
	v0 =	vor.u32 v6, v0  }
0x25a: {  	v4 =	vld [tilespmem:s18+$0xC20];
	v61 =	vor.u32 v7, v1;
	v24 =	vor.u32 v11, v5;
	v8 =	vor.u32 v12, v8  }
0x25b: {  	v25 =	vor.u32 v14, v9;
	v9 =	vand.u32 $0x7F, v13;
	v7 =	vshll.u32 v15, $0x3  }
0x25c: {  	v11 =	vand.u32 $0x7F, v15;
	v1 =	vshll.u32 v58, $0x3;
	v15 =	vand.u32 $0x7F, v58  }
0x25d: {  	v23 =	vld [tilespmem:s18+$0x1C60];
	v5 =	vshll.u32 v59, $0x3;
	v0 =	vor.u32 v2, v0;
	v2 =	vshll.u32 v3, $0xC  }
0x25e: {  	v6 =	vld [tilespmem:s18+$0xC60];
	v3 =	vshll.u32 v3, $0x7;
	v14 =	vor.u32 v9, v61;
	v9 =	vor.u32 v62, v8  }
0x25f: {  	v0 =	vor.u32 v10, v0;
	v10 =	vshll.u32 v4, $0xC;
	v4 =	vshll.u32 v4, $0x7  }
0x260: {  	[tilespmem:s18+$0x3C70] =	vst v0;
	v0 =	vand.u32 $0xFFFF8000, v2;
	v2 =	vand.u32 $0x380, v3;
	v3 =	vand.u32 $0xFFFF8000, v10;
	v10 =	vld [tilespmem:s18+$0x1C20]  }
0x261: {  	v8 =	vor.u32 v63, v25;
	v4 =	vand.u32 $0x380, v4;
	v21 =	vor.u32 v0, v2  }
0x262: {  	v22 =	vor.u32 v3, v4;
	v4 =	vshll.u32 v13, $0x3;
	v3 =	vshll.u32 v60, $0x3  }
0x263: {  	v13 =	vand.u32 $0x7F, v23;
	v57 =	vshll.u32 v6, $0xC;
	v6 =	vshll.u32 v6, $0x7  }
0x264: {  	v12 =	vor.u32 v11, v21;
	v16 =	vand.u32 $0xFFFF8000, v57;
	v6 =	vand.u32 $0x380, v6  }
0x265: {  	v0 =	vor.u32 v16, v6;
	v2 =	vshll.u32 v10, $0x3;
	v10 =	vand.u32 $0x7F, v10  }
0x266: {  	s20 =	simm.s32 $0x400;
	s19 =	simm.s32 $0x80;
	v6 =	vshll.u32 v23, $0x3;
	v11 =	vor.u32 v10, v22;
	v10 =	vor.u32 v15, v24  }
.LBB2_14:
0x267: {  	p0 =	sne.s32 s20, $0x600;
	v15 =	vld [tilespmem:s19+$0xC70];
	v4 =	vand.u32 $0xFFFFFC00, v4;
	v7 =	vand.u32 $0xFFFFFC00, v7;
	v0 =	vor.u32 v13, v0  }
0x268: {  	v2 =	vand.u32 $0xFFFFFC00, v2;
	v1 =	vand.u32 $0xFFFFFC00, v1;
	v5 =	vand.u32 $0xFFFFFC00, v5;
	v13 =	vld [tilespmem:s19+$0xC00]  }
0x269: {  	v3 =	vand.u32 $0xFFFFFC00, v3;
	v6 =	vand.u32 $0xFFFFFC00, v6;
	v4 =	vor.u32 v4, v14;
	v16 =	vld [tilespmem:s19+$0x1C70]  }
0x26a: {  	v2 =	vor.u32 v2, v11;
	v1 =	vor.u32 v1, v10;
	v14 =	vld [tilespmem:s19+$0xC10];
	[tilespmem:s18+$0x3C00] =	vst v4;
	v4 =	vor.u32 v7, v12  }
0x26b: {  	v3 =	vor.u32 v3, v8;
	v0 =	vor.u32 v6, v0;
	v7 =	vld [tilespmem:s19+$0xC20];
	[tilespmem:s18+$0x3C10] =	vst v4;
	v4 =	vor.u32 v5, v9  }
0x26c: {  	v5 =	vld [tilespmem:s19+$0xC30];
	v6 =	vshll.u32 v15, $0xC;
	v8 =	vshll.u32 v15, $0x7;
	[tilespmem:s18+$0x3C20] =	vst v2  }
0x26d: {  	v2 =	vshll.u32 v13, $0xC;
	v9 =	vld [tilespmem:s19+$0xC40];
	v6 =	vand.u32 $0xFFFF8000, v6;
	v8 =	vand.u32 $0x380, v8;
	[tilespmem:s18+$0x3C30] =	vst v1  }
0x26e: {  	v1 =	vld [tilespmem:s19+$0xC50];
	v10 =	vshll.u32 v16, $0x3;
	v11 =	vand.u32 $0x7F, v16;
	v6 =	vor.u32 v6, v8;
	[tilespmem:s18+$0x3C40] =	vst v4  }
0x26f: {  	v4 =	vshll.u32 v13, $0x7;
	v8 =	vld [tilespmem:s19+$0xC60];
	v10 =	vand.u32 $0xFFFFFC00, v10;
	v6 =	vor.u32 v11, v6;
	[tilespmem:s18+$0x3C50] =	vst v3  }
0x270: {  	v11 =	vshll.u32 v14, $0xC;
	v12 =	vshll.u32 v14, $0x7;
	v3 =	vld [tilespmem:s19+$0x1C00];
	v6 =	vor.u32 v10, v6;
	[tilespmem:s18+$0x3C60] =	vst v0;
	s18 =	smov.u32 s19  }
0x271: {  	v0 =	vshll.u32 v7, $0xC;
	v7 =	vshll.u32 v7, $0x7;
	v10 =	vld [tilespmem:s18+$0x1C10];
	v13 =	vshll.u32 v5, $0xC;
	[tilespmem:s18+$0x3C70] =	vst v6  }
0x272: {  	v5 =	vshll.u32 v5, $0x7;
	v6 =	vld [tilespmem:s18+$0x1C20];
	v14 =	vshll.u32 v9, $0xC;
	v9 =	vshll.u32 v9, $0x7  }
0x273: {  	v2 =	vand.u32 $0xFFFF8000, v2;
	v15 =	vld [tilespmem:s18+$0x1C30];
	v16 =	vshll.u32 v1, $0xC;
	v1 =	vshll.u32 v1, $0x7  }
0x274: {  	v4 =	vand.u32 $0x380, v4;
	v17 =	vld [tilespmem:s18+$0x1C40];
	v18 =	vshll.u32 v8, $0xC;
	v8 =	vshll.u32 v8, $0x7  }
0x275: {  	v11 =	vand.u32 $0xFFFF8000, v11;
	v12 =	vand.u32 $0x380, v12;
	v0 =	vand.u32 $0xFFFF8000, v0;
	v19 =	vld [tilespmem:s18+$0x1C50]  }
0x276: {  	v7 =	vand.u32 $0x380, v7;
	v13 =	vand.u32 $0xFFFF8000, v13;
	v5 =	vand.u32 $0x380, v5;
	v20 =	vld [tilespmem:s18+$0x1C60]  }
0x277: {  	v14 =	vand.u32 $0xFFFF8000, v14;
	v9 =	vand.u32 $0x380, v9;
	v16 =	vand.u32 $0xFFFF8000, v16  }
0x278: {  	v1 =	vand.u32 $0x380, v1;
	v18 =	vand.u32 $0xFFFF8000, v18;
	v8 =	vand.u32 $0x380, v8  }
0x279: {  	v21 =	vor.u32 v2, v4;
	v11 =	vor.u32 v11, v12;
	v22 =	vor.u32 v0, v7  }
0x27a: {  	v23 =	vor.u32 v13, v5;
	v9 =	vor.u32 v14, v9;
	v16 =	vor.u32 v16, v1  }
0x27b: {  	v4 =	vshll.u32 v3, $0x3;
	v12 =	vand.u32 $0x7F, v3;
	v0 =	vor.u32 v18, v8  }
0x27c: {  	v7 =	vshll.u32 v10, $0x3;
	v8 =	vand.u32 $0x7F, v10;
	v2 =	vshll.u32 v6, $0x3  }
.Ltmp6:
0x27d: {  	v10 =	vand.u32 $0x7F, v6;
	v1 =	vshll.u32 v15, $0x3;
	v15 =	vand.u32 $0x7F, v15;
	(pc) =	sbr.rel @p0 .LBB2_14-.Ltmp6, $4  }
0x27e: {  	v5 =	vshll.u32 v17, $0x3;
	v17 =	vand.u32 $0x7F, v17;
	v3 =	vshll.u32 v19, $0x3  }
0x27f: {  	v18 =	vand.u32 $0x7F, v19;
	v6 =	vshll.u32 v20, $0x3;
	v13 =	vand.u32 $0x7F, v20  }
0x280: {  	v14 =	vor.u32 v12, v21;
	v12 =	vor.u32 v8, v11;
	v11 =	vor.u32 v10, v22  }
0x281: {  	s19 =	sshra.s32 s20, $0x2;
	s20 =	sadd.s32 $0x200, s20;
	v10 =	vor.u32 v15, v23;
	v9 =	vor.u32 v17, v9;
	v8 =	vor.u32 v18, v16  }
0x282: {  	v15 =	vld [tilespmem:s19+$0xC70]  }
0x283: {  	v16 =	vld [tilespmem:s19+$0xC00];
	v4 =	vand.u32 $0xFFFFFC00, v4  }
0x284: {  	v17 =	vld [tilespmem:s19+$0x1C70];
	v7 =	vand.u32 $0xFFFFFC00, v7;
	v2 =	vand.u32 $0xFFFFFC00, v2;
	v4 =	vor.u32 v4, v14  }
0x285: {  	v0 =	vor.u32 v13, v0;
	v1 =	vand.u32 $0xFFFFFC00, v1;
	v14 =	vld [tilespmem:s19+$0xC10];
	[tilespmem:s18+$0x3C00] =	vst v4;
	v4 =	vor.u32 v7, v12  }
0x286: {  	v5 =	vand.u32 $0xFFFFFC00, v5;
	v3 =	vand.u32 $0xFFFFFC00, v3;
	v2 =	vor.u32 v2, v11;
	v7 =	vld [tilespmem:s19+$0xC20];
	[tilespmem:s18+$0x3C10] =	vst v4  }
0x287: {  	v1 =	vor.u32 v1, v10;
	v5 =	vor.u32 v5, v9;
	v4 =	vld [tilespmem:s19+$0xC30];
	[tilespmem:s18+$0x3C20] =	vst v2;
	v2 =	vand.u32 $0xFFFFFC00, v6  }
0x288: {  	v3 =	vor.u32 v3, v8;
	v0 =	vor.u32 v2, v0;
	v2 =	vshll.u32 v15, $0xC  }
0x289: {  	v6 =	vld [tilespmem:s19+$0xC40];
	[tilespmem:s18+$0x3C30] =	vst v1;
	v1 =	vshll.u32 v15, $0x7;
	v8 =	vshll.u32 v16, $0xC;
	v10 =	vshll.u32 v17, $0x3  }
0x28a: {  	v11 =	vand.u32 $0x7F, v17;
	v2 =	vand.u32 $0xFFFF8000, v2;
	v1 =	vand.u32 $0x380, v1  }
0x28b: {  	v10 =	vand.u32 $0xFFFFFC00, v10;
	v12 =	vshll.u32 v14, $0x7;
	v1 =	vor.u32 v2, v1  }
0x28c: {  	v9 =	vld [tilespmem:s19+$0xC50];
	[tilespmem:s18+$0x3C40] =	vst v5;
	v2 =	vshll.u32 v16, $0x7;
	v1 =	vor.u32 v11, v1;
	v11 =	vshll.u32 v14, $0xC  }
0x28d: {  	v5 =	vld [tilespmem:s19+$0xC60];
	[tilespmem:s18+$0x3C50] =	vst v3;
	v3 =	vshll.u32 v7, $0xC;
	v7 =	vshll.u32 v7, $0x7;
	v2 =	vand.u32 $0x380, v2  }
0x28e: {  	v1 =	vor.u32 v10, v1;
	v13 =	vshll.u32 v4, $0xC;
	v4 =	vshll.u32 v4, $0x7  }
0x28f: {  	v3 =	vand.u32 $0xFFFF8000, v3;
	v7 =	vand.u32 $0x380, v7;
	v14 =	vshll.u32 v6, $0xC  }
0x290: {  	v10 =	vld [tilespmem:s19+$0x1C00];
	[tilespmem:s18+$0x3C60] =	vst v0;
	v0 =	vshll.u32 v6, $0x7;
	v6 =	vand.u32 $0xFFFF8000, v8;
	v13 =	vand.u32 $0xFFFF8000, v13  }
0x291: {  	v4 =	vand.u32 $0x380, v4;
	v3 =	vor.u32 v3, v7;
	v8 =	vshll.u32 v9, $0xC  }
0x292: {  	v15 =	vld [tilespmem:s19+$0x1C10];
	v9 =	vshll.u32 v9, $0x7;
	v14 =	vand.u32 $0xFFFF8000, v14;
	v0 =	vand.u32 $0x380, v0  }
0x293: {  	v53 =	vld [tilespmem:s19+$0x1C30];
	v2 =	vor.u32 v6, v2;
	v4 =	vor.u32 v13, v4;
	v52 =	vshll.u32 v5, $0xC  }
0x294: {  	[tilespmem:s19+$0x3C70] =	vst v1;
	v18 =	vld [tilespmem:s19+$0x1C40];
	v1 =	vshll.u32 v5, $0x7;
	v5 =	vand.u32 $0xFFFF8000, v11;
	v11 =	vand.u32 $0x380, v12  }
0x295: {  	v19 =	vld [tilespmem:s19+$0x1C50];
	v8 =	vand.u32 $0xFFFF8000, v8;
	v9 =	vand.u32 $0x380, v9;
	v0 =	vor.u32 v14, v0  }
0x296: {  	v6 =	vld [tilespmem:s19+$0x1C60];
	v16 =	vand.u32 $0xFFFF8000, v52;
	v1 =	vand.u32 $0x380, v1;
	v5 =	vor.u32 v5, v11  }
0x297: {  	v7 =	vor.u32 v8, v9;
	v8 =	vshll.u32 v10, $0x3;
	v9 =	vand.u32 $0x7F, v10  }
0x298: {  	v12 =	vld [tilespmem:s19+$0x1C20];
	v1 =	vor.u32 v16, v1;
	v10 =	vshll.u32 v15, $0x3;
	v11 =	vand.u32 $0x7F, v15  }
0x299: {  	v14 =	vshll.u32 v53, $0x3;
	v15 =	vand.u32 $0x7F, v53;
	v54 =	vshll.u32 v18, $0x3  }
0x29a: {  	v55 =	vand.u32 $0x7F, v18;
	v56 =	vshll.u32 v19, $0x3;
	v19 =	vand.u32 $0x7F, v19  }
0x29b: {  	v2 =	vor.u32 v9, v2;
	v8 =	vand.u32 $0xFFFFFC00, v8;
	v20 =	vshll.u32 v6, $0x3  }
0x29c: {  	v6 =	vand.u32 $0x7F, v6;
	v5 =	vor.u32 v11, v5;
	v9 =	vand.u32 $0xFFFFFC00, v10  }
0x29d: {  	v2 =	vor.u32 v8, v2;
	v4 =	vor.u32 v15, v4;
	v13 =	vshll.u32 v12, $0x3  }
0x29e: {  	v12 =	vand.u32 $0x7F, v12;
	[tilespmem:s19+$0x3C00] =	vst v2;
	v2 =	vor.u32 v9, v5;
	v5 =	vand.u32 $0xFFFFFC00, v14  }
0x29f: {  	v3 =	vor.u32 v12, v3;
	v8 =	vand.u32 $0xFFFFFC00, v13;
	[tilespmem:s19+$0x3C10] =	vst v2;
	v4 =	vor.u32 v5, v4  }
0x2a0: {  	v0 =	vor.u32 v55, v0;
	v2 =	vand.u32 $0xFFFFFC00, v54;
	v3 =	vor.u32 v8, v3;
	[tilespmem:s19+$0x3C30] =	vst v4  }
0x2a1: {  	v1 =	vor.u32 v6, v1;
	v0 =	vor.u32 v2, v0;
	v2 =	vand.u32 $0xFFFFFC00, v20;
	[tilespmem:s19+$0x3C20] =	vst v3  }
0x2a2: {  	v5 =	vand.u32 $0xFFFFFC00, v56;
	v3 =	vor.u32 v19, v7;
	[tilespmem:s19+$0x3C40] =	vst v0;
	v0 =	vor.u32 v2, v1  }
0x2a3: {  	v3 =	vor.u32 v5, v3;
	[tilespmem:s19+$0x3C60] =	vst v0  }
0x2a4: {  	s18 =	simm.s32 $0x0;
	[tilespmem:s19+$0x3C50] =	vst v3  }
0x2a5: {  	[tilespmem:s28], [sflag:$0x7] =	stream.indirect.gather [hbm4b:s1+s13], $0x1, s26, s13, $0xb8;
	[tilespmem:$0x5000] =	vst v63  }
0x2a6: {  	v0 =	vld [tilespmem:s18+$0xE70]  }
0x2a7: {  	v1 =	vld [tilespmem:s18+$0xE00]  }
0x2a8: {  	v2 =	vld [tilespmem:s18+$0x1E70]  }
0x2a9: {  	v5 =	vld [tilespmem:s18+$0xE30]  }
0x2aa: {  	v8 =	vld [tilespmem:s18+$0xE40]  }
0x2ab: {  	v9 =	vld [tilespmem:s18+$0xE50]  }
0x2ac: {  	v59 =	vld [tilespmem:s18+$0x1E40]  }
0x2ad: {  	v60 =	vld [tilespmem:s18+$0x1E50]  }
0x2ae: {  	v6 =	vshll.u32 v0, $0xC;
	v0 =	vshll.u32 v0, $0x7  }
0x2af: {  	v7 =	vshll.u32 v1, $0xC;
	v10 =	vshll.u32 v2, $0x3;
	v2 =	vand.u32 $0x7F, v2  }
0x2b0: {  	v1 =	vshll.u32 v1, $0x7;
	v11 =	vshll.u32 v5, $0xC;
	v5 =	vshll.u32 v5, $0x7  }
0x2b1: {  	v12 =	vshll.u32 v8, $0xC;
	v8 =	vshll.u32 v8, $0x7;
	v14 =	vshll.u32 v9, $0xC  }
0x2b2: {  	v13 =	vld [tilespmem:s18+$0x1E00];
	v9 =	vshll.u32 v9, $0x7;
	v62 =	vand.u32 $0x7F, v59;
	v63 =	vand.u32 $0x7F, v60  }
0x2b3: {  	v15 =	vld [tilespmem:s18+$0x1E10];
	v6 =	vand.u32 $0xFFFF8000, v6;
	v0 =	vand.u32 $0x380, v0;
	v10 =	vand.u32 $0xFFFFFC00, v10  }
0x2b4: {  	v58 =	vld [tilespmem:s18+$0x1E30];
	v7 =	vand.u32 $0xFFFF8000, v7;
	v1 =	vand.u32 $0x380, v1;
	v11 =	vand.u32 $0xFFFF8000, v11  }
0x2b5: {  	v3 =	vld [tilespmem:s18+$0xE10];
	v5 =	vand.u32 $0x380, v5;
	v12 =	vand.u32 $0xFFFF8000, v12;
	v8 =	vand.u32 $0x380, v8  }
0x2b6: {  	v14 =	vand.u32 $0xFFFF8000, v14;
	v9 =	vand.u32 $0x380, v9;
	v0 =	vor.u32 v6, v0  }
0x2b7: {  	v4 =	vld [tilespmem:s18+$0xE20];
	v61 =	vor.u32 v7, v1;
	v24 =	vor.u32 v11, v5;
	v8 =	vor.u32 v12, v8  }
0x2b8: {  	v25 =	vor.u32 v14, v9;
	v9 =	vand.u32 $0x7F, v13;
	v7 =	vshll.u32 v15, $0x3  }
0x2b9: {  	v11 =	vand.u32 $0x7F, v15;
	v1 =	vshll.u32 v58, $0x3;
	v15 =	vand.u32 $0x7F, v58  }
0x2ba: {  	v23 =	vld [tilespmem:s18+$0x1E60];
	v5 =	vshll.u32 v59, $0x3;
	v0 =	vor.u32 v2, v0;
	v2 =	vshll.u32 v3, $0xC  }
0x2bb: {  	v6 =	vld [tilespmem:s18+$0xE60];
	v3 =	vshll.u32 v3, $0x7;
	v14 =	vor.u32 v9, v61;
	v9 =	vor.u32 v62, v8  }
0x2bc: {  	v0 =	vor.u32 v10, v0;
	v10 =	vshll.u32 v4, $0xC;
	v4 =	vshll.u32 v4, $0x7  }
0x2bd: {  	[tilespmem:s18+$0x3E70] =	vst v0;
	v0 =	vand.u32 $0xFFFF8000, v2;
	v2 =	vand.u32 $0x380, v3;
	v3 =	vand.u32 $0xFFFF8000, v10;
	v10 =	vld [tilespmem:s18+$0x1E20]  }
0x2be: {  	v8 =	vor.u32 v63, v25;
	v4 =	vand.u32 $0x380, v4;
	v21 =	vor.u32 v0, v2  }
0x2bf: {  	v22 =	vor.u32 v3, v4;
	v4 =	vshll.u32 v13, $0x3;
	v3 =	vshll.u32 v60, $0x3  }
0x2c0: {  	v13 =	vand.u32 $0x7F, v23;
	v57 =	vshll.u32 v6, $0xC;
	v6 =	vshll.u32 v6, $0x7  }
0x2c1: {  	v12 =	vor.u32 v11, v21;
	v16 =	vand.u32 $0xFFFF8000, v57;
	v6 =	vand.u32 $0x380, v6  }
0x2c2: {  	v0 =	vor.u32 v16, v6;
	v2 =	vshll.u32 v10, $0x3;
	v10 =	vand.u32 $0x7F, v10  }
0x2c3: {  	s20 =	simm.s32 $0x400;
	s19 =	simm.s32 $0x80;
	v6 =	vshll.u32 v23, $0x3;
	v11 =	vor.u32 v10, v22;
	v10 =	vor.u32 v15, v24  }
.LBB2_16:
0x2c4: {  	p0 =	sne.s32 s20, $0x600;
	v15 =	vld [tilespmem:s19+$0xE70];
	v4 =	vand.u32 $0xFFFFFC00, v4;
	v7 =	vand.u32 $0xFFFFFC00, v7;
	v0 =	vor.u32 v13, v0  }
0x2c5: {  	v2 =	vand.u32 $0xFFFFFC00, v2;
	v1 =	vand.u32 $0xFFFFFC00, v1;
	v5 =	vand.u32 $0xFFFFFC00, v5;
	v13 =	vld [tilespmem:s19+$0xE00]  }
0x2c6: {  	v3 =	vand.u32 $0xFFFFFC00, v3;
	v6 =	vand.u32 $0xFFFFFC00, v6;
	v4 =	vor.u32 v4, v14;
	v16 =	vld [tilespmem:s19+$0x1E70]  }
0x2c7: {  	v2 =	vor.u32 v2, v11;
	v1 =	vor.u32 v1, v10;
	v14 =	vld [tilespmem:s19+$0xE10];
	[tilespmem:s18+$0x3E00] =	vst v4;
	v4 =	vor.u32 v7, v12  }
0x2c8: {  	v3 =	vor.u32 v3, v8;
	v0 =	vor.u32 v6, v0;
	v7 =	vld [tilespmem:s19+$0xE20];
	[tilespmem:s18+$0x3E10] =	vst v4;
	v4 =	vor.u32 v5, v9  }
0x2c9: {  	v5 =	vld [tilespmem:s19+$0xE30];
	v6 =	vshll.u32 v15, $0xC;
	v8 =	vshll.u32 v15, $0x7;
	[tilespmem:s18+$0x3E20] =	vst v2  }
0x2ca: {  	v2 =	vshll.u32 v13, $0xC;
	v9 =	vld [tilespmem:s19+$0xE40];
	v6 =	vand.u32 $0xFFFF8000, v6;
	v8 =	vand.u32 $0x380, v8;
	[tilespmem:s18+$0x3E30] =	vst v1  }
0x2cb: {  	v1 =	vld [tilespmem:s19+$0xE50];
	v10 =	vshll.u32 v16, $0x3;
	v11 =	vand.u32 $0x7F, v16;
	v6 =	vor.u32 v6, v8;
	[tilespmem:s18+$0x3E40] =	vst v4  }
0x2cc: {  	v4 =	vshll.u32 v13, $0x7;
	v8 =	vld [tilespmem:s19+$0xE60];
	v10 =	vand.u32 $0xFFFFFC00, v10;
	v6 =	vor.u32 v11, v6;
	[tilespmem:s18+$0x3E50] =	vst v3  }
0x2cd: {  	v11 =	vshll.u32 v14, $0xC;
	v12 =	vshll.u32 v14, $0x7;
	v3 =	vld [tilespmem:s19+$0x1E00];
	v6 =	vor.u32 v10, v6;
	[tilespmem:s18+$0x3E60] =	vst v0;
	s18 =	smov.u32 s19  }
0x2ce: {  	v0 =	vshll.u32 v7, $0xC;
	v7 =	vshll.u32 v7, $0x7;
	v10 =	vld [tilespmem:s18+$0x1E10];
	v13 =	vshll.u32 v5, $0xC;
	[tilespmem:s18+$0x3E70] =	vst v6  }
0x2cf: {  	v5 =	vshll.u32 v5, $0x7;
	v6 =	vld [tilespmem:s18+$0x1E20];
	v14 =	vshll.u32 v9, $0xC;
	v9 =	vshll.u32 v9, $0x7  }
0x2d0: {  	v2 =	vand.u32 $0xFFFF8000, v2;
	v15 =	vld [tilespmem:s18+$0x1E30];
	v16 =	vshll.u32 v1, $0xC;
	v1 =	vshll.u32 v1, $0x7  }
0x2d1: {  	v4 =	vand.u32 $0x380, v4;
	v17 =	vld [tilespmem:s18+$0x1E40];
	v18 =	vshll.u32 v8, $0xC;
	v8 =	vshll.u32 v8, $0x7  }
0x2d2: {  	v11 =	vand.u32 $0xFFFF8000, v11;
	v12 =	vand.u32 $0x380, v12;
	v0 =	vand.u32 $0xFFFF8000, v0;
	v19 =	vld [tilespmem:s18+$0x1E50]  }
0x2d3: {  	v7 =	vand.u32 $0x380, v7;
	v13 =	vand.u32 $0xFFFF8000, v13;
	v5 =	vand.u32 $0x380, v5;
	v20 =	vld [tilespmem:s18+$0x1E60]  }
0x2d4: {  	v14 =	vand.u32 $0xFFFF8000, v14;
	v9 =	vand.u32 $0x380, v9;
	v16 =	vand.u32 $0xFFFF8000, v16  }
0x2d5: {  	v1 =	vand.u32 $0x380, v1;
	v18 =	vand.u32 $0xFFFF8000, v18;
	v8 =	vand.u32 $0x380, v8  }
0x2d6: {  	v21 =	vor.u32 v2, v4;
	v11 =	vor.u32 v11, v12;
	v22 =	vor.u32 v0, v7  }
0x2d7: {  	v23 =	vor.u32 v13, v5;
	v9 =	vor.u32 v14, v9;
	v16 =	vor.u32 v16, v1  }
0x2d8: {  	v4 =	vshll.u32 v3, $0x3;
	v12 =	vand.u32 $0x7F, v3;
	v0 =	vor.u32 v18, v8  }
0x2d9: {  	v7 =	vshll.u32 v10, $0x3;
	v8 =	vand.u32 $0x7F, v10;
	v2 =	vshll.u32 v6, $0x3  }
.Ltmp7:
0x2da: {  	v10 =	vand.u32 $0x7F, v6;
	v1 =	vshll.u32 v15, $0x3;
	v15 =	vand.u32 $0x7F, v15;
	(pc) =	sbr.rel @p0 .LBB2_16-.Ltmp7, $4  }
0x2db: {  	v5 =	vshll.u32 v17, $0x3;
	v17 =	vand.u32 $0x7F, v17;
	v3 =	vshll.u32 v19, $0x3  }
0x2dc: {  	v18 =	vand.u32 $0x7F, v19;
	v6 =	vshll.u32 v20, $0x3;
	v13 =	vand.u32 $0x7F, v20  }
0x2dd: {  	v14 =	vor.u32 v12, v21;
	v12 =	vor.u32 v8, v11;
	v11 =	vor.u32 v10, v22  }
0x2de: {  	s19 =	sshra.s32 s20, $0x2;
	s20 =	sadd.s32 $0x200, s20;
	v10 =	vor.u32 v15, v23;
	v9 =	vor.u32 v17, v9;
	v8 =	vor.u32 v18, v16  }
0x2df: {  	v15 =	vld [tilespmem:s19+$0xE70]  }
0x2e0: {  	v16 =	vld [tilespmem:s19+$0xE00];
	v4 =	vand.u32 $0xFFFFFC00, v4  }
0x2e1: {  	v17 =	vld [tilespmem:s19+$0x1E70];
	v7 =	vand.u32 $0xFFFFFC00, v7;
	v2 =	vand.u32 $0xFFFFFC00, v2;
	v0 =	vor.u32 v13, v0  }
0x2e2: {  	v61 =	vld [tilespmem:s19+$0xE10];
	v1 =	vand.u32 $0xFFFFFC00, v1;
	v5 =	vand.u32 $0xFFFFFC00, v5;
	v3 =	vand.u32 $0xFFFFFC00, v3  }
0x2e3: {  	v18 =	vand.u32 $0xFFFFFC00, v6;
	v4 =	vor.u32 v4, v14;
	v62 =	vor.u32 v7, v12  }
0x2e4: {  	v2 =	vor.u32 v2, v11;
	v1 =	vor.u32 v1, v10;
	v5 =	vor.u32 v5, v9  }
0x2e5: {  	v3 =	vor.u32 v3, v8;
	v0 =	vor.u32 v18, v0;
	[tilespmem:s18+$0x3E00] =	vst v4;
	v20 =	vshll.u32 v15, $0xC  }
0x2e6: {  	v63 =	vld [tilespmem:s19+$0xE20];
	[tilespmem:s18+$0x3E10] =	vst v62;
	v21 =	vshll.u32 v15, $0x7;
	v22 =	vshll.u32 v16, $0xC;
	v24 =	vshll.u32 v17, $0x3  }
0x2e7: {  	v4 =	vld [tilespmem:s19+$0xE30];
	[tilespmem:s18+$0x3E20] =	vst v2;
	v25 =	vand.u32 $0x7F, v17;
	v26 =	vshll.u32 v16, $0x7;
	v27 =	vshll.u32 v61, $0xC  }
0x2e8: {  	v19 =	vld [tilespmem:s19+$0xE40];
	[tilespmem:s18+$0x3E30] =	vst v1;
	v28 =	vshll.u32 v61, $0x7;
	v2 =	vand.u32 $0xFFFF8000, v20;
	v1 =	vand.u32 $0x380, v21  }
0x2e9: {  	v10 =	vand.u32 $0xFFFFFC00, v24;
	v34 =	vand.u32 $0xFFFF8000, v22;
	v39 =	vand.u32 $0xFFFF8000, v27  }
0x2ea: {  	v23 =	vld [tilespmem:s19+$0xE50];
	v40 =	vand.u32 $0x380, v28;
	v1 =	vor.u32 v2, v1;
	v2 =	vand.u32 $0x380, v26  }
0x2eb: {  	[tilespmem:s18+$0x3E40] =	vst v5;
	v1 =	vor.u32 v25, v1;
	v29 =	vshll.u32 v63, $0xC;
	v7 =	vshll.u32 v63, $0x7  }
0x2ec: {  	v5 =	vld [tilespmem:s19+$0xE60];
	v2 =	vor.u32 v34, v2;
	v1 =	vor.u32 v10, v1;
	v31 =	vshll.u32 v4, $0xC  }
0x2ed: {  	[tilespmem:s18+$0x3E50] =	vst v3;
	v4 =	vshll.u32 v4, $0x7;
	v3 =	vand.u32 $0xFFFF8000, v29;
	v7 =	vand.u32 $0x380, v7  }
0x2ee: {  	v30 =	vld [tilespmem:s19+$0x1E00];
	[tilespmem:s18+$0x3E60] =	vst v0;
	v32 =	vshll.u32 v19, $0xC;
	v33 =	vshll.u32 v19, $0x7;
	v13 =	vand.u32 $0xFFFF8000, v31  }
0x2ef: {  	v36 =	vld [tilespmem:s19+$0x1E10];
	v4 =	vand.u32 $0x380, v4;
	v3 =	vor.u32 v3, v7;
	v35 =	vshll.u32 v23, $0xC  }
0x2f0: {  	v41 =	vld [tilespmem:s19+$0x1E20];
	v9 =	vshll.u32 v23, $0x7;
	v14 =	vand.u32 $0xFFFF8000, v32;
	v0 =	vand.u32 $0x380, v33  }
0x2f1: {  	v42 =	vld [tilespmem:s19+$0x1E30];
	v4 =	vor.u32 v13, v4;
	v37 =	vshll.u32 v5, $0xC;
	v38 =	vshll.u32 v5, $0x7  }
0x2f2: {  	v18 =	vld [tilespmem:s19+$0x1E40];
	v8 =	vand.u32 $0xFFFF8000, v35;
	v9 =	vand.u32 $0x380, v9;
	v5 =	vor.u32 v39, v40  }
0x2f3: {  	v43 =	vld [tilespmem:s19+$0x1E60];
	[tilespmem:s19+$0x3E70] =	vst v1;
	v0 =	vor.u32 v14, v0;
	v16 =	vand.u32 $0xFFFF8000, v37;
	v1 =	vand.u32 $0x380, v38  }
0x2f4: {  	v19 =	vld [tilespmem:s19+$0x1E50];
	v44 =	vor.u32 v8, v9;
	v45 =	vshll.u32 v30, $0x3;
	v46 =	vand.u32 $0x7F, v30  }
0x2f5: {  	v1 =	vor.u32 v16, v1;
	v47 =	vshll.u32 v36, $0x3;
	v48 =	vand.u32 $0x7F, v36  }
0x2f6: {  	v49 =	vshll.u32 v41, $0x3;
	v12 =	vand.u32 $0x7F, v41;
	v50 =	vshll.u32 v42, $0x3  }
0x2f7: {  	v51 =	vand.u32 $0x7F, v42;
	v52 =	vshll.u32 v18, $0x3;
	v53 =	vand.u32 $0x7F, v18  }
0x2f8: {  	v20 =	vshll.u32 v43, $0x3;
	v6 =	vand.u32 $0x7F, v43;
	v2 =	vor.u32 v46, v2  }
0x2f9: {  	v8 =	vand.u32 $0xFFFFFC00, v45;
	v54 =	vshll.u32 v19, $0x3;
	v19 =	vand.u32 $0x7F, v19  }
0x2fa: {  	v5 =	vor.u32 v48, v5;
	v55 =	vand.u32 $0xFFFFFC00, v47;
	v2 =	vor.u32 v8, v2  }
0x2fb: {  	v3 =	vor.u32 v12, v3;
	v56 =	vand.u32 $0xFFFFFC00, v49;
	[tilespmem:s19+$0x3E00] =	vst v2;
	v57 =	vor.u32 v55, v5  }
0x2fc: {  	v4 =	vor.u32 v51, v4;
	v58 =	vand.u32 $0xFFFFFC00, v50;
	v3 =	vor.u32 v56, v3;
	[tilespmem:s19+$0x3E10] =	vst v57  }
0x2fd: {  	v0 =	vor.u32 v53, v0;
	v59 =	vand.u32 $0xFFFFFC00, v52;
	v4 =	vor.u32 v58, v4;
	[tilespmem:s19+$0x3E20] =	vst v3  }
0x2fe: {  	v1 =	vor.u32 v6, v1;
	v62 =	vand.u32 $0xFFFFFC00, v20;
	v0 =	vor.u32 v59, v0;
	[tilespmem:s19+$0x3E30] =	vst v4  }
0x2ff: {  	v60 =	vor.u32 v19, v44;
	v61 =	vand.u32 $0xFFFFFC00, v54;
	v63 =	vor.u32 v62, v1;
	[tilespmem:s19+$0x3E40] =	vst v0  }
0x300: {  	v3 =	vor.u32 v61, v60;
	[tilespmem:s19+$0x3E60] =	vst v63  }
0x301: {  	[tilespmem:s19+$0x3E50] =	vst v3  }
0x302: {  	[tilespmem:s30], [sflag:$0x8] =	stream.indirect.gather [hbm4b:s1+s13], $0x1, s29, s13, $0xb8;
	[tilespmem:$0x5000] =	vst v63  }
0x303: {  	_ =	swait.ge [sflag:s31], $0x1000  }
0x304: {  	[sflag:s31] =	ssyncset.done $0x0  }
0x305: {  	[sflag:s31] =	ssyncadd.s32 $0xFFFFF000  }
0x306: {  	_ =	swait.ge [sflag:s0], $0x200  }
0x307: {  	[sflag:s0] =	ssyncset.done $0x0  }
0x308: {  	s18 =	simm.s32 $0x0;
	s19 =	simm.s32 $0x40;
	[sflag:s0] =	ssyncadd.s32 $0xFFFFFE00  }
.LBB2_18:
0x309: {  	p0 =	sne.s32 s19, $0x7C0;
	v0 =	vld [tilespmem:s18+$0x4000];
	_ =	sdelay $0x1  }
0x30a: {  	v1 =	vld [tilespmem:s18+$0x2000];
	_ =	sdelay $0x2  }
0x30b: {  	v2 =	vsub.f32 $1.000000000e+00, v0;
	_ =	sdelay $0x1  }
0x30c: {  	v1 =	vmul.f32 v2, v1;
	_ =	sdelay $0x1  }
0x30d: {  	v1 =	vadd.f32 v1, v0;
	_ =	sdelay $0x1  }
0x30e: {  	(erf) = vrcp.f32 v1;
	_ =	sdelay $0x7  }
.Ltmp8:
0x30f: {  	(pc) =	sbr.rel @p0 .LBB2_18-.Ltmp8, $3  }
0x310: {  	v1 =	vpop (erf)  }
0x311: {  	v0 =	vmul.f32 v1, v0;
	_ =	sdelay $0x1  }
0x312: {  	[tilespmem:s18+$0x4000] =	vst v0;
	s18 =	sshra.s32 s19, $0x2;
	s19 =	sadd.s32 $0x40, s19  }
0x313: {  	v0 =	vld [tilespmem:s18+$0x4000];
	_ =	sdelay $0x1  }
0x314: {  	v1 =	vld [tilespmem:s18+$0x2000];
	_ =	sdelay $0x2  }
0x315: {  	v2 =	vsub.f32 $1.000000000e+00, v0;
	_ =	sdelay $0x1  }
0x316: {  	v1 =	vmul.f32 v2, v1;
	_ =	sdelay $0x1  }
0x317: {  	v1 =	vadd.f32 v1, v0;
	_ =	sdelay $0x1  }
0x318: {  	(erf) = vrcp.f32 v1;
	_ =	sdelay $0x8  }
0x319: {  	v1 =	vpop (erf)  }
0x31a: {  	v0 =	vmul.f32 v1, v0;
	_ =	sdelay $0x1  }
0x31b: {  	s20 =	simm.s32 $0x4000;
	[tilespmem:s18+$0x4000] =	vst v0  }
0x31c: {  	[hbm4b:s1+s13] =	stream.indirect.scatter [tilespmem:s20], [sflag:$0xA], $0x1, s21, s13, $0xb8;
	[tilespmem:$0x5000] =	vst v63  }
0x31d: {  	_ =	swait.ge [sflag:s2], $0x200  }
0x31e: {  	[sflag:s2] =	ssyncset.done $0x0  }
0x31f: {  	s18 =	simm.s32 $0x4200;
	[sflag:s2] =	ssyncadd.s32 $0xFFFFFE00  }
0x320: {  	s19 =	simm.s32 $0x0;
	s20 =	simm.s32 $0x10;
	v0 =	vld [tilespmem:s18+$0x0]  }
.LBB2_20:
0x321: {  	p0 =	sne.s32 s20, $0x1F0;
	s21 =	sand.u32 $0x1F0, s19;
	s19 =	smov.u32 s20  }
0x322: {  	v1 =	vld [tilespmem:s21+$0x2200];
	_ =	sdelay $0x2  }
0x323: {  	v2 =	vsub.f32 $1.000000000e+00, v0;
	_ =	sdelay $0x1  }
0x324: {  	v1 =	vmul.f32 v2, v1;
	_ =	sdelay $0x1  }
0x325: {  	v1 =	vadd.f32 v1, v0;
	_ =	sdelay $0x1  }
0x326: {  	(erf) = vrcp.f32 v1;
	_ =	sdelay $0x8  }
.Ltmp9:
0x327: {  	v1 =	vpop (erf);
	(pc) =	sbr.rel @p0 .LBB2_20-.Ltmp9, $3  }
0x328: {  	v0 =	vmul.f32 v1, v0;
	_ =	sdelay $0x1  }
0x329: {  	[tilespmem:s18+$0x0] =	vst v0;
	s18 =	sadd.s32 $0x10, s18  }
0x32a: {  	s20 =	sadd.s32 $0x10, s20;
	v0 =	vld [tilespmem:s18+$0x0]  }
0x32b: {  	s19 =	sand.u32 $0x1F0, s19  }
0x32c: {  	v1 =	vld [tilespmem:s19+$0x2200];
	_ =	sdelay $0x2  }
0x32d: {  	v2 =	vsub.f32 $1.000000000e+00, v0;
	_ =	sdelay $0x1  }
0x32e: {  	v1 =	vmul.f32 v2, v1;
	_ =	sdelay $0x1  }
0x32f: {  	v1 =	vadd.f32 v1, v0;
	_ =	sdelay $0x1  }
0x330: {  	(erf) = vrcp.f32 v1;
	_ =	sdelay $0x8  }
0x331: {  	v1 =	vpop (erf)  }
0x332: {  	v0 =	vmul.f32 v1, v0;
	_ =	sdelay $0x1  }
0x333: {  	s20 =	simm.s32 $0x3200;
	s21 =	simm.s32 $0x4200;
	[tilespmem:s18+$0x0] =	vst v0  }
0x334: {  	[hbm4b:s1+s13] =	stream.indirect.scatter [tilespmem:s21], [sflag:$0xA], $0x1, s20, s13, $0xb8;
	[tilespmem:$0x5000] =	vst v63  }
0x335: {  	_ =	swait.ge [sflag:s11], $0x200  }
0x336: {  	[sflag:s11] =	ssyncset.done $0x0  }
0x337: {  	s18 =	simm.s32 $0x4400;
	[sflag:s11] =	ssyncadd.s32 $0xFFFFFE00  }
0x338: {  	s19 =	simm.s32 $0x0;
	s20 =	simm.s32 $0x10;
	v0 =	vld [tilespmem:s18+$0x0]  }
.LBB2_22:
0x339: {  	p0 =	sne.s32 s20, $0x1F0;
	s21 =	sand.u32 $0x1F0, s19;
	s19 =	smov.u32 s20  }
0x33a: {  	v1 =	vld [tilespmem:s21+$0x2400];
	_ =	sdelay $0x2  }
0x33b: {  	v2 =	vsub.f32 $1.000000000e+00, v0;
	_ =	sdelay $0x1  }
0x33c: {  	v1 =	vmul.f32 v2, v1;
	_ =	sdelay $0x1  }
0x33d: {  	v1 =	vadd.f32 v1, v0;
	_ =	sdelay $0x1  }
0x33e: {  	(erf) = vrcp.f32 v1;
	_ =	sdelay $0x8  }
.Ltmp10:
0x33f: {  	v1 =	vpop (erf);
	(pc) =	sbr.rel @p0 .LBB2_22-.Ltmp10, $3  }
0x340: {  	v0 =	vmul.f32 v1, v0;
	_ =	sdelay $0x1  }
0x341: {  	[tilespmem:s18+$0x0] =	vst v0;
	s18 =	sadd.s32 $0x10, s18  }
0x342: {  	s20 =	sadd.s32 $0x10, s20;
	v0 =	vld [tilespmem:s18+$0x0]  }
0x343: {  	s19 =	sand.u32 $0x1F0, s19  }
0x344: {  	v1 =	vld [tilespmem:s19+$0x2400];
	_ =	sdelay $0x2  }
0x345: {  	v2 =	vsub.f32 $1.000000000e+00, v0;
	_ =	sdelay $0x1  }
0x346: {  	v1 =	vmul.f32 v2, v1;
	_ =	sdelay $0x1  }
0x347: {  	v1 =	vadd.f32 v1, v0;
	_ =	sdelay $0x1  }
0x348: {  	(erf) = vrcp.f32 v1;
	_ =	sdelay $0x8  }
0x349: {  	v1 =	vpop (erf)  }
0x34a: {  	v0 =	vmul.f32 v1, v0;
	_ =	sdelay $0x1  }
0x34b: {  	s20 =	simm.s32 $0x3400;
	s21 =	simm.s32 $0x4400;
	[tilespmem:s18+$0x0] =	vst v0  }
0x34c: {  	[hbm4b:s1+s13] =	stream.indirect.scatter [tilespmem:s21], [sflag:$0xA], $0x1, s20, s13, $0xb8;
	[tilespmem:$0x5000] =	vst v63  }
0x34d: {  	_ =	swait.ge [sflag:s12], $0x200  }
0x34e: {  	[sflag:s12] =	ssyncset.done $0x0  }
0x34f: {  	s18 =	simm.s32 $0x4600;
	[sflag:s12] =	ssyncadd.s32 $0xFFFFFE00  }
0x350: {  	s19 =	simm.s32 $0x0;
	s20 =	simm.s32 $0x10;
	v0 =	vld [tilespmem:s18+$0x0]  }
.LBB2_24:
0x351: {  	p0 =	sne.s32 s20, $0x1F0;
	s21 =	sand.u32 $0x1F0, s19;
	s19 =	smov.u32 s20  }
0x352: {  	v1 =	vld [tilespmem:s21+$0x2600];
	_ =	sdelay $0x2  }
0x353: {  	v2 =	vsub.f32 $1.000000000e+00, v0;
	_ =	sdelay $0x1  }
0x354: {  	v1 =	vmul.f32 v2, v1;
	_ =	sdelay $0x1  }
0x355: {  	v1 =	vadd.f32 v1, v0;
	_ =	sdelay $0x1  }
0x356: {  	(erf) = vrcp.f32 v1;
	_ =	sdelay $0x8  }
.Ltmp11:
0x357: {  	v1 =	vpop (erf);
	(pc) =	sbr.rel @p0 .LBB2_24-.Ltmp11, $3  }
0x358: {  	v0 =	vmul.f32 v1, v0;
	_ =	sdelay $0x1  }
0x359: {  	[tilespmem:s18+$0x0] =	vst v0;
	s18 =	sadd.s32 $0x10, s18  }
0x35a: {  	s20 =	sadd.s32 $0x10, s20;
	v0 =	vld [tilespmem:s18+$0x0]  }
0x35b: {  	s19 =	sand.u32 $0x1F0, s19  }
0x35c: {  	v1 =	vld [tilespmem:s19+$0x2600];
	_ =	sdelay $0x2  }
0x35d: {  	v2 =	vsub.f32 $1.000000000e+00, v0;
	_ =	sdelay $0x1  }
0x35e: {  	v1 =	vmul.f32 v2, v1;
	_ =	sdelay $0x1  }
0x35f: {  	v1 =	vadd.f32 v1, v0;
	_ =	sdelay $0x1  }
0x360: {  	(erf) = vrcp.f32 v1;
	_ =	sdelay $0x8  }
0x361: {  	v1 =	vpop (erf)  }
0x362: {  	v0 =	vmul.f32 v1, v0;
	_ =	sdelay $0x1  }
0x363: {  	s20 =	simm.s32 $0x3600;
	s21 =	simm.s32 $0x4600;
	[tilespmem:s18+$0x0] =	vst v0  }
0x364: {  	[hbm4b:s1+s13] =	stream.indirect.scatter [tilespmem:s21], [sflag:$0xA], $0x1, s20, s13, $0xb8;
	[tilespmem:$0x5000] =	vst v63  }
0x365: {  	_ =	swait.ge [sflag:s8], $0x200  }
0x366: {  	[sflag:s8] =	ssyncset.done $0x0  }
0x367: {  	s18 =	simm.s32 $0x4800;
	[sflag:s8] =	ssyncadd.s32 $0xFFFFFE00  }
0x368: {  	s19 =	simm.s32 $0x0;
	s20 =	simm.s32 $0x10;
	v0 =	vld [tilespmem:s18+$0x0]  }
.LBB2_26:
0x369: {  	p0 =	sne.s32 s20, $0x1F0;
	s21 =	sand.u32 $0x1F0, s19;
	s19 =	smov.u32 s20  }
0x36a: {  	v1 =	vld [tilespmem:s21+$0x2800];
	_ =	sdelay $0x2  }
0x36b: {  	v2 =	vsub.f32 $1.000000000e+00, v0;
	_ =	sdelay $0x1  }
0x36c: {  	v1 =	vmul.f32 v2, v1;
	_ =	sdelay $0x1  }
0x36d: {  	v1 =	vadd.f32 v1, v0;
	_ =	sdelay $0x1  }
0x36e: {  	(erf) = vrcp.f32 v1;
	_ =	sdelay $0x8  }
.Ltmp12:
0x36f: {  	v1 =	vpop (erf);
	(pc) =	sbr.rel @p0 .LBB2_26-.Ltmp12, $3  }
0x370: {  	v0 =	vmul.f32 v1, v0;
	_ =	sdelay $0x1  }
0x371: {  	[tilespmem:s18+$0x0] =	vst v0;
	s18 =	sadd.s32 $0x10, s18  }
0x372: {  	s20 =	sadd.s32 $0x10, s20;
	v0 =	vld [tilespmem:s18+$0x0]  }
0x373: {  	s19 =	sand.u32 $0x1F0, s19  }
0x374: {  	v1 =	vld [tilespmem:s19+$0x2800];
	_ =	sdelay $0x2  }
0x375: {  	v2 =	vsub.f32 $1.000000000e+00, v0;
	_ =	sdelay $0x1  }
0x376: {  	v1 =	vmul.f32 v2, v1;
	_ =	sdelay $0x1  }
0x377: {  	v1 =	vadd.f32 v1, v0;
	_ =	sdelay $0x1  }
0x378: {  	(erf) = vrcp.f32 v1;
	_ =	sdelay $0x8  }
0x379: {  	v1 =	vpop (erf)  }
0x37a: {  	v0 =	vmul.f32 v1, v0;
	_ =	sdelay $0x1  }
0x37b: {  	[tilespmem:s18+$0x0] =	vst v0  }
0x37c: {  	[hbm4b:s1+s13] =	stream.indirect.scatter [tilespmem:s23], [sflag:$0xA], $0x1, s22, s13, $0xb8;
	[tilespmem:$0x5000] =	vst v63  }
0x37d: {  	_ =	swait.ge [sflag:s9], $0x200  }
0x37e: {  	[sflag:s9] =	ssyncset.done $0x0  }
0x37f: {  	s18 =	simm.s32 $0x4A00;
	[sflag:s9] =	ssyncadd.s32 $0xFFFFFE00  }
0x380: {  	s20 =	simm.s32 $0x10;
	s19 =	simm.s32 $0x0;
	v0 =	vld [tilespmem:s18+$0x0]  }
.LBB2_28:
0x381: {  	p0 =	sne.s32 s20, $0x1F0;
	s21 =	sand.u32 $0x1F0, s19;
	s19 =	smov.u32 s20  }
0x382: {  	v1 =	vld [tilespmem:s21+$0x2A00];
	_ =	sdelay $0x2  }
0x383: {  	v2 =	vsub.f32 $1.000000000e+00, v0;
	_ =	sdelay $0x1  }
0x384: {  	v1 =	vmul.f32 v2, v1;
	_ =	sdelay $0x1  }
0x385: {  	v1 =	vadd.f32 v1, v0;
	_ =	sdelay $0x1  }
0x386: {  	(erf) = vrcp.f32 v1;
	_ =	sdelay $0x8  }
.Ltmp13:
0x387: {  	v1 =	vpop (erf);
	(pc) =	sbr.rel @p0 .LBB2_28-.Ltmp13, $3  }
0x388: {  	v0 =	vmul.f32 v1, v0;
	_ =	sdelay $0x1  }
0x389: {  	[tilespmem:s18+$0x0] =	vst v0;
	s18 =	sadd.s32 $0x10, s18  }
0x38a: {  	s20 =	sadd.s32 $0x10, s20;
	v0 =	vld [tilespmem:s18+$0x0]  }
0x38b: {  	s19 =	sand.u32 $0x1F0, s19  }
0x38c: {  	v1 =	vld [tilespmem:s19+$0x2A00];
	_ =	sdelay $0x2  }
0x38d: {  	v2 =	vsub.f32 $1.000000000e+00, v0;
	_ =	sdelay $0x1  }
0x38e: {  	v1 =	vmul.f32 v2, v1;
	_ =	sdelay $0x1  }
0x38f: {  	v1 =	vadd.f32 v1, v0;
	_ =	sdelay $0x1  }
0x390: {  	(erf) = vrcp.f32 v1;
	_ =	sdelay $0x8  }
0x391: {  	v1 =	vpop (erf)  }
0x392: {  	v0 =	vmul.f32 v1, v0;
	_ =	sdelay $0x1  }
0x393: {  	[tilespmem:s18+$0x0] =	vst v0  }
0x394: {  	[hbm4b:s1+s13] =	stream.indirect.scatter [tilespmem:s25], [sflag:$0xA], $0x1, s24, s13, $0xb8;
	[tilespmem:$0x5000] =	vst v63  }
0x395: {  	_ =	swait.ge [sflag:s14], $0x200  }
0x396: {  	[sflag:s14] =	ssyncset.done $0x0  }
0x397: {  	s18 =	simm.s32 $0x4C00;
	[sflag:s14] =	ssyncadd.s32 $0xFFFFFE00  }
0x398: {  	s20 =	simm.s32 $0x10;
	s19 =	simm.s32 $0x0;
	v0 =	vld [tilespmem:s18+$0x0]  }
.LBB2_30:
0x399: {  	p0 =	sne.s32 s20, $0x1F0;
	s21 =	sand.u32 $0x1F0, s19;
	s19 =	smov.u32 s20  }
0x39a: {  	v1 =	vld [tilespmem:s21+$0x2C00];
	_ =	sdelay $0x2  }
0x39b: {  	v2 =	vsub.f32 $1.000000000e+00, v0;
	_ =	sdelay $0x1  }
0x39c: {  	v1 =	vmul.f32 v2, v1;
	_ =	sdelay $0x1  }
0x39d: {  	v1 =	vadd.f32 v1, v0;
	_ =	sdelay $0x1  }
0x39e: {  	(erf) = vrcp.f32 v1;
	_ =	sdelay $0x8  }
.Ltmp14:
0x39f: {  	v1 =	vpop (erf);
	(pc) =	sbr.rel @p0 .LBB2_30-.Ltmp14, $3  }
0x3a0: {  	v0 =	vmul.f32 v1, v0;
	_ =	sdelay $0x1  }
0x3a1: {  	[tilespmem:s18+$0x0] =	vst v0;
	s18 =	sadd.s32 $0x10, s18  }
0x3a2: {  	s20 =	sadd.s32 $0x10, s20;
	v0 =	vld [tilespmem:s18+$0x0]  }
0x3a3: {  	s19 =	sand.u32 $0x1F0, s19  }
0x3a4: {  	v1 =	vld [tilespmem:s19+$0x2C00];
	_ =	sdelay $0x2  }
0x3a5: {  	v2 =	vsub.f32 $1.000000000e+00, v0;
	_ =	sdelay $0x1  }
0x3a6: {  	v1 =	vmul.f32 v2, v1;
	_ =	sdelay $0x1  }
0x3a7: {  	v1 =	vadd.f32 v1, v0;
	_ =	sdelay $0x1  }
0x3a8: {  	(erf) = vrcp.f32 v1;
	_ =	sdelay $0x8  }
0x3a9: {  	v1 =	vpop (erf)  }
0x3aa: {  	v0 =	vmul.f32 v1, v0;
	_ =	sdelay $0x1  }
0x3ab: {  	[tilespmem:s18+$0x0] =	vst v0  }
0x3ac: {  	[hbm4b:s1+s13] =	stream.indirect.scatter [tilespmem:s28], [sflag:$0xA], $0x1, s26, s13, $0xb8;
	[tilespmem:$0x5000] =	vst v63  }
0x3ad: {  	_ =	swait.ge [sflag:s15], $0x200  }
0x3ae: {  	[sflag:s15] =	ssyncset.done $0x0  }
0x3af: {  	s18 =	simm.s32 $0x4E00;
	[sflag:s15] =	ssyncadd.s32 $0xFFFFFE00  }
0x3b0: {  	s20 =	simm.s32 $0x10;
	s19 =	simm.s32 $0x0;
	v0 =	vld [tilespmem:s18+$0x0]  }
.LBB2_32:
0x3b1: {  	p0 =	sne.s32 s20, $0x1F0;
	s21 =	sand.u32 $0x1F0, s19;
	s19 =	smov.u32 s20  }
0x3b2: {  	v1 =	vld [tilespmem:s21+$0x2E00];
	_ =	sdelay $0x2  }
0x3b3: {  	v2 =	vsub.f32 $1.000000000e+00, v0;
	_ =	sdelay $0x1  }
0x3b4: {  	v1 =	vmul.f32 v2, v1;
	_ =	sdelay $0x1  }
0x3b5: {  	v1 =	vadd.f32 v1, v0;
	_ =	sdelay $0x1  }
0x3b6: {  	(erf) = vrcp.f32 v1;
	_ =	sdelay $0x8  }
.Ltmp15:
0x3b7: {  	v1 =	vpop (erf);
	(pc) =	sbr.rel @p0 .LBB2_32-.Ltmp15, $3  }
0x3b8: {  	v0 =	vmul.f32 v1, v0;
	_ =	sdelay $0x1  }
0x3b9: {  	[tilespmem:s18+$0x0] =	vst v0;
	s18 =	sadd.s32 $0x10, s18  }
0x3ba: {  	s20 =	sadd.s32 $0x10, s20;
	v0 =	vld [tilespmem:s18+$0x0]  }
0x3bb: {  	s19 =	sand.u32 $0x1F0, s19  }
0x3bc: {  	v1 =	vld [tilespmem:s19+$0x2E00];
	_ =	sdelay $0x2  }
0x3bd: {  	v2 =	vsub.f32 $1.000000000e+00, v0;
	_ =	sdelay $0x1  }
0x3be: {  	v1 =	vmul.f32 v2, v1;
	_ =	sdelay $0x1  }
0x3bf: {  	v1 =	vadd.f32 v1, v0;
	_ =	sdelay $0x1  }
0x3c0: {  	(erf) = vrcp.f32 v1;
	_ =	sdelay $0x8  }
0x3c1: {  	v1 =	vpop (erf)  }
0x3c2: {  	v63 =	vmul.f32 v1, v0;
	_ =	sdelay $0x1  }
0x3c3: {  	[tilespmem:s18+$0x0] =	vst v63  }
0x3c4: {  	[hbm4b:s1+s13] =	stream.indirect.scatter [tilespmem:s30], [sflag:$0xA], $0x1, s29, s13, $0xb8;
	[tilespmem:$0x5000] =	vst v63  }
0x3c5: {  	_ =	swait.ge [sflag:s16], $0x200  }
0x3c6: {  	[sflag:s16] =	ssyncset.done $0x0  }
0x3c7: {  	[sflag:s16] =	ssyncadd.s32 $0xFFFFFE00  }
0x3c8: {  	_ =	swait.ge [sflag:s16], $0x200  }
0x3c9: {  	[sflag:s16] =	ssyncset.done $0x0  }
0x3ca: {  	[sflag:s16] =	ssyncadd.s32 $0xFFFFFE00  }
0x3cb: {  	_ =	swait.ge [sflag:s16], $0x200  }
0x3cc: {  	[sflag:s16] =	ssyncset.done $0x0  }
0x3cd: {  	[sflag:s16] =	ssyncadd.s32 $0xFFFFFE00  }
0x3ce: {  	_ =	swait.ge [sflag:s16], $0x200  }
0x3cf: {  	[sflag:s16] =	ssyncset.done $0x0  }
0x3d0: {  	[sflag:s16] =	ssyncadd.s32 $0xFFFFFE00  }
0x3d1: {  	_ =	swait.ge [sflag:s16], $0x200  }
0x3d2: {  	[sflag:s16] =	ssyncset.done $0x0  }
0x3d3: {  	[sflag:s16] =	ssyncadd.s32 $0xFFFFFE00  }
0x3d4: {  	_ =	swait.ge [sflag:s16], $0x200  }
0x3d5: {  	[sflag:s16] =	ssyncset.done $0x0  }
0x3d6: {  	s17 =	sadd.s32 $0x1, s17;
	[sflag:s16] =	ssyncadd.s32 $0xFFFFFE00  }
0x3d7: {  	p0 =	sne.s32 s17, s7;
	_ =	swait.ge [sflag:s16], $0x200  }
.Ltmp16:
0x3d8: {  	[sflag:s16] =	ssyncset.done $0x0;
	(pc) =	sbr.rel @p0 .LBB2_1-.Ltmp16, $4  }
0x3d9: {  	[sflag:s16] =	ssyncadd.s32 $0xFFFFFE00  }
0x3da: {  	_ =	swait.ge [sflag:s16], $0x200  }
0x3db: {  	[sflag:s16] =	ssyncset.done $0x0  }
0x3dc: {  	s21 =	simm.s32 $0x3000;
	[sflag:s16] =	ssyncadd.s32 $0xFFFFFE00  }
0x3dd: {  	_ =	sfence.sel $0x180000  }
0x3de: {  	[bflag:$0x0] =	sbarrier.arrive $0xFFFF  }
0x3df: {  	_ =	strace $0x90000047  }
0x3e0: {  	s0 =	stileid.u32;
	[bflag:$0x2] =	sbarrier.arrive $0xFFFF  }
0x3e1: {  	p0 =	sne.s32 s0, $0x0;
	s0 =	rddreg [dreg:$0x3]  }
0x3e2: {  	s0 =	sadd.s32 @!p0 $0x100000, s0  }
0x3e3: {  	[sflag:s0] =	ssyncadd.tile.s32 @!p0 $0x1;
	_ =	shalt  }
.Lfunc_end2:
_tile_overlayer_lowered:
.L_overlay_start_2:
0x3e4: {  	(tag) =	ssettag $0x2  }
0x3e5: {  	s0 =	rddreg [dreg:$0x0];
	s2 =	stileid.u32  }
0x3e6: {  	s1 =	rddreg [dreg:$0x1];
	p0 =	sne.s32 s2, $0x0  }
0x3e7: {  	s3 =	rddreg [dreg:$0x2];
	[bflag:$0x3] =	sbarrier.arrive $0xFFFF;
	s2 =	simm.s32 @!p0 $0x1C0B  }
0x3e8: {  	[timem:s3], [sflag:s2] =	dma.local @!p0 [hbm:s0], s1  }
0x3e9: {  	s0 =	simm.s32 @!p0 $0xB  }
0x3ea: {  	_ =	swait.ge @!p0 [sflag:s0], s1  }
0x3eb: {  	s1 =	ssub.s32 @!p0 $0x0, s1;
	[sflag:s0] =	ssyncset.done @!p0 $0x0  }
0x3ec: {  	[sflag:s0] =	ssyncadd.s32 @!p0 s1  }
0x3ed: {  	[bflag:$0x3] =	sbarrier.arrive $0xFFFF  }
0x3ee: {  	_ =	shalt  }

</sc_bundles>
